<compile_context>
chip_gen: v7x
topology: tpu7x:2x2x1
jax: 0.10.2.dev20260603
libtpu: 0.0.44.dev20260713+nightly
codegen_flags: <defaults>
</compile_context>

<pallas_src>
import jax
import jax.numpy as jnp
from jax.experimental import pallas as pl
from jax.experimental.pallas import tpu as pltpu

_C = 19
_CF = 256
_D = _CF + _C
_P = 8192
_STEPS = 2
_BP = 512


_GK = 32


def _gather_body(*refs):
    sx0_ref, sx1_ref = refs[3], refs[4]
    w_ref = refs[5]
    wins = refs[6:6 + 2 * _GK]
    o_ref = refs[-1]
    i = pl.program_id(0)
    iota16 = jax.lax.broadcasted_iota(jnp.int32, (16, 1), 0)
    rows = []
    for k in range(_GK):
        base = _GK * i + k
        m0 = (iota16 == sx0_ref[base]).astype(jnp.float32)
        m1 = (iota16 == sx1_ref[base]).astype(jnp.float32)
        cy0 = wins[2 * k][0, 0]
        cy1 = wins[2 * k + 1][0, 0]
        r00 = jnp.sum(cy0 * m0, axis=0, keepdims=True)
        r10 = jnp.sum(cy0 * m1, axis=0, keepdims=True)
        r01 = jnp.sum(cy1 * m0, axis=0, keepdims=True)
        r11 = jnp.sum(cy1 * m1, axis=0, keepdims=True)
        rows.append(r00 * w_ref[k:k + 1, 0:1] + r10 * w_ref[k:k + 1, 1:2]
                    + r01 * w_ref[k:k + 1, 2:3] + r11 * w_ref[k:k + 1, 3:4])
    o_ref[...] = jnp.concatenate(rows, axis=0)


def _mk_win_map(yc, k):
    def im(i, iy0, iy1, xt, sx0, sx1):
        iy = (iy0, iy1)[yc]
        return (iy[_GK * i + k], xt[_GK * i + k], 0, 0)
    return im


def _gather_points(wins, wts, iy0, iy1, xt, sx0, sx1):
    in_specs = [pl.BlockSpec((_GK, 4), lambda i, *_: (i, 0))]
    for k in range(_GK):
        for yc in range(2):
            in_specs.append(pl.BlockSpec((1, 1, 16, _D), _mk_win_map(yc, k)))
    grid_spec = pltpu.PrefetchScalarGridSpec(
        num_scalar_prefetch=5,
        grid=(_P // _GK,),
        in_specs=in_specs,
        out_specs=pl.BlockSpec((_GK, _D), lambda i, *_: (i, 0)),
    )
    return pl.pallas_call(
        _gather_body,
        grid_spec=grid_spec,
        out_shape=jax.ShapeDtypeStruct((_P, _D), jnp.float32),
    )(iy0, iy1, xt, sx0, sx1, wts, *([wins] * (2 * _GK)))


def _mlp_body(x_ref, w1f, w1c, b1, w2h, w2c, b2, w3h, w3c, b3,
              wph, wpc, bp, o_ref):
    x = x_ref[...]
    f = x[:, :_CF]
    c = x[:, _CF:]
    pt = jnp.float32
    h = jnp.maximum(jnp.dot(f, w1f[...], preferred_element_type=pt)
                    + jnp.dot(c, w1c[...], preferred_element_type=pt)
                    + b1[...], 0.0)
    h = jnp.maximum(jnp.dot(h, w2h[...], preferred_element_type=pt)
                    + jnp.dot(c, w2c[...], preferred_element_type=pt)
                    + b2[...], 0.0)
    h = jnp.maximum(jnp.dot(h, w3h[...], preferred_element_type=pt)
                    + jnp.dot(c, w3c[...], preferred_element_type=pt)
                    + b3[...], 0.0)
    o_ref[...] = (jnp.dot(h, wph[...], preferred_element_type=pt)
                  + jnp.dot(c, wpc[...], preferred_element_type=pt)
                  + bp[...])


def _mlp_points(x, params):
    in_specs = [pl.BlockSpec((_BP, _D), lambda i: (i, 0))]
    for p in params:
        in_specs.append(pl.BlockSpec(p.shape, lambda i: (0, 0)))
    return pl.pallas_call(
        _mlp_body,
        grid=(_P // _BP,),
        in_specs=in_specs,
        out_specs=pl.BlockSpec((_BP, _C), lambda i: (i, 0)),
        out_shape=jax.ShapeDtypeStruct((_P, _C), jnp.float32),
    )(x, *params)


def kernel(fine_grained_features, coarse_sem_seg_logits,
           W1, b1, W2, b2, W3, b3, Wp, bp):
    N, Cf, H, W = fine_grained_features.shape
    C = coarse_sem_seg_logits.shape[1]

    fine_t = fine_grained_features.reshape(N, Cf, H * W).transpose(0, 2, 1)
    coarse_t = coarse_sem_seg_logits.reshape(N, C, H * W).transpose(0, 2, 1)
    comb = jnp.concatenate([fine_t, coarse_t], axis=-1).reshape(N, H, W, _D)
    comb_pad = jnp.pad(comb, ((0, 0), (0, 0), (0, 8), (0, 0)))
    wins = jnp.stack([comb_pad[:, :, 8 * t:8 * t + 16, :]
                      for t in range(W // 8)], axis=2)

    w1t, w2t, w3t, wpt = W1.T, W2.T, W3.T, Wp.T
    params = (
        w1t[:_CF], w1t[_CF:], b1.reshape(1, -1),
        w2t[:_CF], w2t[_CF:], b2.reshape(1, -1),
        w3t[:_CF], w3t[_CF:], b3.reshape(1, -1),
        wpt[:_CF], wpt[_CF:], bp.reshape(1, -1),
    )

    sem = coarse_sem_seg_logits
    for _ in range(_STEPS):
        n_, c_, h_, w_ = sem.shape
        hs, ws = 2 * h_, 2 * w_
        sem = jax.image.resize(sem, (n_, c_, hs, ws), method='bilinear')

        top2 = jax.lax.top_k(jnp.moveaxis(sem, 1, -1), 2)[0]
        unc = (top2[..., 1] - top2[..., 0]).reshape(N, hs * ws)
        idx = jax.lax.top_k(unc, _P)[1]

        xs = (1.0 / ws) * (idx % ws).astype(jnp.float32)
        ys = (1.0 / hs) * (idx // ws).astype(jnp.float32)
        x = xs * W - 0.5
        y = ys * H - 0.5
        x0 = jnp.floor(x)
        y0 = jnp.floor(y)
        x1 = x0 + 1.0
        y1 = y0 + 1.0
        wx1 = x - x0
        wx0 = 1.0 - wx1
        wy1 = y - y0
        wy0 = 1.0 - wy1

        def vw(ix, iy, wgt):
            valid = ((ix >= 0) & (ix < W) & (iy >= 0) & (iy < H))
            return wgt * valid.astype(jnp.float32)

        wts = jnp.stack([vw(x0, y0, wx0 * wy0), vw(x1, y0, wx1 * wy0),
                         vw(x0, y1, wx0 * wy1), vw(x1, y1, wx1 * wy1)],
                        axis=-1)
        ix0 = jnp.clip(x0, 0, W - 1).astype(jnp.int32)
        ix1 = jnp.clip(x1, 0, W - 1).astype(jnp.int32)
        iy0 = jnp.clip(y0, 0, H - 1).astype(jnp.int32)
        iy1 = jnp.clip(y1, 0, H - 1).astype(jnp.int32)
        xt = ix0 // 8
        sx0 = ix0 % 8
        sx1 = ix1 - 8 * xt

        flat = sem.reshape(n_, c_, hs * ws)
        outs = []
        for n in range(N):
            pts = _gather_points(wins[n], wts[n], iy0[n], iy1[n],
                                 xt[n], sx0[n], sx1[n])
            plog = _mlp_points(pts, params)
            outs.append(flat[n].at[:, idx[n]].set(plog.T))
        sem = jnp.stack(outs).reshape(n_, c_, hs, ws)
    return sem

# --- scband reference (transcript-rebuilt; emitter-appended) ---
"""Pipeline reference for scband-point-rend-sem-seg-head-80848464379913 (READ-ONLY COPY).

The authoritative reference and input builder live on the scoring server;
editing this copy changes nothing except your own understanding.
"""

import jax, jax.numpy as jnp
import numpy as np

NUM_CLASSES = 19
NIN = 256
FC_DIM = 256
SUBDIVISION_STEPS = 2
SUBDIVISION_NUM_POINTS = 8192


def calculate_uncertainty(logits):
    # logits: (N, C, ...) with C > 1
    l = jnp.moveaxis(logits, 1, -1)
    top2 = jax.lax.top_k(l, 2)[0]
    unc = top2[..., 1] - top2[..., 0]
    return jnp.expand_dims(unc, 1)


def get_uncertain_point_coords_on_grid(uncertainty_map, num_points):
    # uncertainty_map: (N, 1, H, W)
    N = uncertainty_map.shape[0]
    H, W = uncertainty_map.shape[-2], uncertainty_map.shape[-1]
    num_points = min(H * W, num_points)
    flat = uncertainty_map.reshape(N, H * W)
    point_indices = jax.lax.top_k(flat, num_points)[1]
    xs = (1.0 / W) * (point_indices % W).astype(jnp.float32)
    ys = (1.0 / H) * (point_indices // W).astype(jnp.float32)
    point_coords = jnp.stack([xs, ys], axis=-1)
    return point_indices, point_coords


def point_sample(features, point_coords):
    # features: (N, C, H, W); point_coords: (N, P, 2) in [0,1], (x, y) order
    # equivalent to F.grid_sample(features, 2*coords-1, mode='bilinear', align_corners=False, padding_mode='zeros')
    N, C, H, W = features.shape
    x = point_coords[..., 0] * W - 0.5
    y = point_coords[..., 1] * H - 0.5
    x0 = jnp.floor(x)
    y0 = jnp.floor(y)
    x1 = x0 + 1.0
    y1 = y0 + 1.0
    wx1 = x - x0
    wx0 = 1.0 - wx1
    wy1 = y - y0
    wy0 = 1.0 - wy1

    def gather(ix, iy):
        valid = ((ix >= 0) & (ix < W) & (iy >= 0) & (iy < H)).astype(features.dtype)
        ixc = jnp.clip(ix, 0, W - 1).astype(jnp.int32)
        iyc = jnp.clip(iy, 0, H - 1).astype(jnp.int32)
        vals = jax.vmap(lambda f, yy, xx: f[:, yy, xx])(features, iyc, ixc)  # (N, C, P)
        return vals * valid[:, None, :]

    v00 = gather(x0, y0)
    v10 = gather(x1, y0)
    v01 = gather(x0, y1)
    v11 = gather(x1, y1)
    out = (v00 * (wx0 * wy0)[:, None, :] + v10 * (wx1 * wy0)[:, None, :]
           + v01 * (wx0 * wy1)[:, None, :] + v11 * (wx1 * wy1)[:, None, :])
    return out


def point_head(fine, coarse, W1, b1, W2, b2, W3, b3, Wp, bp):
    # StandardPointHead with coarse_pred_each_layer=True; conv1d k=1 == matmul over channel dim
    x = jnp.concatenate([fine, coarse], axis=1)
    for W_, b_ in ((W1, b1), (W2, b2), (W3, b3)):
        x = jnp.einsum('oc,ncp->nop', W_, x) + b_[None, :, None]
        x = jax.nn.relu(x)
        x = jnp.concatenate([x, coarse], axis=1)
    return jnp.einsum('oc,ncp->nop', Wp, x) + bp[None, :, None]


def forward(fine_grained_features, coarse_sem_seg_logits, W1, b1, W2, b2, W3, b3, Wp, bp):
    # PointRend inference-time subdivision refinement
    sem = coarse_sem_seg_logits
    for _ in range(SUBDIVISION_STEPS):
        N, C, H, W = sem.shape
        sem = jax.image.resize(sem, (N, C, 2 * H, 2 * W), method='bilinear')
        unc = calculate_uncertainty(sem)  # (N, 1, 2H, 2W)
        idx, coords = get_uncertain_point_coords_on_grid(unc, SUBDIVISION_NUM_POINTS)
        fine_pts = point_sample(fine_grained_features, coords)
        coarse_pts = point_sample(coarse_sem_seg_logits, coords)
        plog = point_head(fine_pts, coarse_pts, W1, b1, W2, b2, W3, b3, Wp, bp)  # (N, C, P)
        flat = sem.reshape(N, C, -1)
        flat = jax.vmap(lambda f, i, p: f.at[:, i].set(p))(flat, idx, plog)
        sem = flat.reshape(N, C, 2 * H, 2 * W)
    return sem


def setup_inputs(seed: int = 0) -> dict:
    key = jax.random.key(seed)
    ks = jax.random.split(key, 8)
    N, Cf, H, W = 2, NIN, 128, 128
    C = NUM_CLASSES
    fine = jax.random.normal(ks[0], (N, Cf, H, W), dtype=jnp.float32)
    coarse = jax.random.normal(ks[1], (N, C, H, W), dtype=jnp.float32)
    d_in = Cf + C
    d_mid = FC_DIM + C
    W1 = jax.random.normal(ks[2], (FC_DIM, d_in), dtype=jnp.float32) * (2.0 / d_in) ** 0.5
    b1 = jnp.zeros((FC_DIM,), dtype=jnp.float32)
    W2 = jax.random.normal(ks[3], (FC_DIM, d_mid), dtype=jnp.float32) * (2.0 / d_mid) ** 0.5
    b2 = jnp.zeros((FC_DIM,), dtype=jnp.float32)
    W3 = jax.random.normal(ks[4], (FC_DIM, d_mid), dtype=jnp.float32) * (2.0 / d_mid) ** 0.5
    b3 = jnp.zeros((FC_DIM,), dtype=jnp.float32)
    Wp = jax.random.normal(ks[5], (C, d_mid), dtype=jnp.float32) * 0.001
    bp = jnp.zeros((C,), dtype=jnp.float32)
    return {"fine_grained_features": fine, "coarse_sem_seg_logits": coarse,
            "W1": W1, "b1": b1, "W2": W2, "b2": b2, "W3": W3, "b3": b3, "Wp": Wp, "bp": bp}


def reference(fine_grained_features, coarse_sem_seg_logits, W1, b1, W2, b2, W3, b3, Wp, bp):
    return forward(fine_grained_features, coarse_sem_seg_logits, W1, b1, W2, b2, W3, b3, Wp, bp)

if __name__ == "__main__":
    import jax
    _d = setup_inputs()
    print(jax.jit(kernel)(*tuple(_d.values())))

</pallas_src>

<mosaic_0001>
module attributes {stable_mosaic.version = 14 : i64} {
  func.func @_gather_body(%arg0: i32, %arg1: memref<8192xi32, #tpu.memory_space<smem>>, %arg2: memref<8192xi32, #tpu.memory_space<smem>>, %arg3: memref<8192xi32, #tpu.memory_space<smem>>, %arg4: memref<8192xi32, #tpu.memory_space<smem>>, %arg5: memref<8192xi32, #tpu.memory_space<smem>>, %arg6: memref<32x4xf32, #tpu.memory_space<vmem>>, %arg7: memref<1x1x16x275xf32, #tpu.memory_space<vmem>>, %arg8: memref<1x1x16x275xf32, #tpu.memory_space<vmem>>, %arg9: memref<1x1x16x275xf32, #tpu.memory_space<vmem>>, %arg10: memref<1x1x16x275xf32, #tpu.memory_space<vmem>>, %arg11: memref<1x1x16x275xf32, #tpu.memory_space<vmem>>, %arg12: memref<1x1x16x275xf32, #tpu.memory_space<vmem>>, %arg13: memref<1x1x16x275xf32, #tpu.memory_space<vmem>>, %arg14: memref<1x1x16x275xf32, #tpu.memory_space<vmem>>, %arg15: memref<1x1x16x275xf32, #tpu.memory_space<vmem>>, %arg16: memref<1x1x16x275xf32, #tpu.memory_space<vmem>>, %arg17: memref<1x1x16x275xf32, #tpu.memory_space<vmem>>, %arg18: memref<1x1x16x275xf32, #tpu.memory_space<vmem>>, %arg19: memref<1x1x16x275xf32, #tpu.memory_space<vmem>>, %arg20: memref<1x1x16x275xf32, #tpu.memory_space<vmem>>, %arg21: memref<1x1x16x275xf32, #tpu.memory_space<vmem>>, %arg22: memref<1x1x16x275xf32, #tpu.memory_space<vmem>>, %arg23: memref<1x1x16x275xf32, #tpu.memory_space<vmem>>, %arg24: memref<1x1x16x275xf32, #tpu.memory_space<vmem>>, %arg25: memref<1x1x16x275xf32, #tpu.memory_space<vmem>>, %arg26: memref<1x1x16x275xf32, #tpu.memory_space<vmem>>, %arg27: memref<1x1x16x275xf32, #tpu.memory_space<vmem>>, %arg28: memref<1x1x16x275xf32, #tpu.memory_space<vmem>>, %arg29: memref<1x1x16x275xf32, #tpu.memory_space<vmem>>, %arg30: memref<1x1x16x275xf32, #tpu.memory_space<vmem>>, %arg31: memref<1x1x16x275xf32, #tpu.memory_space<vmem>>, %arg32: memref<1x1x16x275xf32, #tpu.memory_space<vmem>>, %arg33: memref<1x1x16x275xf32, #tpu.memory_space<vmem>>, %arg34: memref<1x1x16x275xf32, #tpu.memory_space<vmem>>, %arg35: memref<1x1x16x275xf32, #tpu.memory_space<vmem>>, %arg36: memref<1x1x16x275xf32, #tpu.memory_space<vmem>>, %arg37: memref<1x1x16x275xf32, #tpu.memory_space<vmem>>, %arg38: memref<1x1x16x275xf32, #tpu.memory_space<vmem>>, %arg39: memref<1x1x16x275xf32, #tpu.memory_space<vmem>>, %arg40: memref<1x1x16x275xf32, #tpu.memory_space<vmem>>, %arg41: memref<1x1x16x275xf32, #tpu.memory_space<vmem>>, %arg42: memref<1x1x16x275xf32, #tpu.memory_space<vmem>>, %arg43: memref<1x1x16x275xf32, #tpu.memory_space<vmem>>, %arg44: memref<1x1x16x275xf32, #tpu.memory_space<vmem>>, %arg45: memref<1x1x16x275xf32, #tpu.memory_space<vmem>>, %arg46: memref<1x1x16x275xf32, #tpu.memory_space<vmem>>, %arg47: memref<1x1x16x275xf32, #tpu.memory_space<vmem>>, %arg48: memref<1x1x16x275xf32, #tpu.memory_space<vmem>>, %arg49: memref<1x1x16x275xf32, #tpu.memory_space<vmem>>, %arg50: memref<1x1x16x275xf32, #tpu.memory_space<vmem>>, %arg51: memref<1x1x16x275xf32, #tpu.memory_space<vmem>>, %arg52: memref<1x1x16x275xf32, #tpu.memory_space<vmem>>, %arg53: memref<1x1x16x275xf32, #tpu.memory_space<vmem>>, %arg54: memref<1x1x16x275xf32, #tpu.memory_space<vmem>>, %arg55: memref<1x1x16x275xf32, #tpu.memory_space<vmem>>, %arg56: memref<1x1x16x275xf32, #tpu.memory_space<vmem>>, %arg57: memref<1x1x16x275xf32, #tpu.memory_space<vmem>>, %arg58: memref<1x1x16x275xf32, #tpu.memory_space<vmem>>, %arg59: memref<1x1x16x275xf32, #tpu.memory_space<vmem>>, %arg60: memref<1x1x16x275xf32, #tpu.memory_space<vmem>>, %arg61: memref<1x1x16x275xf32, #tpu.memory_space<vmem>>, %arg62: memref<1x1x16x275xf32, #tpu.memory_space<vmem>>, %arg63: memref<1x1x16x275xf32, #tpu.memory_space<vmem>>, %arg64: memref<1x1x16x275xf32, #tpu.memory_space<vmem>>, %arg65: memref<1x1x16x275xf32, #tpu.memory_space<vmem>>, %arg66: memref<1x1x16x275xf32, #tpu.memory_space<vmem>>, %arg67: memref<1x1x16x275xf32, #tpu.memory_space<vmem>>, %arg68: memref<1x1x16x275xf32, #tpu.memory_space<vmem>>, %arg69: memref<1x1x16x275xf32, #tpu.memory_space<vmem>>, %arg70: memref<1x1x16x275xf32, #tpu.memory_space<vmem>>, %arg71: memref<32x275xf32, #tpu.memory_space<vmem>>) attributes {dimension_semantics = [#tpu.dimension_semantics<arbitrary>], iteration_bounds = array<i64: 256>, scalar_prefetch = 5 : i64, scratch_operands = 0 : i64, tpu.core_type = #tpu.core_type<tc>, window_params = [{transform_indices = @transform_0, window_bounds = array<i64: 32, 4>}, {transform_indices = @transform_1, window_bounds = array<i64: 1, 1, 16, 275>}, {transform_indices = @transform_2, window_bounds = array<i64: 1, 1, 16, 275>}, {transform_indices = @transform_3, window_bounds = array<i64: 1, 1, 16, 275>}, {transform_indices = @transform_4, window_bounds = array<i64: 1, 1, 16, 275>}, {transform_indices = @transform_5, window_bounds = array<i64: 1, 1, 16, 275>}, {transform_indices = @transform_6, window_bounds = array<i64: 1, 1, 16, 275>}, {transform_indices = @transform_7, window_bounds = array<i64: 1, 1, 16, 275>}, {transform_indices = @transform_8, window_bounds = array<i64: 1, 1, 16, 275>}, {transform_indices = @transform_9, window_bounds = array<i64: 1, 1, 16, 275>}, {transform_indices = @transform_10, window_bounds = array<i64: 1, 1, 16, 275>}, {transform_indices = @transform_11, window_bounds = array<i64: 1, 1, 16, 275>}, {transform_indices = @transform_12, window_bounds = array<i64: 1, 1, 16, 275>}, {transform_indices = @transform_13, window_bounds = array<i64: 1, 1, 16, 275>}, {transform_indices = @transform_14, window_bounds = array<i64: 1, 1, 16, 275>}, {transform_indices = @transform_15, window_bounds = array<i64: 1, 1, 16, 275>}, {transform_indices = @transform_16, window_bounds = array<i64: 1, 1, 16, 275>}, {transform_indices = @transform_17, window_bounds = array<i64: 1, 1, 16, 275>}, {transform_indices = @transform_18, window_bounds = array<i64: 1, 1, 16, 275>}, {transform_indices = @transform_19, window_bounds = array<i64: 1, 1, 16, 275>}, {transform_indices = @transform_20, window_bounds = array<i64: 1, 1, 16, 275>}, {transform_indices = @transform_21, window_bounds = array<i64: 1, 1, 16, 275>}, {transform_indices = @transform_22, window_bounds = array<i64: 1, 1, 16, 275>}, {transform_indices = @transform_23, window_bounds = array<i64: 1, 1, 16, 275>}, {transform_indices = @transform_24, window_bounds = array<i64: 1, 1, 16, 275>}, {transform_indices = @transform_25, window_bounds = array<i64: 1, 1, 16, 275>}, {transform_indices = @transform_26, window_bounds = array<i64: 1, 1, 16, 275>}, {transform_indices = @transform_27, window_bounds = array<i64: 1, 1, 16, 275>}, {transform_indices = @transform_28, window_bounds = array<i64: 1, 1, 16, 275>}, {transform_indices = @transform_29, window_bounds = array<i64: 1, 1, 16, 275>}, {transform_indices = @transform_30, window_bounds = array<i64: 1, 1, 16, 275>}, {transform_indices = @transform_31, window_bounds = array<i64: 1, 1, 16, 275>}, {transform_indices = @transform_32, window_bounds = array<i64: 1, 1, 16, 275>}, {transform_indices = @transform_33, window_bounds = array<i64: 1, 1, 16, 275>}, {transform_indices = @transform_34, window_bounds = array<i64: 1, 1, 16, 275>}, {transform_indices = @transform_35, window_bounds = array<i64: 1, 1, 16, 275>}, {transform_indices = @transform_36, window_bounds = array<i64: 1, 1, 16, 275>}, {transform_indices = @transform_37, window_bounds = array<i64: 1, 1, 16, 275>}, {transform_indices = @transform_38, window_bounds = array<i64: 1, 1, 16, 275>}, {transform_indices = @transform_39, window_bounds = array<i64: 1, 1, 16, 275>}, {transform_indices = @transform_40, window_bounds = array<i64: 1, 1, 16, 275>}, {transform_indices = @transform_41, window_bounds = array<i64: 1, 1, 16, 275>}, {transform_indices = @transform_42, window_bounds = array<i64: 1, 1, 16, 275>}, {transform_indices = @transform_43, window_bounds = array<i64: 1, 1, 16, 275>}, {transform_indices = @transform_44, window_bounds = array<i64: 1, 1, 16, 275>}, {transform_indices = @transform_45, window_bounds = array<i64: 1, 1, 16, 275>}, {transform_indices = @transform_46, window_bounds = array<i64: 1, 1, 16, 275>}, {transform_indices = @transform_47, window_bounds = array<i64: 1, 1, 16, 275>}, {transform_indices = @transform_48, window_bounds = array<i64: 1, 1, 16, 275>}, {transform_indices = @transform_49, window_bounds = array<i64: 1, 1, 16, 275>}, {transform_indices = @transform_50, window_bounds = array<i64: 1, 1, 16, 275>}, {transform_indices = @transform_51, window_bounds = array<i64: 1, 1, 16, 275>}, {transform_indices = @transform_52, window_bounds = array<i64: 1, 1, 16, 275>}, {transform_indices = @transform_53, window_bounds = array<i64: 1, 1, 16, 275>}, {transform_indices = @transform_54, window_bounds = array<i64: 1, 1, 16, 275>}, {transform_indices = @transform_55, window_bounds = array<i64: 1, 1, 16, 275>}, {transform_indices = @transform_56, window_bounds = array<i64: 1, 1, 16, 275>}, {transform_indices = @transform_57, window_bounds = array<i64: 1, 1, 16, 275>}, {transform_indices = @transform_58, window_bounds = array<i64: 1, 1, 16, 275>}, {transform_indices = @transform_59, window_bounds = array<i64: 1, 1, 16, 275>}, {transform_indices = @transform_60, window_bounds = array<i64: 1, 1, 16, 275>}, {transform_indices = @transform_61, window_bounds = array<i64: 1, 1, 16, 275>}, {transform_indices = @transform_62, window_bounds = array<i64: 1, 1, 16, 275>}, {transform_indices = @transform_63, window_bounds = array<i64: 1, 1, 16, 275>}, {transform_indices = @transform_64, window_bounds = array<i64: 1, 1, 16, 275>}, {transform_indices = @transform_65, window_bounds = array<i64: 32, 275>}]} {
    %iota3A = tpu.iota {dimensions = array<i32: 0>} : vector<16x1xi32>
    %mul3A = arith.constant 32 : i32
    %mul3A_0 = arith.muli %mul3A, %arg0 : i32
    %add3A = arith.constant 0 : i32
    %add3A_1 = arith.addi %mul3A_0, %add3A : i32
    %get3A = arith.index_cast %add3A_1 : i32 to index
    %get3A_2 = memref.load %arg4[%get3A] : memref<8192xi32, #tpu.memory_space<smem>>
    %eq3A = vector.broadcast %get3A_2 : i32 to vector<16x1xi32>
    %eq3A_3 = arith.cmpi eq, %iota3A, %eq3A : vector<16x1xi32>
    %convert_element_type3A = arith.extui %eq3A_3 : vector<16x1xi1> to vector<16x1xi32>
    %convert_element_type3A_4 = arith.sitofp %convert_element_type3A : vector<16x1xi32> to vector<16x1xf32>
    %get3A_5 = arith.index_cast %add3A_1 : i32 to index
    %get3A_6 = memref.load %arg5[%get3A_5] : memref<8192xi32, #tpu.memory_space<smem>>
    %eq3A_7 = vector.broadcast %get3A_6 : i32 to vector<16x1xi32>
    %eq3A_8 = arith.cmpi eq, %iota3A, %eq3A_7 : vector<16x1xi32>
    %convert_element_type3A_9 = arith.extui %eq3A_8 : vector<16x1xi1> to vector<16x1xi32>
    %convert_element_type3A_10 = arith.sitofp %convert_element_type3A_9 : vector<16x1xi32> to vector<16x1xf32>
    %get3A_11 = arith.constant 0 : index
    %get3A_12 = arith.constant 0 : index
    %get3A_13 = arith.constant 0 : index
    %get3A_14 = arith.constant 0 : index
    %get3A_15 = vector.load %arg7[%get3A_11, %get3A_12, %get3A_13, %get3A_14] : memref<1x1x16x275xf32, #tpu.memory_space<vmem>>, vector<1x1x16x275xf32>
    %get3A_16 = vector.shape_cast %get3A_15 : vector<1x1x16x275xf32> to vector<16x275xf32>
    %get3A_17 = arith.constant 0 : index
    %get3A_18 = arith.constant 0 : index
    %get3A_19 = arith.constant 0 : index
    %get3A_20 = arith.constant 0 : index
    %get3A_21 = vector.load %arg8[%get3A_17, %get3A_18, %get3A_19, %get3A_20] : memref<1x1x16x275xf32, #tpu.memory_space<vmem>>, vector<1x1x16x275xf32>
    %get3A_22 = vector.shape_cast %get3A_21 : vector<1x1x16x275xf32> to vector<16x275xf32>
    %mul3A_23 = vector.broadcast %convert_element_type3A_4 : vector<16x1xf32> to vector<16x275xf32>
    %mul3A_24 = arith.mulf %get3A_16, %mul3A_23 : vector<16x275xf32>
    %reduce_sum3A = arith.constant dense<0.000000e+00> : vector<275xf32>
    %reduce_sum3A_25 = vector.multi_reduction <add>, %mul3A_24, %reduce_sum3A [0] : vector<16x275xf32> to vector<275xf32>
    %broadcast_in_dim3A = vector.shape_cast %reduce_sum3A_25 : vector<275xf32> to vector<1x275xf32>
    %mul3A_26 = vector.broadcast %convert_element_type3A_10 : vector<16x1xf32> to vector<16x275xf32>
    %mul3A_27 = arith.mulf %get3A_16, %mul3A_26 : vector<16x275xf32>
    %reduce_sum3A_28 = arith.constant dense<0.000000e+00> : vector<275xf32>
    %reduce_sum3A_29 = vector.multi_reduction <add>, %mul3A_27, %reduce_sum3A_28 [0] : vector<16x275xf32> to vector<275xf32>
    %broadcast_in_dim3A_30 = vector.shape_cast %reduce_sum3A_29 : vector<275xf32> to vector<1x275xf32>
    %mul3A_31 = vector.broadcast %convert_element_type3A_4 : vector<16x1xf32> to vector<16x275xf32>
    %mul3A_32 = arith.mulf %get3A_22, %mul3A_31 : vector<16x275xf32>
    %reduce_sum3A_33 = arith.constant dense<0.000000e+00> : vector<275xf32>
    %reduce_sum3A_34 = vector.multi_reduction <add>, %mul3A_32, %reduce_sum3A_33 [0] : vector<16x275xf32> to vector<275xf32>
    %broadcast_in_dim3A_35 = vector.shape_cast %reduce_sum3A_34 : vector<275xf32> to vector<1x275xf32>
    %mul3A_36 = vector.broadcast %convert_element_type3A_10 : vector<16x1xf32> to vector<16x275xf32>
    %mul3A_37 = arith.mulf %get3A_22, %mul3A_36 : vector<16x275xf32>
    %reduce_sum3A_38 = arith.constant dense<0.000000e+00> : vector<275xf32>
    %reduce_sum3A_39 = vector.multi_reduction <add>, %mul3A_37, %reduce_sum3A_38 [0] : vector<16x275xf32> to vector<275xf32>
    %broadcast_in_dim3A_40 = vector.shape_cast %reduce_sum3A_39 : vector<275xf32> to vector<1x275xf32>
    %get3A_41 = arith.constant 0 : index
    %get3A_42 = arith.constant 0 : index
    %get3A_43 = vector.load %arg6[%get3A_41, %get3A_42] : memref<32x4xf32, #tpu.memory_space<vmem>>, vector<1x1xf32>
    %mul3A_44 = vector.broadcast %get3A_43 : vector<1x1xf32> to vector<1x275xf32>
    %mul3A_45 = arith.mulf %broadcast_in_dim3A, %mul3A_44 : vector<1x275xf32>
    %get3A_46 = arith.constant 0 : index
    %get3A_47 = arith.constant 1 : index
    %get3A_48 = vector.load %arg6[%get3A_46, %get3A_47] : memref<32x4xf32, #tpu.memory_space<vmem>>, vector<1x1xf32>
    %mul3A_49 = vector.broadcast %get3A_48 : vector<1x1xf32> to vector<1x275xf32>
    %mul3A_50 = arith.mulf %broadcast_in_dim3A_30, %mul3A_49 : vector<1x275xf32>
    %add3A_51 = arith.addf %mul3A_45, %mul3A_50 : vector<1x275xf32>
    %get3A_52 = arith.constant 0 : index
    %get3A_53 = arith.constant 2 : index
    %get3A_54 = vector.load %arg6[%get3A_52, %get3A_53] : memref<32x4xf32, #tpu.memory_space<vmem>>, vector<1x1xf32>
    %mul3A_55 = vector.broadcast %get3A_54 : vector<1x1xf32> to vector<1x275xf32>
    %mul3A_56 = arith.mulf %broadcast_in_dim3A_35, %mul3A_55 : vector<1x275xf32>
    %add3A_57 = arith.addf %add3A_51, %mul3A_56 : vector<1x275xf32>
    %get3A_58 = arith.constant 0 : index
    %get3A_59 = arith.constant 3 : index
    %get3A_60 = vector.load %arg6[%get3A_58, %get3A_59] : memref<32x4xf32, #tpu.memory_space<vmem>>, vector<1x1xf32>
    %mul3A_61 = vector.broadcast %get3A_60 : vector<1x1xf32> to vector<1x275xf32>
    %mul3A_62 = arith.mulf %broadcast_in_dim3A_40, %mul3A_61 : vector<1x275xf32>
    %add3A_63 = arith.addf %add3A_57, %mul3A_62 : vector<1x275xf32>
    %mul3A_64 = arith.constant 32 : i32
    %mul3A_65 = arith.muli %mul3A_64, %arg0 : i32
    %add3A_66 = arith.constant 1 : i32
    %add3A_67 = arith.addi %mul3A_65, %add3A_66 : i32
    %get3A_68 = arith.index_cast %add3A_67 : i32 to index
    %get3A_69 = memref.load %arg4[%get3A_68] : memref<8192xi32, #tpu.memory_space<smem>>
    %eq3A_70 = vector.broadcast %get3A_69 : i32 to vector<16x1xi32>
    %eq3A_71 = arith.cmpi eq, %iota3A, %eq3A_70 : vector<16x1xi32>
    %convert_element_type3A_72 = arith.extui %eq3A_71 : vector<16x1xi1> to vector<16x1xi32>
    %convert_element_type3A_73 = arith.sitofp %convert_element_type3A_72 : vector<16x1xi32> to vector<16x1xf32>
    %get3A_74 = arith.index_cast %add3A_67 : i32 to index
    %get3A_75 = memref.load %arg5[%get3A_74] : memref<8192xi32, #tpu.memory_space<smem>>
    %eq3A_76 = vector.broadcast %get3A_75 : i32 to vector<16x1xi32>
    %eq3A_77 = arith.cmpi eq, %iota3A, %eq3A_76 : vector<16x1xi32>
    %convert_element_type3A_78 = arith.extui %eq3A_77 : vector<16x1xi1> to vector<16x1xi32>
    %convert_element_type3A_79 = arith.sitofp %convert_element_type3A_78 : vector<16x1xi32> to vector<16x1xf32>
    %get3A_80 = arith.constant 0 : index
    %get3A_81 = arith.constant 0 : index
    %get3A_82 = arith.constant 0 : index
    %get3A_83 = arith.constant 0 : index
    %get3A_84 = vector.load %arg9[%get3A_80, %get3A_81, %get3A_82, %get3A_83] : memref<1x1x16x275xf32, #tpu.memory_space<vmem>>, vector<1x1x16x275xf32>
    %get3A_85 = vector.shape_cast %get3A_84 : vector<1x1x16x275xf32> to vector<16x275xf32>
    %get3A_86 = arith.constant 0 : index
    %get3A_87 = arith.constant 0 : index
    %get3A_88 = arith.constant 0 : index
    %get3A_89 = arith.constant 0 : index
    %get3A_90 = vector.load %arg10[%get3A_86, %get3A_87, %get3A_88, %get3A_89] : memref<1x1x16x275xf32, #tpu.memory_space<vmem>>, vector<1x1x16x275xf32>
    %get3A_91 = vector.shape_cast %get3A_90 : vector<1x1x16x275xf32> to vector<16x275xf32>
    %mul3A_92 = vector.broadcast %convert_element_type3A_73 : vector<16x1xf32> to vector<16x275xf32>
    %mul3A_93 = arith.mulf %get3A_85, %mul3A_92 : vector<16x275xf32>
    %reduce_sum3A_94 = arith.constant dense<0.000000e+00> : vector<275xf32>
    %reduce_sum3A_95 = vector.multi_reduction <add>, %mul3A_93, %reduce_sum3A_94 [0] : vector<16x275xf32> to vector<275xf32>
    %broadcast_in_dim3A_96 = vector.shape_cast %reduce_sum3A_95 : vector<275xf32> to vector<1x275xf32>
    %mul3A_97 = vector.broadcast %convert_element_type3A_79 : vector<16x1xf32> to vector<16x275xf32>
    %mul3A_98 = arith.mulf %get3A_85, %mul3A_97 : vector<16x275xf32>
    %reduce_sum3A_99 = arith.constant dense<0.000000e+00> : vector<275xf32>
    %reduce_sum3A_100 = vector.multi_reduction <add>, %mul3A_98, %reduce_sum3A_99 [0] : vector<16x275xf32> to vector<275xf32>
    %broadcast_in_dim3A_101 = vector.shape_cast %reduce_sum3A_100 : vector<275xf32> to vector<1x275xf32>
    %mul3A_102 = vector.broadcast %convert_element_type3A_73 : vector<16x1xf32> to vector<16x275xf32>
    %mul3A_103 = arith.mulf %get3A_91, %mul3A_102 : vector<16x275xf32>
    %reduce_sum3A_104 = arith.constant dense<0.000000e+00> : vector<275xf32>
    %reduce_sum3A_105 = vector.multi_reduction <add>, %mul3A_103, %reduce_sum3A_104 [0] : vector<16x275xf32> to vector<275xf32>
    %broadcast_in_dim3A_106 = vector.shape_cast %reduce_sum3A_105 : vector<275xf32> to vector<1x275xf32>
    %mul3A_107 = vector.broadcast %convert_element_type3A_79 : vector<16x1xf32> to vector<16x275xf32>
    %mul3A_108 = arith.mulf %get3A_91, %mul3A_107 : vector<16x275xf32>
    %reduce_sum3A_109 = arith.constant dense<0.000000e+00> : vector<275xf32>
    %reduce_sum3A_110 = vector.multi_reduction <add>, %mul3A_108, %reduce_sum3A_109 [0] : vector<16x275xf32> to vector<275xf32>
    %broadcast_in_dim3A_111 = vector.shape_cast %reduce_sum3A_110 : vector<275xf32> to vector<1x275xf32>
    %get3A_112 = arith.constant 1 : index
    %get3A_113 = arith.constant 0 : index
    %get3A_114 = vector.load %arg6[%get3A_112, %get3A_113] : memref<32x4xf32, #tpu.memory_space<vmem>>, vector<1x1xf32>
    %mul3A_115 = vector.broadcast %get3A_114 : vector<1x1xf32> to vector<1x275xf32>
    %mul3A_116 = arith.mulf %broadcast_in_dim3A_96, %mul3A_115 : vector<1x275xf32>
    %get3A_117 = arith.constant 1 : index
    %get3A_118 = arith.constant 1 : index
    %get3A_119 = vector.load %arg6[%get3A_117, %get3A_118] : memref<32x4xf32, #tpu.memory_space<vmem>>, vector<1x1xf32>
    %mul3A_120 = vector.broadcast %get3A_119 : vector<1x1xf32> to vector<1x275xf32>
    %mul3A_121 = arith.mulf %broadcast_in_dim3A_101, %mul3A_120 : vector<1x275xf32>
    %add3A_122 = arith.addf %mul3A_116, %mul3A_121 : vector<1x275xf32>
    %get3A_123 = arith.constant 1 : index
    %get3A_124 = arith.constant 2 : index
    %get3A_125 = vector.load %arg6[%get3A_123, %get3A_124] : memref<32x4xf32, #tpu.memory_space<vmem>>, vector<1x1xf32>
    %mul3A_126 = vector.broadcast %get3A_125 : vector<1x1xf32> to vector<1x275xf32>
    %mul3A_127 = arith.mulf %broadcast_in_dim3A_106, %mul3A_126 : vector<1x275xf32>
    %add3A_128 = arith.addf %add3A_122, %mul3A_127 : vector<1x275xf32>
    %get3A_129 = arith.constant 1 : index
    %get3A_130 = arith.constant 3 : index
    %get3A_131 = vector.load %arg6[%get3A_129, %get3A_130] : memref<32x4xf32, #tpu.memory_space<vmem>>, vector<1x1xf32>
    %mul3A_132 = vector.broadcast %get3A_131 : vector<1x1xf32> to vector<1x275xf32>
    %mul3A_133 = arith.mulf %broadcast_in_dim3A_111, %mul3A_132 : vector<1x275xf32>
    %add3A_134 = arith.addf %add3A_128, %mul3A_133 : vector<1x275xf32>
    %mul3A_135 = arith.constant 32 : i32
    %mul3A_136 = arith.muli %mul3A_135, %arg0 : i32
    %add3A_137 = arith.constant 2 : i32
    %add3A_138 = arith.addi %mul3A_136, %add3A_137 : i32
    %get3A_139 = arith.index_cast %add3A_138 : i32 to index
    %get3A_140 = memref.load %arg4[%get3A_139] : memref<8192xi32, #tpu.memory_space<smem>>
    %eq3A_141 = vector.broadcast %get3A_140 : i32 to vector<16x1xi32>
    %eq3A_142 = arith.cmpi eq, %iota3A, %eq3A_141 : vector<16x1xi32>
    %convert_element_type3A_143 = arith.extui %eq3A_142 : vector<16x1xi1> to vector<16x1xi32>
    %convert_element_type3A_144 = arith.sitofp %convert_element_type3A_143 : vector<16x1xi32> to vector<16x1xf32>
    %get3A_145 = arith.index_cast %add3A_138 : i32 to index
    %get3A_146 = memref.load %arg5[%get3A_145] : memref<8192xi32, #tpu.memory_space<smem>>
    %eq3A_147 = vector.broadcast %get3A_146 : i32 to vector<16x1xi32>
    %eq3A_148 = arith.cmpi eq, %iota3A, %eq3A_147 : vector<16x1xi32>
    %convert_element_type3A_149 = arith.extui %eq3A_148 : vector<16x1xi1> to vector<16x1xi32>
    %convert_element_type3A_150 = arith.sitofp %convert_element_type3A_149 : vector<16x1xi32> to vector<16x1xf32>
    %get3A_151 = arith.constant 0 : index
    %get3A_152 = arith.constant 0 : index
    %get3A_153 = arith.constant 0 : index
    %get3A_154 = arith.constant 0 : index
    %get3A_155 = vector.load %arg11[%get3A_151, %get3A_152, %get3A_153, %get3A_154] : memref<1x1x16x275xf32, #tpu.memory_space<vmem>>, vector<1x1x16x275xf32>
    %get3A_156 = vector.shape_cast %get3A_155 : vector<1x1x16x275xf32> to vector<16x275xf32>
    %get3A_157 = arith.constant 0 : index
    %get3A_158 = arith.constant 0 : index
    %get3A_159 = arith.constant 0 : index
    %get3A_160 = arith.constant 0 : index
    %get3A_161 = vector.load %arg12[%get3A_157, %get3A_158, %get3A_159, %get3A_160] : memref<1x1x16x275xf32, #tpu.memory_space<vmem>>, vector<1x1x16x275xf32>
    %get3A_162 = vector.shape_cast %get3A_161 : vector<1x1x16x275xf32> to vector<16x275xf32>
    %mul3A_163 = vector.broadcast %convert_element_type3A_144 : vector<16x1xf32> to vector<16x275xf32>
    %mul3A_164 = arith.mulf %get3A_156, %mul3A_163 : vector<16x275xf32>
    %reduce_sum3A_165 = arith.constant dense<0.000000e+00> : vector<275xf32>
    %reduce_sum3A_166 = vector.multi_reduction <add>, %mul3A_164, %reduce_sum3A_165 [0] : vector<16x275xf32> to vector<275xf32>
    %broadcast_in_dim3A_167 = vector.shape_cast %reduce_sum3A_166 : vector<275xf32> to vector<1x275xf32>
    %mul3A_168 = vector.broadcast %convert_element_type3A_150 : vector<16x1xf32> to vector<16x275xf32>
    %mul3A_169 = arith.mulf %get3A_156, %mul3A_168 : vector<16x275xf32>
    %reduce_sum3A_170 = arith.constant dense<0.000000e+00> : vector<275xf32>
    %reduce_sum3A_171 = vector.multi_reduction <add>, %mul3A_169, %reduce_sum3A_170 [0] : vector<16x275xf32> to vector<275xf32>
    %broadcast_in_dim3A_172 = vector.shape_cast %reduce_sum3A_171 : vector<275xf32> to vector<1x275xf32>
    %mul3A_173 = vector.broadcast %convert_element_type3A_144 : vector<16x1xf32> to vector<16x275xf32>
    %mul3A_174 = arith.mulf %get3A_162, %mul3A_173 : vector<16x275xf32>
    %reduce_sum3A_175 = arith.constant dense<0.000000e+00> : vector<275xf32>
    %reduce_sum3A_176 = vector.multi_reduction <add>, %mul3A_174, %reduce_sum3A_175 [0] : vector<16x275xf32> to vector<275xf32>
    %broadcast_in_dim3A_177 = vector.shape_cast %reduce_sum3A_176 : vector<275xf32> to vector<1x275xf32>
    %mul3A_178 = vector.broadcast %convert_element_type3A_150 : vector<16x1xf32> to vector<16x275xf32>
    %mul3A_179 = arith.mulf %get3A_162, %mul3A_178 : vector<16x275xf32>
    %reduce_sum3A_180 = arith.constant dense<0.000000e+00> : vector<275xf32>
    %reduce_sum3A_181 = vector.multi_reduction <add>, %mul3A_179, %reduce_sum3A_180 [0] : vector<16x275xf32> to vector<275xf32>
    %broadcast_in_dim3A_182 = vector.shape_cast %reduce_sum3A_181 : vector<275xf32> to vector<1x275xf32>
    %get3A_183 = arith.constant 2 : index
    %get3A_184 = arith.constant 0 : index
    %get3A_185 = vector.load %arg6[%get3A_183, %get3A_184] : memref<32x4xf32, #tpu.memory_space<vmem>>, vector<1x1xf32>
    %mul3A_186 = vector.broadcast %get3A_185 : vector<1x1xf32> to vector<1x275xf32>
    %mul3A_187 = arith.mulf %broadcast_in_dim3A_167, %mul3A_186 : vector<1x275xf32>
    %get3A_188 = arith.constant 2 : index
    %get3A_189 = arith.constant 1 : index
    %get3A_190 = vector.load %arg6[%get3A_188, %get3A_189] : memref<32x4xf32, #tpu.memory_space<vmem>>, vector<1x1xf32>
    %mul3A_191 = vector.broadcast %get3A_190 : vector<1x1xf32> to vector<1x275xf32>
    %mul3A_192 = arith.mulf %broadcast_in_dim3A_172, %mul3A_191 : vector<1x275xf32>
    %add3A_193 = arith.addf %mul3A_187, %mul3A_192 : vector<1x275xf32>
    %get3A_194 = arith.constant 2 : index
    %get3A_195 = arith.constant 2 : index
    %get3A_196 = vector.load %arg6[%get3A_194, %get3A_195] : memref<32x4xf32, #tpu.memory_space<vmem>>, vector<1x1xf32>
    %mul3A_197 = vector.broadcast %get3A_196 : vector<1x1xf32> to vector<1x275xf32>
    %mul3A_198 = arith.mulf %broadcast_in_dim3A_177, %mul3A_197 : vector<1x275xf32>
    %add3A_199 = arith.addf %add3A_193, %mul3A_198 : vector<1x275xf32>
    %get3A_200 = arith.constant 2 : index
    %get3A_201 = arith.constant 3 : index
    %get3A_202 = vector.load %arg6[%get3A_200, %get3A_201] : memref<32x4xf32, #tpu.memory_space<vmem>>, vector<1x1xf32>
    %mul3A_203 = vector.broadcast %get3A_202 : vector<1x1xf32> to vector<1x275xf32>
    %mul3A_204 = arith.mulf %broadcast_in_dim3A_182, %mul3A_203 : vector<1x275xf32>
    %add3A_205 = arith.addf %add3A_199, %mul3A_204 : vector<1x275xf32>
    %mul3A_206 = arith.constant 32 : i32
    %mul3A_207 = arith.muli %mul3A_206, %arg0 : i32
    %add3A_208 = arith.constant 3 : i32
    %add3A_209 = arith.addi %mul3A_207, %add3A_208 : i32
    %get3A_210 = arith.index_cast %add3A_209 : i32 to index
    %get3A_211 = memref.load %arg4[%get3A_210] : memref<8192xi32, #tpu.memory_space<smem>>
    %eq3A_212 = vector.broadcast %get3A_211 : i32 to vector<16x1xi32>
    %eq3A_213 = arith.cmpi eq, %iota3A, %eq3A_212 : vector<16x1xi32>
    %convert_element_type3A_214 = arith.extui %eq3A_213 : vector<16x1xi1> to vector<16x1xi32>
    %convert_element_type3A_215 = arith.sitofp %convert_element_type3A_214 : vector<16x1xi32> to vector<16x1xf32>
    %get3A_216 = arith.index_cast %add3A_209 : i32 to index
    %get3A_217 = memref.load %arg5[%get3A_216] : memref<8192xi32, #tpu.memory_space<smem>>
    %eq3A_218 = vector.broadcast %get3A_217 : i32 to vector<16x1xi32>
    %eq3A_219 = arith.cmpi eq, %iota3A, %eq3A_218 : vector<16x1xi32>
    %convert_element_type3A_220 = arith.extui %eq3A_219 : vector<16x1xi1> to vector<16x1xi32>
    %convert_element_type3A_221 = arith.sitofp %convert_element_type3A_220 : vector<16x1xi32> to vector<16x1xf32>
    %get3A_222 = arith.constant 0 : index
    %get3A_223 = arith.constant 0 : index
    %get3A_224 = arith.constant 0 : index
    %get3A_225 = arith.constant 0 : index
    %get3A_226 = vector.load %arg13[%get3A_222, %get3A_223, %get3A_224, %get3A_225] : memref<1x1x16x275xf32, #tpu.memory_space<vmem>>, vector<1x1x16x275xf32>
    %get3A_227 = vector.shape_cast %get3A_226 : vector<1x1x16x275xf32> to vector<16x275xf32>
    %get3A_228 = arith.constant 0 : index
    %get3A_229 = arith.constant 0 : index
    %get3A_230 = arith.constant 0 : index
    %get3A_231 = arith.constant 0 : index
    %get3A_232 = vector.load %arg14[%get3A_228, %get3A_229, %get3A_230, %get3A_231] : memref<1x1x16x275xf32, #tpu.memory_space<vmem>>, vector<1x1x16x275xf32>
    %get3A_233 = vector.shape_cast %get3A_232 : vector<1x1x16x275xf32> to vector<16x275xf32>
    %mul3A_234 = vector.broadcast %convert_element_type3A_215 : vector<16x1xf32> to vector<16x275xf32>
    %mul3A_235 = arith.mulf %get3A_227, %mul3A_234 : vector<16x275xf32>
    %reduce_sum3A_236 = arith.constant dense<0.000000e+00> : vector<275xf32>
    %reduce_sum3A_237 = vector.multi_reduction <add>, %mul3A_235, %reduce_sum3A_236 [0] : vector<16x275xf32> to vector<275xf32>
    %broadcast_in_dim3A_238 = vector.shape_cast %reduce_sum3A_237 : vector<275xf32> to vector<1x275xf32>
    %mul3A_239 = vector.broadcast %convert_element_type3A_221 : vector<16x1xf32> to vector<16x275xf32>
    %mul3A_240 = arith.mulf %get3A_227, %mul3A_239 : vector<16x275xf32>
    %reduce_sum3A_241 = arith.constant dense<0.000000e+00> : vector<275xf32>
    %reduce_sum3A_242 = vector.multi_reduction <add>, %mul3A_240, %reduce_sum3A_241 [0] : vector<16x275xf32> to vector<275xf32>
    %broadcast_in_dim3A_243 = vector.shape_cast %reduce_sum3A_242 : vector<275xf32> to vector<1x275xf32>
    %mul3A_244 = vector.broadcast %convert_element_type3A_215 : vector<16x1xf32> to vector<16x275xf32>
    %mul3A_245 = arith.mulf %get3A_233, %mul3A_244 : vector<16x275xf32>
    %reduce_sum3A_246 = arith.constant dense<0.000000e+00> : vector<275xf32>
    %reduce_sum3A_247 = vector.multi_reduction <add>, %mul3A_245, %reduce_sum3A_246 [0] : vector<16x275xf32> to vector<275xf32>
    %broadcast_in_dim3A_248 = vector.shape_cast %reduce_sum3A_247 : vector<275xf32> to vector<1x275xf32>
    %mul3A_249 = vector.broadcast %convert_element_type3A_221 : vector<16x1xf32> to vector<16x275xf32>
    %mul3A_250 = arith.mulf %get3A_233, %mul3A_249 : vector<16x275xf32>
    %reduce_sum3A_251 = arith.constant dense<0.000000e+00> : vector<275xf32>
    %reduce_sum3A_252 = vector.multi_reduction <add>, %mul3A_250, %reduce_sum3A_251 [0] : vector<16x275xf32> to vector<275xf32>
    %broadcast_in_dim3A_253 = vector.shape_cast %reduce_sum3A_252 : vector<275xf32> to vector<1x275xf32>
    %get3A_254 = arith.constant 3 : index
    %get3A_255 = arith.constant 0 : index
    %get3A_256 = vector.load %arg6[%get3A_254, %get3A_255] : memref<32x4xf32, #tpu.memory_space<vmem>>, vector<1x1xf32>
    %mul3A_257 = vector.broadcast %get3A_256 : vector<1x1xf32> to vector<1x275xf32>
    %mul3A_258 = arith.mulf %broadcast_in_dim3A_238, %mul3A_257 : vector<1x275xf32>
    %get3A_259 = arith.constant 3 : index
    %get3A_260 = arith.constant 1 : index
    %get3A_261 = vector.load %arg6[%get3A_259, %get3A_260] : memref<32x4xf32, #tpu.memory_space<vmem>>, vector<1x1xf32>
    %mul3A_262 = vector.broadcast %get3A_261 : vector<1x1xf32> to vector<1x275xf32>
    %mul3A_263 = arith.mulf %broadcast_in_dim3A_243, %mul3A_262 : vector<1x275xf32>
    %add3A_264 = arith.addf %mul3A_258, %mul3A_263 : vector<1x275xf32>
    %get3A_265 = arith.constant 3 : index
    %get3A_266 = arith.constant 2 : index
    %get3A_267 = vector.load %arg6[%get3A_265, %get3A_266] : memref<32x4xf32, #tpu.memory_space<vmem>>, vector<1x1xf32>
    %mul3A_268 = vector.broadcast %get3A_267 : vector<1x1xf32> to vector<1x275xf32>
    %mul3A_269 = arith.mulf %broadcast_in_dim3A_248, %mul3A_268 : vector<1x275xf32>
    %add3A_270 = arith.addf %add3A_264, %mul3A_269 : vector<1x275xf32>
    %get3A_271 = arith.constant 3 : index
    %get3A_272 = arith.constant 3 : index
    %get3A_273 = vector.load %arg6[%get3A_271, %get3A_272] : memref<32x4xf32, #tpu.memory_space<vmem>>, vector<1x1xf32>
    %mul3A_274 = vector.broadcast %get3A_273 : vector<1x1xf32> to vector<1x275xf32>
    %mul3A_275 = arith.mulf %broadcast_in_dim3A_253, %mul3A_274 : vector<1x275xf32>
    %add3A_276 = arith.addf %add3A_270, %mul3A_275 : vector<1x275xf32>
    %mul3A_277 = arith.constant 32 : i32
    %mul3A_278 = arith.muli %mul3A_277, %arg0 : i32
    %add3A_279 = arith.constant 4 : i32
    %add3A_280 = arith.addi %mul3A_278, %add3A_279 : i32
    %get3A_281 = arith.index_cast %add3A_280 : i32 to index
    %get3A_282 = memref.load %arg4[%get3A_281] : memref<8192xi32, #tpu.memory_space<smem>>
    %eq3A_283 = vector.broadcast %get3A_282 : i32 to vector<16x1xi32>
    %eq3A_284 = arith.cmpi eq, %iota3A, %eq3A_283 : vector<16x1xi32>
    %convert_element_type3A_285 = arith.extui %eq3A_284 : vector<16x1xi1> to vector<16x1xi32>
    %convert_element_type3A_286 = arith.sitofp %convert_element_type3A_285 : vector<16x1xi32> to vector<16x1xf32>
    %get3A_287 = arith.index_cast %add3A_280 : i32 to index
    %get3A_288 = memref.load %arg5[%get3A_287] : memref<8192xi32, #tpu.memory_space<smem>>
    %eq3A_289 = vector.broadcast %get3A_288 : i32 to vector<16x1xi32>
    %eq3A_290 = arith.cmpi eq, %iota3A, %eq3A_289 : vector<16x1xi32>
    %convert_element_type3A_291 = arith.extui %eq3A_290 : vector<16x1xi1> to vector<16x1xi32>
    %convert_element_type3A_292 = arith.sitofp %convert_element_type3A_291 : vector<16x1xi32> to vector<16x1xf32>
    %get3A_293 = arith.constant 0 : index
    %get3A_294 = arith.constant 0 : index
    %get3A_295 = arith.constant 0 : index
    %get3A_296 = arith.constant 0 : index
    %get3A_297 = vector.load %arg15[%get3A_293, %get3A_294, %get3A_295, %get3A_296] : memref<1x1x16x275xf32, #tpu.memory_space<vmem>>, vector<1x1x16x275xf32>
    %get3A_298 = vector.shape_cast %get3A_297 : vector<1x1x16x275xf32> to vector<16x275xf32>
    %get3A_299 = arith.constant 0 : index
    %get3A_300 = arith.constant 0 : index
    %get3A_301 = arith.constant 0 : index
    %get3A_302 = arith.constant 0 : index
    %get3A_303 = vector.load %arg16[%get3A_299, %get3A_300, %get3A_301, %get3A_302] : memref<1x1x16x275xf32, #tpu.memory_space<vmem>>, vector<1x1x16x275xf32>
    %get3A_304 = vector.shape_cast %get3A_303 : vector<1x1x16x275xf32> to vector<16x275xf32>
    %mul3A_305 = vector.broadcast %convert_element_type3A_286 : vector<16x1xf32> to vector<16x275xf32>
    %mul3A_306 = arith.mulf %get3A_298, %mul3A_305 : vector<16x275xf32>
    %reduce_sum3A_307 = arith.constant dense<0.000000e+00> : vector<275xf32>
    %reduce_sum3A_308 = vector.multi_reduction <add>, %mul3A_306, %reduce_sum3A_307 [0] : vector<16x275xf32> to vector<275xf32>
    %broadcast_in_dim3A_309 = vector.shape_cast %reduce_sum3A_308 : vector<275xf32> to vector<1x275xf32>
    %mul3A_310 = vector.broadcast %convert_element_type3A_292 : vector<16x1xf32> to vector<16x275xf32>
    %mul3A_311 = arith.mulf %get3A_298, %mul3A_310 : vector<16x275xf32>
    %reduce_sum3A_312 = arith.constant dense<0.000000e+00> : vector<275xf32>
    %reduce_sum3A_313 = vector.multi_reduction <add>, %mul3A_311, %reduce_sum3A_312 [0] : vector<16x275xf32> to vector<275xf32>
    %broadcast_in_dim3A_314 = vector.shape_cast %reduce_sum3A_313 : vector<275xf32> to vector<1x275xf32>
    %mul3A_315 = vector.broadcast %convert_element_type3A_286 : vector<16x1xf32> to vector<16x275xf32>
    %mul3A_316 = arith.mulf %get3A_304, %mul3A_315 : vector<16x275xf32>
    %reduce_sum3A_317 = arith.constant dense<0.000000e+00> : vector<275xf32>
    %reduce_sum3A_318 = vector.multi_reduction <add>, %mul3A_316, %reduce_sum3A_317 [0] : vector<16x275xf32> to vector<275xf32>
    %broadcast_in_dim3A_319 = vector.shape_cast %reduce_sum3A_318 : vector<275xf32> to vector<1x275xf32>
    %mul3A_320 = vector.broadcast %convert_element_type3A_292 : vector<16x1xf32> to vector<16x275xf32>
    %mul3A_321 = arith.mulf %get3A_304, %mul3A_320 : vector<16x275xf32>
    %reduce_sum3A_322 = arith.constant dense<0.000000e+00> : vector<275xf32>
    %reduce_sum3A_323 = vector.multi_reduction <add>, %mul3A_321, %reduce_sum3A_322 [0] : vector<16x275xf32> to vector<275xf32>
    %broadcast_in_dim3A_324 = vector.shape_cast %reduce_sum3A_323 : vector<275xf32> to vector<1x275xf32>
    %get3A_325 = arith.constant 4 : index
    %get3A_326 = arith.constant 0 : index
    %get3A_327 = vector.load %arg6[%get3A_325, %get3A_326] : memref<32x4xf32, #tpu.memory_space<vmem>>, vector<1x1xf32>
    %mul3A_328 = vector.broadcast %get3A_327 : vector<1x1xf32> to vector<1x275xf32>
    %mul3A_329 = arith.mulf %broadcast_in_dim3A_309, %mul3A_328 : vector<1x275xf32>
    %get3A_330 = arith.constant 4 : index
    %get3A_331 = arith.constant 1 : index
    %get3A_332 = vector.load %arg6[%get3A_330, %get3A_331] : memref<32x4xf32, #tpu.memory_space<vmem>>, vector<1x1xf32>
    %mul3A_333 = vector.broadcast %get3A_332 : vector<1x1xf32> to vector<1x275xf32>
    %mul3A_334 = arith.mulf %broadcast_in_dim3A_314, %mul3A_333 : vector<1x275xf32>
    %add3A_335 = arith.addf %mul3A_329, %mul3A_334 : vector<1x275xf32>
    %get3A_336 = arith.constant 4 : index
    %get3A_337 = arith.constant 2 : index
    %get3A_338 = vector.load %arg6[%get3A_336, %get3A_337] : memref<32x4xf32, #tpu.memory_space<vmem>>, vector<1x1xf32>
    %mul3A_339 = vector.broadcast %get3A_338 : vector<1x1xf32> to vector<1x275xf32>
    %mul3A_340 = arith.mulf %broadcast_in_dim3A_319, %mul3A_339 : vector<1x275xf32>
    %add3A_341 = arith.addf %add3A_335, %mul3A_340 : vector<1x275xf32>
    %get3A_342 = arith.constant 4 : index
    %get3A_343 = arith.constant 3 : index
    %get3A_344 = vector.load %arg6[%get3A_342, %get3A_343] : memref<32x4xf32, #tpu.memory_space<vmem>>, vector<1x1xf32>
    %mul3A_345 = vector.broadcast %get3A_344 : vector<1x1xf32> to vector<1x275xf32>
    %mul3A_346 = arith.mulf %broadcast_in_dim3A_324, %mul3A_345 : vector<1x275xf32>
    %add3A_347 = arith.addf %add3A_341, %mul3A_346 : vector<1x275xf32>
    %mul3A_348 = arith.constant 32 : i32
    %mul3A_349 = arith.muli %mul3A_348, %arg0 : i32
    %add3A_350 = arith.constant 5 : i32
    %add3A_351 = arith.addi %mul3A_349, %add3A_350 : i32
    %get3A_352 = arith.index_cast %add3A_351 : i32 to index
    %get3A_353 = memref.load %arg4[%get3A_352] : memref<8192xi32, #tpu.memory_space<smem>>
    %eq3A_354 = vector.broadcast %get3A_353 : i32 to vector<16x1xi32>
    %eq3A_355 = arith.cmpi eq, %iota3A, %eq3A_354 : vector<16x1xi32>
    %convert_element_type3A_356 = arith.extui %eq3A_355 : vector<16x1xi1> to vector<16x1xi32>
    %convert_element_type3A_357 = arith.sitofp %convert_element_type3A_356 : vector<16x1xi32> to vector<16x1xf32>
    %get3A_358 = arith.index_cast %add3A_351 : i32 to index
    %get3A_359 = memref.load %arg5[%get3A_358] : memref<8192xi32, #tpu.memory_space<smem>>
    %eq3A_360 = vector.broadcast %get3A_359 : i32 to vector<16x1xi32>
    %eq3A_361 = arith.cmpi eq, %iota3A, %eq3A_360 : vector<16x1xi32>
    %convert_element_type3A_362 = arith.extui %eq3A_361 : vector<16x1xi1> to vector<16x1xi32>
    %convert_element_type3A_363 = arith.sitofp %convert_element_type3A_362 : vector<16x1xi32> to vector<16x1xf32>
    %get3A_364 = arith.constant 0 : index
    %get3A_365 = arith.constant 0 : index
    %get3A_366 = arith.constant 0 : index
    %get3A_367 = arith.constant 0 : index
    %get3A_368 = vector.load %arg17[%get3A_364, %get3A_365, %get3A_366, %get3A_367] : memref<1x1x16x275xf32, #tpu.memory_space<vmem>>, vector<1x1x16x275xf32>
    %get3A_369 = vector.shape_cast %get3A_368 : vector<1x1x16x275xf32> to vector<16x275xf32>
    %get3A_370 = arith.constant 0 : index
    %get3A_371 = arith.constant 0 : index
    %get3A_372 = arith.constant 0 : index
    %get3A_373 = arith.constant 0 : index
    %get3A_374 = vector.load %arg18[%get3A_370, %get3A_371, %get3A_372, %get3A_373] : memref<1x1x16x275xf32, #tpu.memory_space<vmem>>, vector<1x1x16x275xf32>
    %get3A_375 = vector.shape_cast %get3A_374 : vector<1x1x16x275xf32> to vector<16x275xf32>
    %mul3A_376 = vector.broadcast %convert_element_type3A_357 : vector<16x1xf32> to vector<16x275xf32>
    %mul3A_377 = arith.mulf %get3A_369, %mul3A_376 : vector<16x275xf32>
    %reduce_sum3A_378 = arith.constant dense<0.000000e+00> : vector<275xf32>
    %reduce_sum3A_379 = vector.multi_reduction <add>, %mul3A_377, %reduce_sum3A_378 [0] : vector<16x275xf32> to vector<275xf32>
    %broadcast_in_dim3A_380 = vector.shape_cast %reduce_sum3A_379 : vector<275xf32> to vector<1x275xf32>
    %mul3A_381 = vector.broadcast %convert_element_type3A_363 : vector<16x1xf32> to vector<16x275xf32>
    %mul3A_382 = arith.mulf %get3A_369, %mul3A_381 : vector<16x275xf32>
    %reduce_sum3A_383 = arith.constant dense<0.000000e+00> : vector<275xf32>
    %reduce_sum3A_384 = vector.multi_reduction <add>, %mul3A_382, %reduce_sum3A_383 [0] : vector<16x275xf32> to vector<275xf32>
    %broadcast_in_dim3A_385 = vector.shape_cast %reduce_sum3A_384 : vector<275xf32> to vector<1x275xf32>
    %mul3A_386 = vector.broadcast %convert_element_type3A_357 : vector<16x1xf32> to vector<16x275xf32>
    %mul3A_387 = arith.mulf %get3A_375, %mul3A_386 : vector<16x275xf32>
    %reduce_sum3A_388 = arith.constant dense<0.000000e+00> : vector<275xf32>
    %reduce_sum3A_389 = vector.multi_reduction <add>, %mul3A_387, %reduce_sum3A_388 [0] : vector<16x275xf32> to vector<275xf32>
    %broadcast_in_dim3A_390 = vector.shape_cast %reduce_sum3A_389 : vector<275xf32> to vector<1x275xf32>
    %mul3A_391 = vector.broadcast %convert_element_type3A_363 : vector<16x1xf32> to vector<16x275xf32>
    %mul3A_392 = arith.mulf %get3A_375, %mul3A_391 : vector<16x275xf32>
    %reduce_sum3A_393 = arith.constant dense<0.000000e+00> : vector<275xf32>
    %reduce_sum3A_394 = vector.multi_reduction <add>, %mul3A_392, %reduce_sum3A_393 [0] : vector<16x275xf32> to vector<275xf32>
    %broadcast_in_dim3A_395 = vector.shape_cast %reduce_sum3A_394 : vector<275xf32> to vector<1x275xf32>
    %get3A_396 = arith.constant 5 : index
    %get3A_397 = arith.constant 0 : index
    %get3A_398 = vector.load %arg6[%get3A_396, %get3A_397] : memref<32x4xf32, #tpu.memory_space<vmem>>, vector<1x1xf32>
    %mul3A_399 = vector.broadcast %get3A_398 : vector<1x1xf32> to vector<1x275xf32>
    %mul3A_400 = arith.mulf %broadcast_in_dim3A_380, %mul3A_399 : vector<1x275xf32>
    %get3A_401 = arith.constant 5 : index
    %get3A_402 = arith.constant 1 : index
    %get3A_403 = vector.load %arg6[%get3A_401, %get3A_402] : memref<32x4xf32, #tpu.memory_space<vmem>>, vector<1x1xf32>
    %mul3A_404 = vector.broadcast %get3A_403 : vector<1x1xf32> to vector<1x275xf32>
    %mul3A_405 = arith.mulf %broadcast_in_dim3A_385, %mul3A_404 : vector<1x275xf32>
    %add3A_406 = arith.addf %mul3A_400, %mul3A_405 : vector<1x275xf32>
    %get3A_407 = arith.constant 5 : index
    %get3A_408 = arith.constant 2 : index
    %get3A_409 = vector.load %arg6[%get3A_407, %get3A_408] : memref<32x4xf32, #tpu.memory_space<vmem>>, vector<1x1xf32>
    %mul3A_410 = vector.broadcast %get3A_409 : vector<1x1xf32> to vector<1x275xf32>
    %mul3A_411 = arith.mulf %broadcast_in_dim3A_390, %mul3A_410 : vector<1x275xf32>
    %add3A_412 = arith.addf %add3A_406, %mul3A_411 : vector<1x275xf32>
    %get3A_413 = arith.constant 5 : index
    %get3A_414 = arith.constant 3 : index
    %get3A_415 = vector.load %arg6[%get3A_413, %get3A_414] : memref<32x4xf32, #tpu.memory_space<vmem>>, vector<1x1xf32>
    %mul3A_416 = vector.broadcast %get3A_415 : vector<1x1xf32> to vector<1x275xf32>
    %mul3A_417 = arith.mulf %broadcast_in_dim3A_395, %mul3A_416 : vector<1x275xf32>
    %add3A_418 = arith.addf %add3A_412, %mul3A_417 : vector<1x275xf32>
    %mul3A_419 = arith.constant 32 : i32
    %mul3A_420 = arith.muli %mul3A_419, %arg0 : i32
    %add3A_421 = arith.constant 6 : i32
    %add3A_422 = arith.addi %mul3A_420, %add3A_421 : i32
    %get3A_423 = arith.index_cast %add3A_422 : i32 to index
    %get3A_424 = memref.load %arg4[%get3A_423] : memref<8192xi32, #tpu.memory_space<smem>>
    %eq3A_425 = vector.broadcast %get3A_424 : i32 to vector<16x1xi32>
    %eq3A_426 = arith.cmpi eq, %iota3A, %eq3A_425 : vector<16x1xi32>
    %convert_element_type3A_427 = arith.extui %eq3A_426 : vector<16x1xi1> to vector<16x1xi32>
    %convert_element_type3A_428 = arith.sitofp %convert_element_type3A_427 : vector<16x1xi32> to vector<16x1xf32>
    %get3A_429 = arith.index_cast %add3A_422 : i32 to index
    %get3A_430 = memref.load %arg5[%get3A_429] : memref<8192xi32, #tpu.memory_space<smem>>
    %eq3A_431 = vector.broadcast %get3A_430 : i32 to vector<16x1xi32>
    %eq3A_432 = arith.cmpi eq, %iota3A, %eq3A_431 : vector<16x1xi32>
    %convert_element_type3A_433 = arith.extui %eq3A_432 : vector<16x1xi1> to vector<16x1xi32>
    %convert_element_type3A_434 = arith.sitofp %convert_element_type3A_433 : vector<16x1xi32> to vector<16x1xf32>
    %get3A_435 = arith.constant 0 : index
    %get3A_436 = arith.constant 0 : index
    %get3A_437 = arith.constant 0 : index
    %get3A_438 = arith.constant 0 : index
    %get3A_439 = vector.load %arg19[%get3A_435, %get3A_436, %get3A_437, %get3A_438] : memref<1x1x16x275xf32, #tpu.memory_space<vmem>>, vector<1x1x16x275xf32>
    %get3A_440 = vector.shape_cast %get3A_439 : vector<1x1x16x275xf32> to vector<16x275xf32>
    %get3A_441 = arith.constant 0 : index
    %get3A_442 = arith.constant 0 : index
    %get3A_443 = arith.constant 0 : index
    %get3A_444 = arith.constant 0 : index
    %get3A_445 = vector.load %arg20[%get3A_441, %get3A_442, %get3A_443, %get3A_444] : memref<1x1x16x275xf32, #tpu.memory_space<vmem>>, vector<1x1x16x275xf32>
    %get3A_446 = vector.shape_cast %get3A_445 : vector<1x1x16x275xf32> to vector<16x275xf32>
    %mul3A_447 = vector.broadcast %convert_element_type3A_428 : vector<16x1xf32> to vector<16x275xf32>
    %mul3A_448 = arith.mulf %get3A_440, %mul3A_447 : vector<16x275xf32>
    %reduce_sum3A_449 = arith.constant dense<0.000000e+00> : vector<275xf32>
    %reduce_sum3A_450 = vector.multi_reduction <add>, %mul3A_448, %reduce_sum3A_449 [0] : vector<16x275xf32> to vector<275xf32>
    %broadcast_in_dim3A_451 = vector.shape_cast %reduce_sum3A_450 : vector<275xf32> to vector<1x275xf32>
    %mul3A_452 = vector.broadcast %convert_element_type3A_434 : vector<16x1xf32> to vector<16x275xf32>
    %mul3A_453 = arith.mulf %get3A_440, %mul3A_452 : vector<16x275xf32>
    %reduce_sum3A_454 = arith.constant dense<0.000000e+00> : vector<275xf32>
    %reduce_sum3A_455 = vector.multi_reduction <add>, %mul3A_453, %reduce_sum3A_454 [0] : vector<16x275xf32> to vector<275xf32>
    %broadcast_in_dim3A_456 = vector.shape_cast %reduce_sum3A_455 : vector<275xf32> to vector<1x275xf32>
    %mul3A_457 = vector.broadcast %convert_element_type3A_428 : vector<16x1xf32> to vector<16x275xf32>
    %mul3A_458 = arith.mulf %get3A_446, %mul3A_457 : vector<16x275xf32>
    %reduce_sum3A_459 = arith.constant dense<0.000000e+00> : vector<275xf32>
    %reduce_sum3A_460 = vector.multi_reduction <add>, %mul3A_458, %reduce_sum3A_459 [0] : vector<16x275xf32> to vector<275xf32>
    %broadcast_in_dim3A_461 = vector.shape_cast %reduce_sum3A_460 : vector<275xf32> to vector<1x275xf32>
    %mul3A_462 = vector.broadcast %convert_element_type3A_434 : vector<16x1xf32> to vector<16x275xf32>
    %mul3A_463 = arith.mulf %get3A_446, %mul3A_462 : vector<16x275xf32>
    %reduce_sum3A_464 = arith.constant dense<0.000000e+00> : vector<275xf32>
    %reduce_sum3A_465 = vector.multi_reduction <add>, %mul3A_463, %reduce_sum3A_464 [0] : vector<16x275xf32> to vector<275xf32>
    %broadcast_in_dim3A_466 = vector.shape_cast %reduce_sum3A_465 : vector<275xf32> to vector<1x275xf32>
    %get3A_467 = arith.constant 6 : index
    %get3A_468 = arith.constant 0 : index
    %get3A_469 = vector.load %arg6[%get3A_467, %get3A_468] : memref<32x4xf32, #tpu.memory_space<vmem>>, vector<1x1xf32>
    %mul3A_470 = vector.broadcast %get3A_469 : vector<1x1xf32> to vector<1x275xf32>
    %mul3A_471 = arith.mulf %broadcast_in_dim3A_451, %mul3A_470 : vector<1x275xf32>
    %get3A_472 = arith.constant 6 : index
    %get3A_473 = arith.constant 1 : index
    %get3A_474 = vector.load %arg6[%get3A_472, %get3A_473] : memref<32x4xf32, #tpu.memory_space<vmem>>, vector<1x1xf32>
    %mul3A_475 = vector.broadcast %get3A_474 : vector<1x1xf32> to vector<1x275xf32>
    %mul3A_476 = arith.mulf %broadcast_in_dim3A_456, %mul3A_475 : vector<1x275xf32>
    %add3A_477 = arith.addf %mul3A_471, %mul3A_476 : vector<1x275xf32>
    %get3A_478 = arith.constant 6 : index
    %get3A_479 = arith.constant 2 : index
    %get3A_480 = vector.load %arg6[%get3A_478, %get3A_479] : memref<32x4xf32, #tpu.memory_space<vmem>>, vector<1x1xf32>
    %mul3A_481 = vector.broadcast %get3A_480 : vector<1x1xf32> to vector<1x275xf32>
    %mul3A_482 = arith.mulf %broadcast_in_dim3A_461, %mul3A_481 : vector<1x275xf32>
    %add3A_483 = arith.addf %add3A_477, %mul3A_482 : vector<1x275xf32>
    %get3A_484 = arith.constant 6 : index
    %get3A_485 = arith.constant 3 : index
    %get3A_486 = vector.load %arg6[%get3A_484, %get3A_485] : memref<32x4xf32, #tpu.memory_space<vmem>>, vector<1x1xf32>
    %mul3A_487 = vector.broadcast %get3A_486 : vector<1x1xf32> to vector<1x275xf32>
    %mul3A_488 = arith.mulf %broadcast_in_dim3A_466, %mul3A_487 : vector<1x275xf32>
    %add3A_489 = arith.addf %add3A_483, %mul3A_488 : vector<1x275xf32>
    %mul3A_490 = arith.constant 32 : i32
    %mul3A_491 = arith.muli %mul3A_490, %arg0 : i32
    %add3A_492 = arith.constant 7 : i32
    %add3A_493 = arith.addi %mul3A_491, %add3A_492 : i32
    %get3A_494 = arith.index_cast %add3A_493 : i32 to index
    %get3A_495 = memref.load %arg4[%get3A_494] : memref<8192xi32, #tpu.memory_space<smem>>
    %eq3A_496 = vector.broadcast %get3A_495 : i32 to vector<16x1xi32>
    %eq3A_497 = arith.cmpi eq, %iota3A, %eq3A_496 : vector<16x1xi32>
    %convert_element_type3A_498 = arith.extui %eq3A_497 : vector<16x1xi1> to vector<16x1xi32>
    %convert_element_type3A_499 = arith.sitofp %convert_element_type3A_498 : vector<16x1xi32> to vector<16x1xf32>
    %get3A_500 = arith.index_cast %add3A_493 : i32 to index
    %get3A_501 = memref.load %arg5[%get3A_500] : memref<8192xi32, #tpu.memory_space<smem>>
    %eq3A_502 = vector.broadcast %get3A_501 : i32 to vector<16x1xi32>
    %eq3A_503 = arith.cmpi eq, %iota3A, %eq3A_502 : vector<16x1xi32>
    %convert_element_type3A_504 = arith.extui %eq3A_503 : vector<16x1xi1> to vector<16x1xi32>
    %convert_element_type3A_505 = arith.sitofp %convert_element_type3A_504 : vector<16x1xi32> to vector<16x1xf32>
    %get3A_506 = arith.constant 0 : index
    %get3A_507 = arith.constant 0 : index
    %get3A_508 = arith.constant 0 : index
    %get3A_509 = arith.constant 0 : index
    %get3A_510 = vector.load %arg21[%get3A_506, %get3A_507, %get3A_508, %get3A_509] : memref<1x1x16x275xf32, #tpu.memory_space<vmem>>, vector<1x1x16x275xf32>
    %get3A_511 = vector.shape_cast %get3A_510 : vector<1x1x16x275xf32> to vector<16x275xf32>
    %get3A_512 = arith.constant 0 : index
    %get3A_513 = arith.constant 0 : index
    %get3A_514 = arith.constant 0 : index
    %get3A_515 = arith.constant 0 : index
    %get3A_516 = vector.load %arg22[%get3A_512, %get3A_513, %get3A_514, %get3A_515] : memref<1x1x16x275xf32, #tpu.memory_space<vmem>>, vector<1x1x16x275xf32>
    %get3A_517 = vector.shape_cast %get3A_516 : vector<1x1x16x275xf32> to vector<16x275xf32>
    %mul3A_518 = vector.broadcast %convert_element_type3A_499 : vector<16x1xf32> to vector<16x275xf32>
    %mul3A_519 = arith.mulf %get3A_511, %mul3A_518 : vector<16x275xf32>
    %reduce_sum3A_520 = arith.constant dense<0.000000e+00> : vector<275xf32>
    %reduce_sum3A_521 = vector.multi_reduction <add>, %mul3A_519, %reduce_sum3A_520 [0] : vector<16x275xf32> to vector<275xf32>
    %broadcast_in_dim3A_522 = vector.shape_cast %reduce_sum3A_521 : vector<275xf32> to vector<1x275xf32>
    %mul3A_523 = vector.broadcast %convert_element_type3A_505 : vector<16x1xf32> to vector<16x275xf32>
    %mul3A_524 = arith.mulf %get3A_511, %mul3A_523 : vector<16x275xf32>
    %reduce_sum3A_525 = arith.constant dense<0.000000e+00> : vector<275xf32>
    %reduce_sum3A_526 = vector.multi_reduction <add>, %mul3A_524, %reduce_sum3A_525 [0] : vector<16x275xf32> to vector<275xf32>
    %broadcast_in_dim3A_527 = vector.shape_cast %reduce_sum3A_526 : vector<275xf32> to vector<1x275xf32>
    %mul3A_528 = vector.broadcast %convert_element_type3A_499 : vector<16x1xf32> to vector<16x275xf32>
    %mul3A_529 = arith.mulf %get3A_517, %mul3A_528 : vector<16x275xf32>
    %reduce_sum3A_530 = arith.constant dense<0.000000e+00> : vector<275xf32>
    %reduce_sum3A_531 = vector.multi_reduction <add>, %mul3A_529, %reduce_sum3A_530 [0] : vector<16x275xf32> to vector<275xf32>
    %broadcast_in_dim3A_532 = vector.shape_cast %reduce_sum3A_531 : vector<275xf32> to vector<1x275xf32>
    %mul3A_533 = vector.broadcast %convert_element_type3A_505 : vector<16x1xf32> to vector<16x275xf32>
    %mul3A_534 = arith.mulf %get3A_517, %mul3A_533 : vector<16x275xf32>
    %reduce_sum3A_535 = arith.constant dense<0.000000e+00> : vector<275xf32>
    %reduce_sum3A_536 = vector.multi_reduction <add>, %mul3A_534, %reduce_sum3A_535 [0] : vector<16x275xf32> to vector<275xf32>
    %broadcast_in_dim3A_537 = vector.shape_cast %reduce_sum3A_536 : vector<275xf32> to vector<1x275xf32>
    %get3A_538 = arith.constant 7 : index
    %get3A_539 = arith.constant 0 : index
    %get3A_540 = vector.load %arg6[%get3A_538, %get3A_539] : memref<32x4xf32, #tpu.memory_space<vmem>>, vector<1x1xf32>
    %mul3A_541 = vector.broadcast %get3A_540 : vector<1x1xf32> to vector<1x275xf32>
    %mul3A_542 = arith.mulf %broadcast_in_dim3A_522, %mul3A_541 : vector<1x275xf32>
    %get3A_543 = arith.constant 7 : index
    %get3A_544 = arith.constant 1 : index
    %get3A_545 = vector.load %arg6[%get3A_543, %get3A_544] : memref<32x4xf32, #tpu.memory_space<vmem>>, vector<1x1xf32>
    %mul3A_546 = vector.broadcast %get3A_545 : vector<1x1xf32> to vector<1x275xf32>
    %mul3A_547 = arith.mulf %broadcast_in_dim3A_527, %mul3A_546 : vector<1x275xf32>
    %add3A_548 = arith.addf %mul3A_542, %mul3A_547 : vector<1x275xf32>
    %get3A_549 = arith.constant 7 : index
    %get3A_550 = arith.constant 2 : index
    %get3A_551 = vector.load %arg6[%get3A_549, %get3A_550] : memref<32x4xf32, #tpu.memory_space<vmem>>, vector<1x1xf32>
    %mul3A_552 = vector.broadcast %get3A_551 : vector<1x1xf32> to vector<1x275xf32>
    %mul3A_553 = arith.mulf %broadcast_in_dim3A_532, %mul3A_552 : vector<1x275xf32>
    %add3A_554 = arith.addf %add3A_548, %mul3A_553 : vector<1x275xf32>
    %get3A_555 = arith.constant 7 : index
    %get3A_556 = arith.constant 3 : index
    %get3A_557 = vector.load %arg6[%get3A_555, %get3A_556] : memref<32x4xf32, #tpu.memory_space<vmem>>, vector<1x1xf32>
    %mul3A_558 = vector.broadcast %get3A_557 : vector<1x1xf32> to vector<1x275xf32>
    %mul3A_559 = arith.mulf %broadcast_in_dim3A_537, %mul3A_558 : vector<1x275xf32>
    %add3A_560 = arith.addf %add3A_554, %mul3A_559 : vector<1x275xf32>
    %mul3A_561 = arith.constant 32 : i32
    %mul3A_562 = arith.muli %mul3A_561, %arg0 : i32
    %add3A_563 = arith.constant 8 : i32
    %add3A_564 = arith.addi %mul3A_562, %add3A_563 : i32
    %get3A_565 = arith.index_cast %add3A_564 : i32 to index
    %get3A_566 = memref.load %arg4[%get3A_565] : memref<8192xi32, #tpu.memory_space<smem>>
    %eq3A_567 = vector.broadcast %get3A_566 : i32 to vector<16x1xi32>
    %eq3A_568 = arith.cmpi eq, %iota3A, %eq3A_567 : vector<16x1xi32>
    %convert_element_type3A_569 = arith.extui %eq3A_568 : vector<16x1xi1> to vector<16x1xi32>
    %convert_element_type3A_570 = arith.sitofp %convert_element_type3A_569 : vector<16x1xi32> to vector<16x1xf32>
    %get3A_571 = arith.index_cast %add3A_564 : i32 to index
    %get3A_572 = memref.load %arg5[%get3A_571] : memref<8192xi32, #tpu.memory_space<smem>>
    %eq3A_573 = vector.broadcast %get3A_572 : i32 to vector<16x1xi32>
    %eq3A_574 = arith.cmpi eq, %iota3A, %eq3A_573 : vector<16x1xi32>
    %convert_element_type3A_575 = arith.extui %eq3A_574 : vector<16x1xi1> to vector<16x1xi32>
    %convert_element_type3A_576 = arith.sitofp %convert_element_type3A_575 : vector<16x1xi32> to vector<16x1xf32>
    %get3A_577 = arith.constant 0 : index
    %get3A_578 = arith.constant 0 : index
    %get3A_579 = arith.constant 0 : index
    %get3A_580 = arith.constant 0 : index
    %get3A_581 = vector.load %arg23[%get3A_577, %get3A_578, %get3A_579, %get3A_580] : memref<1x1x16x275xf32, #tpu.memory_space<vmem>>, vector<1x1x16x275xf32>
    %get3A_582 = vector.shape_cast %get3A_581 : vector<1x1x16x275xf32> to vector<16x275xf32>
    %get3A_583 = arith.constant 0 : index
    %get3A_584 = arith.constant 0 : index
    %get3A_585 = arith.constant 0 : index
    %get3A_586 = arith.constant 0 : index
    %get3A_587 = vector.load %arg24[%get3A_583, %get3A_584, %get3A_585, %get3A_586] : memref<1x1x16x275xf32, #tpu.memory_space<vmem>>, vector<1x1x16x275xf32>
    %get3A_588 = vector.shape_cast %get3A_587 : vector<1x1x16x275xf32> to vector<16x275xf32>
    %mul3A_589 = vector.broadcast %convert_element_type3A_570 : vector<16x1xf32> to vector<16x275xf32>
    %mul3A_590 = arith.mulf %get3A_582, %mul3A_589 : vector<16x275xf32>
    %reduce_sum3A_591 = arith.constant dense<0.000000e+00> : vector<275xf32>
    %reduce_sum3A_592 = vector.multi_reduction <add>, %mul3A_590, %reduce_sum3A_591 [0] : vector<16x275xf32> to vector<275xf32>
    %broadcast_in_dim3A_593 = vector.shape_cast %reduce_sum3A_592 : vector<275xf32> to vector<1x275xf32>
    %mul3A_594 = vector.broadcast %convert_element_type3A_576 : vector<16x1xf32> to vector<16x275xf32>
    %mul3A_595 = arith.mulf %get3A_582, %mul3A_594 : vector<16x275xf32>
    %reduce_sum3A_596 = arith.constant dense<0.000000e+00> : vector<275xf32>
    %reduce_sum3A_597 = vector.multi_reduction <add>, %mul3A_595, %reduce_sum3A_596 [0] : vector<16x275xf32> to vector<275xf32>
    %broadcast_in_dim3A_598 = vector.shape_cast %reduce_sum3A_597 : vector<275xf32> to vector<1x275xf32>
    %mul3A_599 = vector.broadcast %convert_element_type3A_570 : vector<16x1xf32> to vector<16x275xf32>
    %mul3A_600 = arith.mulf %get3A_588, %mul3A_599 : vector<16x275xf32>
    %reduce_sum3A_601 = arith.constant dense<0.000000e+00> : vector<275xf32>
    %reduce_sum3A_602 = vector.multi_reduction <add>, %mul3A_600, %reduce_sum3A_601 [0] : vector<16x275xf32> to vector<275xf32>
    %broadcast_in_dim3A_603 = vector.shape_cast %reduce_sum3A_602 : vector<275xf32> to vector<1x275xf32>
    %mul3A_604 = vector.broadcast %convert_element_type3A_576 : vector<16x1xf32> to vector<16x275xf32>
    %mul3A_605 = arith.mulf %get3A_588, %mul3A_604 : vector<16x275xf32>
    %reduce_sum3A_606 = arith.constant dense<0.000000e+00> : vector<275xf32>
    %reduce_sum3A_607 = vector.multi_reduction <add>, %mul3A_605, %reduce_sum3A_606 [0] : vector<16x275xf32> to vector<275xf32>
    %broadcast_in_dim3A_608 = vector.shape_cast %reduce_sum3A_607 : vector<275xf32> to vector<1x275xf32>
    %get3A_609 = arith.constant 8 : index
    %get3A_610 = arith.constant 0 : index
    %get3A_611 = vector.load %arg6[%get3A_609, %get3A_610] : memref<32x4xf32, #tpu.memory_space<vmem>>, vector<1x1xf32>
    %mul3A_612 = vector.broadcast %get3A_611 : vector<1x1xf32> to vector<1x275xf32>
    %mul3A_613 = arith.mulf %broadcast_in_dim3A_593, %mul3A_612 : vector<1x275xf32>
    %get3A_614 = arith.constant 8 : index
    %get3A_615 = arith.constant 1 : index
    %get3A_616 = vector.load %arg6[%get3A_614, %get3A_615] : memref<32x4xf32, #tpu.memory_space<vmem>>, vector<1x1xf32>
    %mul3A_617 = vector.broadcast %get3A_616 : vector<1x1xf32> to vector<1x275xf32>
    %mul3A_618 = arith.mulf %broadcast_in_dim3A_598, %mul3A_617 : vector<1x275xf32>
    %add3A_619 = arith.addf %mul3A_613, %mul3A_618 : vector<1x275xf32>
    %get3A_620 = arith.constant 8 : index
    %get3A_621 = arith.constant 2 : index
    %get3A_622 = vector.load %arg6[%get3A_620, %get3A_621] : memref<32x4xf32, #tpu.memory_space<vmem>>, vector<1x1xf32>
    %mul3A_623 = vector.broadcast %get3A_622 : vector<1x1xf32> to vector<1x275xf32>
    %mul3A_624 = arith.mulf %broadcast_in_dim3A_603, %mul3A_623 : vector<1x275xf32>
    %add3A_625 = arith.addf %add3A_619, %mul3A_624 : vector<1x275xf32>
    %get3A_626 = arith.constant 8 : index
    %get3A_627 = arith.constant 3 : index
    %get3A_628 = vector.load %arg6[%get3A_626, %get3A_627] : memref<32x4xf32, #tpu.memory_space<vmem>>, vector<1x1xf32>
    %mul3A_629 = vector.broadcast %get3A_628 : vector<1x1xf32> to vector<1x275xf32>
    %mul3A_630 = arith.mulf %broadcast_in_dim3A_608, %mul3A_629 : vector<1x275xf32>
    %add3A_631 = arith.addf %add3A_625, %mul3A_630 : vector<1x275xf32>
    %mul3A_632 = arith.constant 32 : i32
    %mul3A_633 = arith.muli %mul3A_632, %arg0 : i32
    %add3A_634 = arith.constant 9 : i32
    %add3A_635 = arith.addi %mul3A_633, %add3A_634 : i32
    %get3A_636 = arith.index_cast %add3A_635 : i32 to index
    %get3A_637 = memref.load %arg4[%get3A_636] : memref<8192xi32, #tpu.memory_space<smem>>
    %eq3A_638 = vector.broadcast %get3A_637 : i32 to vector<16x1xi32>
    %eq3A_639 = arith.cmpi eq, %iota3A, %eq3A_638 : vector<16x1xi32>
    %convert_element_type3A_640 = arith.extui %eq3A_639 : vector<16x1xi1> to vector<16x1xi32>
    %convert_element_type3A_641 = arith.sitofp %convert_element_type3A_640 : vector<16x1xi32> to vector<16x1xf32>
    %get3A_642 = arith.index_cast %add3A_635 : i32 to index
    %get3A_643 = memref.load %arg5[%get3A_642] : memref<8192xi32, #tpu.memory_space<smem>>
    %eq3A_644 = vector.broadcast %get3A_643 : i32 to vector<16x1xi32>
    %eq3A_645 = arith.cmpi eq, %iota3A, %eq3A_644 : vector<16x1xi32>
    %convert_element_type3A_646 = arith.extui %eq3A_645 : vector<16x1xi1> to vector<16x1xi32>
    %convert_element_type3A_647 = arith.sitofp %convert_element_type3A_646 : vector<16x1xi32> to vector<16x1xf32>
    %get3A_648 = arith.constant 0 : index
    %get3A_649 = arith.constant 0 : index
    %get3A_650 = arith.constant 0 : index
    %get3A_651 = arith.constant 0 : index
    %get3A_652 = vector.load %arg25[%get3A_648, %get3A_649, %get3A_650, %get3A_651] : memref<1x1x16x275xf32, #tpu.memory_space<vmem>>, vector<1x1x16x275xf32>
    %get3A_653 = vector.shape_cast %get3A_652 : vector<1x1x16x275xf32> to vector<16x275xf32>
    %get3A_654 = arith.constant 0 : index
    %get3A_655 = arith.constant 0 : index
    %get3A_656 = arith.constant 0 : index
    %get3A_657 = arith.constant 0 : index
    %get3A_658 = vector.load %arg26[%get3A_654, %get3A_655, %get3A_656, %get3A_657] : memref<1x1x16x275xf32, #tpu.memory_space<vmem>>, vector<1x1x16x275xf32>
    %get3A_659 = vector.shape_cast %get3A_658 : vector<1x1x16x275xf32> to vector<16x275xf32>
    %mul3A_660 = vector.broadcast %convert_element_type3A_641 : vector<16x1xf32> to vector<16x275xf32>
    %mul3A_661 = arith.mulf %get3A_653, %mul3A_660 : vector<16x275xf32>
    %reduce_sum3A_662 = arith.constant dense<0.000000e+00> : vector<275xf32>
    %reduce_sum3A_663 = vector.multi_reduction <add>, %mul3A_661, %reduce_sum3A_662 [0] : vector<16x275xf32> to vector<275xf32>
    %broadcast_in_dim3A_664 = vector.shape_cast %reduce_sum3A_663 : vector<275xf32> to vector<1x275xf32>
    %mul3A_665 = vector.broadcast %convert_element_type3A_647 : vector<16x1xf32> to vector<16x275xf32>
    %mul3A_666 = arith.mulf %get3A_653, %mul3A_665 : vector<16x275xf32>
    %reduce_sum3A_667 = arith.constant dense<0.000000e+00> : vector<275xf32>
    %reduce_sum3A_668 = vector.multi_reduction <add>, %mul3A_666, %reduce_sum3A_667 [0] : vector<16x275xf32> to vector<275xf32>
    %broadcast_in_dim3A_669 = vector.shape_cast %reduce_sum3A_668 : vector<275xf32> to vector<1x275xf32>
    %mul3A_670 = vector.broadcast %convert_element_type3A_641 : vector<16x1xf32> to vector<16x275xf32>
    %mul3A_671 = arith.mulf %get3A_659, %mul3A_670 : vector<16x275xf32>
    %reduce_sum3A_672 = arith.constant dense<0.000000e+00> : vector<275xf32>
    %reduce_sum3A_673 = vector.multi_reduction <add>, %mul3A_671, %reduce_sum3A_672 [0] : vector<16x275xf32> to vector<275xf32>
    %broadcast_in_dim3A_674 = vector.shape_cast %reduce_sum3A_673 : vector<275xf32> to vector<1x275xf32>
    %mul3A_675 = vector.broadcast %convert_element_type3A_647 : vector<16x1xf32> to vector<16x275xf32>
    %mul3A_676 = arith.mulf %get3A_659, %mul3A_675 : vector<16x275xf32>
    %reduce_sum3A_677 = arith.constant dense<0.000000e+00> : vector<275xf32>
    %reduce_sum3A_678 = vector.multi_reduction <add>, %mul3A_676, %reduce_sum3A_677 [0] : vector<16x275xf32> to vector<275xf32>
    %broadcast_in_dim3A_679 = vector.shape_cast %reduce_sum3A_678 : vector<275xf32> to vector<1x275xf32>
    %get3A_680 = arith.constant 9 : index
    %get3A_681 = arith.constant 0 : index
    %get3A_682 = vector.load %arg6[%get3A_680, %get3A_681] : memref<32x4xf32, #tpu.memory_space<vmem>>, vector<1x1xf32>
    %mul3A_683 = vector.broadcast %get3A_682 : vector<1x1xf32> to vector<1x275xf32>
    %mul3A_684 = arith.mulf %broadcast_in_dim3A_664, %mul3A_683 : vector<1x275xf32>
    %get3A_685 = arith.constant 9 : index
    %get3A_686 = arith.constant 1 : index
    %get3A_687 = vector.load %arg6[%get3A_685, %get3A_686] : memref<32x4xf32, #tpu.memory_space<vmem>>, vector<1x1xf32>
    %mul3A_688 = vector.broadcast %get3A_687 : vector<1x1xf32> to vector<1x275xf32>
    %mul3A_689 = arith.mulf %broadcast_in_dim3A_669, %mul3A_688 : vector<1x275xf32>
    %add3A_690 = arith.addf %mul3A_684, %mul3A_689 : vector<1x275xf32>
    %get3A_691 = arith.constant 9 : index
    %get3A_692 = arith.constant 2 : index
    %get3A_693 = vector.load %arg6[%get3A_691, %get3A_692] : memref<32x4xf32, #tpu.memory_space<vmem>>, vector<1x1xf32>
    %mul3A_694 = vector.broadcast %get3A_693 : vector<1x1xf32> to vector<1x275xf32>
    %mul3A_695 = arith.mulf %broadcast_in_dim3A_674, %mul3A_694 : vector<1x275xf32>
    %add3A_696 = arith.addf %add3A_690, %mul3A_695 : vector<1x275xf32>
    %get3A_697 = arith.constant 9 : index
    %get3A_698 = arith.constant 3 : index
    %get3A_699 = vector.load %arg6[%get3A_697, %get3A_698] : memref<32x4xf32, #tpu.memory_space<vmem>>, vector<1x1xf32>
    %mul3A_700 = vector.broadcast %get3A_699 : vector<1x1xf32> to vector<1x275xf32>
    %mul3A_701 = arith.mulf %broadcast_in_dim3A_679, %mul3A_700 : vector<1x275xf32>
    %add3A_702 = arith.addf %add3A_696, %mul3A_701 : vector<1x275xf32>
    %mul3A_703 = arith.constant 32 : i32
    %mul3A_704 = arith.muli %mul3A_703, %arg0 : i32
    %add3A_705 = arith.constant 10 : i32
    %add3A_706 = arith.addi %mul3A_704, %add3A_705 : i32
    %get3A_707 = arith.index_cast %add3A_706 : i32 to index
    %get3A_708 = memref.load %arg4[%get3A_707] : memref<8192xi32, #tpu.memory_space<smem>>
    %eq3A_709 = vector.broadcast %get3A_708 : i32 to vector<16x1xi32>
    %eq3A_710 = arith.cmpi eq, %iota3A, %eq3A_709 : vector<16x1xi32>
    %convert_element_type3A_711 = arith.extui %eq3A_710 : vector<16x1xi1> to vector<16x1xi32>
    %convert_element_type3A_712 = arith.sitofp %convert_element_type3A_711 : vector<16x1xi32> to vector<16x1xf32>
    %get3A_713 = arith.index_cast %add3A_706 : i32 to index
    %get3A_714 = memref.load %arg5[%get3A_713] : memref<8192xi32, #tpu.memory_space<smem>>
    %eq3A_715 = vector.broadcast %get3A_714 : i32 to vector<16x1xi32>
    %eq3A_716 = arith.cmpi eq, %iota3A, %eq3A_715 : vector<16x1xi32>
    %convert_element_type3A_717 = arith.extui %eq3A_716 : vector<16x1xi1> to vector<16x1xi32>
    %convert_element_type3A_718 = arith.sitofp %convert_element_type3A_717 : vector<16x1xi32> to vector<16x1xf32>
    %get3A_719 = arith.constant 0 : index
    %get3A_720 = arith.constant 0 : index
    %get3A_721 = arith.constant 0 : index
    %get3A_722 = arith.constant 0 : index
    %get3A_723 = vector.load %arg27[%get3A_719, %get3A_720, %get3A_721, %get3A_722] : memref<1x1x16x275xf32, #tpu.memory_space<vmem>>, vector<1x1x16x275xf32>
    %get3A_724 = vector.shape_cast %get3A_723 : vector<1x1x16x275xf32> to vector<16x275xf32>
    %get3A_725 = arith.constant 0 : index
    %get3A_726 = arith.constant 0 : index
    %get3A_727 = arith.constant 0 : index
    %get3A_728 = arith.constant 0 : index
    %get3A_729 = vector.load %arg28[%get3A_725, %get3A_726, %get3A_727, %get3A_728] : memref<1x1x16x275xf32, #tpu.memory_space<vmem>>, vector<1x1x16x275xf32>
    %get3A_730 = vector.shape_cast %get3A_729 : vector<1x1x16x275xf32> to vector<16x275xf32>
    %mul3A_731 = vector.broadcast %convert_element_type3A_712 : vector<16x1xf32> to vector<16x275xf32>
    %mul3A_732 = arith.mulf %get3A_724, %mul3A_731 : vector<16x275xf32>
    %reduce_sum3A_733 = arith.constant dense<0.000000e+00> : vector<275xf32>
    %reduce_sum3A_734 = vector.multi_reduction <add>, %mul3A_732, %reduce_sum3A_733 [0] : vector<16x275xf32> to vector<275xf32>
    %broadcast_in_dim3A_735 = vector.shape_cast %reduce_sum3A_734 : vector<275xf32> to vector<1x275xf32>
    %mul3A_736 = vector.broadcast %convert_element_type3A_718 : vector<16x1xf32> to vector<16x275xf32>
    %mul3A_737 = arith.mulf %get3A_724, %mul3A_736 : vector<16x275xf32>
    %reduce_sum3A_738 = arith.constant dense<0.000000e+00> : vector<275xf32>
    %reduce_sum3A_739 = vector.multi_reduction <add>, %mul3A_737, %reduce_sum3A_738 [0] : vector<16x275xf32> to vector<275xf32>
    %broadcast_in_dim3A_740 = vector.shape_cast %reduce_sum3A_739 : vector<275xf32> to vector<1x275xf32>
    %mul3A_741 = vector.broadcast %convert_element_type3A_712 : vector<16x1xf32> to vector<16x275xf32>
    %mul3A_742 = arith.mulf %get3A_730, %mul3A_741 : vector<16x275xf32>
    %reduce_sum3A_743 = arith.constant dense<0.000000e+00> : vector<275xf32>
    %reduce_sum3A_744 = vector.multi_reduction <add>, %mul3A_742, %reduce_sum3A_743 [0] : vector<16x275xf32> to vector<275xf32>
    %broadcast_in_dim3A_745 = vector.shape_cast %reduce_sum3A_744 : vector<275xf32> to vector<1x275xf32>
    %mul3A_746 = vector.broadcast %convert_element_type3A_718 : vector<16x1xf32> to vector<16x275xf32>
    %mul3A_747 = arith.mulf %get3A_730, %mul3A_746 : vector<16x275xf32>
    %reduce_sum3A_748 = arith.constant dense<0.000000e+00> : vector<275xf32>
    %reduce_sum3A_749 = vector.multi_reduction <add>, %mul3A_747, %reduce_sum3A_748 [0] : vector<16x275xf32> to vector<275xf32>
    %broadcast_in_dim3A_750 = vector.shape_cast %reduce_sum3A_749 : vector<275xf32> to vector<1x275xf32>
    %get3A_751 = arith.constant 10 : index
    %get3A_752 = arith.constant 0 : index
    %get3A_753 = vector.load %arg6[%get3A_751, %get3A_752] : memref<32x4xf32, #tpu.memory_space<vmem>>, vector<1x1xf32>
    %mul3A_754 = vector.broadcast %get3A_753 : vector<1x1xf32> to vector<1x275xf32>
    %mul3A_755 = arith.mulf %broadcast_in_dim3A_735, %mul3A_754 : vector<1x275xf32>
    %get3A_756 = arith.constant 10 : index
    %get3A_757 = arith.constant 1 : index
    %get3A_758 = vector.load %arg6[%get3A_756, %get3A_757] : memref<32x4xf32, #tpu.memory_space<vmem>>, vector<1x1xf32>
    %mul3A_759 = vector.broadcast %get3A_758 : vector<1x1xf32> to vector<1x275xf32>
    %mul3A_760 = arith.mulf %broadcast_in_dim3A_740, %mul3A_759 : vector<1x275xf32>
    %add3A_761 = arith.addf %mul3A_755, %mul3A_760 : vector<1x275xf32>
    %get3A_762 = arith.constant 10 : index
    %get3A_763 = arith.constant 2 : index
    %get3A_764 = vector.load %arg6[%get3A_762, %get3A_763] : memref<32x4xf32, #tpu.memory_space<vmem>>, vector<1x1xf32>
    %mul3A_765 = vector.broadcast %get3A_764 : vector<1x1xf32> to vector<1x275xf32>
    %mul3A_766 = arith.mulf %broadcast_in_dim3A_745, %mul3A_765 : vector<1x275xf32>
    %add3A_767 = arith.addf %add3A_761, %mul3A_766 : vector<1x275xf32>
    %get3A_768 = arith.constant 10 : index
    %get3A_769 = arith.constant 3 : index
    %get3A_770 = vector.load %arg6[%get3A_768, %get3A_769] : memref<32x4xf32, #tpu.memory_space<vmem>>, vector<1x1xf32>
    %mul3A_771 = vector.broadcast %get3A_770 : vector<1x1xf32> to vector<1x275xf32>
    %mul3A_772 = arith.mulf %broadcast_in_dim3A_750, %mul3A_771 : vector<1x275xf32>
    %add3A_773 = arith.addf %add3A_767, %mul3A_772 : vector<1x275xf32>
    %mul3A_774 = arith.constant 32 : i32
    %mul3A_775 = arith.muli %mul3A_774, %arg0 : i32
    %add3A_776 = arith.constant 11 : i32
    %add3A_777 = arith.addi %mul3A_775, %add3A_776 : i32
    %get3A_778 = arith.index_cast %add3A_777 : i32 to index
    %get3A_779 = memref.load %arg4[%get3A_778] : memref<8192xi32, #tpu.memory_space<smem>>
    %eq3A_780 = vector.broadcast %get3A_779 : i32 to vector<16x1xi32>
    %eq3A_781 = arith.cmpi eq, %iota3A, %eq3A_780 : vector<16x1xi32>
    %convert_element_type3A_782 = arith.extui %eq3A_781 : vector<16x1xi1> to vector<16x1xi32>
    %convert_element_type3A_783 = arith.sitofp %convert_element_type3A_782 : vector<16x1xi32> to vector<16x1xf32>
    %get3A_784 = arith.index_cast %add3A_777 : i32 to index
    %get3A_785 = memref.load %arg5[%get3A_784] : memref<8192xi32, #tpu.memory_space<smem>>
    %eq3A_786 = vector.broadcast %get3A_785 : i32 to vector<16x1xi32>
    %eq3A_787 = arith.cmpi eq, %iota3A, %eq3A_786 : vector<16x1xi32>
    %convert_element_type3A_788 = arith.extui %eq3A_787 : vector<16x1xi1> to vector<16x1xi32>
    %convert_element_type3A_789 = arith.sitofp %convert_element_type3A_788 : vector<16x1xi32> to vector<16x1xf32>
    %get3A_790 = arith.constant 0 : index
    %get3A_791 = arith.constant 0 : index
    %get3A_792 = arith.constant 0 : index
    %get3A_793 = arith.constant 0 : index
    %get3A_794 = vector.load %arg29[%get3A_790, %get3A_791, %get3A_792, %get3A_793] : memref<1x1x16x275xf32, #tpu.memory_space<vmem>>, vector<1x1x16x275xf32>
    %get3A_795 = vector.shape_cast %get3A_794 : vector<1x1x16x275xf32> to vector<16x275xf32>
    %get3A_796 = arith.constant 0 : index
    %get3A_797 = arith.constant 0 : index
    %get3A_798 = arith.constant 0 : index
    %get3A_799 = arith.constant 0 : index
    %get3A_800 = vector.load %arg30[%get3A_796, %get3A_797, %get3A_798, %get3A_799] : memref<1x1x16x275xf32, #tpu.memory_space<vmem>>, vector<1x1x16x275xf32>
    %get3A_801 = vector.shape_cast %get3A_800 : vector<1x1x16x275xf32> to vector<16x275xf32>
    %mul3A_802 = vector.broadcast %convert_element_type3A_783 : vector<16x1xf32> to vector<16x275xf32>
    %mul3A_803 = arith.mulf %get3A_795, %mul3A_802 : vector<16x275xf32>
    %reduce_sum3A_804 = arith.constant dense<0.000000e+00> : vector<275xf32>
    %reduce_sum3A_805 = vector.multi_reduction <add>, %mul3A_803, %reduce_sum3A_804 [0] : vector<16x275xf32> to vector<275xf32>
    %broadcast_in_dim3A_806 = vector.shape_cast %reduce_sum3A_805 : vector<275xf32> to vector<1x275xf32>
    %mul3A_807 = vector.broadcast %convert_element_type3A_789 : vector<16x1xf32> to vector<16x275xf32>
    %mul3A_808 = arith.mulf %get3A_795, %mul3A_807 : vector<16x275xf32>
    %reduce_sum3A_809 = arith.constant dense<0.000000e+00> : vector<275xf32>
    %reduce_sum3A_810 = vector.multi_reduction <add>, %mul3A_808, %reduce_sum3A_809 [0] : vector<16x275xf32> to vector<275xf32>
    %broadcast_in_dim3A_811 = vector.shape_cast %reduce_sum3A_810 : vector<275xf32> to vector<1x275xf32>
    %mul3A_812 = vector.broadcast %convert_element_type3A_783 : vector<16x1xf32> to vector<16x275xf32>
    %mul3A_813 = arith.mulf %get3A_801, %mul3A_812 : vector<16x275xf32>
    %reduce_sum3A_814 = arith.constant dense<0.000000e+00> : vector<275xf32>
    %reduce_sum3A_815 = vector.multi_reduction <add>, %mul3A_813, %reduce_sum3A_814 [0] : vector<16x275xf32> to vector<275xf32>
    %broadcast_in_dim3A_816 = vector.shape_cast %reduce_sum3A_815 : vector<275xf32> to vector<1x275xf32>
    %mul3A_817 = vector.broadcast %convert_element_type3A_789 : vector<16x1xf32> to vector<16x275xf32>
    %mul3A_818 = arith.mulf %get3A_801, %mul3A_817 : vector<16x275xf32>
    %reduce_sum3A_819 = arith.constant dense<0.000000e+00> : vector<275xf32>
    %reduce_sum3A_820 = vector.multi_reduction <add>, %mul3A_818, %reduce_sum3A_819 [0] : vector<16x275xf32> to vector<275xf32>
    %broadcast_in_dim3A_821 = vector.shape_cast %reduce_sum3A_820 : vector<275xf32> to vector<1x275xf32>
    %get3A_822 = arith.constant 11 : index
    %get3A_823 = arith.constant 0 : index
    %get3A_824 = vector.load %arg6[%get3A_822, %get3A_823] : memref<32x4xf32, #tpu.memory_space<vmem>>, vector<1x1xf32>
    %mul3A_825 = vector.broadcast %get3A_824 : vector<1x1xf32> to vector<1x275xf32>
    %mul3A_826 = arith.mulf %broadcast_in_dim3A_806, %mul3A_825 : vector<1x275xf32>
    %get3A_827 = arith.constant 11 : index
    %get3A_828 = arith.constant 1 : index
    %get3A_829 = vector.load %arg6[%get3A_827, %get3A_828] : memref<32x4xf32, #tpu.memory_space<vmem>>, vector<1x1xf32>
    %mul3A_830 = vector.broadcast %get3A_829 : vector<1x1xf32> to vector<1x275xf32>
    %mul3A_831 = arith.mulf %broadcast_in_dim3A_811, %mul3A_830 : vector<1x275xf32>
    %add3A_832 = arith.addf %mul3A_826, %mul3A_831 : vector<1x275xf32>
    %get3A_833 = arith.constant 11 : index
    %get3A_834 = arith.constant 2 : index
    %get3A_835 = vector.load %arg6[%get3A_833, %get3A_834] : memref<32x4xf32, #tpu.memory_space<vmem>>, vector<1x1xf32>
    %mul3A_836 = vector.broadcast %get3A_835 : vector<1x1xf32> to vector<1x275xf32>
    %mul3A_837 = arith.mulf %broadcast_in_dim3A_816, %mul3A_836 : vector<1x275xf32>
    %add3A_838 = arith.addf %add3A_832, %mul3A_837 : vector<1x275xf32>
    %get3A_839 = arith.constant 11 : index
    %get3A_840 = arith.constant 3 : index
    %get3A_841 = vector.load %arg6[%get3A_839, %get3A_840] : memref<32x4xf32, #tpu.memory_space<vmem>>, vector<1x1xf32>
    %mul3A_842 = vector.broadcast %get3A_841 : vector<1x1xf32> to vector<1x275xf32>
    %mul3A_843 = arith.mulf %broadcast_in_dim3A_821, %mul3A_842 : vector<1x275xf32>
    %add3A_844 = arith.addf %add3A_838, %mul3A_843 : vector<1x275xf32>
    %mul3A_845 = arith.constant 32 : i32
    %mul3A_846 = arith.muli %mul3A_845, %arg0 : i32
    %add3A_847 = arith.constant 12 : i32
    %add3A_848 = arith.addi %mul3A_846, %add3A_847 : i32
    %get3A_849 = arith.index_cast %add3A_848 : i32 to index
    %get3A_850 = memref.load %arg4[%get3A_849] : memref<8192xi32, #tpu.memory_space<smem>>
    %eq3A_851 = vector.broadcast %get3A_850 : i32 to vector<16x1xi32>
    %eq3A_852 = arith.cmpi eq, %iota3A, %eq3A_851 : vector<16x1xi32>
    %convert_element_type3A_853 = arith.extui %eq3A_852 : vector<16x1xi1> to vector<16x1xi32>
    %convert_element_type3A_854 = arith.sitofp %convert_element_type3A_853 : vector<16x1xi32> to vector<16x1xf32>
    %get3A_855 = arith.index_cast %add3A_848 : i32 to index
    %get3A_856 = memref.load %arg5[%get3A_855] : memref<8192xi32, #tpu.memory_space<smem>>
    %eq3A_857 = vector.broadcast %get3A_856 : i32 to vector<16x1xi32>
    %eq3A_858 = arith.cmpi eq, %iota3A, %eq3A_857 : vector<16x1xi32>
    %convert_element_type3A_859 = arith.extui %eq3A_858 : vector<16x1xi1> to vector<16x1xi32>
    %convert_element_type3A_860 = arith.sitofp %convert_element_type3A_859 : vector<16x1xi32> to vector<16x1xf32>
    %get3A_861 = arith.constant 0 : index
    %get3A_862 = arith.constant 0 : index
    %get3A_863 = arith.constant 0 : index
    %get3A_864 = arith.constant 0 : index
    %get3A_865 = vector.load %arg31[%get3A_861, %get3A_862, %get3A_863, %get3A_864] : memref<1x1x16x275xf32, #tpu.memory_space<vmem>>, vector<1x1x16x275xf32>
    %get3A_866 = vector.shape_cast %get3A_865 : vector<1x1x16x275xf32> to vector<16x275xf32>
    %get3A_867 = arith.constant 0 : index
    %get3A_868 = arith.constant 0 : index
    %get3A_869 = arith.constant 0 : index
    %get3A_870 = arith.constant 0 : index
    %get3A_871 = vector.load %arg32[%get3A_867, %get3A_868, %get3A_869, %get3A_870] : memref<1x1x16x275xf32, #tpu.memory_space<vmem>>, vector<1x1x16x275xf32>
    %get3A_872 = vector.shape_cast %get3A_871 : vector<1x1x16x275xf32> to vector<16x275xf32>
    %mul3A_873 = vector.broadcast %convert_element_type3A_854 : vector<16x1xf32> to vector<16x275xf32>
    %mul3A_874 = arith.mulf %get3A_866, %mul3A_873 : vector<16x275xf32>
    %reduce_sum3A_875 = arith.constant dense<0.000000e+00> : vector<275xf32>
    %reduce_sum3A_876 = vector.multi_reduction <add>, %mul3A_874, %reduce_sum3A_875 [0] : vector<16x275xf32> to vector<275xf32>
    %broadcast_in_dim3A_877 = vector.shape_cast %reduce_sum3A_876 : vector<275xf32> to vector<1x275xf32>
    %mul3A_878 = vector.broadcast %convert_element_type3A_860 : vector<16x1xf32> to vector<16x275xf32>
    %mul3A_879 = arith.mulf %get3A_866, %mul3A_878 : vector<16x275xf32>
    %reduce_sum3A_880 = arith.constant dense<0.000000e+00> : vector<275xf32>
    %reduce_sum3A_881 = vector.multi_reduction <add>, %mul3A_879, %reduce_sum3A_880 [0] : vector<16x275xf32> to vector<275xf32>
    %broadcast_in_dim3A_882 = vector.shape_cast %reduce_sum3A_881 : vector<275xf32> to vector<1x275xf32>
    %mul3A_883 = vector.broadcast %convert_element_type3A_854 : vector<16x1xf32> to vector<16x275xf32>
    %mul3A_884 = arith.mulf %get3A_872, %mul3A_883 : vector<16x275xf32>
    %reduce_sum3A_885 = arith.constant dense<0.000000e+00> : vector<275xf32>
    %reduce_sum3A_886 = vector.multi_reduction <add>, %mul3A_884, %reduce_sum3A_885 [0] : vector<16x275xf32> to vector<275xf32>
    %broadcast_in_dim3A_887 = vector.shape_cast %reduce_sum3A_886 : vector<275xf32> to vector<1x275xf32>
    %mul3A_888 = vector.broadcast %convert_element_type3A_860 : vector<16x1xf32> to vector<16x275xf32>
    %mul3A_889 = arith.mulf %get3A_872, %mul3A_888 : vector<16x275xf32>
    %reduce_sum3A_890 = arith.constant dense<0.000000e+00> : vector<275xf32>
    %reduce_sum3A_891 = vector.multi_reduction <add>, %mul3A_889, %reduce_sum3A_890 [0] : vector<16x275xf32> to vector<275xf32>
    %broadcast_in_dim3A_892 = vector.shape_cast %reduce_sum3A_891 : vector<275xf32> to vector<1x275xf32>
    %get3A_893 = arith.constant 12 : index
    %get3A_894 = arith.constant 0 : index
    %get3A_895 = vector.load %arg6[%get3A_893, %get3A_894] : memref<32x4xf32, #tpu.memory_space<vmem>>, vector<1x1xf32>
    %mul3A_896 = vector.broadcast %get3A_895 : vector<1x1xf32> to vector<1x275xf32>
    %mul3A_897 = arith.mulf %broadcast_in_dim3A_877, %mul3A_896 : vector<1x275xf32>
    %get3A_898 = arith.constant 12 : index
    %get3A_899 = arith.constant 1 : index
    %get3A_900 = vector.load %arg6[%get3A_898, %get3A_899] : memref<32x4xf32, #tpu.memory_space<vmem>>, vector<1x1xf32>
    %mul3A_901 = vector.broadcast %get3A_900 : vector<1x1xf32> to vector<1x275xf32>
    %mul3A_902 = arith.mulf %broadcast_in_dim3A_882, %mul3A_901 : vector<1x275xf32>
    %add3A_903 = arith.addf %mul3A_897, %mul3A_902 : vector<1x275xf32>
    %get3A_904 = arith.constant 12 : index
    %get3A_905 = arith.constant 2 : index
    %get3A_906 = vector.load %arg6[%get3A_904, %get3A_905] : memref<32x4xf32, #tpu.memory_space<vmem>>, vector<1x1xf32>
    %mul3A_907 = vector.broadcast %get3A_906 : vector<1x1xf32> to vector<1x275xf32>
    %mul3A_908 = arith.mulf %broadcast_in_dim3A_887, %mul3A_907 : vector<1x275xf32>
    %add3A_909 = arith.addf %add3A_903, %mul3A_908 : vector<1x275xf32>
    %get3A_910 = arith.constant 12 : index
    %get3A_911 = arith.constant 3 : index
    %get3A_912 = vector.load %arg6[%get3A_910, %get3A_911] : memref<32x4xf32, #tpu.memory_space<vmem>>, vector<1x1xf32>
    %mul3A_913 = vector.broadcast %get3A_912 : vector<1x1xf32> to vector<1x275xf32>
    %mul3A_914 = arith.mulf %broadcast_in_dim3A_892, %mul3A_913 : vector<1x275xf32>
    %add3A_915 = arith.addf %add3A_909, %mul3A_914 : vector<1x275xf32>
    %mul3A_916 = arith.constant 32 : i32
    %mul3A_917 = arith.muli %mul3A_916, %arg0 : i32
    %add3A_918 = arith.constant 13 : i32
    %add3A_919 = arith.addi %mul3A_917, %add3A_918 : i32
    %get3A_920 = arith.index_cast %add3A_919 : i32 to index
    %get3A_921 = memref.load %arg4[%get3A_920] : memref<8192xi32, #tpu.memory_space<smem>>
    %eq3A_922 = vector.broadcast %get3A_921 : i32 to vector<16x1xi32>
    %eq3A_923 = arith.cmpi eq, %iota3A, %eq3A_922 : vector<16x1xi32>
    %convert_element_type3A_924 = arith.extui %eq3A_923 : vector<16x1xi1> to vector<16x1xi32>
    %convert_element_type3A_925 = arith.sitofp %convert_element_type3A_924 : vector<16x1xi32> to vector<16x1xf32>
    %get3A_926 = arith.index_cast %add3A_919 : i32 to index
    %get3A_927 = memref.load %arg5[%get3A_926] : memref<8192xi32, #tpu.memory_space<smem>>
    %eq3A_928 = vector.broadcast %get3A_927 : i32 to vector<16x1xi32>
    %eq3A_929 = arith.cmpi eq, %iota3A, %eq3A_928 : vector<16x1xi32>
    %convert_element_type3A_930 = arith.extui %eq3A_929 : vector<16x1xi1> to vector<16x1xi32>
    %convert_element_type3A_931 = arith.sitofp %convert_element_type3A_930 : vector<16x1xi32> to vector<16x1xf32>
    %get3A_932 = arith.constant 0 : index
    %get3A_933 = arith.constant 0 : index
    %get3A_934 = arith.constant 0 : index
    %get3A_935 = arith.constant 0 : index
    %get3A_936 = vector.load %arg33[%get3A_932, %get3A_933, %get3A_934, %get3A_935] : memref<1x1x16x275xf32, #tpu.memory_space<vmem>>, vector<1x1x16x275xf32>
    %get3A_937 = vector.shape_cast %get3A_936 : vector<1x1x16x275xf32> to vector<16x275xf32>
    %get3A_938 = arith.constant 0 : index
    %get3A_939 = arith.constant 0 : index
    %get3A_940 = arith.constant 0 : index
    %get3A_941 = arith.constant 0 : index
    %get3A_942 = vector.load %arg34[%get3A_938, %get3A_939, %get3A_940, %get3A_941] : memref<1x1x16x275xf32, #tpu.memory_space<vmem>>, vector<1x1x16x275xf32>
    %get3A_943 = vector.shape_cast %get3A_942 : vector<1x1x16x275xf32> to vector<16x275xf32>
    %mul3A_944 = vector.broadcast %convert_element_type3A_925 : vector<16x1xf32> to vector<16x275xf32>
    %mul3A_945 = arith.mulf %get3A_937, %mul3A_944 : vector<16x275xf32>
    %reduce_sum3A_946 = arith.constant dense<0.000000e+00> : vector<275xf32>
    %reduce_sum3A_947 = vector.multi_reduction <add>, %mul3A_945, %reduce_sum3A_946 [0] : vector<16x275xf32> to vector<275xf32>
    %broadcast_in_dim3A_948 = vector.shape_cast %reduce_sum3A_947 : vector<275xf32> to vector<1x275xf32>
    %mul3A_949 = vector.broadcast %convert_element_type3A_931 : vector<16x1xf32> to vector<16x275xf32>
    %mul3A_950 = arith.mulf %get3A_937, %mul3A_949 : vector<16x275xf32>
    %reduce_sum3A_951 = arith.constant dense<0.000000e+00> : vector<275xf32>
    %reduce_sum3A_952 = vector.multi_reduction <add>, %mul3A_950, %reduce_sum3A_951 [0] : vector<16x275xf32> to vector<275xf32>
    %broadcast_in_dim3A_953 = vector.shape_cast %reduce_sum3A_952 : vector<275xf32> to vector<1x275xf32>
    %mul3A_954 = vector.broadcast %convert_element_type3A_925 : vector<16x1xf32> to vector<16x275xf32>
    %mul3A_955 = arith.mulf %get3A_943, %mul3A_954 : vector<16x275xf32>
    %reduce_sum3A_956 = arith.constant dense<0.000000e+00> : vector<275xf32>
    %reduce_sum3A_957 = vector.multi_reduction <add>, %mul3A_955, %reduce_sum3A_956 [0] : vector<16x275xf32> to vector<275xf32>
    %broadcast_in_dim3A_958 = vector.shape_cast %reduce_sum3A_957 : vector<275xf32> to vector<1x275xf32>
    %mul3A_959 = vector.broadcast %convert_element_type3A_931 : vector<16x1xf32> to vector<16x275xf32>
    %mul3A_960 = arith.mulf %get3A_943, %mul3A_959 : vector<16x275xf32>
    %reduce_sum3A_961 = arith.constant dense<0.000000e+00> : vector<275xf32>
    %reduce_sum3A_962 = vector.multi_reduction <add>, %mul3A_960, %reduce_sum3A_961 [0] : vector<16x275xf32> to vector<275xf32>
    %broadcast_in_dim3A_963 = vector.shape_cast %reduce_sum3A_962 : vector<275xf32> to vector<1x275xf32>
    %get3A_964 = arith.constant 13 : index
    %get3A_965 = arith.constant 0 : index
    %get3A_966 = vector.load %arg6[%get3A_964, %get3A_965] : memref<32x4xf32, #tpu.memory_space<vmem>>, vector<1x1xf32>
    %mul3A_967 = vector.broadcast %get3A_966 : vector<1x1xf32> to vector<1x275xf32>
    %mul3A_968 = arith.mulf %broadcast_in_dim3A_948, %mul3A_967 : vector<1x275xf32>
    %get3A_969 = arith.constant 13 : index
    %get3A_970 = arith.constant 1 : index
    %get3A_971 = vector.load %arg6[%get3A_969, %get3A_970] : memref<32x4xf32, #tpu.memory_space<vmem>>, vector<1x1xf32>
    %mul3A_972 = vector.broadcast %get3A_971 : vector<1x1xf32> to vector<1x275xf32>
    %mul3A_973 = arith.mulf %broadcast_in_dim3A_953, %mul3A_972 : vector<1x275xf32>
    %add3A_974 = arith.addf %mul3A_968, %mul3A_973 : vector<1x275xf32>
    %get3A_975 = arith.constant 13 : index
    %get3A_976 = arith.constant 2 : index
    %get3A_977 = vector.load %arg6[%get3A_975, %get3A_976] : memref<32x4xf32, #tpu.memory_space<vmem>>, vector<1x1xf32>
    %mul3A_978 = vector.broadcast %get3A_977 : vector<1x1xf32> to vector<1x275xf32>
    %mul3A_979 = arith.mulf %broadcast_in_dim3A_958, %mul3A_978 : vector<1x275xf32>
    %add3A_980 = arith.addf %add3A_974, %mul3A_979 : vector<1x275xf32>
    %get3A_981 = arith.constant 13 : index
    %get3A_982 = arith.constant 3 : index
    %get3A_983 = vector.load %arg6[%get3A_981, %get3A_982] : memref<32x4xf32, #tpu.memory_space<vmem>>, vector<1x1xf32>
    %mul3A_984 = vector.broadcast %get3A_983 : vector<1x1xf32> to vector<1x275xf32>
    %mul3A_985 = arith.mulf %broadcast_in_dim3A_963, %mul3A_984 : vector<1x275xf32>
    %add3A_986 = arith.addf %add3A_980, %mul3A_985 : vector<1x275xf32>
    %mul3A_987 = arith.constant 32 : i32
    %mul3A_988 = arith.muli %mul3A_987, %arg0 : i32
    %add3A_989 = arith.constant 14 : i32
    %add3A_990 = arith.addi %mul3A_988, %add3A_989 : i32
    %get3A_991 = arith.index_cast %add3A_990 : i32 to index
    %get3A_992 = memref.load %arg4[%get3A_991] : memref<8192xi32, #tpu.memory_space<smem>>
    %eq3A_993 = vector.broadcast %get3A_992 : i32 to vector<16x1xi32>
    %eq3A_994 = arith.cmpi eq, %iota3A, %eq3A_993 : vector<16x1xi32>
    %convert_element_type3A_995 = arith.extui %eq3A_994 : vector<16x1xi1> to vector<16x1xi32>
    %convert_element_type3A_996 = arith.sitofp %convert_element_type3A_995 : vector<16x1xi32> to vector<16x1xf32>
    %get3A_997 = arith.index_cast %add3A_990 : i32 to index
    %get3A_998 = memref.load %arg5[%get3A_997] : memref<8192xi32, #tpu.memory_space<smem>>
    %eq3A_999 = vector.broadcast %get3A_998 : i32 to vector<16x1xi32>
    %eq3A_1000 = arith.cmpi eq, %iota3A, %eq3A_999 : vector<16x1xi32>
    %convert_element_type3A_1001 = arith.extui %eq3A_1000 : vector<16x1xi1> to vector<16x1xi32>
    %convert_element_type3A_1002 = arith.sitofp %convert_element_type3A_1001 : vector<16x1xi32> to vector<16x1xf32>
    %get3A_1003 = arith.constant 0 : index
    %get3A_1004 = arith.constant 0 : index
    %get3A_1005 = arith.constant 0 : index
    %get3A_1006 = arith.constant 0 : index
    %get3A_1007 = vector.load %arg35[%get3A_1003, %get3A_1004, %get3A_1005, %get3A_1006] : memref<1x1x16x275xf32, #tpu.memory_space<vmem>>, vector<1x1x16x275xf32>
    %get3A_1008 = vector.shape_cast %get3A_1007 : vector<1x1x16x275xf32> to vector<16x275xf32>
    %get3A_1009 = arith.constant 0 : index
    %get3A_1010 = arith.constant 0 : index
    %get3A_1011 = arith.constant 0 : index
    %get3A_1012 = arith.constant 0 : index
    %get3A_1013 = vector.load %arg36[%get3A_1009, %get3A_1010, %get3A_1011, %get3A_1012] : memref<1x1x16x275xf32, #tpu.memory_space<vmem>>, vector<1x1x16x275xf32>
    %get3A_1014 = vector.shape_cast %get3A_1013 : vector<1x1x16x275xf32> to vector<16x275xf32>
    %mul3A_1015 = vector.broadcast %convert_element_type3A_996 : vector<16x1xf32> to vector<16x275xf32>
    %mul3A_1016 = arith.mulf %get3A_1008, %mul3A_1015 : vector<16x275xf32>
    %reduce_sum3A_1017 = arith.constant dense<0.000000e+00> : vector<275xf32>
    %reduce_sum3A_1018 = vector.multi_reduction <add>, %mul3A_1016, %reduce_sum3A_1017 [0] : vector<16x275xf32> to vector<275xf32>
    %broadcast_in_dim3A_1019 = vector.shape_cast %reduce_sum3A_1018 : vector<275xf32> to vector<1x275xf32>
    %mul3A_1020 = vector.broadcast %convert_element_type3A_1002 : vector<16x1xf32> to vector<16x275xf32>
    %mul3A_1021 = arith.mulf %get3A_1008, %mul3A_1020 : vector<16x275xf32>
    %reduce_sum3A_1022 = arith.constant dense<0.000000e+00> : vector<275xf32>
    %reduce_sum3A_1023 = vector.multi_reduction <add>, %mul3A_1021, %reduce_sum3A_1022 [0] : vector<16x275xf32> to vector<275xf32>
    %broadcast_in_dim3A_1024 = vector.shape_cast %reduce_sum3A_1023 : vector<275xf32> to vector<1x275xf32>
    %mul3A_1025 = vector.broadcast %convert_element_type3A_996 : vector<16x1xf32> to vector<16x275xf32>
    %mul3A_1026 = arith.mulf %get3A_1014, %mul3A_1025 : vector<16x275xf32>
    %reduce_sum3A_1027 = arith.constant dense<0.000000e+00> : vector<275xf32>
    %reduce_sum3A_1028 = vector.multi_reduction <add>, %mul3A_1026, %reduce_sum3A_1027 [0] : vector<16x275xf32> to vector<275xf32>
    %broadcast_in_dim3A_1029 = vector.shape_cast %reduce_sum3A_1028 : vector<275xf32> to vector<1x275xf32>
    %mul3A_1030 = vector.broadcast %convert_element_type3A_1002 : vector<16x1xf32> to vector<16x275xf32>
    %mul3A_1031 = arith.mulf %get3A_1014, %mul3A_1030 : vector<16x275xf32>
    %reduce_sum3A_1032 = arith.constant dense<0.000000e+00> : vector<275xf32>
    %reduce_sum3A_1033 = vector.multi_reduction <add>, %mul3A_1031, %reduce_sum3A_1032 [0] : vector<16x275xf32> to vector<275xf32>
    %broadcast_in_dim3A_1034 = vector.shape_cast %reduce_sum3A_1033 : vector<275xf32> to vector<1x275xf32>
    %get3A_1035 = arith.constant 14 : index
    %get3A_1036 = arith.constant 0 : index
    %get3A_1037 = vector.load %arg6[%get3A_1035, %get3A_1036] : memref<32x4xf32, #tpu.memory_space<vmem>>, vector<1x1xf32>
    %mul3A_1038 = vector.broadcast %get3A_1037 : vector<1x1xf32> to vector<1x275xf32>
    %mul3A_1039 = arith.mulf %broadcast_in_dim3A_1019, %mul3A_1038 : vector<1x275xf32>
    %get3A_1040 = arith.constant 14 : index
    %get3A_1041 = arith.constant 1 : index
    %get3A_1042 = vector.load %arg6[%get3A_1040, %get3A_1041] : memref<32x4xf32, #tpu.memory_space<vmem>>, vector<1x1xf32>
    %mul3A_1043 = vector.broadcast %get3A_1042 : vector<1x1xf32> to vector<1x275xf32>
    %mul3A_1044 = arith.mulf %broadcast_in_dim3A_1024, %mul3A_1043 : vector<1x275xf32>
    %add3A_1045 = arith.addf %mul3A_1039, %mul3A_1044 : vector<1x275xf32>
    %get3A_1046 = arith.constant 14 : index
    %get3A_1047 = arith.constant 2 : index
    %get3A_1048 = vector.load %arg6[%get3A_1046, %get3A_1047] : memref<32x4xf32, #tpu.memory_space<vmem>>, vector<1x1xf32>
    %mul3A_1049 = vector.broadcast %get3A_1048 : vector<1x1xf32> to vector<1x275xf32>
    %mul3A_1050 = arith.mulf %broadcast_in_dim3A_1029, %mul3A_1049 : vector<1x275xf32>
    %add3A_1051 = arith.addf %add3A_1045, %mul3A_1050 : vector<1x275xf32>
    %get3A_1052 = arith.constant 14 : index
    %get3A_1053 = arith.constant 3 : index
    %get3A_1054 = vector.load %arg6[%get3A_1052, %get3A_1053] : memref<32x4xf32, #tpu.memory_space<vmem>>, vector<1x1xf32>
    %mul3A_1055 = vector.broadcast %get3A_1054 : vector<1x1xf32> to vector<1x275xf32>
    %mul3A_1056 = arith.mulf %broadcast_in_dim3A_1034, %mul3A_1055 : vector<1x275xf32>
    %add3A_1057 = arith.addf %add3A_1051, %mul3A_1056 : vector<1x275xf32>
    %mul3A_1058 = arith.constant 32 : i32
    %mul3A_1059 = arith.muli %mul3A_1058, %arg0 : i32
    %add3A_1060 = arith.constant 15 : i32
    %add3A_1061 = arith.addi %mul3A_1059, %add3A_1060 : i32
    %get3A_1062 = arith.index_cast %add3A_1061 : i32 to index
    %get3A_1063 = memref.load %arg4[%get3A_1062] : memref<8192xi32, #tpu.memory_space<smem>>
    %eq3A_1064 = vector.broadcast %get3A_1063 : i32 to vector<16x1xi32>
    %eq3A_1065 = arith.cmpi eq, %iota3A, %eq3A_1064 : vector<16x1xi32>
    %convert_element_type3A_1066 = arith.extui %eq3A_1065 : vector<16x1xi1> to vector<16x1xi32>
    %convert_element_type3A_1067 = arith.sitofp %convert_element_type3A_1066 : vector<16x1xi32> to vector<16x1xf32>
    %get3A_1068 = arith.index_cast %add3A_1061 : i32 to index
    %get3A_1069 = memref.load %arg5[%get3A_1068] : memref<8192xi32, #tpu.memory_space<smem>>
    %eq3A_1070 = vector.broadcast %get3A_1069 : i32 to vector<16x1xi32>
    %eq3A_1071 = arith.cmpi eq, %iota3A, %eq3A_1070 : vector<16x1xi32>
    %convert_element_type3A_1072 = arith.extui %eq3A_1071 : vector<16x1xi1> to vector<16x1xi32>
    %convert_element_type3A_1073 = arith.sitofp %convert_element_type3A_1072 : vector<16x1xi32> to vector<16x1xf32>
    %get3A_1074 = arith.constant 0 : index
    %get3A_1075 = arith.constant 0 : index
    %get3A_1076 = arith.constant 0 : index
    %get3A_1077 = arith.constant 0 : index
    %get3A_1078 = vector.load %arg37[%get3A_1074, %get3A_1075, %get3A_1076, %get3A_1077] : memref<1x1x16x275xf32, #tpu.memory_space<vmem>>, vector<1x1x16x275xf32>
    %get3A_1079 = vector.shape_cast %get3A_1078 : vector<1x1x16x275xf32> to vector<16x275xf32>
    %get3A_1080 = arith.constant 0 : index
    %get3A_1081 = arith.constant 0 : index
    %get3A_1082 = arith.constant 0 : index
    %get3A_1083 = arith.constant 0 : index
    %get3A_1084 = vector.load %arg38[%get3A_1080, %get3A_1081, %get3A_1082, %get3A_1083] : memref<1x1x16x275xf32, #tpu.memory_space<vmem>>, vector<1x1x16x275xf32>
    %get3A_1085 = vector.shape_cast %get3A_1084 : vector<1x1x16x275xf32> to vector<16x275xf32>
    %mul3A_1086 = vector.broadcast %convert_element_type3A_1067 : vector<16x1xf32> to vector<16x275xf32>
    %mul3A_1087 = arith.mulf %get3A_1079, %mul3A_1086 : vector<16x275xf32>
    %reduce_sum3A_1088 = arith.constant dense<0.000000e+00> : vector<275xf32>
    %reduce_sum3A_1089 = vector.multi_reduction <add>, %mul3A_1087, %reduce_sum3A_1088 [0] : vector<16x275xf32> to vector<275xf32>
    %broadcast_in_dim3A_1090 = vector.shape_cast %reduce_sum3A_1089 : vector<275xf32> to vector<1x275xf32>
    %mul3A_1091 = vector.broadcast %convert_element_type3A_1073 : vector<16x1xf32> to vector<16x275xf32>
    %mul3A_1092 = arith.mulf %get3A_1079, %mul3A_1091 : vector<16x275xf32>
    %reduce_sum3A_1093 = arith.constant dense<0.000000e+00> : vector<275xf32>
    %reduce_sum3A_1094 = vector.multi_reduction <add>, %mul3A_1092, %reduce_sum3A_1093 [0] : vector<16x275xf32> to vector<275xf32>
    %broadcast_in_dim3A_1095 = vector.shape_cast %reduce_sum3A_1094 : vector<275xf32> to vector<1x275xf32>
    %mul3A_1096 = vector.broadcast %convert_element_type3A_1067 : vector<16x1xf32> to vector<16x275xf32>
    %mul3A_1097 = arith.mulf %get3A_1085, %mul3A_1096 : vector<16x275xf32>
    %reduce_sum3A_1098 = arith.constant dense<0.000000e+00> : vector<275xf32>
    %reduce_sum3A_1099 = vector.multi_reduction <add>, %mul3A_1097, %reduce_sum3A_1098 [0] : vector<16x275xf32> to vector<275xf32>
    %broadcast_in_dim3A_1100 = vector.shape_cast %reduce_sum3A_1099 : vector<275xf32> to vector<1x275xf32>
    %mul3A_1101 = vector.broadcast %convert_element_type3A_1073 : vector<16x1xf32> to vector<16x275xf32>
    %mul3A_1102 = arith.mulf %get3A_1085, %mul3A_1101 : vector<16x275xf32>
    %reduce_sum3A_1103 = arith.constant dense<0.000000e+00> : vector<275xf32>
    %reduce_sum3A_1104 = vector.multi_reduction <add>, %mul3A_1102, %reduce_sum3A_1103 [0] : vector<16x275xf32> to vector<275xf32>
    %broadcast_in_dim3A_1105 = vector.shape_cast %reduce_sum3A_1104 : vector<275xf32> to vector<1x275xf32>
    %get3A_1106 = arith.constant 15 : index
    %get3A_1107 = arith.constant 0 : index
    %get3A_1108 = vector.load %arg6[%get3A_1106, %get3A_1107] : memref<32x4xf32, #tpu.memory_space<vmem>>, vector<1x1xf32>
    %mul3A_1109 = vector.broadcast %get3A_1108 : vector<1x1xf32> to vector<1x275xf32>
    %mul3A_1110 = arith.mulf %broadcast_in_dim3A_1090, %mul3A_1109 : vector<1x275xf32>
    %get3A_1111 = arith.constant 15 : index
    %get3A_1112 = arith.constant 1 : index
    %get3A_1113 = vector.load %arg6[%get3A_1111, %get3A_1112] : memref<32x4xf32, #tpu.memory_space<vmem>>, vector<1x1xf32>
    %mul3A_1114 = vector.broadcast %get3A_1113 : vector<1x1xf32> to vector<1x275xf32>
    %mul3A_1115 = arith.mulf %broadcast_in_dim3A_1095, %mul3A_1114 : vector<1x275xf32>
    %add3A_1116 = arith.addf %mul3A_1110, %mul3A_1115 : vector<1x275xf32>
    %get3A_1117 = arith.constant 15 : index
    %get3A_1118 = arith.constant 2 : index
    %get3A_1119 = vector.load %arg6[%get3A_1117, %get3A_1118] : memref<32x4xf32, #tpu.memory_space<vmem>>, vector<1x1xf32>
    %mul3A_1120 = vector.broadcast %get3A_1119 : vector<1x1xf32> to vector<1x275xf32>
    %mul3A_1121 = arith.mulf %broadcast_in_dim3A_1100, %mul3A_1120 : vector<1x275xf32>
    %add3A_1122 = arith.addf %add3A_1116, %mul3A_1121 : vector<1x275xf32>
    %get3A_1123 = arith.constant 15 : index
    %get3A_1124 = arith.constant 3 : index
    %get3A_1125 = vector.load %arg6[%get3A_1123, %get3A_1124] : memref<32x4xf32, #tpu.memory_space<vmem>>, vector<1x1xf32>
    %mul3A_1126 = vector.broadcast %get3A_1125 : vector<1x1xf32> to vector<1x275xf32>
    %mul3A_1127 = arith.mulf %broadcast_in_dim3A_1105, %mul3A_1126 : vector<1x275xf32>
    %add3A_1128 = arith.addf %add3A_1122, %mul3A_1127 : vector<1x275xf32>
    %mul3A_1129 = arith.constant 32 : i32
    %mul3A_1130 = arith.muli %mul3A_1129, %arg0 : i32
    %add3A_1131 = arith.constant 16 : i32
    %add3A_1132 = arith.addi %mul3A_1130, %add3A_1131 : i32
    %get3A_1133 = arith.index_cast %add3A_1132 : i32 to index
    %get3A_1134 = memref.load %arg4[%get3A_1133] : memref<8192xi32, #tpu.memory_space<smem>>
    %eq3A_1135 = vector.broadcast %get3A_1134 : i32 to vector<16x1xi32>
    %eq3A_1136 = arith.cmpi eq, %iota3A, %eq3A_1135 : vector<16x1xi32>
    %convert_element_type3A_1137 = arith.extui %eq3A_1136 : vector<16x1xi1> to vector<16x1xi32>
    %convert_element_type3A_1138 = arith.sitofp %convert_element_type3A_1137 : vector<16x1xi32> to vector<16x1xf32>
    %get3A_1139 = arith.index_cast %add3A_1132 : i32 to index
    %get3A_1140 = memref.load %arg5[%get3A_1139] : memref<8192xi32, #tpu.memory_space<smem>>
    %eq3A_1141 = vector.broadcast %get3A_1140 : i32 to vector<16x1xi32>
    %eq3A_1142 = arith.cmpi eq, %iota3A, %eq3A_1141 : vector<16x1xi32>
    %convert_element_type3A_1143 = arith.extui %eq3A_1142 : vector<16x1xi1> to vector<16x1xi32>
    %convert_element_type3A_1144 = arith.sitofp %convert_element_type3A_1143 : vector<16x1xi32> to vector<16x1xf32>
    %get3A_1145 = arith.constant 0 : index
    %get3A_1146 = arith.constant 0 : index
    %get3A_1147 = arith.constant 0 : index
    %get3A_1148 = arith.constant 0 : index
    %get3A_1149 = vector.load %arg39[%get3A_1145, %get3A_1146, %get3A_1147, %get3A_1148] : memref<1x1x16x275xf32, #tpu.memory_space<vmem>>, vector<1x1x16x275xf32>
    %get3A_1150 = vector.shape_cast %get3A_1149 : vector<1x1x16x275xf32> to vector<16x275xf32>
    %get3A_1151 = arith.constant 0 : index
    %get3A_1152 = arith.constant 0 : index
    %get3A_1153 = arith.constant 0 : index
    %get3A_1154 = arith.constant 0 : index
    %get3A_1155 = vector.load %arg40[%get3A_1151, %get3A_1152, %get3A_1153, %get3A_1154] : memref<1x1x16x275xf32, #tpu.memory_space<vmem>>, vector<1x1x16x275xf32>
    %get3A_1156 = vector.shape_cast %get3A_1155 : vector<1x1x16x275xf32> to vector<16x275xf32>
    %mul3A_1157 = vector.broadcast %convert_element_type3A_1138 : vector<16x1xf32> to vector<16x275xf32>
    %mul3A_1158 = arith.mulf %get3A_1150, %mul3A_1157 : vector<16x275xf32>
    %reduce_sum3A_1159 = arith.constant dense<0.000000e+00> : vector<275xf32>
    %reduce_sum3A_1160 = vector.multi_reduction <add>, %mul3A_1158, %reduce_sum3A_1159 [0] : vector<16x275xf32> to vector<275xf32>
    %broadcast_in_dim3A_1161 = vector.shape_cast %reduce_sum3A_1160 : vector<275xf32> to vector<1x275xf32>
    %mul3A_1162 = vector.broadcast %convert_element_type3A_1144 : vector<16x1xf32> to vector<16x275xf32>
    %mul3A_1163 = arith.mulf %get3A_1150, %mul3A_1162 : vector<16x275xf32>
    %reduce_sum3A_1164 = arith.constant dense<0.000000e+00> : vector<275xf32>
    %reduce_sum3A_1165 = vector.multi_reduction <add>, %mul3A_1163, %reduce_sum3A_1164 [0] : vector<16x275xf32> to vector<275xf32>
    %broadcast_in_dim3A_1166 = vector.shape_cast %reduce_sum3A_1165 : vector<275xf32> to vector<1x275xf32>
    %mul3A_1167 = vector.broadcast %convert_element_type3A_1138 : vector<16x1xf32> to vector<16x275xf32>
    %mul3A_1168 = arith.mulf %get3A_1156, %mul3A_1167 : vector<16x275xf32>
    %reduce_sum3A_1169 = arith.constant dense<0.000000e+00> : vector<275xf32>
    %reduce_sum3A_1170 = vector.multi_reduction <add>, %mul3A_1168, %reduce_sum3A_1169 [0] : vector<16x275xf32> to vector<275xf32>
    %broadcast_in_dim3A_1171 = vector.shape_cast %reduce_sum3A_1170 : vector<275xf32> to vector<1x275xf32>
    %mul3A_1172 = vector.broadcast %convert_element_type3A_1144 : vector<16x1xf32> to vector<16x275xf32>
    %mul3A_1173 = arith.mulf %get3A_1156, %mul3A_1172 : vector<16x275xf32>
    %reduce_sum3A_1174 = arith.constant dense<0.000000e+00> : vector<275xf32>
    %reduce_sum3A_1175 = vector.multi_reduction <add>, %mul3A_1173, %reduce_sum3A_1174 [0] : vector<16x275xf32> to vector<275xf32>
    %broadcast_in_dim3A_1176 = vector.shape_cast %reduce_sum3A_1175 : vector<275xf32> to vector<1x275xf32>
    %get3A_1177 = arith.constant 16 : index
    %get3A_1178 = arith.constant 0 : index
    %get3A_1179 = vector.load %arg6[%get3A_1177, %get3A_1178] : memref<32x4xf32, #tpu.memory_space<vmem>>, vector<1x1xf32>
    %mul3A_1180 = vector.broadcast %get3A_1179 : vector<1x1xf32> to vector<1x275xf32>
    %mul3A_1181 = arith.mulf %broadcast_in_dim3A_1161, %mul3A_1180 : vector<1x275xf32>
    %get3A_1182 = arith.constant 16 : index
    %get3A_1183 = arith.constant 1 : index
    %get3A_1184 = vector.load %arg6[%get3A_1182, %get3A_1183] : memref<32x4xf32, #tpu.memory_space<vmem>>, vector<1x1xf32>
    %mul3A_1185 = vector.broadcast %get3A_1184 : vector<1x1xf32> to vector<1x275xf32>
    %mul3A_1186 = arith.mulf %broadcast_in_dim3A_1166, %mul3A_1185 : vector<1x275xf32>
    %add3A_1187 = arith.addf %mul3A_1181, %mul3A_1186 : vector<1x275xf32>
    %get3A_1188 = arith.constant 16 : index
    %get3A_1189 = arith.constant 2 : index
    %get3A_1190 = vector.load %arg6[%get3A_1188, %get3A_1189] : memref<32x4xf32, #tpu.memory_space<vmem>>, vector<1x1xf32>
    %mul3A_1191 = vector.broadcast %get3A_1190 : vector<1x1xf32> to vector<1x275xf32>
    %mul3A_1192 = arith.mulf %broadcast_in_dim3A_1171, %mul3A_1191 : vector<1x275xf32>
    %add3A_1193 = arith.addf %add3A_1187, %mul3A_1192 : vector<1x275xf32>
    %get3A_1194 = arith.constant 16 : index
    %get3A_1195 = arith.constant 3 : index
    %get3A_1196 = vector.load %arg6[%get3A_1194, %get3A_1195] : memref<32x4xf32, #tpu.memory_space<vmem>>, vector<1x1xf32>
    %mul3A_1197 = vector.broadcast %get3A_1196 : vector<1x1xf32> to vector<1x275xf32>
    %mul3A_1198 = arith.mulf %broadcast_in_dim3A_1176, %mul3A_1197 : vector<1x275xf32>
    %add3A_1199 = arith.addf %add3A_1193, %mul3A_1198 : vector<1x275xf32>
    %mul3A_1200 = arith.constant 32 : i32
    %mul3A_1201 = arith.muli %mul3A_1200, %arg0 : i32
    %add3A_1202 = arith.constant 17 : i32
    %add3A_1203 = arith.addi %mul3A_1201, %add3A_1202 : i32
    %get3A_1204 = arith.index_cast %add3A_1203 : i32 to index
    %get3A_1205 = memref.load %arg4[%get3A_1204] : memref<8192xi32, #tpu.memory_space<smem>>
    %eq3A_1206 = vector.broadcast %get3A_1205 : i32 to vector<16x1xi32>
    %eq3A_1207 = arith.cmpi eq, %iota3A, %eq3A_1206 : vector<16x1xi32>
    %convert_element_type3A_1208 = arith.extui %eq3A_1207 : vector<16x1xi1> to vector<16x1xi32>
    %convert_element_type3A_1209 = arith.sitofp %convert_element_type3A_1208 : vector<16x1xi32> to vector<16x1xf32>
    %get3A_1210 = arith.index_cast %add3A_1203 : i32 to index
    %get3A_1211 = memref.load %arg5[%get3A_1210] : memref<8192xi32, #tpu.memory_space<smem>>
    %eq3A_1212 = vector.broadcast %get3A_1211 : i32 to vector<16x1xi32>
    %eq3A_1213 = arith.cmpi eq, %iota3A, %eq3A_1212 : vector<16x1xi32>
    %convert_element_type3A_1214 = arith.extui %eq3A_1213 : vector<16x1xi1> to vector<16x1xi32>
    %convert_element_type3A_1215 = arith.sitofp %convert_element_type3A_1214 : vector<16x1xi32> to vector<16x1xf32>
    %get3A_1216 = arith.constant 0 : index
    %get3A_1217 = arith.constant 0 : index
    %get3A_1218 = arith.constant 0 : index
    %get3A_1219 = arith.constant 0 : index
    %get3A_1220 = vector.load %arg41[%get3A_1216, %get3A_1217, %get3A_1218, %get3A_1219] : memref<1x1x16x275xf32, #tpu.memory_space<vmem>>, vector<1x1x16x275xf32>
    %get3A_1221 = vector.shape_cast %get3A_1220 : vector<1x1x16x275xf32> to vector<16x275xf32>
    %get3A_1222 = arith.constant 0 : index
    %get3A_1223 = arith.constant 0 : index
    %get3A_1224 = arith.constant 0 : index
    %get3A_1225 = arith.constant 0 : index
    %get3A_1226 = vector.load %arg42[%get3A_1222, %get3A_1223, %get3A_1224, %get3A_1225] : memref<1x1x16x275xf32, #tpu.memory_space<vmem>>, vector<1x1x16x275xf32>
    %get3A_1227 = vector.shape_cast %get3A_1226 : vector<1x1x16x275xf32> to vector<16x275xf32>
    %mul3A_1228 = vector.broadcast %convert_element_type3A_1209 : vector<16x1xf32> to vector<16x275xf32>
    %mul3A_1229 = arith.mulf %get3A_1221, %mul3A_1228 : vector<16x275xf32>
    %reduce_sum3A_1230 = arith.constant dense<0.000000e+00> : vector<275xf32>
    %reduce_sum3A_1231 = vector.multi_reduction <add>, %mul3A_1229, %reduce_sum3A_1230 [0] : vector<16x275xf32> to vector<275xf32>
    %broadcast_in_dim3A_1232 = vector.shape_cast %reduce_sum3A_1231 : vector<275xf32> to vector<1x275xf32>
    %mul3A_1233 = vector.broadcast %convert_element_type3A_1215 : vector<16x1xf32> to vector<16x275xf32>
    %mul3A_1234 = arith.mulf %get3A_1221, %mul3A_1233 : vector<16x275xf32>
    %reduce_sum3A_1235 = arith.constant dense<0.000000e+00> : vector<275xf32>
    %reduce_sum3A_1236 = vector.multi_reduction <add>, %mul3A_1234, %reduce_sum3A_1235 [0] : vector<16x275xf32> to vector<275xf32>
    %broadcast_in_dim3A_1237 = vector.shape_cast %reduce_sum3A_1236 : vector<275xf32> to vector<1x275xf32>
    %mul3A_1238 = vector.broadcast %convert_element_type3A_1209 : vector<16x1xf32> to vector<16x275xf32>
    %mul3A_1239 = arith.mulf %get3A_1227, %mul3A_1238 : vector<16x275xf32>
    %reduce_sum3A_1240 = arith.constant dense<0.000000e+00> : vector<275xf32>
    %reduce_sum3A_1241 = vector.multi_reduction <add>, %mul3A_1239, %reduce_sum3A_1240 [0] : vector<16x275xf32> to vector<275xf32>
    %broadcast_in_dim3A_1242 = vector.shape_cast %reduce_sum3A_1241 : vector<275xf32> to vector<1x275xf32>
    %mul3A_1243 = vector.broadcast %convert_element_type3A_1215 : vector<16x1xf32> to vector<16x275xf32>
    %mul3A_1244 = arith.mulf %get3A_1227, %mul3A_1243 : vector<16x275xf32>
    %reduce_sum3A_1245 = arith.constant dense<0.000000e+00> : vector<275xf32>
    %reduce_sum3A_1246 = vector.multi_reduction <add>, %mul3A_1244, %reduce_sum3A_1245 [0] : vector<16x275xf32> to vector<275xf32>
    %broadcast_in_dim3A_1247 = vector.shape_cast %reduce_sum3A_1246 : vector<275xf32> to vector<1x275xf32>
    %get3A_1248 = arith.constant 17 : index
    %get3A_1249 = arith.constant 0 : index
    %get3A_1250 = vector.load %arg6[%get3A_1248, %get3A_1249] : memref<32x4xf32, #tpu.memory_space<vmem>>, vector<1x1xf32>
    %mul3A_1251 = vector.broadcast %get3A_1250 : vector<1x1xf32> to vector<1x275xf32>
    %mul3A_1252 = arith.mulf %broadcast_in_dim3A_1232, %mul3A_1251 : vector<1x275xf32>
    %get3A_1253 = arith.constant 17 : index
    %get3A_1254 = arith.constant 1 : index
    %get3A_1255 = vector.load %arg6[%get3A_1253, %get3A_1254] : memref<32x4xf32, #tpu.memory_space<vmem>>, vector<1x1xf32>
    %mul3A_1256 = vector.broadcast %get3A_1255 : vector<1x1xf32> to vector<1x275xf32>
    %mul3A_1257 = arith.mulf %broadcast_in_dim3A_1237, %mul3A_1256 : vector<1x275xf32>
    %add3A_1258 = arith.addf %mul3A_1252, %mul3A_1257 : vector<1x275xf32>
    %get3A_1259 = arith.constant 17 : index
    %get3A_1260 = arith.constant 2 : index
    %get3A_1261 = vector.load %arg6[%get3A_1259, %get3A_1260] : memref<32x4xf32, #tpu.memory_space<vmem>>, vector<1x1xf32>
    %mul3A_1262 = vector.broadcast %get3A_1261 : vector<1x1xf32> to vector<1x275xf32>
    %mul3A_1263 = arith.mulf %broadcast_in_dim3A_1242, %mul3A_1262 : vector<1x275xf32>
    %add3A_1264 = arith.addf %add3A_1258, %mul3A_1263 : vector<1x275xf32>
    %get3A_1265 = arith.constant 17 : index
    %get3A_1266 = arith.constant 3 : index
    %get3A_1267 = vector.load %arg6[%get3A_1265, %get3A_1266] : memref<32x4xf32, #tpu.memory_space<vmem>>, vector<1x1xf32>
    %mul3A_1268 = vector.broadcast %get3A_1267 : vector<1x1xf32> to vector<1x275xf32>
    %mul3A_1269 = arith.mulf %broadcast_in_dim3A_1247, %mul3A_1268 : vector<1x275xf32>
    %add3A_1270 = arith.addf %add3A_1264, %mul3A_1269 : vector<1x275xf32>
    %mul3A_1271 = arith.constant 32 : i32
    %mul3A_1272 = arith.muli %mul3A_1271, %arg0 : i32
    %add3A_1273 = arith.constant 18 : i32
    %add3A_1274 = arith.addi %mul3A_1272, %add3A_1273 : i32
    %get3A_1275 = arith.index_cast %add3A_1274 : i32 to index
    %get3A_1276 = memref.load %arg4[%get3A_1275] : memref<8192xi32, #tpu.memory_space<smem>>
    %eq3A_1277 = vector.broadcast %get3A_1276 : i32 to vector<16x1xi32>
    %eq3A_1278 = arith.cmpi eq, %iota3A, %eq3A_1277 : vector<16x1xi32>
    %convert_element_type3A_1279 = arith.extui %eq3A_1278 : vector<16x1xi1> to vector<16x1xi32>
    %convert_element_type3A_1280 = arith.sitofp %convert_element_type3A_1279 : vector<16x1xi32> to vector<16x1xf32>
    %get3A_1281 = arith.index_cast %add3A_1274 : i32 to index
    %get3A_1282 = memref.load %arg5[%get3A_1281] : memref<8192xi32, #tpu.memory_space<smem>>
    %eq3A_1283 = vector.broadcast %get3A_1282 : i32 to vector<16x1xi32>
    %eq3A_1284 = arith.cmpi eq, %iota3A, %eq3A_1283 : vector<16x1xi32>
    %convert_element_type3A_1285 = arith.extui %eq3A_1284 : vector<16x1xi1> to vector<16x1xi32>
    %convert_element_type3A_1286 = arith.sitofp %convert_element_type3A_1285 : vector<16x1xi32> to vector<16x1xf32>
    %get3A_1287 = arith.constant 0 : index
    %get3A_1288 = arith.constant 0 : index
    %get3A_1289 = arith.constant 0 : index
    %get3A_1290 = arith.constant 0 : index
    %get3A_1291 = vector.load %arg43[%get3A_1287, %get3A_1288, %get3A_1289, %get3A_1290] : memref<1x1x16x275xf32, #tpu.memory_space<vmem>>, vector<1x1x16x275xf32>
    %get3A_1292 = vector.shape_cast %get3A_1291 : vector<1x1x16x275xf32> to vector<16x275xf32>
    %get3A_1293 = arith.constant 0 : index
    %get3A_1294 = arith.constant 0 : index
    %get3A_1295 = arith.constant 0 : index
    %get3A_1296 = arith.constant 0 : index
    %get3A_1297 = vector.load %arg44[%get3A_1293, %get3A_1294, %get3A_1295, %get3A_1296] : memref<1x1x16x275xf32, #tpu.memory_space<vmem>>, vector<1x1x16x275xf32>
    %get3A_1298 = vector.shape_cast %get3A_1297 : vector<1x1x16x275xf32> to vector<16x275xf32>
    %mul3A_1299 = vector.broadcast %convert_element_type3A_1280 : vector<16x1xf32> to vector<16x275xf32>
    %mul3A_1300 = arith.mulf %get3A_1292, %mul3A_1299 : vector<16x275xf32>
    %reduce_sum3A_1301 = arith.constant dense<0.000000e+00> : vector<275xf32>
    %reduce_sum3A_1302 = vector.multi_reduction <add>, %mul3A_1300, %reduce_sum3A_1301 [0] : vector<16x275xf32> to vector<275xf32>
    %broadcast_in_dim3A_1303 = vector.shape_cast %reduce_sum3A_1302 : vector<275xf32> to vector<1x275xf32>
    %mul3A_1304 = vector.broadcast %convert_element_type3A_1286 : vector<16x1xf32> to vector<16x275xf32>
    %mul3A_1305 = arith.mulf %get3A_1292, %mul3A_1304 : vector<16x275xf32>
    %reduce_sum3A_1306 = arith.constant dense<0.000000e+00> : vector<275xf32>
    %reduce_sum3A_1307 = vector.multi_reduction <add>, %mul3A_1305, %reduce_sum3A_1306 [0] : vector<16x275xf32> to vector<275xf32>
    %broadcast_in_dim3A_1308 = vector.shape_cast %reduce_sum3A_1307 : vector<275xf32> to vector<1x275xf32>
    %mul3A_1309 = vector.broadcast %convert_element_type3A_1280 : vector<16x1xf32> to vector<16x275xf32>
    %mul3A_1310 = arith.mulf %get3A_1298, %mul3A_1309 : vector<16x275xf32>
    %reduce_sum3A_1311 = arith.constant dense<0.000000e+00> : vector<275xf32>
    %reduce_sum3A_1312 = vector.multi_reduction <add>, %mul3A_1310, %reduce_sum3A_1311 [0] : vector<16x275xf32> to vector<275xf32>
    %broadcast_in_dim3A_1313 = vector.shape_cast %reduce_sum3A_1312 : vector<275xf32> to vector<1x275xf32>
    %mul3A_1314 = vector.broadcast %convert_element_type3A_1286 : vector<16x1xf32> to vector<16x275xf32>
    %mul3A_1315 = arith.mulf %get3A_1298, %mul3A_1314 : vector<16x275xf32>
    %reduce_sum3A_1316 = arith.constant dense<0.000000e+00> : vector<275xf32>
    %reduce_sum3A_1317 = vector.multi_reduction <add>, %mul3A_1315, %reduce_sum3A_1316 [0] : vector<16x275xf32> to vector<275xf32>
    %broadcast_in_dim3A_1318 = vector.shape_cast %reduce_sum3A_1317 : vector<275xf32> to vector<1x275xf32>
    %get3A_1319 = arith.constant 18 : index
    %get3A_1320 = arith.constant 0 : index
    %get3A_1321 = vector.load %arg6[%get3A_1319, %get3A_1320] : memref<32x4xf32, #tpu.memory_space<vmem>>, vector<1x1xf32>
    %mul3A_1322 = vector.broadcast %get3A_1321 : vector<1x1xf32> to vector<1x275xf32>
    %mul3A_1323 = arith.mulf %broadcast_in_dim3A_1303, %mul3A_1322 : vector<1x275xf32>
    %get3A_1324 = arith.constant 18 : index
    %get3A_1325 = arith.constant 1 : index
    %get3A_1326 = vector.load %arg6[%get3A_1324, %get3A_1325] : memref<32x4xf32, #tpu.memory_space<vmem>>, vector<1x1xf32>
    %mul3A_1327 = vector.broadcast %get3A_1326 : vector<1x1xf32> to vector<1x275xf32>
    %mul3A_1328 = arith.mulf %broadcast_in_dim3A_1308, %mul3A_1327 : vector<1x275xf32>
    %add3A_1329 = arith.addf %mul3A_1323, %mul3A_1328 : vector<1x275xf32>
    %get3A_1330 = arith.constant 18 : index
    %get3A_1331 = arith.constant 2 : index
    %get3A_1332 = vector.load %arg6[%get3A_1330, %get3A_1331] : memref<32x4xf32, #tpu.memory_space<vmem>>, vector<1x1xf32>
    %mul3A_1333 = vector.broadcast %get3A_1332 : vector<1x1xf32> to vector<1x275xf32>
    %mul3A_1334 = arith.mulf %broadcast_in_dim3A_1313, %mul3A_1333 : vector<1x275xf32>
    %add3A_1335 = arith.addf %add3A_1329, %mul3A_1334 : vector<1x275xf32>
    %get3A_1336 = arith.constant 18 : index
    %get3A_1337 = arith.constant 3 : index
    %get3A_1338 = vector.load %arg6[%get3A_1336, %get3A_1337] : memref<32x4xf32, #tpu.memory_space<vmem>>, vector<1x1xf32>
    %mul3A_1339 = vector.broadcast %get3A_1338 : vector<1x1xf32> to vector<1x275xf32>
    %mul3A_1340 = arith.mulf %broadcast_in_dim3A_1318, %mul3A_1339 : vector<1x275xf32>
    %add3A_1341 = arith.addf %add3A_1335, %mul3A_1340 : vector<1x275xf32>
    %mul3A_1342 = arith.constant 32 : i32
    %mul3A_1343 = arith.muli %mul3A_1342, %arg0 : i32
    %add3A_1344 = arith.constant 19 : i32
    %add3A_1345 = arith.addi %mul3A_1343, %add3A_1344 : i32
    %get3A_1346 = arith.index_cast %add3A_1345 : i32 to index
    %get3A_1347 = memref.load %arg4[%get3A_1346] : memref<8192xi32, #tpu.memory_space<smem>>
    %eq3A_1348 = vector.broadcast %get3A_1347 : i32 to vector<16x1xi32>
    %eq3A_1349 = arith.cmpi eq, %iota3A, %eq3A_1348 : vector<16x1xi32>
    %convert_element_type3A_1350 = arith.extui %eq3A_1349 : vector<16x1xi1> to vector<16x1xi32>
    %convert_element_type3A_1351 = arith.sitofp %convert_element_type3A_1350 : vector<16x1xi32> to vector<16x1xf32>
    %get3A_1352 = arith.index_cast %add3A_1345 : i32 to index
    %get3A_1353 = memref.load %arg5[%get3A_1352] : memref<8192xi32, #tpu.memory_space<smem>>
    %eq3A_1354 = vector.broadcast %get3A_1353 : i32 to vector<16x1xi32>
    %eq3A_1355 = arith.cmpi eq, %iota3A, %eq3A_1354 : vector<16x1xi32>
    %convert_element_type3A_1356 = arith.extui %eq3A_1355 : vector<16x1xi1> to vector<16x1xi32>
    %convert_element_type3A_1357 = arith.sitofp %convert_element_type3A_1356 : vector<16x1xi32> to vector<16x1xf32>
    %get3A_1358 = arith.constant 0 : index
    %get3A_1359 = arith.constant 0 : index
    %get3A_1360 = arith.constant 0 : index
    %get3A_1361 = arith.constant 0 : index
    %get3A_1362 = vector.load %arg45[%get3A_1358, %get3A_1359, %get3A_1360, %get3A_1361] : memref<1x1x16x275xf32, #tpu.memory_space<vmem>>, vector<1x1x16x275xf32>
    %get3A_1363 = vector.shape_cast %get3A_1362 : vector<1x1x16x275xf32> to vector<16x275xf32>
    %get3A_1364 = arith.constant 0 : index
    %get3A_1365 = arith.constant 0 : index
    %get3A_1366 = arith.constant 0 : index
    %get3A_1367 = arith.constant 0 : index
    %get3A_1368 = vector.load %arg46[%get3A_1364, %get3A_1365, %get3A_1366, %get3A_1367] : memref<1x1x16x275xf32, #tpu.memory_space<vmem>>, vector<1x1x16x275xf32>
    %get3A_1369 = vector.shape_cast %get3A_1368 : vector<1x1x16x275xf32> to vector<16x275xf32>
    %mul3A_1370 = vector.broadcast %convert_element_type3A_1351 : vector<16x1xf32> to vector<16x275xf32>
    %mul3A_1371 = arith.mulf %get3A_1363, %mul3A_1370 : vector<16x275xf32>
    %reduce_sum3A_1372 = arith.constant dense<0.000000e+00> : vector<275xf32>
    %reduce_sum3A_1373 = vector.multi_reduction <add>, %mul3A_1371, %reduce_sum3A_1372 [0] : vector<16x275xf32> to vector<275xf32>
    %broadcast_in_dim3A_1374 = vector.shape_cast %reduce_sum3A_1373 : vector<275xf32> to vector<1x275xf32>
    %mul3A_1375 = vector.broadcast %convert_element_type3A_1357 : vector<16x1xf32> to vector<16x275xf32>
    %mul3A_1376 = arith.mulf %get3A_1363, %mul3A_1375 : vector<16x275xf32>
    %reduce_sum3A_1377 = arith.constant dense<0.000000e+00> : vector<275xf32>
    %reduce_sum3A_1378 = vector.multi_reduction <add>, %mul3A_1376, %reduce_sum3A_1377 [0] : vector<16x275xf32> to vector<275xf32>
    %broadcast_in_dim3A_1379 = vector.shape_cast %reduce_sum3A_1378 : vector<275xf32> to vector<1x275xf32>
    %mul3A_1380 = vector.broadcast %convert_element_type3A_1351 : vector<16x1xf32> to vector<16x275xf32>
    %mul3A_1381 = arith.mulf %get3A_1369, %mul3A_1380 : vector<16x275xf32>
    %reduce_sum3A_1382 = arith.constant dense<0.000000e+00> : vector<275xf32>
    %reduce_sum3A_1383 = vector.multi_reduction <add>, %mul3A_1381, %reduce_sum3A_1382 [0] : vector<16x275xf32> to vector<275xf32>
    %broadcast_in_dim3A_1384 = vector.shape_cast %reduce_sum3A_1383 : vector<275xf32> to vector<1x275xf32>
    %mul3A_1385 = vector.broadcast %convert_element_type3A_1357 : vector<16x1xf32> to vector<16x275xf32>
    %mul3A_1386 = arith.mulf %get3A_1369, %mul3A_1385 : vector<16x275xf32>
    %reduce_sum3A_1387 = arith.constant dense<0.000000e+00> : vector<275xf32>
    %reduce_sum3A_1388 = vector.multi_reduction <add>, %mul3A_1386, %reduce_sum3A_1387 [0] : vector<16x275xf32> to vector<275xf32>
    %broadcast_in_dim3A_1389 = vector.shape_cast %reduce_sum3A_1388 : vector<275xf32> to vector<1x275xf32>
    %get3A_1390 = arith.constant 19 : index
    %get3A_1391 = arith.constant 0 : index
    %get3A_1392 = vector.load %arg6[%get3A_1390, %get3A_1391] : memref<32x4xf32, #tpu.memory_space<vmem>>, vector<1x1xf32>
    %mul3A_1393 = vector.broadcast %get3A_1392 : vector<1x1xf32> to vector<1x275xf32>
    %mul3A_1394 = arith.mulf %broadcast_in_dim3A_1374, %mul3A_1393 : vector<1x275xf32>
    %get3A_1395 = arith.constant 19 : index
    %get3A_1396 = arith.constant 1 : index
    %get3A_1397 = vector.load %arg6[%get3A_1395, %get3A_1396] : memref<32x4xf32, #tpu.memory_space<vmem>>, vector<1x1xf32>
    %mul3A_1398 = vector.broadcast %get3A_1397 : vector<1x1xf32> to vector<1x275xf32>
    %mul3A_1399 = arith.mulf %broadcast_in_dim3A_1379, %mul3A_1398 : vector<1x275xf32>
    %add3A_1400 = arith.addf %mul3A_1394, %mul3A_1399 : vector<1x275xf32>
    %get3A_1401 = arith.constant 19 : index
    %get3A_1402 = arith.constant 2 : index
    %get3A_1403 = vector.load %arg6[%get3A_1401, %get3A_1402] : memref<32x4xf32, #tpu.memory_space<vmem>>, vector<1x1xf32>
    %mul3A_1404 = vector.broadcast %get3A_1403 : vector<1x1xf32> to vector<1x275xf32>
    %mul3A_1405 = arith.mulf %broadcast_in_dim3A_1384, %mul3A_1404 : vector<1x275xf32>
    %add3A_1406 = arith.addf %add3A_1400, %mul3A_1405 : vector<1x275xf32>
    %get3A_1407 = arith.constant 19 : index
    %get3A_1408 = arith.constant 3 : index
    %get3A_1409 = vector.load %arg6[%get3A_1407, %get3A_1408] : memref<32x4xf32, #tpu.memory_space<vmem>>, vector<1x1xf32>
    %mul3A_1410 = vector.broadcast %get3A_1409 : vector<1x1xf32> to vector<1x275xf32>
    %mul3A_1411 = arith.mulf %broadcast_in_dim3A_1389, %mul3A_1410 : vector<1x275xf32>
    %add3A_1412 = arith.addf %add3A_1406, %mul3A_1411 : vector<1x275xf32>
    %mul3A_1413 = arith.constant 32 : i32
    %mul3A_1414 = arith.muli %mul3A_1413, %arg0 : i32
    %add3A_1415 = arith.constant 20 : i32
    %add3A_1416 = arith.addi %mul3A_1414, %add3A_1415 : i32
    %get3A_1417 = arith.index_cast %add3A_1416 : i32 to index
    %get3A_1418 = memref.load %arg4[%get3A_1417] : memref<8192xi32, #tpu.memory_space<smem>>
    %eq3A_1419 = vector.broadcast %get3A_1418 : i32 to vector<16x1xi32>
    %eq3A_1420 = arith.cmpi eq, %iota3A, %eq3A_1419 : vector<16x1xi32>
    %convert_element_type3A_1421 = arith.extui %eq3A_1420 : vector<16x1xi1> to vector<16x1xi32>
    %convert_element_type3A_1422 = arith.sitofp %convert_element_type3A_1421 : vector<16x1xi32> to vector<16x1xf32>
    %get3A_1423 = arith.index_cast %add3A_1416 : i32 to index
    %get3A_1424 = memref.load %arg5[%get3A_1423] : memref<8192xi32, #tpu.memory_space<smem>>
    %eq3A_1425 = vector.broadcast %get3A_1424 : i32 to vector<16x1xi32>
    %eq3A_1426 = arith.cmpi eq, %iota3A, %eq3A_1425 : vector<16x1xi32>
    %convert_element_type3A_1427 = arith.extui %eq3A_1426 : vector<16x1xi1> to vector<16x1xi32>
    %convert_element_type3A_1428 = arith.sitofp %convert_element_type3A_1427 : vector<16x1xi32> to vector<16x1xf32>
    %get3A_1429 = arith.constant 0 : index
    %get3A_1430 = arith.constant 0 : index
    %get3A_1431 = arith.constant 0 : index
    %get3A_1432 = arith.constant 0 : index
    %get3A_1433 = vector.load %arg47[%get3A_1429, %get3A_1430, %get3A_1431, %get3A_1432] : memref<1x1x16x275xf32, #tpu.memory_space<vmem>>, vector<1x1x16x275xf32>
    %get3A_1434 = vector.shape_cast %get3A_1433 : vector<1x1x16x275xf32> to vector<16x275xf32>
    %get3A_1435 = arith.constant 0 : index
    %get3A_1436 = arith.constant 0 : index
    %get3A_1437 = arith.constant 0 : index
    %get3A_1438 = arith.constant 0 : index
    %get3A_1439 = vector.load %arg48[%get3A_1435, %get3A_1436, %get3A_1437, %get3A_1438] : memref<1x1x16x275xf32, #tpu.memory_space<vmem>>, vector<1x1x16x275xf32>
    %get3A_1440 = vector.shape_cast %get3A_1439 : vector<1x1x16x275xf32> to vector<16x275xf32>
    %mul3A_1441 = vector.broadcast %convert_element_type3A_1422 : vector<16x1xf32> to vector<16x275xf32>
    %mul3A_1442 = arith.mulf %get3A_1434, %mul3A_1441 : vector<16x275xf32>
    %reduce_sum3A_1443 = arith.constant dense<0.000000e+00> : vector<275xf32>
    %reduce_sum3A_1444 = vector.multi_reduction <add>, %mul3A_1442, %reduce_sum3A_1443 [0] : vector<16x275xf32> to vector<275xf32>
    %broadcast_in_dim3A_1445 = vector.shape_cast %reduce_sum3A_1444 : vector<275xf32> to vector<1x275xf32>
    %mul3A_1446 = vector.broadcast %convert_element_type3A_1428 : vector<16x1xf32> to vector<16x275xf32>
    %mul3A_1447 = arith.mulf %get3A_1434, %mul3A_1446 : vector<16x275xf32>
    %reduce_sum3A_1448 = arith.constant dense<0.000000e+00> : vector<275xf32>
    %reduce_sum3A_1449 = vector.multi_reduction <add>, %mul3A_1447, %reduce_sum3A_1448 [0] : vector<16x275xf32> to vector<275xf32>
    %broadcast_in_dim3A_1450 = vector.shape_cast %reduce_sum3A_1449 : vector<275xf32> to vector<1x275xf32>
    %mul3A_1451 = vector.broadcast %convert_element_type3A_1422 : vector<16x1xf32> to vector<16x275xf32>
    %mul3A_1452 = arith.mulf %get3A_1440, %mul3A_1451 : vector<16x275xf32>
    %reduce_sum3A_1453 = arith.constant dense<0.000000e+00> : vector<275xf32>
    %reduce_sum3A_1454 = vector.multi_reduction <add>, %mul3A_1452, %reduce_sum3A_1453 [0] : vector<16x275xf32> to vector<275xf32>
    %broadcast_in_dim3A_1455 = vector.shape_cast %reduce_sum3A_1454 : vector<275xf32> to vector<1x275xf32>
    %mul3A_1456 = vector.broadcast %convert_element_type3A_1428 : vector<16x1xf32> to vector<16x275xf32>
    %mul3A_1457 = arith.mulf %get3A_1440, %mul3A_1456 : vector<16x275xf32>
    %reduce_sum3A_1458 = arith.constant dense<0.000000e+00> : vector<275xf32>
    %reduce_sum3A_1459 = vector.multi_reduction <add>, %mul3A_1457, %reduce_sum3A_1458 [0] : vector<16x275xf32> to vector<275xf32>
    %broadcast_in_dim3A_1460 = vector.shape_cast %reduce_sum3A_1459 : vector<275xf32> to vector<1x275xf32>
    %get3A_1461 = arith.constant 20 : index
    %get3A_1462 = arith.constant 0 : index
    %get3A_1463 = vector.load %arg6[%get3A_1461, %get3A_1462] : memref<32x4xf32, #tpu.memory_space<vmem>>, vector<1x1xf32>
    %mul3A_1464 = vector.broadcast %get3A_1463 : vector<1x1xf32> to vector<1x275xf32>
    %mul3A_1465 = arith.mulf %broadcast_in_dim3A_1445, %mul3A_1464 : vector<1x275xf32>
    %get3A_1466 = arith.constant 20 : index
    %get3A_1467 = arith.constant 1 : index
    %get3A_1468 = vector.load %arg6[%get3A_1466, %get3A_1467] : memref<32x4xf32, #tpu.memory_space<vmem>>, vector<1x1xf32>
    %mul3A_1469 = vector.broadcast %get3A_1468 : vector<1x1xf32> to vector<1x275xf32>
    %mul3A_1470 = arith.mulf %broadcast_in_dim3A_1450, %mul3A_1469 : vector<1x275xf32>
    %add3A_1471 = arith.addf %mul3A_1465, %mul3A_1470 : vector<1x275xf32>
    %get3A_1472 = arith.constant 20 : index
    %get3A_1473 = arith.constant 2 : index
    %get3A_1474 = vector.load %arg6[%get3A_1472, %get3A_1473] : memref<32x4xf32, #tpu.memory_space<vmem>>, vector<1x1xf32>
    %mul3A_1475 = vector.broadcast %get3A_1474 : vector<1x1xf32> to vector<1x275xf32>
    %mul3A_1476 = arith.mulf %broadcast_in_dim3A_1455, %mul3A_1475 : vector<1x275xf32>
    %add3A_1477 = arith.addf %add3A_1471, %mul3A_1476 : vector<1x275xf32>
    %get3A_1478 = arith.constant 20 : index
    %get3A_1479 = arith.constant 3 : index
    %get3A_1480 = vector.load %arg6[%get3A_1478, %get3A_1479] : memref<32x4xf32, #tpu.memory_space<vmem>>, vector<1x1xf32>
    %mul3A_1481 = vector.broadcast %get3A_1480 : vector<1x1xf32> to vector<1x275xf32>
    %mul3A_1482 = arith.mulf %broadcast_in_dim3A_1460, %mul3A_1481 : vector<1x275xf32>
    %add3A_1483 = arith.addf %add3A_1477, %mul3A_1482 : vector<1x275xf32>
    %mul3A_1484 = arith.constant 32 : i32
    %mul3A_1485 = arith.muli %mul3A_1484, %arg0 : i32
    %add3A_1486 = arith.constant 21 : i32
    %add3A_1487 = arith.addi %mul3A_1485, %add3A_1486 : i32
    %get3A_1488 = arith.index_cast %add3A_1487 : i32 to index
    %get3A_1489 = memref.load %arg4[%get3A_1488] : memref<8192xi32, #tpu.memory_space<smem>>
    %eq3A_1490 = vector.broadcast %get3A_1489 : i32 to vector<16x1xi32>
    %eq3A_1491 = arith.cmpi eq, %iota3A, %eq3A_1490 : vector<16x1xi32>
    %convert_element_type3A_1492 = arith.extui %eq3A_1491 : vector<16x1xi1> to vector<16x1xi32>
    %convert_element_type3A_1493 = arith.sitofp %convert_element_type3A_1492 : vector<16x1xi32> to vector<16x1xf32>
    %get3A_1494 = arith.index_cast %add3A_1487 : i32 to index
    %get3A_1495 = memref.load %arg5[%get3A_1494] : memref<8192xi32, #tpu.memory_space<smem>>
    %eq3A_1496 = vector.broadcast %get3A_1495 : i32 to vector<16x1xi32>
    %eq3A_1497 = arith.cmpi eq, %iota3A, %eq3A_1496 : vector<16x1xi32>
    %convert_element_type3A_1498 = arith.extui %eq3A_1497 : vector<16x1xi1> to vector<16x1xi32>
    %convert_element_type3A_1499 = arith.sitofp %convert_element_type3A_1498 : vector<16x1xi32> to vector<16x1xf32>
    %get3A_1500 = arith.constant 0 : index
    %get3A_1501 = arith.constant 0 : index
    %get3A_1502 = arith.constant 0 : index
    %get3A_1503 = arith.constant 0 : index
    %get3A_1504 = vector.load %arg49[%get3A_1500, %get3A_1501, %get3A_1502, %get3A_1503] : memref<1x1x16x275xf32, #tpu.memory_space<vmem>>, vector<1x1x16x275xf32>
    %get3A_1505 = vector.shape_cast %get3A_1504 : vector<1x1x16x275xf32> to vector<16x275xf32>
    %get3A_1506 = arith.constant 0 : index
    %get3A_1507 = arith.constant 0 : index
    %get3A_1508 = arith.constant 0 : index
    %get3A_1509 = arith.constant 0 : index
    %get3A_1510 = vector.load %arg50[%get3A_1506, %get3A_1507, %get3A_1508, %get3A_1509] : memref<1x1x16x275xf32, #tpu.memory_space<vmem>>, vector<1x1x16x275xf32>
    %get3A_1511 = vector.shape_cast %get3A_1510 : vector<1x1x16x275xf32> to vector<16x275xf32>
    %mul3A_1512 = vector.broadcast %convert_element_type3A_1493 : vector<16x1xf32> to vector<16x275xf32>
    %mul3A_1513 = arith.mulf %get3A_1505, %mul3A_1512 : vector<16x275xf32>
    %reduce_sum3A_1514 = arith.constant dense<0.000000e+00> : vector<275xf32>
    %reduce_sum3A_1515 = vector.multi_reduction <add>, %mul3A_1513, %reduce_sum3A_1514 [0] : vector<16x275xf32> to vector<275xf32>
    %broadcast_in_dim3A_1516 = vector.shape_cast %reduce_sum3A_1515 : vector<275xf32> to vector<1x275xf32>
    %mul3A_1517 = vector.broadcast %convert_element_type3A_1499 : vector<16x1xf32> to vector<16x275xf32>
    %mul3A_1518 = arith.mulf %get3A_1505, %mul3A_1517 : vector<16x275xf32>
    %reduce_sum3A_1519 = arith.constant dense<0.000000e+00> : vector<275xf32>
    %reduce_sum3A_1520 = vector.multi_reduction <add>, %mul3A_1518, %reduce_sum3A_1519 [0] : vector<16x275xf32> to vector<275xf32>
    %broadcast_in_dim3A_1521 = vector.shape_cast %reduce_sum3A_1520 : vector<275xf32> to vector<1x275xf32>
    %mul3A_1522 = vector.broadcast %convert_element_type3A_1493 : vector<16x1xf32> to vector<16x275xf32>
    %mul3A_1523 = arith.mulf %get3A_1511, %mul3A_1522 : vector<16x275xf32>
    %reduce_sum3A_1524 = arith.constant dense<0.000000e+00> : vector<275xf32>
    %reduce_sum3A_1525 = vector.multi_reduction <add>, %mul3A_1523, %reduce_sum3A_1524 [0] : vector<16x275xf32> to vector<275xf32>
    %broadcast_in_dim3A_1526 = vector.shape_cast %reduce_sum3A_1525 : vector<275xf32> to vector<1x275xf32>
    %mul3A_1527 = vector.broadcast %convert_element_type3A_1499 : vector<16x1xf32> to vector<16x275xf32>
    %mul3A_1528 = arith.mulf %get3A_1511, %mul3A_1527 : vector<16x275xf32>
    %reduce_sum3A_1529 = arith.constant dense<0.000000e+00> : vector<275xf32>
    %reduce_sum3A_1530 = vector.multi_reduction <add>, %mul3A_1528, %reduce_sum3A_1529 [0] : vector<16x275xf32> to vector<275xf32>
    %broadcast_in_dim3A_1531 = vector.shape_cast %reduce_sum3A_1530 : vector<275xf32> to vector<1x275xf32>
    %get3A_1532 = arith.constant 21 : index
    %get3A_1533 = arith.constant 0 : index
    %get3A_1534 = vector.load %arg6[%get3A_1532, %get3A_1533] : memref<32x4xf32, #tpu.memory_space<vmem>>, vector<1x1xf32>
    %mul3A_1535 = vector.broadcast %get3A_1534 : vector<1x1xf32> to vector<1x275xf32>
    %mul3A_1536 = arith.mulf %broadcast_in_dim3A_1516, %mul3A_1535 : vector<1x275xf32>
    %get3A_1537 = arith.constant 21 : index
    %get3A_1538 = arith.constant 1 : index
    %get3A_1539 = vector.load %arg6[%get3A_1537, %get3A_1538] : memref<32x4xf32, #tpu.memory_space<vmem>>, vector<1x1xf32>
    %mul3A_1540 = vector.broadcast %get3A_1539 : vector<1x1xf32> to vector<1x275xf32>
    %mul3A_1541 = arith.mulf %broadcast_in_dim3A_1521, %mul3A_1540 : vector<1x275xf32>
    %add3A_1542 = arith.addf %mul3A_1536, %mul3A_1541 : vector<1x275xf32>
    %get3A_1543 = arith.constant 21 : index
    %get3A_1544 = arith.constant 2 : index
    %get3A_1545 = vector.load %arg6[%get3A_1543, %get3A_1544] : memref<32x4xf32, #tpu.memory_space<vmem>>, vector<1x1xf32>
    %mul3A_1546 = vector.broadcast %get3A_1545 : vector<1x1xf32> to vector<1x275xf32>
    %mul3A_1547 = arith.mulf %broadcast_in_dim3A_1526, %mul3A_1546 : vector<1x275xf32>
    %add3A_1548 = arith.addf %add3A_1542, %mul3A_1547 : vector<1x275xf32>
    %get3A_1549 = arith.constant 21 : index
    %get3A_1550 = arith.constant 3 : index
    %get3A_1551 = vector.load %arg6[%get3A_1549, %get3A_1550] : memref<32x4xf32, #tpu.memory_space<vmem>>, vector<1x1xf32>
    %mul3A_1552 = vector.broadcast %get3A_1551 : vector<1x1xf32> to vector<1x275xf32>
    %mul3A_1553 = arith.mulf %broadcast_in_dim3A_1531, %mul3A_1552 : vector<1x275xf32>
    %add3A_1554 = arith.addf %add3A_1548, %mul3A_1553 : vector<1x275xf32>
    %mul3A_1555 = arith.constant 32 : i32
    %mul3A_1556 = arith.muli %mul3A_1555, %arg0 : i32
    %add3A_1557 = arith.constant 22 : i32
    %add3A_1558 = arith.addi %mul3A_1556, %add3A_1557 : i32
    %get3A_1559 = arith.index_cast %add3A_1558 : i32 to index
    %get3A_1560 = memref.load %arg4[%get3A_1559] : memref<8192xi32, #tpu.memory_space<smem>>
    %eq3A_1561 = vector.broadcast %get3A_1560 : i32 to vector<16x1xi32>
    %eq3A_1562 = arith.cmpi eq, %iota3A, %eq3A_1561 : vector<16x1xi32>
    %convert_element_type3A_1563 = arith.extui %eq3A_1562 : vector<16x1xi1> to vector<16x1xi32>
    %convert_element_type3A_1564 = arith.sitofp %convert_element_type3A_1563 : vector<16x1xi32> to vector<16x1xf32>
    %get3A_1565 = arith.index_cast %add3A_1558 : i32 to index
    %get3A_1566 = memref.load %arg5[%get3A_1565] : memref<8192xi32, #tpu.memory_space<smem>>
    %eq3A_1567 = vector.broadcast %get3A_1566 : i32 to vector<16x1xi32>
    %eq3A_1568 = arith.cmpi eq, %iota3A, %eq3A_1567 : vector<16x1xi32>
    %convert_element_type3A_1569 = arith.extui %eq3A_1568 : vector<16x1xi1> to vector<16x1xi32>
    %convert_element_type3A_1570 = arith.sitofp %convert_element_type3A_1569 : vector<16x1xi32> to vector<16x1xf32>
    %get3A_1571 = arith.constant 0 : index
    %get3A_1572 = arith.constant 0 : index
    %get3A_1573 = arith.constant 0 : index
    %get3A_1574 = arith.constant 0 : index
    %get3A_1575 = vector.load %arg51[%get3A_1571, %get3A_1572, %get3A_1573, %get3A_1574] : memref<1x1x16x275xf32, #tpu.memory_space<vmem>>, vector<1x1x16x275xf32>
    %get3A_1576 = vector.shape_cast %get3A_1575 : vector<1x1x16x275xf32> to vector<16x275xf32>
    %get3A_1577 = arith.constant 0 : index
    %get3A_1578 = arith.constant 0 : index
    %get3A_1579 = arith.constant 0 : index
    %get3A_1580 = arith.constant 0 : index
    %get3A_1581 = vector.load %arg52[%get3A_1577, %get3A_1578, %get3A_1579, %get3A_1580] : memref<1x1x16x275xf32, #tpu.memory_space<vmem>>, vector<1x1x16x275xf32>
    %get3A_1582 = vector.shape_cast %get3A_1581 : vector<1x1x16x275xf32> to vector<16x275xf32>
    %mul3A_1583 = vector.broadcast %convert_element_type3A_1564 : vector<16x1xf32> to vector<16x275xf32>
    %mul3A_1584 = arith.mulf %get3A_1576, %mul3A_1583 : vector<16x275xf32>
    %reduce_sum3A_1585 = arith.constant dense<0.000000e+00> : vector<275xf32>
    %reduce_sum3A_1586 = vector.multi_reduction <add>, %mul3A_1584, %reduce_sum3A_1585 [0] : vector<16x275xf32> to vector<275xf32>
    %broadcast_in_dim3A_1587 = vector.shape_cast %reduce_sum3A_1586 : vector<275xf32> to vector<1x275xf32>
    %mul3A_1588 = vector.broadcast %convert_element_type3A_1570 : vector<16x1xf32> to vector<16x275xf32>
    %mul3A_1589 = arith.mulf %get3A_1576, %mul3A_1588 : vector<16x275xf32>
    %reduce_sum3A_1590 = arith.constant dense<0.000000e+00> : vector<275xf32>
    %reduce_sum3A_1591 = vector.multi_reduction <add>, %mul3A_1589, %reduce_sum3A_1590 [0] : vector<16x275xf32> to vector<275xf32>
    %broadcast_in_dim3A_1592 = vector.shape_cast %reduce_sum3A_1591 : vector<275xf32> to vector<1x275xf32>
    %mul3A_1593 = vector.broadcast %convert_element_type3A_1564 : vector<16x1xf32> to vector<16x275xf32>
    %mul3A_1594 = arith.mulf %get3A_1582, %mul3A_1593 : vector<16x275xf32>
    %reduce_sum3A_1595 = arith.constant dense<0.000000e+00> : vector<275xf32>
    %reduce_sum3A_1596 = vector.multi_reduction <add>, %mul3A_1594, %reduce_sum3A_1595 [0] : vector<16x275xf32> to vector<275xf32>
    %broadcast_in_dim3A_1597 = vector.shape_cast %reduce_sum3A_1596 : vector<275xf32> to vector<1x275xf32>
    %mul3A_1598 = vector.broadcast %convert_element_type3A_1570 : vector<16x1xf32> to vector<16x275xf32>
    %mul3A_1599 = arith.mulf %get3A_1582, %mul3A_1598 : vector<16x275xf32>
    %reduce_sum3A_1600 = arith.constant dense<0.000000e+00> : vector<275xf32>
    %reduce_sum3A_1601 = vector.multi_reduction <add>, %mul3A_1599, %reduce_sum3A_1600 [0] : vector<16x275xf32> to vector<275xf32>
    %broadcast_in_dim3A_1602 = vector.shape_cast %reduce_sum3A_1601 : vector<275xf32> to vector<1x275xf32>
    %get3A_1603 = arith.constant 22 : index
    %get3A_1604 = arith.constant 0 : index
    %get3A_1605 = vector.load %arg6[%get3A_1603, %get3A_1604] : memref<32x4xf32, #tpu.memory_space<vmem>>, vector<1x1xf32>
    %mul3A_1606 = vector.broadcast %get3A_1605 : vector<1x1xf32> to vector<1x275xf32>
    %mul3A_1607 = arith.mulf %broadcast_in_dim3A_1587, %mul3A_1606 : vector<1x275xf32>
    %get3A_1608 = arith.constant 22 : index
    %get3A_1609 = arith.constant 1 : index
    %get3A_1610 = vector.load %arg6[%get3A_1608, %get3A_1609] : memref<32x4xf32, #tpu.memory_space<vmem>>, vector<1x1xf32>
    %mul3A_1611 = vector.broadcast %get3A_1610 : vector<1x1xf32> to vector<1x275xf32>
    %mul3A_1612 = arith.mulf %broadcast_in_dim3A_1592, %mul3A_1611 : vector<1x275xf32>
    %add3A_1613 = arith.addf %mul3A_1607, %mul3A_1612 : vector<1x275xf32>
    %get3A_1614 = arith.constant 22 : index
    %get3A_1615 = arith.constant 2 : index
    %get3A_1616 = vector.load %arg6[%get3A_1614, %get3A_1615] : memref<32x4xf32, #tpu.memory_space<vmem>>, vector<1x1xf32>
    %mul3A_1617 = vector.broadcast %get3A_1616 : vector<1x1xf32> to vector<1x275xf32>
    %mul3A_1618 = arith.mulf %broadcast_in_dim3A_1597, %mul3A_1617 : vector<1x275xf32>
    %add3A_1619 = arith.addf %add3A_1613, %mul3A_1618 : vector<1x275xf32>
    %get3A_1620 = arith.constant 22 : index
    %get3A_1621 = arith.constant 3 : index
    %get3A_1622 = vector.load %arg6[%get3A_1620, %get3A_1621] : memref<32x4xf32, #tpu.memory_space<vmem>>, vector<1x1xf32>
    %mul3A_1623 = vector.broadcast %get3A_1622 : vector<1x1xf32> to vector<1x275xf32>
    %mul3A_1624 = arith.mulf %broadcast_in_dim3A_1602, %mul3A_1623 : vector<1x275xf32>
    %add3A_1625 = arith.addf %add3A_1619, %mul3A_1624 : vector<1x275xf32>
    %mul3A_1626 = arith.constant 32 : i32
    %mul3A_1627 = arith.muli %mul3A_1626, %arg0 : i32
    %add3A_1628 = arith.constant 23 : i32
    %add3A_1629 = arith.addi %mul3A_1627, %add3A_1628 : i32
    %get3A_1630 = arith.index_cast %add3A_1629 : i32 to index
    %get3A_1631 = memref.load %arg4[%get3A_1630] : memref<8192xi32, #tpu.memory_space<smem>>
    %eq3A_1632 = vector.broadcast %get3A_1631 : i32 to vector<16x1xi32>
    %eq3A_1633 = arith.cmpi eq, %iota3A, %eq3A_1632 : vector<16x1xi32>
    %convert_element_type3A_1634 = arith.extui %eq3A_1633 : vector<16x1xi1> to vector<16x1xi32>
    %convert_element_type3A_1635 = arith.sitofp %convert_element_type3A_1634 : vector<16x1xi32> to vector<16x1xf32>
    %get3A_1636 = arith.index_cast %add3A_1629 : i32 to index
    %get3A_1637 = memref.load %arg5[%get3A_1636] : memref<8192xi32, #tpu.memory_space<smem>>
    %eq3A_1638 = vector.broadcast %get3A_1637 : i32 to vector<16x1xi32>
    %eq3A_1639 = arith.cmpi eq, %iota3A, %eq3A_1638 : vector<16x1xi32>
    %convert_element_type3A_1640 = arith.extui %eq3A_1639 : vector<16x1xi1> to vector<16x1xi32>
    %convert_element_type3A_1641 = arith.sitofp %convert_element_type3A_1640 : vector<16x1xi32> to vector<16x1xf32>
    %get3A_1642 = arith.constant 0 : index
    %get3A_1643 = arith.constant 0 : index
    %get3A_1644 = arith.constant 0 : index
    %get3A_1645 = arith.constant 0 : index
    %get3A_1646 = vector.load %arg53[%get3A_1642, %get3A_1643, %get3A_1644, %get3A_1645] : memref<1x1x16x275xf32, #tpu.memory_space<vmem>>, vector<1x1x16x275xf32>
    %get3A_1647 = vector.shape_cast %get3A_1646 : vector<1x1x16x275xf32> to vector<16x275xf32>
    %get3A_1648 = arith.constant 0 : index
    %get3A_1649 = arith.constant 0 : index
    %get3A_1650 = arith.constant 0 : index
    %get3A_1651 = arith.constant 0 : index
    %get3A_1652 = vector.load %arg54[%get3A_1648, %get3A_1649, %get3A_1650, %get3A_1651] : memref<1x1x16x275xf32, #tpu.memory_space<vmem>>, vector<1x1x16x275xf32>
    %get3A_1653 = vector.shape_cast %get3A_1652 : vector<1x1x16x275xf32> to vector<16x275xf32>
    %mul3A_1654 = vector.broadcast %convert_element_type3A_1635 : vector<16x1xf32> to vector<16x275xf32>
    %mul3A_1655 = arith.mulf %get3A_1647, %mul3A_1654 : vector<16x275xf32>
    %reduce_sum3A_1656 = arith.constant dense<0.000000e+00> : vector<275xf32>
    %reduce_sum3A_1657 = vector.multi_reduction <add>, %mul3A_1655, %reduce_sum3A_1656 [0] : vector<16x275xf32> to vector<275xf32>
    %broadcast_in_dim3A_1658 = vector.shape_cast %reduce_sum3A_1657 : vector<275xf32> to vector<1x275xf32>
    %mul3A_1659 = vector.broadcast %convert_element_type3A_1641 : vector<16x1xf32> to vector<16x275xf32>
    %mul3A_1660 = arith.mulf %get3A_1647, %mul3A_1659 : vector<16x275xf32>
    %reduce_sum3A_1661 = arith.constant dense<0.000000e+00> : vector<275xf32>
    %reduce_sum3A_1662 = vector.multi_reduction <add>, %mul3A_1660, %reduce_sum3A_1661 [0] : vector<16x275xf32> to vector<275xf32>
    %broadcast_in_dim3A_1663 = vector.shape_cast %reduce_sum3A_1662 : vector<275xf32> to vector<1x275xf32>
    %mul3A_1664 = vector.broadcast %convert_element_type3A_1635 : vector<16x1xf32> to vector<16x275xf32>
    %mul3A_1665 = arith.mulf %get3A_1653, %mul3A_1664 : vector<16x275xf32>
    %reduce_sum3A_1666 = arith.constant dense<0.000000e+00> : vector<275xf32>
    %reduce_sum3A_1667 = vector.multi_reduction <add>, %mul3A_1665, %reduce_sum3A_1666 [0] : vector<16x275xf32> to vector<275xf32>
    %broadcast_in_dim3A_1668 = vector.shape_cast %reduce_sum3A_1667 : vector<275xf32> to vector<1x275xf32>
    %mul3A_1669 = vector.broadcast %convert_element_type3A_1641 : vector<16x1xf32> to vector<16x275xf32>
    %mul3A_1670 = arith.mulf %get3A_1653, %mul3A_1669 : vector<16x275xf32>
    %reduce_sum3A_1671 = arith.constant dense<0.000000e+00> : vector<275xf32>
    %reduce_sum3A_1672 = vector.multi_reduction <add>, %mul3A_1670, %reduce_sum3A_1671 [0] : vector<16x275xf32> to vector<275xf32>
    %broadcast_in_dim3A_1673 = vector.shape_cast %reduce_sum3A_1672 : vector<275xf32> to vector<1x275xf32>
    %get3A_1674 = arith.constant 23 : index
    %get3A_1675 = arith.constant 0 : index
    %get3A_1676 = vector.load %arg6[%get3A_1674, %get3A_1675] : memref<32x4xf32, #tpu.memory_space<vmem>>, vector<1x1xf32>
    %mul3A_1677 = vector.broadcast %get3A_1676 : vector<1x1xf32> to vector<1x275xf32>
    %mul3A_1678 = arith.mulf %broadcast_in_dim3A_1658, %mul3A_1677 : vector<1x275xf32>
    %get3A_1679 = arith.constant 23 : index
    %get3A_1680 = arith.constant 1 : index
    %get3A_1681 = vector.load %arg6[%get3A_1679, %get3A_1680] : memref<32x4xf32, #tpu.memory_space<vmem>>, vector<1x1xf32>
    %mul3A_1682 = vector.broadcast %get3A_1681 : vector<1x1xf32> to vector<1x275xf32>
    %mul3A_1683 = arith.mulf %broadcast_in_dim3A_1663, %mul3A_1682 : vector<1x275xf32>
    %add3A_1684 = arith.addf %mul3A_1678, %mul3A_1683 : vector<1x275xf32>
    %get3A_1685 = arith.constant 23 : index
    %get3A_1686 = arith.constant 2 : index
    %get3A_1687 = vector.load %arg6[%get3A_1685, %get3A_1686] : memref<32x4xf32, #tpu.memory_space<vmem>>, vector<1x1xf32>
    %mul3A_1688 = vector.broadcast %get3A_1687 : vector<1x1xf32> to vector<1x275xf32>
    %mul3A_1689 = arith.mulf %broadcast_in_dim3A_1668, %mul3A_1688 : vector<1x275xf32>
    %add3A_1690 = arith.addf %add3A_1684, %mul3A_1689 : vector<1x275xf32>
    %get3A_1691 = arith.constant 23 : index
    %get3A_1692 = arith.constant 3 : index
    %get3A_1693 = vector.load %arg6[%get3A_1691, %get3A_1692] : memref<32x4xf32, #tpu.memory_space<vmem>>, vector<1x1xf32>
    %mul3A_1694 = vector.broadcast %get3A_1693 : vector<1x1xf32> to vector<1x275xf32>
    %mul3A_1695 = arith.mulf %broadcast_in_dim3A_1673, %mul3A_1694 : vector<1x275xf32>
    %add3A_1696 = arith.addf %add3A_1690, %mul3A_1695 : vector<1x275xf32>
    %mul3A_1697 = arith.constant 32 : i32
    %mul3A_1698 = arith.muli %mul3A_1697, %arg0 : i32
    %add3A_1699 = arith.constant 24 : i32
    %add3A_1700 = arith.addi %mul3A_1698, %add3A_1699 : i32
    %get3A_1701 = arith.index_cast %add3A_1700 : i32 to index
    %get3A_1702 = memref.load %arg4[%get3A_1701] : memref<8192xi32, #tpu.memory_space<smem>>
    %eq3A_1703 = vector.broadcast %get3A_1702 : i32 to vector<16x1xi32>
    %eq3A_1704 = arith.cmpi eq, %iota3A, %eq3A_1703 : vector<16x1xi32>
    %convert_element_type3A_1705 = arith.extui %eq3A_1704 : vector<16x1xi1> to vector<16x1xi32>
    %convert_element_type3A_1706 = arith.sitofp %convert_element_type3A_1705 : vector<16x1xi32> to vector<16x1xf32>
    %get3A_1707 = arith.index_cast %add3A_1700 : i32 to index
    %get3A_1708 = memref.load %arg5[%get3A_1707] : memref<8192xi32, #tpu.memory_space<smem>>
    %eq3A_1709 = vector.broadcast %get3A_1708 : i32 to vector<16x1xi32>
    %eq3A_1710 = arith.cmpi eq, %iota3A, %eq3A_1709 : vector<16x1xi32>
    %convert_element_type3A_1711 = arith.extui %eq3A_1710 : vector<16x1xi1> to vector<16x1xi32>
    %convert_element_type3A_1712 = arith.sitofp %convert_element_type3A_1711 : vector<16x1xi32> to vector<16x1xf32>
    %get3A_1713 = arith.constant 0 : index
    %get3A_1714 = arith.constant 0 : index
    %get3A_1715 = arith.constant 0 : index
    %get3A_1716 = arith.constant 0 : index
    %get3A_1717 = vector.load %arg55[%get3A_1713, %get3A_1714, %get3A_1715, %get3A_1716] : memref<1x1x16x275xf32, #tpu.memory_space<vmem>>, vector<1x1x16x275xf32>
    %get3A_1718 = vector.shape_cast %get3A_1717 : vector<1x1x16x275xf32> to vector<16x275xf32>
    %get3A_1719 = arith.constant 0 : index
    %get3A_1720 = arith.constant 0 : index
    %get3A_1721 = arith.constant 0 : index
    %get3A_1722 = arith.constant 0 : index
    %get3A_1723 = vector.load %arg56[%get3A_1719, %get3A_1720, %get3A_1721, %get3A_1722] : memref<1x1x16x275xf32, #tpu.memory_space<vmem>>, vector<1x1x16x275xf32>
    %get3A_1724 = vector.shape_cast %get3A_1723 : vector<1x1x16x275xf32> to vector<16x275xf32>
    %mul3A_1725 = vector.broadcast %convert_element_type3A_1706 : vector<16x1xf32> to vector<16x275xf32>
    %mul3A_1726 = arith.mulf %get3A_1718, %mul3A_1725 : vector<16x275xf32>
    %reduce_sum3A_1727 = arith.constant dense<0.000000e+00> : vector<275xf32>
    %reduce_sum3A_1728 = vector.multi_reduction <add>, %mul3A_1726, %reduce_sum3A_1727 [0] : vector<16x275xf32> to vector<275xf32>
    %broadcast_in_dim3A_1729 = vector.shape_cast %reduce_sum3A_1728 : vector<275xf32> to vector<1x275xf32>
    %mul3A_1730 = vector.broadcast %convert_element_type3A_1712 : vector<16x1xf32> to vector<16x275xf32>
    %mul3A_1731 = arith.mulf %get3A_1718, %mul3A_1730 : vector<16x275xf32>
    %reduce_sum3A_1732 = arith.constant dense<0.000000e+00> : vector<275xf32>
    %reduce_sum3A_1733 = vector.multi_reduction <add>, %mul3A_1731, %reduce_sum3A_1732 [0] : vector<16x275xf32> to vector<275xf32>
    %broadcast_in_dim3A_1734 = vector.shape_cast %reduce_sum3A_1733 : vector<275xf32> to vector<1x275xf32>
    %mul3A_1735 = vector.broadcast %convert_element_type3A_1706 : vector<16x1xf32> to vector<16x275xf32>
    %mul3A_1736 = arith.mulf %get3A_1724, %mul3A_1735 : vector<16x275xf32>
    %reduce_sum3A_1737 = arith.constant dense<0.000000e+00> : vector<275xf32>
    %reduce_sum3A_1738 = vector.multi_reduction <add>, %mul3A_1736, %reduce_sum3A_1737 [0] : vector<16x275xf32> to vector<275xf32>
    %broadcast_in_dim3A_1739 = vector.shape_cast %reduce_sum3A_1738 : vector<275xf32> to vector<1x275xf32>
    %mul3A_1740 = vector.broadcast %convert_element_type3A_1712 : vector<16x1xf32> to vector<16x275xf32>
    %mul3A_1741 = arith.mulf %get3A_1724, %mul3A_1740 : vector<16x275xf32>
    %reduce_sum3A_1742 = arith.constant dense<0.000000e+00> : vector<275xf32>
    %reduce_sum3A_1743 = vector.multi_reduction <add>, %mul3A_1741, %reduce_sum3A_1742 [0] : vector<16x275xf32> to vector<275xf32>
    %broadcast_in_dim3A_1744 = vector.shape_cast %reduce_sum3A_1743 : vector<275xf32> to vector<1x275xf32>
    %get3A_1745 = arith.constant 24 : index
    %get3A_1746 = arith.constant 0 : index
    %get3A_1747 = vector.load %arg6[%get3A_1745, %get3A_1746] : memref<32x4xf32, #tpu.memory_space<vmem>>, vector<1x1xf32>
    %mul3A_1748 = vector.broadcast %get3A_1747 : vector<1x1xf32> to vector<1x275xf32>
    %mul3A_1749 = arith.mulf %broadcast_in_dim3A_1729, %mul3A_1748 : vector<1x275xf32>
    %get3A_1750 = arith.constant 24 : index
    %get3A_1751 = arith.constant 1 : index
    %get3A_1752 = vector.load %arg6[%get3A_1750, %get3A_1751] : memref<32x4xf32, #tpu.memory_space<vmem>>, vector<1x1xf32>
    %mul3A_1753 = vector.broadcast %get3A_1752 : vector<1x1xf32> to vector<1x275xf32>
    %mul3A_1754 = arith.mulf %broadcast_in_dim3A_1734, %mul3A_1753 : vector<1x275xf32>
    %add3A_1755 = arith.addf %mul3A_1749, %mul3A_1754 : vector<1x275xf32>
    %get3A_1756 = arith.constant 24 : index
    %get3A_1757 = arith.constant 2 : index
    %get3A_1758 = vector.load %arg6[%get3A_1756, %get3A_1757] : memref<32x4xf32, #tpu.memory_space<vmem>>, vector<1x1xf32>
    %mul3A_1759 = vector.broadcast %get3A_1758 : vector<1x1xf32> to vector<1x275xf32>
    %mul3A_1760 = arith.mulf %broadcast_in_dim3A_1739, %mul3A_1759 : vector<1x275xf32>
    %add3A_1761 = arith.addf %add3A_1755, %mul3A_1760 : vector<1x275xf32>
    %get3A_1762 = arith.constant 24 : index
    %get3A_1763 = arith.constant 3 : index
    %get3A_1764 = vector.load %arg6[%get3A_1762, %get3A_1763] : memref<32x4xf32, #tpu.memory_space<vmem>>, vector<1x1xf32>
    %mul3A_1765 = vector.broadcast %get3A_1764 : vector<1x1xf32> to vector<1x275xf32>
    %mul3A_1766 = arith.mulf %broadcast_in_dim3A_1744, %mul3A_1765 : vector<1x275xf32>
    %add3A_1767 = arith.addf %add3A_1761, %mul3A_1766 : vector<1x275xf32>
    %mul3A_1768 = arith.constant 32 : i32
    %mul3A_1769 = arith.muli %mul3A_1768, %arg0 : i32
    %add3A_1770 = arith.constant 25 : i32
    %add3A_1771 = arith.addi %mul3A_1769, %add3A_1770 : i32
    %get3A_1772 = arith.index_cast %add3A_1771 : i32 to index
    %get3A_1773 = memref.load %arg4[%get3A_1772] : memref<8192xi32, #tpu.memory_space<smem>>
    %eq3A_1774 = vector.broadcast %get3A_1773 : i32 to vector<16x1xi32>
    %eq3A_1775 = arith.cmpi eq, %iota3A, %eq3A_1774 : vector<16x1xi32>
    %convert_element_type3A_1776 = arith.extui %eq3A_1775 : vector<16x1xi1> to vector<16x1xi32>
    %convert_element_type3A_1777 = arith.sitofp %convert_element_type3A_1776 : vector<16x1xi32> to vector<16x1xf32>
    %get3A_1778 = arith.index_cast %add3A_1771 : i32 to index
    %get3A_1779 = memref.load %arg5[%get3A_1778] : memref<8192xi32, #tpu.memory_space<smem>>
    %eq3A_1780 = vector.broadcast %get3A_1779 : i32 to vector<16x1xi32>
    %eq3A_1781 = arith.cmpi eq, %iota3A, %eq3A_1780 : vector<16x1xi32>
    %convert_element_type3A_1782 = arith.extui %eq3A_1781 : vector<16x1xi1> to vector<16x1xi32>
    %convert_element_type3A_1783 = arith.sitofp %convert_element_type3A_1782 : vector<16x1xi32> to vector<16x1xf32>
    %get3A_1784 = arith.constant 0 : index
    %get3A_1785 = arith.constant 0 : index
    %get3A_1786 = arith.constant 0 : index
    %get3A_1787 = arith.constant 0 : index
    %get3A_1788 = vector.load %arg57[%get3A_1784, %get3A_1785, %get3A_1786, %get3A_1787] : memref<1x1x16x275xf32, #tpu.memory_space<vmem>>, vector<1x1x16x275xf32>
    %get3A_1789 = vector.shape_cast %get3A_1788 : vector<1x1x16x275xf32> to vector<16x275xf32>
    %get3A_1790 = arith.constant 0 : index
    %get3A_1791 = arith.constant 0 : index
    %get3A_1792 = arith.constant 0 : index
    %get3A_1793 = arith.constant 0 : index
    %get3A_1794 = vector.load %arg58[%get3A_1790, %get3A_1791, %get3A_1792, %get3A_1793] : memref<1x1x16x275xf32, #tpu.memory_space<vmem>>, vector<1x1x16x275xf32>
    %get3A_1795 = vector.shape_cast %get3A_1794 : vector<1x1x16x275xf32> to vector<16x275xf32>
    %mul3A_1796 = vector.broadcast %convert_element_type3A_1777 : vector<16x1xf32> to vector<16x275xf32>
    %mul3A_1797 = arith.mulf %get3A_1789, %mul3A_1796 : vector<16x275xf32>
    %reduce_sum3A_1798 = arith.constant dense<0.000000e+00> : vector<275xf32>
    %reduce_sum3A_1799 = vector.multi_reduction <add>, %mul3A_1797, %reduce_sum3A_1798 [0] : vector<16x275xf32> to vector<275xf32>
    %broadcast_in_dim3A_1800 = vector.shape_cast %reduce_sum3A_1799 : vector<275xf32> to vector<1x275xf32>
    %mul3A_1801 = vector.broadcast %convert_element_type3A_1783 : vector<16x1xf32> to vector<16x275xf32>
    %mul3A_1802 = arith.mulf %get3A_1789, %mul3A_1801 : vector<16x275xf32>
    %reduce_sum3A_1803 = arith.constant dense<0.000000e+00> : vector<275xf32>
    %reduce_sum3A_1804 = vector.multi_reduction <add>, %mul3A_1802, %reduce_sum3A_1803 [0] : vector<16x275xf32> to vector<275xf32>
    %broadcast_in_dim3A_1805 = vector.shape_cast %reduce_sum3A_1804 : vector<275xf32> to vector<1x275xf32>
    %mul3A_1806 = vector.broadcast %convert_element_type3A_1777 : vector<16x1xf32> to vector<16x275xf32>
    %mul3A_1807 = arith.mulf %get3A_1795, %mul3A_1806 : vector<16x275xf32>
    %reduce_sum3A_1808 = arith.constant dense<0.000000e+00> : vector<275xf32>
    %reduce_sum3A_1809 = vector.multi_reduction <add>, %mul3A_1807, %reduce_sum3A_1808 [0] : vector<16x275xf32> to vector<275xf32>
    %broadcast_in_dim3A_1810 = vector.shape_cast %reduce_sum3A_1809 : vector<275xf32> to vector<1x275xf32>
    %mul3A_1811 = vector.broadcast %convert_element_type3A_1783 : vector<16x1xf32> to vector<16x275xf32>
    %mul3A_1812 = arith.mulf %get3A_1795, %mul3A_1811 : vector<16x275xf32>
    %reduce_sum3A_1813 = arith.constant dense<0.000000e+00> : vector<275xf32>
    %reduce_sum3A_1814 = vector.multi_reduction <add>, %mul3A_1812, %reduce_sum3A_1813 [0] : vector<16x275xf32> to vector<275xf32>
    %broadcast_in_dim3A_1815 = vector.shape_cast %reduce_sum3A_1814 : vector<275xf32> to vector<1x275xf32>
    %get3A_1816 = arith.constant 25 : index
    %get3A_1817 = arith.constant 0 : index
    %get3A_1818 = vector.load %arg6[%get3A_1816, %get3A_1817] : memref<32x4xf32, #tpu.memory_space<vmem>>, vector<1x1xf32>
    %mul3A_1819 = vector.broadcast %get3A_1818 : vector<1x1xf32> to vector<1x275xf32>
    %mul3A_1820 = arith.mulf %broadcast_in_dim3A_1800, %mul3A_1819 : vector<1x275xf32>
    %get3A_1821 = arith.constant 25 : index
    %get3A_1822 = arith.constant 1 : index
    %get3A_1823 = vector.load %arg6[%get3A_1821, %get3A_1822] : memref<32x4xf32, #tpu.memory_space<vmem>>, vector<1x1xf32>
    %mul3A_1824 = vector.broadcast %get3A_1823 : vector<1x1xf32> to vector<1x275xf32>
    %mul3A_1825 = arith.mulf %broadcast_in_dim3A_1805, %mul3A_1824 : vector<1x275xf32>
    %add3A_1826 = arith.addf %mul3A_1820, %mul3A_1825 : vector<1x275xf32>
    %get3A_1827 = arith.constant 25 : index
    %get3A_1828 = arith.constant 2 : index
    %get3A_1829 = vector.load %arg6[%get3A_1827, %get3A_1828] : memref<32x4xf32, #tpu.memory_space<vmem>>, vector<1x1xf32>
    %mul3A_1830 = vector.broadcast %get3A_1829 : vector<1x1xf32> to vector<1x275xf32>
    %mul3A_1831 = arith.mulf %broadcast_in_dim3A_1810, %mul3A_1830 : vector<1x275xf32>
    %add3A_1832 = arith.addf %add3A_1826, %mul3A_1831 : vector<1x275xf32>
    %get3A_1833 = arith.constant 25 : index
    %get3A_1834 = arith.constant 3 : index
    %get3A_1835 = vector.load %arg6[%get3A_1833, %get3A_1834] : memref<32x4xf32, #tpu.memory_space<vmem>>, vector<1x1xf32>
    %mul3A_1836 = vector.broadcast %get3A_1835 : vector<1x1xf32> to vector<1x275xf32>
    %mul3A_1837 = arith.mulf %broadcast_in_dim3A_1815, %mul3A_1836 : vector<1x275xf32>
    %add3A_1838 = arith.addf %add3A_1832, %mul3A_1837 : vector<1x275xf32>
    %mul3A_1839 = arith.constant 32 : i32
    %mul3A_1840 = arith.muli %mul3A_1839, %arg0 : i32
    %add3A_1841 = arith.constant 26 : i32
    %add3A_1842 = arith.addi %mul3A_1840, %add3A_1841 : i32
    %get3A_1843 = arith.index_cast %add3A_1842 : i32 to index
    %get3A_1844 = memref.load %arg4[%get3A_1843] : memref<8192xi32, #tpu.memory_space<smem>>
    %eq3A_1845 = vector.broadcast %get3A_1844 : i32 to vector<16x1xi32>
    %eq3A_1846 = arith.cmpi eq, %iota3A, %eq3A_1845 : vector<16x1xi32>
    %convert_element_type3A_1847 = arith.extui %eq3A_1846 : vector<16x1xi1> to vector<16x1xi32>
    %convert_element_type3A_1848 = arith.sitofp %convert_element_type3A_1847 : vector<16x1xi32> to vector<16x1xf32>
    %get3A_1849 = arith.index_cast %add3A_1842 : i32 to index
    %get3A_1850 = memref.load %arg5[%get3A_1849] : memref<8192xi32, #tpu.memory_space<smem>>
    %eq3A_1851 = vector.broadcast %get3A_1850 : i32 to vector<16x1xi32>
    %eq3A_1852 = arith.cmpi eq, %iota3A, %eq3A_1851 : vector<16x1xi32>
    %convert_element_type3A_1853 = arith.extui %eq3A_1852 : vector<16x1xi1> to vector<16x1xi32>
    %convert_element_type3A_1854 = arith.sitofp %convert_element_type3A_1853 : vector<16x1xi32> to vector<16x1xf32>
    %get3A_1855 = arith.constant 0 : index
    %get3A_1856 = arith.constant 0 : index
    %get3A_1857 = arith.constant 0 : index
    %get3A_1858 = arith.constant 0 : index
    %get3A_1859 = vector.load %arg59[%get3A_1855, %get3A_1856, %get3A_1857, %get3A_1858] : memref<1x1x16x275xf32, #tpu.memory_space<vmem>>, vector<1x1x16x275xf32>
    %get3A_1860 = vector.shape_cast %get3A_1859 : vector<1x1x16x275xf32> to vector<16x275xf32>
    %get3A_1861 = arith.constant 0 : index
    %get3A_1862 = arith.constant 0 : index
    %get3A_1863 = arith.constant 0 : index
    %get3A_1864 = arith.constant 0 : index
    %get3A_1865 = vector.load %arg60[%get3A_1861, %get3A_1862, %get3A_1863, %get3A_1864] : memref<1x1x16x275xf32, #tpu.memory_space<vmem>>, vector<1x1x16x275xf32>
    %get3A_1866 = vector.shape_cast %get3A_1865 : vector<1x1x16x275xf32> to vector<16x275xf32>
    %mul3A_1867 = vector.broadcast %convert_element_type3A_1848 : vector<16x1xf32> to vector<16x275xf32>
    %mul3A_1868 = arith.mulf %get3A_1860, %mul3A_1867 : vector<16x275xf32>
    %reduce_sum3A_1869 = arith.constant dense<0.000000e+00> : vector<275xf32>
    %reduce_sum3A_1870 = vector.multi_reduction <add>, %mul3A_1868, %reduce_sum3A_1869 [0] : vector<16x275xf32> to vector<275xf32>
    %broadcast_in_dim3A_1871 = vector.shape_cast %reduce_sum3A_1870 : vector<275xf32> to vector<1x275xf32>
    %mul3A_1872 = vector.broadcast %convert_element_type3A_1854 : vector<16x1xf32> to vector<16x275xf32>
    %mul3A_1873 = arith.mulf %get3A_1860, %mul3A_1872 : vector<16x275xf32>
    %reduce_sum3A_1874 = arith.constant dense<0.000000e+00> : vector<275xf32>
    %reduce_sum3A_1875 = vector.multi_reduction <add>, %mul3A_1873, %reduce_sum3A_1874 [0] : vector<16x275xf32> to vector<275xf32>
    %broadcast_in_dim3A_1876 = vector.shape_cast %reduce_sum3A_1875 : vector<275xf32> to vector<1x275xf32>
    %mul3A_1877 = vector.broadcast %convert_element_type3A_1848 : vector<16x1xf32> to vector<16x275xf32>
    %mul3A_1878 = arith.mulf %get3A_1866, %mul3A_1877 : vector<16x275xf32>
    %reduce_sum3A_1879 = arith.constant dense<0.000000e+00> : vector<275xf32>
    %reduce_sum3A_1880 = vector.multi_reduction <add>, %mul3A_1878, %reduce_sum3A_1879 [0] : vector<16x275xf32> to vector<275xf32>
    %broadcast_in_dim3A_1881 = vector.shape_cast %reduce_sum3A_1880 : vector<275xf32> to vector<1x275xf32>
    %mul3A_1882 = vector.broadcast %convert_element_type3A_1854 : vector<16x1xf32> to vector<16x275xf32>
    %mul3A_1883 = arith.mulf %get3A_1866, %mul3A_1882 : vector<16x275xf32>
    %reduce_sum3A_1884 = arith.constant dense<0.000000e+00> : vector<275xf32>
    %reduce_sum3A_1885 = vector.multi_reduction <add>, %mul3A_1883, %reduce_sum3A_1884 [0] : vector<16x275xf32> to vector<275xf32>
    %broadcast_in_dim3A_1886 = vector.shape_cast %reduce_sum3A_1885 : vector<275xf32> to vector<1x275xf32>
    %get3A_1887 = arith.constant 26 : index
    %get3A_1888 = arith.constant 0 : index
    %get3A_1889 = vector.load %arg6[%get3A_1887, %get3A_1888] : memref<32x4xf32, #tpu.memory_space<vmem>>, vector<1x1xf32>
    %mul3A_1890 = vector.broadcast %get3A_1889 : vector<1x1xf32> to vector<1x275xf32>
    %mul3A_1891 = arith.mulf %broadcast_in_dim3A_1871, %mul3A_1890 : vector<1x275xf32>
    %get3A_1892 = arith.constant 26 : index
    %get3A_1893 = arith.constant 1 : index
    %get3A_1894 = vector.load %arg6[%get3A_1892, %get3A_1893] : memref<32x4xf32, #tpu.memory_space<vmem>>, vector<1x1xf32>
    %mul3A_1895 = vector.broadcast %get3A_1894 : vector<1x1xf32> to vector<1x275xf32>
    %mul3A_1896 = arith.mulf %broadcast_in_dim3A_1876, %mul3A_1895 : vector<1x275xf32>
    %add3A_1897 = arith.addf %mul3A_1891, %mul3A_1896 : vector<1x275xf32>
    %get3A_1898 = arith.constant 26 : index
    %get3A_1899 = arith.constant 2 : index
    %get3A_1900 = vector.load %arg6[%get3A_1898, %get3A_1899] : memref<32x4xf32, #tpu.memory_space<vmem>>, vector<1x1xf32>
    %mul3A_1901 = vector.broadcast %get3A_1900 : vector<1x1xf32> to vector<1x275xf32>
    %mul3A_1902 = arith.mulf %broadcast_in_dim3A_1881, %mul3A_1901 : vector<1x275xf32>
    %add3A_1903 = arith.addf %add3A_1897, %mul3A_1902 : vector<1x275xf32>
    %get3A_1904 = arith.constant 26 : index
    %get3A_1905 = arith.constant 3 : index
    %get3A_1906 = vector.load %arg6[%get3A_1904, %get3A_1905] : memref<32x4xf32, #tpu.memory_space<vmem>>, vector<1x1xf32>
    %mul3A_1907 = vector.broadcast %get3A_1906 : vector<1x1xf32> to vector<1x275xf32>
    %mul3A_1908 = arith.mulf %broadcast_in_dim3A_1886, %mul3A_1907 : vector<1x275xf32>
    %add3A_1909 = arith.addf %add3A_1903, %mul3A_1908 : vector<1x275xf32>
    %mul3A_1910 = arith.constant 32 : i32
    %mul3A_1911 = arith.muli %mul3A_1910, %arg0 : i32
    %add3A_1912 = arith.constant 27 : i32
    %add3A_1913 = arith.addi %mul3A_1911, %add3A_1912 : i32
    %get3A_1914 = arith.index_cast %add3A_1913 : i32 to index
    %get3A_1915 = memref.load %arg4[%get3A_1914] : memref<8192xi32, #tpu.memory_space<smem>>
    %eq3A_1916 = vector.broadcast %get3A_1915 : i32 to vector<16x1xi32>
    %eq3A_1917 = arith.cmpi eq, %iota3A, %eq3A_1916 : vector<16x1xi32>
    %convert_element_type3A_1918 = arith.extui %eq3A_1917 : vector<16x1xi1> to vector<16x1xi32>
    %convert_element_type3A_1919 = arith.sitofp %convert_element_type3A_1918 : vector<16x1xi32> to vector<16x1xf32>
    %get3A_1920 = arith.index_cast %add3A_1913 : i32 to index
    %get3A_1921 = memref.load %arg5[%get3A_1920] : memref<8192xi32, #tpu.memory_space<smem>>
    %eq3A_1922 = vector.broadcast %get3A_1921 : i32 to vector<16x1xi32>
    %eq3A_1923 = arith.cmpi eq, %iota3A, %eq3A_1922 : vector<16x1xi32>
    %convert_element_type3A_1924 = arith.extui %eq3A_1923 : vector<16x1xi1> to vector<16x1xi32>
    %convert_element_type3A_1925 = arith.sitofp %convert_element_type3A_1924 : vector<16x1xi32> to vector<16x1xf32>
    %get3A_1926 = arith.constant 0 : index
    %get3A_1927 = arith.constant 0 : index
    %get3A_1928 = arith.constant 0 : index
    %get3A_1929 = arith.constant 0 : index
    %get3A_1930 = vector.load %arg61[%get3A_1926, %get3A_1927, %get3A_1928, %get3A_1929] : memref<1x1x16x275xf32, #tpu.memory_space<vmem>>, vector<1x1x16x275xf32>
    %get3A_1931 = vector.shape_cast %get3A_1930 : vector<1x1x16x275xf32> to vector<16x275xf32>
    %get3A_1932 = arith.constant 0 : index
    %get3A_1933 = arith.constant 0 : index
    %get3A_1934 = arith.constant 0 : index
    %get3A_1935 = arith.constant 0 : index
    %get3A_1936 = vector.load %arg62[%get3A_1932, %get3A_1933, %get3A_1934, %get3A_1935] : memref<1x1x16x275xf32, #tpu.memory_space<vmem>>, vector<1x1x16x275xf32>
    %get3A_1937 = vector.shape_cast %get3A_1936 : vector<1x1x16x275xf32> to vector<16x275xf32>
    %mul3A_1938 = vector.broadcast %convert_element_type3A_1919 : vector<16x1xf32> to vector<16x275xf32>
    %mul3A_1939 = arith.mulf %get3A_1931, %mul3A_1938 : vector<16x275xf32>
    %reduce_sum3A_1940 = arith.constant dense<0.000000e+00> : vector<275xf32>
    %reduce_sum3A_1941 = vector.multi_reduction <add>, %mul3A_1939, %reduce_sum3A_1940 [0] : vector<16x275xf32> to vector<275xf32>
    %broadcast_in_dim3A_1942 = vector.shape_cast %reduce_sum3A_1941 : vector<275xf32> to vector<1x275xf32>
    %mul3A_1943 = vector.broadcast %convert_element_type3A_1925 : vector<16x1xf32> to vector<16x275xf32>
    %mul3A_1944 = arith.mulf %get3A_1931, %mul3A_1943 : vector<16x275xf32>
    %reduce_sum3A_1945 = arith.constant dense<0.000000e+00> : vector<275xf32>
    %reduce_sum3A_1946 = vector.multi_reduction <add>, %mul3A_1944, %reduce_sum3A_1945 [0] : vector<16x275xf32> to vector<275xf32>
    %broadcast_in_dim3A_1947 = vector.shape_cast %reduce_sum3A_1946 : vector<275xf32> to vector<1x275xf32>
    %mul3A_1948 = vector.broadcast %convert_element_type3A_1919 : vector<16x1xf32> to vector<16x275xf32>
    %mul3A_1949 = arith.mulf %get3A_1937, %mul3A_1948 : vector<16x275xf32>
    %reduce_sum3A_1950 = arith.constant dense<0.000000e+00> : vector<275xf32>
    %reduce_sum3A_1951 = vector.multi_reduction <add>, %mul3A_1949, %reduce_sum3A_1950 [0] : vector<16x275xf32> to vector<275xf32>
    %broadcast_in_dim3A_1952 = vector.shape_cast %reduce_sum3A_1951 : vector<275xf32> to vector<1x275xf32>
    %mul3A_1953 = vector.broadcast %convert_element_type3A_1925 : vector<16x1xf32> to vector<16x275xf32>
    %mul3A_1954 = arith.mulf %get3A_1937, %mul3A_1953 : vector<16x275xf32>
    %reduce_sum3A_1955 = arith.constant dense<0.000000e+00> : vector<275xf32>
    %reduce_sum3A_1956 = vector.multi_reduction <add>, %mul3A_1954, %reduce_sum3A_1955 [0] : vector<16x275xf32> to vector<275xf32>
    %broadcast_in_dim3A_1957 = vector.shape_cast %reduce_sum3A_1956 : vector<275xf32> to vector<1x275xf32>
    %get3A_1958 = arith.constant 27 : index
    %get3A_1959 = arith.constant 0 : index
    %get3A_1960 = vector.load %arg6[%get3A_1958, %get3A_1959] : memref<32x4xf32, #tpu.memory_space<vmem>>, vector<1x1xf32>
    %mul3A_1961 = vector.broadcast %get3A_1960 : vector<1x1xf32> to vector<1x275xf32>
    %mul3A_1962 = arith.mulf %broadcast_in_dim3A_1942, %mul3A_1961 : vector<1x275xf32>
    %get3A_1963 = arith.constant 27 : index
    %get3A_1964 = arith.constant 1 : index
    %get3A_1965 = vector.load %arg6[%get3A_1963, %get3A_1964] : memref<32x4xf32, #tpu.memory_space<vmem>>, vector<1x1xf32>
    %mul3A_1966 = vector.broadcast %get3A_1965 : vector<1x1xf32> to vector<1x275xf32>
    %mul3A_1967 = arith.mulf %broadcast_in_dim3A_1947, %mul3A_1966 : vector<1x275xf32>
    %add3A_1968 = arith.addf %mul3A_1962, %mul3A_1967 : vector<1x275xf32>
    %get3A_1969 = arith.constant 27 : index
    %get3A_1970 = arith.constant 2 : index
    %get3A_1971 = vector.load %arg6[%get3A_1969, %get3A_1970] : memref<32x4xf32, #tpu.memory_space<vmem>>, vector<1x1xf32>
    %mul3A_1972 = vector.broadcast %get3A_1971 : vector<1x1xf32> to vector<1x275xf32>
    %mul3A_1973 = arith.mulf %broadcast_in_dim3A_1952, %mul3A_1972 : vector<1x275xf32>
    %add3A_1974 = arith.addf %add3A_1968, %mul3A_1973 : vector<1x275xf32>
    %get3A_1975 = arith.constant 27 : index
    %get3A_1976 = arith.constant 3 : index
    %get3A_1977 = vector.load %arg6[%get3A_1975, %get3A_1976] : memref<32x4xf32, #tpu.memory_space<vmem>>, vector<1x1xf32>
    %mul3A_1978 = vector.broadcast %get3A_1977 : vector<1x1xf32> to vector<1x275xf32>
    %mul3A_1979 = arith.mulf %broadcast_in_dim3A_1957, %mul3A_1978 : vector<1x275xf32>
    %add3A_1980 = arith.addf %add3A_1974, %mul3A_1979 : vector<1x275xf32>
    %mul3A_1981 = arith.constant 32 : i32
    %mul3A_1982 = arith.muli %mul3A_1981, %arg0 : i32
    %add3A_1983 = arith.constant 28 : i32
    %add3A_1984 = arith.addi %mul3A_1982, %add3A_1983 : i32
    %get3A_1985 = arith.index_cast %add3A_1984 : i32 to index
    %get3A_1986 = memref.load %arg4[%get3A_1985] : memref<8192xi32, #tpu.memory_space<smem>>
    %eq3A_1987 = vector.broadcast %get3A_1986 : i32 to vector<16x1xi32>
    %eq3A_1988 = arith.cmpi eq, %iota3A, %eq3A_1987 : vector<16x1xi32>
    %convert_element_type3A_1989 = arith.extui %eq3A_1988 : vector<16x1xi1> to vector<16x1xi32>
    %convert_element_type3A_1990 = arith.sitofp %convert_element_type3A_1989 : vector<16x1xi32> to vector<16x1xf32>
    %get3A_1991 = arith.index_cast %add3A_1984 : i32 to index
    %get3A_1992 = memref.load %arg5[%get3A_1991] : memref<8192xi32, #tpu.memory_space<smem>>
    %eq3A_1993 = vector.broadcast %get3A_1992 : i32 to vector<16x1xi32>
    %eq3A_1994 = arith.cmpi eq, %iota3A, %eq3A_1993 : vector<16x1xi32>
    %convert_element_type3A_1995 = arith.extui %eq3A_1994 : vector<16x1xi1> to vector<16x1xi32>
    %convert_element_type3A_1996 = arith.sitofp %convert_element_type3A_1995 : vector<16x1xi32> to vector<16x1xf32>
    %get3A_1997 = arith.constant 0 : index
    %get3A_1998 = arith.constant 0 : index
    %get3A_1999 = arith.constant 0 : index
    %get3A_2000 = arith.constant 0 : index
    %get3A_2001 = vector.load %arg63[%get3A_1997, %get3A_1998, %get3A_1999, %get3A_2000] : memref<1x1x16x275xf32, #tpu.memory_space<vmem>>, vector<1x1x16x275xf32>
    %get3A_2002 = vector.shape_cast %get3A_2001 : vector<1x1x16x275xf32> to vector<16x275xf32>
    %get3A_2003 = arith.constant 0 : index
    %get3A_2004 = arith.constant 0 : index
    %get3A_2005 = arith.constant 0 : index
    %get3A_2006 = arith.constant 0 : index
    %get3A_2007 = vector.load %arg64[%get3A_2003, %get3A_2004, %get3A_2005, %get3A_2006] : memref<1x1x16x275xf32, #tpu.memory_space<vmem>>, vector<1x1x16x275xf32>
    %get3A_2008 = vector.shape_cast %get3A_2007 : vector<1x1x16x275xf32> to vector<16x275xf32>
    %mul3A_2009 = vector.broadcast %convert_element_type3A_1990 : vector<16x1xf32> to vector<16x275xf32>
    %mul3A_2010 = arith.mulf %get3A_2002, %mul3A_2009 : vector<16x275xf32>
    %reduce_sum3A_2011 = arith.constant dense<0.000000e+00> : vector<275xf32>
    %reduce_sum3A_2012 = vector.multi_reduction <add>, %mul3A_2010, %reduce_sum3A_2011 [0] : vector<16x275xf32> to vector<275xf32>
    %broadcast_in_dim3A_2013 = vector.shape_cast %reduce_sum3A_2012 : vector<275xf32> to vector<1x275xf32>
    %mul3A_2014 = vector.broadcast %convert_element_type3A_1996 : vector<16x1xf32> to vector<16x275xf32>
    %mul3A_2015 = arith.mulf %get3A_2002, %mul3A_2014 : vector<16x275xf32>
    %reduce_sum3A_2016 = arith.constant dense<0.000000e+00> : vector<275xf32>
    %reduce_sum3A_2017 = vector.multi_reduction <add>, %mul3A_2015, %reduce_sum3A_2016 [0] : vector<16x275xf32> to vector<275xf32>
    %broadcast_in_dim3A_2018 = vector.shape_cast %reduce_sum3A_2017 : vector<275xf32> to vector<1x275xf32>
    %mul3A_2019 = vector.broadcast %convert_element_type3A_1990 : vector<16x1xf32> to vector<16x275xf32>
    %mul3A_2020 = arith.mulf %get3A_2008, %mul3A_2019 : vector<16x275xf32>
    %reduce_sum3A_2021 = arith.constant dense<0.000000e+00> : vector<275xf32>
    %reduce_sum3A_2022 = vector.multi_reduction <add>, %mul3A_2020, %reduce_sum3A_2021 [0] : vector<16x275xf32> to vector<275xf32>
    %broadcast_in_dim3A_2023 = vector.shape_cast %reduce_sum3A_2022 : vector<275xf32> to vector<1x275xf32>
    %mul3A_2024 = vector.broadcast %convert_element_type3A_1996 : vector<16x1xf32> to vector<16x275xf32>
    %mul3A_2025 = arith.mulf %get3A_2008, %mul3A_2024 : vector<16x275xf32>
    %reduce_sum3A_2026 = arith.constant dense<0.000000e+00> : vector<275xf32>
    %reduce_sum3A_2027 = vector.multi_reduction <add>, %mul3A_2025, %reduce_sum3A_2026 [0] : vector<16x275xf32> to vector<275xf32>
    %broadcast_in_dim3A_2028 = vector.shape_cast %reduce_sum3A_2027 : vector<275xf32> to vector<1x275xf32>
    %get3A_2029 = arith.constant 28 : index
    %get3A_2030 = arith.constant 0 : index
    %get3A_2031 = vector.load %arg6[%get3A_2029, %get3A_2030] : memref<32x4xf32, #tpu.memory_space<vmem>>, vector<1x1xf32>
    %mul3A_2032 = vector.broadcast %get3A_2031 : vector<1x1xf32> to vector<1x275xf32>
    %mul3A_2033 = arith.mulf %broadcast_in_dim3A_2013, %mul3A_2032 : vector<1x275xf32>
    %get3A_2034 = arith.constant 28 : index
    %get3A_2035 = arith.constant 1 : index
    %get3A_2036 = vector.load %arg6[%get3A_2034, %get3A_2035] : memref<32x4xf32, #tpu.memory_space<vmem>>, vector<1x1xf32>
    %mul3A_2037 = vector.broadcast %get3A_2036 : vector<1x1xf32> to vector<1x275xf32>
    %mul3A_2038 = arith.mulf %broadcast_in_dim3A_2018, %mul3A_2037 : vector<1x275xf32>
    %add3A_2039 = arith.addf %mul3A_2033, %mul3A_2038 : vector<1x275xf32>
    %get3A_2040 = arith.constant 28 : index
    %get3A_2041 = arith.constant 2 : index
    %get3A_2042 = vector.load %arg6[%get3A_2040, %get3A_2041] : memref<32x4xf32, #tpu.memory_space<vmem>>, vector<1x1xf32>
    %mul3A_2043 = vector.broadcast %get3A_2042 : vector<1x1xf32> to vector<1x275xf32>
    %mul3A_2044 = arith.mulf %broadcast_in_dim3A_2023, %mul3A_2043 : vector<1x275xf32>
    %add3A_2045 = arith.addf %add3A_2039, %mul3A_2044 : vector<1x275xf32>
    %get3A_2046 = arith.constant 28 : index
    %get3A_2047 = arith.constant 3 : index
    %get3A_2048 = vector.load %arg6[%get3A_2046, %get3A_2047] : memref<32x4xf32, #tpu.memory_space<vmem>>, vector<1x1xf32>
    %mul3A_2049 = vector.broadcast %get3A_2048 : vector<1x1xf32> to vector<1x275xf32>
    %mul3A_2050 = arith.mulf %broadcast_in_dim3A_2028, %mul3A_2049 : vector<1x275xf32>
    %add3A_2051 = arith.addf %add3A_2045, %mul3A_2050 : vector<1x275xf32>
    %mul3A_2052 = arith.constant 32 : i32
    %mul3A_2053 = arith.muli %mul3A_2052, %arg0 : i32
    %add3A_2054 = arith.constant 29 : i32
    %add3A_2055 = arith.addi %mul3A_2053, %add3A_2054 : i32
    %get3A_2056 = arith.index_cast %add3A_2055 : i32 to index
    %get3A_2057 = memref.load %arg4[%get3A_2056] : memref<8192xi32, #tpu.memory_space<smem>>
    %eq3A_2058 = vector.broadcast %get3A_2057 : i32 to vector<16x1xi32>
    %eq3A_2059 = arith.cmpi eq, %iota3A, %eq3A_2058 : vector<16x1xi32>
    %convert_element_type3A_2060 = arith.extui %eq3A_2059 : vector<16x1xi1> to vector<16x1xi32>
    %convert_element_type3A_2061 = arith.sitofp %convert_element_type3A_2060 : vector<16x1xi32> to vector<16x1xf32>
    %get3A_2062 = arith.index_cast %add3A_2055 : i32 to index
    %get3A_2063 = memref.load %arg5[%get3A_2062] : memref<8192xi32, #tpu.memory_space<smem>>
    %eq3A_2064 = vector.broadcast %get3A_2063 : i32 to vector<16x1xi32>
    %eq3A_2065 = arith.cmpi eq, %iota3A, %eq3A_2064 : vector<16x1xi32>
    %convert_element_type3A_2066 = arith.extui %eq3A_2065 : vector<16x1xi1> to vector<16x1xi32>
    %convert_element_type3A_2067 = arith.sitofp %convert_element_type3A_2066 : vector<16x1xi32> to vector<16x1xf32>
    %get3A_2068 = arith.constant 0 : index
    %get3A_2069 = arith.constant 0 : index
    %get3A_2070 = arith.constant 0 : index
    %get3A_2071 = arith.constant 0 : index
    %get3A_2072 = vector.load %arg65[%get3A_2068, %get3A_2069, %get3A_2070, %get3A_2071] : memref<1x1x16x275xf32, #tpu.memory_space<vmem>>, vector<1x1x16x275xf32>
    %get3A_2073 = vector.shape_cast %get3A_2072 : vector<1x1x16x275xf32> to vector<16x275xf32>
    %get3A_2074 = arith.constant 0 : index
    %get3A_2075 = arith.constant 0 : index
    %get3A_2076 = arith.constant 0 : index
    %get3A_2077 = arith.constant 0 : index
    %get3A_2078 = vector.load %arg66[%get3A_2074, %get3A_2075, %get3A_2076, %get3A_2077] : memref<1x1x16x275xf32, #tpu.memory_space<vmem>>, vector<1x1x16x275xf32>
    %get3A_2079 = vector.shape_cast %get3A_2078 : vector<1x1x16x275xf32> to vector<16x275xf32>
    %mul3A_2080 = vector.broadcast %convert_element_type3A_2061 : vector<16x1xf32> to vector<16x275xf32>
    %mul3A_2081 = arith.mulf %get3A_2073, %mul3A_2080 : vector<16x275xf32>
    %reduce_sum3A_2082 = arith.constant dense<0.000000e+00> : vector<275xf32>
    %reduce_sum3A_2083 = vector.multi_reduction <add>, %mul3A_2081, %reduce_sum3A_2082 [0] : vector<16x275xf32> to vector<275xf32>
    %broadcast_in_dim3A_2084 = vector.shape_cast %reduce_sum3A_2083 : vector<275xf32> to vector<1x275xf32>
    %mul3A_2085 = vector.broadcast %convert_element_type3A_2067 : vector<16x1xf32> to vector<16x275xf32>
    %mul3A_2086 = arith.mulf %get3A_2073, %mul3A_2085 : vector<16x275xf32>
    %reduce_sum3A_2087 = arith.constant dense<0.000000e+00> : vector<275xf32>
    %reduce_sum3A_2088 = vector.multi_reduction <add>, %mul3A_2086, %reduce_sum3A_2087 [0] : vector<16x275xf32> to vector<275xf32>
    %broadcast_in_dim3A_2089 = vector.shape_cast %reduce_sum3A_2088 : vector<275xf32> to vector<1x275xf32>
    %mul3A_2090 = vector.broadcast %convert_element_type3A_2061 : vector<16x1xf32> to vector<16x275xf32>
    %mul3A_2091 = arith.mulf %get3A_2079, %mul3A_2090 : vector<16x275xf32>
    %reduce_sum3A_2092 = arith.constant dense<0.000000e+00> : vector<275xf32>
    %reduce_sum3A_2093 = vector.multi_reduction <add>, %mul3A_2091, %reduce_sum3A_2092 [0] : vector<16x275xf32> to vector<275xf32>
    %broadcast_in_dim3A_2094 = vector.shape_cast %reduce_sum3A_2093 : vector<275xf32> to vector<1x275xf32>
    %mul3A_2095 = vector.broadcast %convert_element_type3A_2067 : vector<16x1xf32> to vector<16x275xf32>
    %mul3A_2096 = arith.mulf %get3A_2079, %mul3A_2095 : vector<16x275xf32>
    %reduce_sum3A_2097 = arith.constant dense<0.000000e+00> : vector<275xf32>
    %reduce_sum3A_2098 = vector.multi_reduction <add>, %mul3A_2096, %reduce_sum3A_2097 [0] : vector<16x275xf32> to vector<275xf32>
    %broadcast_in_dim3A_2099 = vector.shape_cast %reduce_sum3A_2098 : vector<275xf32> to vector<1x275xf32>
    %get3A_2100 = arith.constant 29 : index
    %get3A_2101 = arith.constant 0 : index
    %get3A_2102 = vector.load %arg6[%get3A_2100, %get3A_2101] : memref<32x4xf32, #tpu.memory_space<vmem>>, vector<1x1xf32>
    %mul3A_2103 = vector.broadcast %get3A_2102 : vector<1x1xf32> to vector<1x275xf32>
    %mul3A_2104 = arith.mulf %broadcast_in_dim3A_2084, %mul3A_2103 : vector<1x275xf32>
    %get3A_2105 = arith.constant 29 : index
    %get3A_2106 = arith.constant 1 : index
    %get3A_2107 = vector.load %arg6[%get3A_2105, %get3A_2106] : memref<32x4xf32, #tpu.memory_space<vmem>>, vector<1x1xf32>
    %mul3A_2108 = vector.broadcast %get3A_2107 : vector<1x1xf32> to vector<1x275xf32>
    %mul3A_2109 = arith.mulf %broadcast_in_dim3A_2089, %mul3A_2108 : vector<1x275xf32>
    %add3A_2110 = arith.addf %mul3A_2104, %mul3A_2109 : vector<1x275xf32>
    %get3A_2111 = arith.constant 29 : index
    %get3A_2112 = arith.constant 2 : index
    %get3A_2113 = vector.load %arg6[%get3A_2111, %get3A_2112] : memref<32x4xf32, #tpu.memory_space<vmem>>, vector<1x1xf32>
    %mul3A_2114 = vector.broadcast %get3A_2113 : vector<1x1xf32> to vector<1x275xf32>
    %mul3A_2115 = arith.mulf %broadcast_in_dim3A_2094, %mul3A_2114 : vector<1x275xf32>
    %add3A_2116 = arith.addf %add3A_2110, %mul3A_2115 : vector<1x275xf32>
    %get3A_2117 = arith.constant 29 : index
    %get3A_2118 = arith.constant 3 : index
    %get3A_2119 = vector.load %arg6[%get3A_2117, %get3A_2118] : memref<32x4xf32, #tpu.memory_space<vmem>>, vector<1x1xf32>
    %mul3A_2120 = vector.broadcast %get3A_2119 : vector<1x1xf32> to vector<1x275xf32>
    %mul3A_2121 = arith.mulf %broadcast_in_dim3A_2099, %mul3A_2120 : vector<1x275xf32>
    %add3A_2122 = arith.addf %add3A_2116, %mul3A_2121 : vector<1x275xf32>
    %mul3A_2123 = arith.constant 32 : i32
    %mul3A_2124 = arith.muli %mul3A_2123, %arg0 : i32
    %add3A_2125 = arith.constant 30 : i32
    %add3A_2126 = arith.addi %mul3A_2124, %add3A_2125 : i32
    %get3A_2127 = arith.index_cast %add3A_2126 : i32 to index
    %get3A_2128 = memref.load %arg4[%get3A_2127] : memref<8192xi32, #tpu.memory_space<smem>>
    %eq3A_2129 = vector.broadcast %get3A_2128 : i32 to vector<16x1xi32>
    %eq3A_2130 = arith.cmpi eq, %iota3A, %eq3A_2129 : vector<16x1xi32>
    %convert_element_type3A_2131 = arith.extui %eq3A_2130 : vector<16x1xi1> to vector<16x1xi32>
    %convert_element_type3A_2132 = arith.sitofp %convert_element_type3A_2131 : vector<16x1xi32> to vector<16x1xf32>
    %get3A_2133 = arith.index_cast %add3A_2126 : i32 to index
    %get3A_2134 = memref.load %arg5[%get3A_2133] : memref<8192xi32, #tpu.memory_space<smem>>
    %eq3A_2135 = vector.broadcast %get3A_2134 : i32 to vector<16x1xi32>
    %eq3A_2136 = arith.cmpi eq, %iota3A, %eq3A_2135 : vector<16x1xi32>
    %convert_element_type3A_2137 = arith.extui %eq3A_2136 : vector<16x1xi1> to vector<16x1xi32>
    %convert_element_type3A_2138 = arith.sitofp %convert_element_type3A_2137 : vector<16x1xi32> to vector<16x1xf32>
    %get3A_2139 = arith.constant 0 : index
    %get3A_2140 = arith.constant 0 : index
    %get3A_2141 = arith.constant 0 : index
    %get3A_2142 = arith.constant 0 : index
    %get3A_2143 = vector.load %arg67[%get3A_2139, %get3A_2140, %get3A_2141, %get3A_2142] : memref<1x1x16x275xf32, #tpu.memory_space<vmem>>, vector<1x1x16x275xf32>
    %get3A_2144 = vector.shape_cast %get3A_2143 : vector<1x1x16x275xf32> to vector<16x275xf32>
    %get3A_2145 = arith.constant 0 : index
    %get3A_2146 = arith.constant 0 : index
    %get3A_2147 = arith.constant 0 : index
    %get3A_2148 = arith.constant 0 : index
    %get3A_2149 = vector.load %arg68[%get3A_2145, %get3A_2146, %get3A_2147, %get3A_2148] : memref<1x1x16x275xf32, #tpu.memory_space<vmem>>, vector<1x1x16x275xf32>
    %get3A_2150 = vector.shape_cast %get3A_2149 : vector<1x1x16x275xf32> to vector<16x275xf32>
    %mul3A_2151 = vector.broadcast %convert_element_type3A_2132 : vector<16x1xf32> to vector<16x275xf32>
    %mul3A_2152 = arith.mulf %get3A_2144, %mul3A_2151 : vector<16x275xf32>
    %reduce_sum3A_2153 = arith.constant dense<0.000000e+00> : vector<275xf32>
    %reduce_sum3A_2154 = vector.multi_reduction <add>, %mul3A_2152, %reduce_sum3A_2153 [0] : vector<16x275xf32> to vector<275xf32>
    %broadcast_in_dim3A_2155 = vector.shape_cast %reduce_sum3A_2154 : vector<275xf32> to vector<1x275xf32>
    %mul3A_2156 = vector.broadcast %convert_element_type3A_2138 : vector<16x1xf32> to vector<16x275xf32>
    %mul3A_2157 = arith.mulf %get3A_2144, %mul3A_2156 : vector<16x275xf32>
    %reduce_sum3A_2158 = arith.constant dense<0.000000e+00> : vector<275xf32>
    %reduce_sum3A_2159 = vector.multi_reduction <add>, %mul3A_2157, %reduce_sum3A_2158 [0] : vector<16x275xf32> to vector<275xf32>
    %broadcast_in_dim3A_2160 = vector.shape_cast %reduce_sum3A_2159 : vector<275xf32> to vector<1x275xf32>
    %mul3A_2161 = vector.broadcast %convert_element_type3A_2132 : vector<16x1xf32> to vector<16x275xf32>
    %mul3A_2162 = arith.mulf %get3A_2150, %mul3A_2161 : vector<16x275xf32>
    %reduce_sum3A_2163 = arith.constant dense<0.000000e+00> : vector<275xf32>
    %reduce_sum3A_2164 = vector.multi_reduction <add>, %mul3A_2162, %reduce_sum3A_2163 [0] : vector<16x275xf32> to vector<275xf32>
    %broadcast_in_dim3A_2165 = vector.shape_cast %reduce_sum3A_2164 : vector<275xf32> to vector<1x275xf32>
    %mul3A_2166 = vector.broadcast %convert_element_type3A_2138 : vector<16x1xf32> to vector<16x275xf32>
    %mul3A_2167 = arith.mulf %get3A_2150, %mul3A_2166 : vector<16x275xf32>
    %reduce_sum3A_2168 = arith.constant dense<0.000000e+00> : vector<275xf32>
    %reduce_sum3A_2169 = vector.multi_reduction <add>, %mul3A_2167, %reduce_sum3A_2168 [0] : vector<16x275xf32> to vector<275xf32>
    %broadcast_in_dim3A_2170 = vector.shape_cast %reduce_sum3A_2169 : vector<275xf32> to vector<1x275xf32>
    %get3A_2171 = arith.constant 30 : index
    %get3A_2172 = arith.constant 0 : index
    %get3A_2173 = vector.load %arg6[%get3A_2171, %get3A_2172] : memref<32x4xf32, #tpu.memory_space<vmem>>, vector<1x1xf32>
    %mul3A_2174 = vector.broadcast %get3A_2173 : vector<1x1xf32> to vector<1x275xf32>
    %mul3A_2175 = arith.mulf %broadcast_in_dim3A_2155, %mul3A_2174 : vector<1x275xf32>
    %get3A_2176 = arith.constant 30 : index
    %get3A_2177 = arith.constant 1 : index
    %get3A_2178 = vector.load %arg6[%get3A_2176, %get3A_2177] : memref<32x4xf32, #tpu.memory_space<vmem>>, vector<1x1xf32>
    %mul3A_2179 = vector.broadcast %get3A_2178 : vector<1x1xf32> to vector<1x275xf32>
    %mul3A_2180 = arith.mulf %broadcast_in_dim3A_2160, %mul3A_2179 : vector<1x275xf32>
    %add3A_2181 = arith.addf %mul3A_2175, %mul3A_2180 : vector<1x275xf32>
    %get3A_2182 = arith.constant 30 : index
    %get3A_2183 = arith.constant 2 : index
    %get3A_2184 = vector.load %arg6[%get3A_2182, %get3A_2183] : memref<32x4xf32, #tpu.memory_space<vmem>>, vector<1x1xf32>
    %mul3A_2185 = vector.broadcast %get3A_2184 : vector<1x1xf32> to vector<1x275xf32>
    %mul3A_2186 = arith.mulf %broadcast_in_dim3A_2165, %mul3A_2185 : vector<1x275xf32>
    %add3A_2187 = arith.addf %add3A_2181, %mul3A_2186 : vector<1x275xf32>
    %get3A_2188 = arith.constant 30 : index
    %get3A_2189 = arith.constant 3 : index
    %get3A_2190 = vector.load %arg6[%get3A_2188, %get3A_2189] : memref<32x4xf32, #tpu.memory_space<vmem>>, vector<1x1xf32>
    %mul3A_2191 = vector.broadcast %get3A_2190 : vector<1x1xf32> to vector<1x275xf32>
    %mul3A_2192 = arith.mulf %broadcast_in_dim3A_2170, %mul3A_2191 : vector<1x275xf32>
    %add3A_2193 = arith.addf %add3A_2187, %mul3A_2192 : vector<1x275xf32>
    %mul3A_2194 = arith.constant 32 : i32
    %mul3A_2195 = arith.muli %mul3A_2194, %arg0 : i32
    %add3A_2196 = arith.constant 31 : i32
    %add3A_2197 = arith.addi %mul3A_2195, %add3A_2196 : i32
    %get3A_2198 = arith.index_cast %add3A_2197 : i32 to index
    %get3A_2199 = memref.load %arg4[%get3A_2198] : memref<8192xi32, #tpu.memory_space<smem>>
    %eq3A_2200 = vector.broadcast %get3A_2199 : i32 to vector<16x1xi32>
    %eq3A_2201 = arith.cmpi eq, %iota3A, %eq3A_2200 : vector<16x1xi32>
    %convert_element_type3A_2202 = arith.extui %eq3A_2201 : vector<16x1xi1> to vector<16x1xi32>
    %convert_element_type3A_2203 = arith.sitofp %convert_element_type3A_2202 : vector<16x1xi32> to vector<16x1xf32>
    %get3A_2204 = arith.index_cast %add3A_2197 : i32 to index
    %get3A_2205 = memref.load %arg5[%get3A_2204] : memref<8192xi32, #tpu.memory_space<smem>>
    %eq3A_2206 = vector.broadcast %get3A_2205 : i32 to vector<16x1xi32>
    %eq3A_2207 = arith.cmpi eq, %iota3A, %eq3A_2206 : vector<16x1xi32>
    %convert_element_type3A_2208 = arith.extui %eq3A_2207 : vector<16x1xi1> to vector<16x1xi32>
    %convert_element_type3A_2209 = arith.sitofp %convert_element_type3A_2208 : vector<16x1xi32> to vector<16x1xf32>
    %get3A_2210 = arith.constant 0 : index
    %get3A_2211 = arith.constant 0 : index
    %get3A_2212 = arith.constant 0 : index
    %get3A_2213 = arith.constant 0 : index
    %get3A_2214 = vector.load %arg69[%get3A_2210, %get3A_2211, %get3A_2212, %get3A_2213] : memref<1x1x16x275xf32, #tpu.memory_space<vmem>>, vector<1x1x16x275xf32>
    %get3A_2215 = vector.shape_cast %get3A_2214 : vector<1x1x16x275xf32> to vector<16x275xf32>
    %get3A_2216 = arith.constant 0 : index
    %get3A_2217 = arith.constant 0 : index
    %get3A_2218 = arith.constant 0 : index
    %get3A_2219 = arith.constant 0 : index
    %get3A_2220 = vector.load %arg70[%get3A_2216, %get3A_2217, %get3A_2218, %get3A_2219] : memref<1x1x16x275xf32, #tpu.memory_space<vmem>>, vector<1x1x16x275xf32>
    %get3A_2221 = vector.shape_cast %get3A_2220 : vector<1x1x16x275xf32> to vector<16x275xf32>
    %mul3A_2222 = vector.broadcast %convert_element_type3A_2203 : vector<16x1xf32> to vector<16x275xf32>
    %mul3A_2223 = arith.mulf %get3A_2215, %mul3A_2222 : vector<16x275xf32>
    %reduce_sum3A_2224 = arith.constant dense<0.000000e+00> : vector<275xf32>
    %reduce_sum3A_2225 = vector.multi_reduction <add>, %mul3A_2223, %reduce_sum3A_2224 [0] : vector<16x275xf32> to vector<275xf32>
    %broadcast_in_dim3A_2226 = vector.shape_cast %reduce_sum3A_2225 : vector<275xf32> to vector<1x275xf32>
    %mul3A_2227 = vector.broadcast %convert_element_type3A_2209 : vector<16x1xf32> to vector<16x275xf32>
    %mul3A_2228 = arith.mulf %get3A_2215, %mul3A_2227 : vector<16x275xf32>
    %reduce_sum3A_2229 = arith.constant dense<0.000000e+00> : vector<275xf32>
    %reduce_sum3A_2230 = vector.multi_reduction <add>, %mul3A_2228, %reduce_sum3A_2229 [0] : vector<16x275xf32> to vector<275xf32>
    %broadcast_in_dim3A_2231 = vector.shape_cast %reduce_sum3A_2230 : vector<275xf32> to vector<1x275xf32>
    %mul3A_2232 = vector.broadcast %convert_element_type3A_2203 : vector<16x1xf32> to vector<16x275xf32>
    %mul3A_2233 = arith.mulf %get3A_2221, %mul3A_2232 : vector<16x275xf32>
    %reduce_sum3A_2234 = arith.constant dense<0.000000e+00> : vector<275xf32>
    %reduce_sum3A_2235 = vector.multi_reduction <add>, %mul3A_2233, %reduce_sum3A_2234 [0] : vector<16x275xf32> to vector<275xf32>
    %broadcast_in_dim3A_2236 = vector.shape_cast %reduce_sum3A_2235 : vector<275xf32> to vector<1x275xf32>
    %mul3A_2237 = vector.broadcast %convert_element_type3A_2209 : vector<16x1xf32> to vector<16x275xf32>
    %mul3A_2238 = arith.mulf %get3A_2221, %mul3A_2237 : vector<16x275xf32>
    %reduce_sum3A_2239 = arith.constant dense<0.000000e+00> : vector<275xf32>
    %reduce_sum3A_2240 = vector.multi_reduction <add>, %mul3A_2238, %reduce_sum3A_2239 [0] : vector<16x275xf32> to vector<275xf32>
    %broadcast_in_dim3A_2241 = vector.shape_cast %reduce_sum3A_2240 : vector<275xf32> to vector<1x275xf32>
    %get3A_2242 = arith.constant 31 : index
    %get3A_2243 = arith.constant 0 : index
    %get3A_2244 = vector.load %arg6[%get3A_2242, %get3A_2243] : memref<32x4xf32, #tpu.memory_space<vmem>>, vector<1x1xf32>
    %mul3A_2245 = vector.broadcast %get3A_2244 : vector<1x1xf32> to vector<1x275xf32>
    %mul3A_2246 = arith.mulf %broadcast_in_dim3A_2226, %mul3A_2245 : vector<1x275xf32>
    %get3A_2247 = arith.constant 31 : index
    %get3A_2248 = arith.constant 1 : index
    %get3A_2249 = vector.load %arg6[%get3A_2247, %get3A_2248] : memref<32x4xf32, #tpu.memory_space<vmem>>, vector<1x1xf32>
    %mul3A_2250 = vector.broadcast %get3A_2249 : vector<1x1xf32> to vector<1x275xf32>
    %mul3A_2251 = arith.mulf %broadcast_in_dim3A_2231, %mul3A_2250 : vector<1x275xf32>
    %add3A_2252 = arith.addf %mul3A_2246, %mul3A_2251 : vector<1x275xf32>
    %get3A_2253 = arith.constant 31 : index
    %get3A_2254 = arith.constant 2 : index
    %get3A_2255 = vector.load %arg6[%get3A_2253, %get3A_2254] : memref<32x4xf32, #tpu.memory_space<vmem>>, vector<1x1xf32>
    %mul3A_2256 = vector.broadcast %get3A_2255 : vector<1x1xf32> to vector<1x275xf32>
    %mul3A_2257 = arith.mulf %broadcast_in_dim3A_2236, %mul3A_2256 : vector<1x275xf32>
    %add3A_2258 = arith.addf %add3A_2252, %mul3A_2257 : vector<1x275xf32>
    %get3A_2259 = arith.constant 31 : index
    %get3A_2260 = arith.constant 3 : index
    %get3A_2261 = vector.load %arg6[%get3A_2259, %get3A_2260] : memref<32x4xf32, #tpu.memory_space<vmem>>, vector<1x1xf32>
    %mul3A_2262 = vector.broadcast %get3A_2261 : vector<1x1xf32> to vector<1x275xf32>
    %mul3A_2263 = arith.mulf %broadcast_in_dim3A_2241, %mul3A_2262 : vector<1x275xf32>
    %add3A_2264 = arith.addf %add3A_2258, %mul3A_2263 : vector<1x275xf32>
    %concatenate3A = tpu.concatenate %add3A_63, %add3A_134, %add3A_205, %add3A_276, %add3A_347, %add3A_418, %add3A_489, %add3A_560, %add3A_631, %add3A_702, %add3A_773, %add3A_844, %add3A_915, %add3A_986, %add3A_1057, %add3A_1128, %add3A_1199, %add3A_1270, %add3A_1341, %add3A_1412, %add3A_1483, %add3A_1554, %add3A_1625, %add3A_1696, %add3A_1767, %add3A_1838, %add3A_1909, %add3A_1980, %add3A_2051, %add3A_2122, %add3A_2193, %add3A_2264 in 0 : vector<1x275xf32>, vector<1x275xf32>, vector<1x275xf32>, vector<1x275xf32>, vector<1x275xf32>, vector<1x275xf32>, vector<1x275xf32>, vector<1x275xf32>, vector<1x275xf32>, vector<1x275xf32>, vector<1x275xf32>, vector<1x275xf32>, vector<1x275xf32>, vector<1x275xf32>, vector<1x275xf32>, vector<1x275xf32>, vector<1x275xf32>, vector<1x275xf32>, vector<1x275xf32>, vector<1x275xf32>, vector<1x275xf32>, vector<1x275xf32>, vector<1x275xf32>, vector<1x275xf32>, vector<1x275xf32>, vector<1x275xf32>, vector<1x275xf32>, vector<1x275xf32>, vector<1x275xf32>, vector<1x275xf32>, vector<1x275xf32>, vector<1x275xf32> -> vector<32x275xf32>
    %swap3A = arith.constant 0 : index
    %swap3A_2265 = arith.constant 0 : index
    %swap3A_2266 = vector.load %arg71[%swap3A, %swap3A_2265] : memref<32x275xf32, #tpu.memory_space<vmem>>, vector<32x275xf32>
    tpu.vector_store %arg71[%swap3A, %swap3A_2265], %concatenate3A {strides = array<i32>} : memref<32x275xf32, #tpu.memory_space<vmem>>, vector<32x275xf32>,
    return
  }
  func.func @transform_0(%arg0: i32, %arg1: memref<8192xi32, #tpu.memory_space<smem>>, %arg2: memref<8192xi32, #tpu.memory_space<smem>>, %arg3: memref<8192xi32, #tpu.memory_space<smem>>, %arg4: memref<8192xi32, #tpu.memory_space<smem>>, %arg5: memref<8192xi32, #tpu.memory_space<smem>>) -> (i32, i32) {
    %c0_i32 = arith.constant 0 : i32
    %c0_i32_0 = arith.constant 0 : i32
    return %arg0, %c0_i32 : i32, i32
  }
  func.func @transform_1(%arg0: i32, %arg1: memref<8192xi32, #tpu.memory_space<smem>>, %arg2: memref<8192xi32, #tpu.memory_space<smem>>, %arg3: memref<8192xi32, #tpu.memory_space<smem>>, %arg4: memref<8192xi32, #tpu.memory_space<smem>>, %arg5: memref<8192xi32, #tpu.memory_space<smem>>) -> (i32, i32, i32, i32) {
    %mul3A = arith.constant 32 : i32
    %mul3A_0 = arith.muli %mul3A, %arg0 : i32
    %add3A = arith.constant 0 : i32
    %add3A_1 = arith.addi %mul3A_0, %add3A : i32
    %get3A = arith.index_cast %add3A_1 : i32 to index
    %get3A_2 = memref.load %arg1[%get3A] : memref<8192xi32, #tpu.memory_space<smem>>
    %mul3A_3 = arith.constant 32 : i32
    %mul3A_4 = arith.muli %mul3A_3, %arg0 : i32
    %add3A_5 = arith.constant 0 : i32
    %add3A_6 = arith.addi %mul3A_4, %add3A_5 : i32
    %get3A_7 = arith.index_cast %add3A_6 : i32 to index
    %get3A_8 = memref.load %arg3[%get3A_7] : memref<8192xi32, #tpu.memory_space<smem>>
    %c0_i32 = arith.constant 0 : i32
    %c0_i32_9 = arith.constant 0 : i32
    %c0_i32_10 = arith.constant 0 : i32
    return %get3A_2, %get3A_8, %c0_i32, %c0_i32_9 : i32, i32, i32, i32
  }
  func.func @transform_2(%arg0: i32, %arg1: memref<8192xi32, #tpu.memory_space<smem>>, %arg2: memref<8192xi32, #tpu.memory_space<smem>>, %arg3: memref<8192xi32, #tpu.memory_space<smem>>, %arg4: memref<8192xi32, #tpu.memory_space<smem>>, %arg5: memref<8192xi32, #tpu.memory_space<smem>>) -> (i32, i32, i32, i32) {
    %mul3A = arith.constant 32 : i32
    %mul3A_0 = arith.muli %mul3A, %arg0 : i32
    %add3A = arith.constant 0 : i32
    %add3A_1 = arith.addi %mul3A_0, %add3A : i32
    %get3A = arith.index_cast %add3A_1 : i32 to index
    %get3A_2 = memref.load %arg2[%get3A] : memref<8192xi32, #tpu.memory_space<smem>>
    %mul3A_3 = arith.constant 32 : i32
    %mul3A_4 = arith.muli %mul3A_3, %arg0 : i32
    %add3A_5 = arith.constant 0 : i32
    %add3A_6 = arith.addi %mul3A_4, %add3A_5 : i32
    %get3A_7 = arith.index_cast %add3A_6 : i32 to index
    %get3A_8 = memref.load %arg3[%get3A_7] : memref<8192xi32, #tpu.memory_space<smem>>
    %c0_i32 = arith.constant 0 : i32
    %c0_i32_9 = arith.constant 0 : i32
    %c0_i32_10 = arith.constant 0 : i32
    return %get3A_2, %get3A_8, %c0_i32, %c0_i32_9 : i32, i32, i32, i32
  }
  func.func @transform_3(%arg0: i32, %arg1: memref<8192xi32, #tpu.memory_space<smem>>, %arg2: memref<8192xi32, #tpu.memory_space<smem>>, %arg3: memref<8192xi32, #tpu.memory_space<smem>>, %arg4: memref<8192xi32, #tpu.memory_space<smem>>, %arg5: memref<8192xi32, #tpu.memory_space<smem>>) -> (i32, i32, i32, i32) {
    %mul3A = arith.constant 32 : i32
    %mul3A_0 = arith.muli %mul3A, %arg0 : i32
    %add3A = arith.constant 1 : i32
    %add3A_1 = arith.addi %mul3A_0, %add3A : i32
    %get3A = arith.index_cast %add3A_1 : i32 to index
    %get3A_2 = memref.load %arg1[%get3A] : memref<8192xi32, #tpu.memory_space<smem>>
    %mul3A_3 = arith.constant 32 : i32
    %mul3A_4 = arith.muli %mul3A_3, %arg0 : i32
    %add3A_5 = arith.constant 1 : i32
    %add3A_6 = arith.addi %mul3A_4, %add3A_5 : i32
    %get3A_7 = arith.index_cast %add3A_6 : i32 to index
    %get3A_8 = memref.load %arg3[%get3A_7] : memref<8192xi32, #tpu.memory_space<smem>>
    %c0_i32 = arith.constant 0 : i32
    %c0_i32_9 = arith.constant 0 : i32
    %c0_i32_10 = arith.constant 0 : i32
    return %get3A_2, %get3A_8, %c0_i32, %c0_i32_9 : i32, i32, i32, i32
  }
  func.func @transform_4(%arg0: i32, %arg1: memref<8192xi32, #tpu.memory_space<smem>>, %arg2: memref<8192xi32, #tpu.memory_space<smem>>, %arg3: memref<8192xi32, #tpu.memory_space<smem>>, %arg4: memref<8192xi32, #tpu.memory_space<smem>>, %arg5: memref<8192xi32, #tpu.memory_space<smem>>) -> (i32, i32, i32, i32) {
    %mul3A = arith.constant 32 : i32
    %mul3A_0 = arith.muli %mul3A, %arg0 : i32
    %add3A = arith.constant 1 : i32
    %add3A_1 = arith.addi %mul3A_0, %add3A : i32
    %get3A = arith.index_cast %add3A_1 : i32 to index
    %get3A_2 = memref.load %arg2[%get3A] : memref<8192xi32, #tpu.memory_space<smem>>
    %mul3A_3 = arith.constant 32 : i32
    %mul3A_4 = arith.muli %mul3A_3, %arg0 : i32
    %add3A_5 = arith.constant 1 : i32
    %add3A_6 = arith.addi %mul3A_4, %add3A_5 : i32
    %get3A_7 = arith.index_cast %add3A_6 : i32 to index
    %get3A_8 = memref.load %arg3[%get3A_7] : memref<8192xi32, #tpu.memory_space<smem>>
    %c0_i32 = arith.constant 0 : i32
    %c0_i32_9 = arith.constant 0 : i32
    %c0_i32_10 = arith.constant 0 : i32
    return %get3A_2, %get3A_8, %c0_i32, %c0_i32_9 : i32, i32, i32, i32
  }
  func.func @transform_5(%arg0: i32, %arg1: memref<8192xi32, #tpu.memory_space<smem>>, %arg2: memref<8192xi32, #tpu.memory_space<smem>>, %arg3: memref<8192xi32, #tpu.memory_space<smem>>, %arg4: memref<8192xi32, #tpu.memory_space<smem>>, %arg5: memref<8192xi32, #tpu.memory_space<smem>>) -> (i32, i32, i32, i32) {
    %mul3A = arith.constant 32 : i32
    %mul3A_0 = arith.muli %mul3A, %arg0 : i32
    %add3A = arith.constant 2 : i32
    %add3A_1 = arith.addi %mul3A_0, %add3A : i32
    %get3A = arith.index_cast %add3A_1 : i32 to index
    %get3A_2 = memref.load %arg1[%get3A] : memref<8192xi32, #tpu.memory_space<smem>>
    %mul3A_3 = arith.constant 32 : i32
    %mul3A_4 = arith.muli %mul3A_3, %arg0 : i32
    %add3A_5 = arith.constant 2 : i32
    %add3A_6 = arith.addi %mul3A_4, %add3A_5 : i32
    %get3A_7 = arith.index_cast %add3A_6 : i32 to index
    %get3A_8 = memref.load %arg3[%get3A_7] : memref<8192xi32, #tpu.memory_space<smem>>
    %c0_i32 = arith.constant 0 : i32
    %c0_i32_9 = arith.constant 0 : i32
    %c0_i32_10 = arith.constant 0 : i32
    return %get3A_2, %get3A_8, %c0_i32, %c0_i32_9 : i32, i32, i32, i32
  }
  func.func @transform_6(%arg0: i32, %arg1: memref<8192xi32, #tpu.memory_space<smem>>, %arg2: memref<8192xi32, #tpu.memory_space<smem>>, %arg3: memref<8192xi32, #tpu.memory_space<smem>>, %arg4: memref<8192xi32, #tpu.memory_space<smem>>, %arg5: memref<8192xi32, #tpu.memory_space<smem>>) -> (i32, i32, i32, i32) {
    %mul3A = arith.constant 32 : i32
    %mul3A_0 = arith.muli %mul3A, %arg0 : i32
    %add3A = arith.constant 2 : i32
    %add3A_1 = arith.addi %mul3A_0, %add3A : i32
    %get3A = arith.index_cast %add3A_1 : i32 to index
    %get3A_2 = memref.load %arg2[%get3A] : memref<8192xi32, #tpu.memory_space<smem>>
    %mul3A_3 = arith.constant 32 : i32
    %mul3A_4 = arith.muli %mul3A_3, %arg0 : i32
    %add3A_5 = arith.constant 2 : i32
    %add3A_6 = arith.addi %mul3A_4, %add3A_5 : i32
    %get3A_7 = arith.index_cast %add3A_6 : i32 to index
    %get3A_8 = memref.load %arg3[%get3A_7] : memref<8192xi32, #tpu.memory_space<smem>>
    %c0_i32 = arith.constant 0 : i32
    %c0_i32_9 = arith.constant 0 : i32
    %c0_i32_10 = arith.constant 0 : i32
    return %get3A_2, %get3A_8, %c0_i32, %c0_i32_9 : i32, i32, i32, i32
  }
  func.func @transform_7(%arg0: i32, %arg1: memref<8192xi32, #tpu.memory_space<smem>>, %arg2: memref<8192xi32, #tpu.memory_space<smem>>, %arg3: memref<8192xi32, #tpu.memory_space<smem>>, %arg4: memref<8192xi32, #tpu.memory_space<smem>>, %arg5: memref<8192xi32, #tpu.memory_space<smem>>) -> (i32, i32, i32, i32) {
    %mul3A = arith.constant 32 : i32
    %mul3A_0 = arith.muli %mul3A, %arg0 : i32
    %add3A = arith.constant 3 : i32
    %add3A_1 = arith.addi %mul3A_0, %add3A : i32
    %get3A = arith.index_cast %add3A_1 : i32 to index
    %get3A_2 = memref.load %arg1[%get3A] : memref<8192xi32, #tpu.memory_space<smem>>
    %mul3A_3 = arith.constant 32 : i32
    %mul3A_4 = arith.muli %mul3A_3, %arg0 : i32
    %add3A_5 = arith.constant 3 : i32
    %add3A_6 = arith.addi %mul3A_4, %add3A_5 : i32
    %get3A_7 = arith.index_cast %add3A_6 : i32 to index
    %get3A_8 = memref.load %arg3[%get3A_7] : memref<8192xi32, #tpu.memory_space<smem>>
    %c0_i32 = arith.constant 0 : i32
    %c0_i32_9 = arith.constant 0 : i32
    %c0_i32_10 = arith.constant 0 : i32
    return %get3A_2, %get3A_8, %c0_i32, %c0_i32_9 : i32, i32, i32, i32
  }
  func.func @transform_8(%arg0: i32, %arg1: memref<8192xi32, #tpu.memory_space<smem>>, %arg2: memref<8192xi32, #tpu.memory_space<smem>>, %arg3: memref<8192xi32, #tpu.memory_space<smem>>, %arg4: memref<8192xi32, #tpu.memory_space<smem>>, %arg5: memref<8192xi32, #tpu.memory_space<smem>>) -> (i32, i32, i32, i32) {
    %mul3A = arith.constant 32 : i32
    %mul3A_0 = arith.muli %mul3A, %arg0 : i32
    %add3A = arith.constant 3 : i32
    %add3A_1 = arith.addi %mul3A_0, %add3A : i32
    %get3A = arith.index_cast %add3A_1 : i32 to index
    %get3A_2 = memref.load %arg2[%get3A] : memref<8192xi32, #tpu.memory_space<smem>>
    %mul3A_3 = arith.constant 32 : i32
    %mul3A_4 = arith.muli %mul3A_3, %arg0 : i32
    %add3A_5 = arith.constant 3 : i32
    %add3A_6 = arith.addi %mul3A_4, %add3A_5 : i32
    %get3A_7 = arith.index_cast %add3A_6 : i32 to index
    %get3A_8 = memref.load %arg3[%get3A_7] : memref<8192xi32, #tpu.memory_space<smem>>
    %c0_i32 = arith.constant 0 : i32
    %c0_i32_9 = arith.constant 0 : i32
    %c0_i32_10 = arith.constant 0 : i32
    return %get3A_2, %get3A_8, %c0_i32, %c0_i32_9 : i32, i32, i32, i32
  }
  func.func @transform_9(%arg0: i32, %arg1: memref<8192xi32, #tpu.memory_space<smem>>, %arg2: memref<8192xi32, #tpu.memory_space<smem>>, %arg3: memref<8192xi32, #tpu.memory_space<smem>>, %arg4: memref<8192xi32, #tpu.memory_space<smem>>, %arg5: memref<8192xi32, #tpu.memory_space<smem>>) -> (i32, i32, i32, i32) {
    %mul3A = arith.constant 32 : i32
    %mul3A_0 = arith.muli %mul3A, %arg0 : i32
    %add3A = arith.constant 4 : i32
    %add3A_1 = arith.addi %mul3A_0, %add3A : i32
    %get3A = arith.index_cast %add3A_1 : i32 to index
    %get3A_2 = memref.load %arg1[%get3A] : memref<8192xi32, #tpu.memory_space<smem>>
    %mul3A_3 = arith.constant 32 : i32
    %mul3A_4 = arith.muli %mul3A_3, %arg0 : i32
    %add3A_5 = arith.constant 4 : i32
    %add3A_6 = arith.addi %mul3A_4, %add3A_5 : i32
    %get3A_7 = arith.index_cast %add3A_6 : i32 to index
    %get3A_8 = memref.load %arg3[%get3A_7] : memref<8192xi32, #tpu.memory_space<smem>>
    %c0_i32 = arith.constant 0 : i32
    %c0_i32_9 = arith.constant 0 : i32
    %c0_i32_10 = arith.constant 0 : i32
    return %get3A_2, %get3A_8, %c0_i32, %c0_i32_9 : i32, i32, i32, i32
  }
  func.func @transform_10(%arg0: i32, %arg1: memref<8192xi32, #tpu.memory_space<smem>>, %arg2: memref<8192xi32, #tpu.memory_space<smem>>, %arg3: memref<8192xi32, #tpu.memory_space<smem>>, %arg4: memref<8192xi32, #tpu.memory_space<smem>>, %arg5: memref<8192xi32, #tpu.memory_space<smem>>) -> (i32, i32, i32, i32) {
    %mul3A = arith.constant 32 : i32
    %mul3A_0 = arith.muli %mul3A, %arg0 : i32
    %add3A = arith.constant 4 : i32
    %add3A_1 = arith.addi %mul3A_0, %add3A : i32
    %get3A = arith.index_cast %add3A_1 : i32 to index
    %get3A_2 = memref.load %arg2[%get3A] : memref<8192xi32, #tpu.memory_space<smem>>
    %mul3A_3 = arith.constant 32 : i32
    %mul3A_4 = arith.muli %mul3A_3, %arg0 : i32
    %add3A_5 = arith.constant 4 : i32
    %add3A_6 = arith.addi %mul3A_4, %add3A_5 : i32
    %get3A_7 = arith.index_cast %add3A_6 : i32 to index
    %get3A_8 = memref.load %arg3[%get3A_7] : memref<8192xi32, #tpu.memory_space<smem>>
    %c0_i32 = arith.constant 0 : i32
    %c0_i32_9 = arith.constant 0 : i32
    %c0_i32_10 = arith.constant 0 : i32
    return %get3A_2, %get3A_8, %c0_i32, %c0_i32_9 : i32, i32, i32, i32
  }
  func.func @transform_11(%arg0: i32, %arg1: memref<8192xi32, #tpu.memory_space<smem>>, %arg2: memref<8192xi32, #tpu.memory_space<smem>>, %arg3: memref<8192xi32, #tpu.memory_space<smem>>, %arg4: memref<8192xi32, #tpu.memory_space<smem>>, %arg5: memref<8192xi32, #tpu.memory_space<smem>>) -> (i32, i32, i32, i32) {
    %mul3A = arith.constant 32 : i32
    %mul3A_0 = arith.muli %mul3A, %arg0 : i32
    %add3A = arith.constant 5 : i32
    %add3A_1 = arith.addi %mul3A_0, %add3A : i32
    %get3A = arith.index_cast %add3A_1 : i32 to index
    %get3A_2 = memref.load %arg1[%get3A] : memref<8192xi32, #tpu.memory_space<smem>>
    %mul3A_3 = arith.constant 32 : i32
    %mul3A_4 = arith.muli %mul3A_3, %arg0 : i32
    %add3A_5 = arith.constant 5 : i32
    %add3A_6 = arith.addi %mul3A_4, %add3A_5 : i32
    %get3A_7 = arith.index_cast %add3A_6 : i32 to index
    %get3A_8 = memref.load %arg3[%get3A_7] : memref<8192xi32, #tpu.memory_space<smem>>
    %c0_i32 = arith.constant 0 : i32
    %c0_i32_9 = arith.constant 0 : i32
    %c0_i32_10 = arith.constant 0 : i32
    return %get3A_2, %get3A_8, %c0_i32, %c0_i32_9 : i32, i32, i32, i32
  }
  func.func @transform_12(%arg0: i32, %arg1: memref<8192xi32, #tpu.memory_space<smem>>, %arg2: memref<8192xi32, #tpu.memory_space<smem>>, %arg3: memref<8192xi32, #tpu.memory_space<smem>>, %arg4: memref<8192xi32, #tpu.memory_space<smem>>, %arg5: memref<8192xi32, #tpu.memory_space<smem>>) -> (i32, i32, i32, i32) {
    %mul3A = arith.constant 32 : i32
    %mul3A_0 = arith.muli %mul3A, %arg0 : i32
    %add3A = arith.constant 5 : i32
    %add3A_1 = arith.addi %mul3A_0, %add3A : i32
    %get3A = arith.index_cast %add3A_1 : i32 to index
    %get3A_2 = memref.load %arg2[%get3A] : memref<8192xi32, #tpu.memory_space<smem>>
    %mul3A_3 = arith.constant 32 : i32
    %mul3A_4 = arith.muli %mul3A_3, %arg0 : i32
    %add3A_5 = arith.constant 5 : i32
    %add3A_6 = arith.addi %mul3A_4, %add3A_5 : i32
    %get3A_7 = arith.index_cast %add3A_6 : i32 to index
    %get3A_8 = memref.load %arg3[%get3A_7] : memref<8192xi32, #tpu.memory_space<smem>>
    %c0_i32 = arith.constant 0 : i32
    %c0_i32_9 = arith.constant 0 : i32
    %c0_i32_10 = arith.constant 0 : i32
    return %get3A_2, %get3A_8, %c0_i32, %c0_i32_9 : i32, i32, i32, i32
  }
  func.func @transform_13(%arg0: i32, %arg1: memref<8192xi32, #tpu.memory_space<smem>>, %arg2: memref<8192xi32, #tpu.memory_space<smem>>, %arg3: memref<8192xi32, #tpu.memory_space<smem>>, %arg4: memref<8192xi32, #tpu.memory_space<smem>>, %arg5: memref<8192xi32, #tpu.memory_space<smem>>) -> (i32, i32, i32, i32) {
    %mul3A = arith.constant 32 : i32
    %mul3A_0 = arith.muli %mul3A, %arg0 : i32
    %add3A = arith.constant 6 : i32
    %add3A_1 = arith.addi %mul3A_0, %add3A : i32
    %get3A = arith.index_cast %add3A_1 : i32 to index
    %get3A_2 = memref.load %arg1[%get3A] : memref<8192xi32, #tpu.memory_space<smem>>
    %mul3A_3 = arith.constant 32 : i32
    %mul3A_4 = arith.muli %mul3A_3, %arg0 : i32
    %add3A_5 = arith.constant 6 : i32
    %add3A_6 = arith.addi %mul3A_4, %add3A_5 : i32
    %get3A_7 = arith.index_cast %add3A_6 : i32 to index
    %get3A_8 = memref.load %arg3[%get3A_7] : memref<8192xi32, #tpu.memory_space<smem>>
    %c0_i32 = arith.constant 0 : i32
    %c0_i32_9 = arith.constant 0 : i32
    %c0_i32_10 = arith.constant 0 : i32
    return %get3A_2, %get3A_8, %c0_i32, %c0_i32_9 : i32, i32, i32, i32
  }
  func.func @transform_14(%arg0: i32, %arg1: memref<8192xi32, #tpu.memory_space<smem>>, %arg2: memref<8192xi32, #tpu.memory_space<smem>>, %arg3: memref<8192xi32, #tpu.memory_space<smem>>, %arg4: memref<8192xi32, #tpu.memory_space<smem>>, %arg5: memref<8192xi32, #tpu.memory_space<smem>>) -> (i32, i32, i32, i32) {
    %mul3A = arith.constant 32 : i32
    %mul3A_0 = arith.muli %mul3A, %arg0 : i32
    %add3A = arith.constant 6 : i32
    %add3A_1 = arith.addi %mul3A_0, %add3A : i32
    %get3A = arith.index_cast %add3A_1 : i32 to index
    %get3A_2 = memref.load %arg2[%get3A] : memref<8192xi32, #tpu.memory_space<smem>>
    %mul3A_3 = arith.constant 32 : i32
    %mul3A_4 = arith.muli %mul3A_3, %arg0 : i32
    %add3A_5 = arith.constant 6 : i32
    %add3A_6 = arith.addi %mul3A_4, %add3A_5 : i32
    %get3A_7 = arith.index_cast %add3A_6 : i32 to index
    %get3A_8 = memref.load %arg3[%get3A_7] : memref<8192xi32, #tpu.memory_space<smem>>
    %c0_i32 = arith.constant 0 : i32
    %c0_i32_9 = arith.constant 0 : i32
    %c0_i32_10 = arith.constant 0 : i32
    return %get3A_2, %get3A_8, %c0_i32, %c0_i32_9 : i32, i32, i32, i32
  }
  func.func @transform_15(%arg0: i32, %arg1: memref<8192xi32, #tpu.memory_space<smem>>, %arg2: memref<8192xi32, #tpu.memory_space<smem>>, %arg3: memref<8192xi32, #tpu.memory_space<smem>>, %arg4: memref<8192xi32, #tpu.memory_space<smem>>, %arg5: memref<8192xi32, #tpu.memory_space<smem>>) -> (i32, i32, i32, i32) {
    %mul3A = arith.constant 32 : i32
    %mul3A_0 = arith.muli %mul3A, %arg0 : i32
    %add3A = arith.constant 7 : i32
    %add3A_1 = arith.addi %mul3A_0, %add3A : i32
    %get3A = arith.index_cast %add3A_1 : i32 to index
    %get3A_2 = memref.load %arg1[%get3A] : memref<8192xi32, #tpu.memory_space<smem>>
    %mul3A_3 = arith.constant 32 : i32
    %mul3A_4 = arith.muli %mul3A_3, %arg0 : i32
    %add3A_5 = arith.constant 7 : i32
    %add3A_6 = arith.addi %mul3A_4, %add3A_5 : i32
    %get3A_7 = arith.index_cast %add3A_6 : i32 to index
    %get3A_8 = memref.load %arg3[%get3A_7] : memref<8192xi32, #tpu.memory_space<smem>>
    %c0_i32 = arith.constant 0 : i32
    %c0_i32_9 = arith.constant 0 : i32
    %c0_i32_10 = arith.constant 0 : i32
    return %get3A_2, %get3A_8, %c0_i32, %c0_i32_9 : i32, i32, i32, i32
  }
  func.func @transform_16(%arg0: i32, %arg1: memref<8192xi32, #tpu.memory_space<smem>>, %arg2: memref<8192xi32, #tpu.memory_space<smem>>, %arg3: memref<8192xi32, #tpu.memory_space<smem>>, %arg4: memref<8192xi32, #tpu.memory_space<smem>>, %arg5: memref<8192xi32, #tpu.memory_space<smem>>) -> (i32, i32, i32, i32) {
    %mul3A = arith.constant 32 : i32
    %mul3A_0 = arith.muli %mul3A, %arg0 : i32
    %add3A = arith.constant 7 : i32
    %add3A_1 = arith.addi %mul3A_0, %add3A : i32
    %get3A = arith.index_cast %add3A_1 : i32 to index
    %get3A_2 = memref.load %arg2[%get3A] : memref<8192xi32, #tpu.memory_space<smem>>
    %mul3A_3 = arith.constant 32 : i32
    %mul3A_4 = arith.muli %mul3A_3, %arg0 : i32
    %add3A_5 = arith.constant 7 : i32
    %add3A_6 = arith.addi %mul3A_4, %add3A_5 : i32
    %get3A_7 = arith.index_cast %add3A_6 : i32 to index
    %get3A_8 = memref.load %arg3[%get3A_7] : memref<8192xi32, #tpu.memory_space<smem>>
    %c0_i32 = arith.constant 0 : i32
    %c0_i32_9 = arith.constant 0 : i32
    %c0_i32_10 = arith.constant 0 : i32
    return %get3A_2, %get3A_8, %c0_i32, %c0_i32_9 : i32, i32, i32, i32
  }
  func.func @transform_17(%arg0: i32, %arg1: memref<8192xi32, #tpu.memory_space<smem>>, %arg2: memref<8192xi32, #tpu.memory_space<smem>>, %arg3: memref<8192xi32, #tpu.memory_space<smem>>, %arg4: memref<8192xi32, #tpu.memory_space<smem>>, %arg5: memref<8192xi32, #tpu.memory_space<smem>>) -> (i32, i32, i32, i32) {
    %mul3A = arith.constant 32 : i32
    %mul3A_0 = arith.muli %mul3A, %arg0 : i32
    %add3A = arith.constant 8 : i32
    %add3A_1 = arith.addi %mul3A_0, %add3A : i32
    %get3A = arith.index_cast %add3A_1 : i32 to index
    %get3A_2 = memref.load %arg1[%get3A] : memref<8192xi32, #tpu.memory_space<smem>>
    %mul3A_3 = arith.constant 32 : i32
    %mul3A_4 = arith.muli %mul3A_3, %arg0 : i32
    %add3A_5 = arith.constant 8 : i32
    %add3A_6 = arith.addi %mul3A_4, %add3A_5 : i32
    %get3A_7 = arith.index_cast %add3A_6 : i32 to index
    %get3A_8 = memref.load %arg3[%get3A_7] : memref<8192xi32, #tpu.memory_space<smem>>
    %c0_i32 = arith.constant 0 : i32
    %c0_i32_9 = arith.constant 0 : i32
    %c0_i32_10 = arith.constant 0 : i32
    return %get3A_2, %get3A_8, %c0_i32, %c0_i32_9 : i32, i32, i32, i32
  }
  func.func @transform_18(%arg0: i32, %arg1: memref<8192xi32, #tpu.memory_space<smem>>, %arg2: memref<8192xi32, #tpu.memory_space<smem>>, %arg3: memref<8192xi32, #tpu.memory_space<smem>>, %arg4: memref<8192xi32, #tpu.memory_space<smem>>, %arg5: memref<8192xi32, #tpu.memory_space<smem>>) -> (i32, i32, i32, i32) {
    %mul3A = arith.constant 32 : i32
    %mul3A_0 = arith.muli %mul3A, %arg0 : i32
    %add3A = arith.constant 8 : i32
    %add3A_1 = arith.addi %mul3A_0, %add3A : i32
    %get3A = arith.index_cast %add3A_1 : i32 to index
    %get3A_2 = memref.load %arg2[%get3A] : memref<8192xi32, #tpu.memory_space<smem>>
    %mul3A_3 = arith.constant 32 : i32
    %mul3A_4 = arith.muli %mul3A_3, %arg0 : i32
    %add3A_5 = arith.constant 8 : i32
    %add3A_6 = arith.addi %mul3A_4, %add3A_5 : i32
    %get3A_7 = arith.index_cast %add3A_6 : i32 to index
    %get3A_8 = memref.load %arg3[%get3A_7] : memref<8192xi32, #tpu.memory_space<smem>>
    %c0_i32 = arith.constant 0 : i32
    %c0_i32_9 = arith.constant 0 : i32
    %c0_i32_10 = arith.constant 0 : i32
    return %get3A_2, %get3A_8, %c0_i32, %c0_i32_9 : i32, i32, i32, i32
  }
  func.func @transform_19(%arg0: i32, %arg1: memref<8192xi32, #tpu.memory_space<smem>>, %arg2: memref<8192xi32, #tpu.memory_space<smem>>, %arg3: memref<8192xi32, #tpu.memory_space<smem>>, %arg4: memref<8192xi32, #tpu.memory_space<smem>>, %arg5: memref<8192xi32, #tpu.memory_space<smem>>) -> (i32, i32, i32, i32) {
    %mul3A = arith.constant 32 : i32
    %mul3A_0 = arith.muli %mul3A, %arg0 : i32
    %add3A = arith.constant 9 : i32
    %add3A_1 = arith.addi %mul3A_0, %add3A : i32
    %get3A = arith.index_cast %add3A_1 : i32 to index
    %get3A_2 = memref.load %arg1[%get3A] : memref<8192xi32, #tpu.memory_space<smem>>
    %mul3A_3 = arith.constant 32 : i32
    %mul3A_4 = arith.muli %mul3A_3, %arg0 : i32
    %add3A_5 = arith.constant 9 : i32
    %add3A_6 = arith.addi %mul3A_4, %add3A_5 : i32
    %get3A_7 = arith.index_cast %add3A_6 : i32 to index
    %get3A_8 = memref.load %arg3[%get3A_7] : memref<8192xi32, #tpu.memory_space<smem>>
    %c0_i32 = arith.constant 0 : i32
    %c0_i32_9 = arith.constant 0 : i32
    %c0_i32_10 = arith.constant 0 : i32
    return %get3A_2, %get3A_8, %c0_i32, %c0_i32_9 : i32, i32, i32, i32
  }
  func.func @transform_20(%arg0: i32, %arg1: memref<8192xi32, #tpu.memory_space<smem>>, %arg2: memref<8192xi32, #tpu.memory_space<smem>>, %arg3: memref<8192xi32, #tpu.memory_space<smem>>, %arg4: memref<8192xi32, #tpu.memory_space<smem>>, %arg5: memref<8192xi32, #tpu.memory_space<smem>>) -> (i32, i32, i32, i32) {
    %mul3A = arith.constant 32 : i32
    %mul3A_0 = arith.muli %mul3A, %arg0 : i32
    %add3A = arith.constant 9 : i32
    %add3A_1 = arith.addi %mul3A_0, %add3A : i32
    %get3A = arith.index_cast %add3A_1 : i32 to index
    %get3A_2 = memref.load %arg2[%get3A] : memref<8192xi32, #tpu.memory_space<smem>>
    %mul3A_3 = arith.constant 32 : i32
    %mul3A_4 = arith.muli %mul3A_3, %arg0 : i32
    %add3A_5 = arith.constant 9 : i32
    %add3A_6 = arith.addi %mul3A_4, %add3A_5 : i32
    %get3A_7 = arith.index_cast %add3A_6 : i32 to index
    %get3A_8 = memref.load %arg3[%get3A_7] : memref<8192xi32, #tpu.memory_space<smem>>
    %c0_i32 = arith.constant 0 : i32
    %c0_i32_9 = arith.constant 0 : i32
    %c0_i32_10 = arith.constant 0 : i32
    return %get3A_2, %get3A_8, %c0_i32, %c0_i32_9 : i32, i32, i32, i32
  }
  func.func @transform_21(%arg0: i32, %arg1: memref<8192xi32, #tpu.memory_space<smem>>, %arg2: memref<8192xi32, #tpu.memory_space<smem>>, %arg3: memref<8192xi32, #tpu.memory_space<smem>>, %arg4: memref<8192xi32, #tpu.memory_space<smem>>, %arg5: memref<8192xi32, #tpu.memory_space<smem>>) -> (i32, i32, i32, i32) {
    %mul3A = arith.constant 32 : i32
    %mul3A_0 = arith.muli %mul3A, %arg0 : i32
    %add3A = arith.constant 10 : i32
    %add3A_1 = arith.addi %mul3A_0, %add3A : i32
    %get3A = arith.index_cast %add3A_1 : i32 to index
    %get3A_2 = memref.load %arg1[%get3A] : memref<8192xi32, #tpu.memory_space<smem>>
    %mul3A_3 = arith.constant 32 : i32
    %mul3A_4 = arith.muli %mul3A_3, %arg0 : i32
    %add3A_5 = arith.constant 10 : i32
    %add3A_6 = arith.addi %mul3A_4, %add3A_5 : i32
    %get3A_7 = arith.index_cast %add3A_6 : i32 to index
    %get3A_8 = memref.load %arg3[%get3A_7] : memref<8192xi32, #tpu.memory_space<smem>>
    %c0_i32 = arith.constant 0 : i32
    %c0_i32_9 = arith.constant 0 : i32
    %c0_i32_10 = arith.constant 0 : i32
    return %get3A_2, %get3A_8, %c0_i32, %c0_i32_9 : i32, i32, i32, i32
  }
  func.func @transform_22(%arg0: i32, %arg1: memref<8192xi32, #tpu.memory_space<smem>>, %arg2: memref<8192xi32, #tpu.memory_space<smem>>, %arg3: memref<8192xi32, #tpu.memory_space<smem>>, %arg4: memref<8192xi32, #tpu.memory_space<smem>>, %arg5: memref<8192xi32, #tpu.memory_space<smem>>) -> (i32, i32, i32, i32) {
    %mul3A = arith.constant 32 : i32
    %mul3A_0 = arith.muli %mul3A, %arg0 : i32
    %add3A = arith.constant 10 : i32
    %add3A_1 = arith.addi %mul3A_0, %add3A : i32
    %get3A = arith.index_cast %add3A_1 : i32 to index
    %get3A_2 = memref.load %arg2[%get3A] : memref<8192xi32, #tpu.memory_space<smem>>
    %mul3A_3 = arith.constant 32 : i32
    %mul3A_4 = arith.muli %mul3A_3, %arg0 : i32
    %add3A_5 = arith.constant 10 : i32
    %add3A_6 = arith.addi %mul3A_4, %add3A_5 : i32
    %get3A_7 = arith.index_cast %add3A_6 : i32 to index
    %get3A_8 = memref.load %arg3[%get3A_7] : memref<8192xi32, #tpu.memory_space<smem>>
    %c0_i32 = arith.constant 0 : i32
    %c0_i32_9 = arith.constant 0 : i32
    %c0_i32_10 = arith.constant 0 : i32
    return %get3A_2, %get3A_8, %c0_i32, %c0_i32_9 : i32, i32, i32, i32
  }
  func.func @transform_23(%arg0: i32, %arg1: memref<8192xi32, #tpu.memory_space<smem>>, %arg2: memref<8192xi32, #tpu.memory_space<smem>>, %arg3: memref<8192xi32, #tpu.memory_space<smem>>, %arg4: memref<8192xi32, #tpu.memory_space<smem>>, %arg5: memref<8192xi32, #tpu.memory_space<smem>>) -> (i32, i32, i32, i32) {
    %mul3A = arith.constant 32 : i32
    %mul3A_0 = arith.muli %mul3A, %arg0 : i32
    %add3A = arith.constant 11 : i32
    %add3A_1 = arith.addi %mul3A_0, %add3A : i32
    %get3A = arith.index_cast %add3A_1 : i32 to index
    %get3A_2 = memref.load %arg1[%get3A] : memref<8192xi32, #tpu.memory_space<smem>>
    %mul3A_3 = arith.constant 32 : i32
    %mul3A_4 = arith.muli %mul3A_3, %arg0 : i32
    %add3A_5 = arith.constant 11 : i32
    %add3A_6 = arith.addi %mul3A_4, %add3A_5 : i32
    %get3A_7 = arith.index_cast %add3A_6 : i32 to index
    %get3A_8 = memref.load %arg3[%get3A_7] : memref<8192xi32, #tpu.memory_space<smem>>
    %c0_i32 = arith.constant 0 : i32
    %c0_i32_9 = arith.constant 0 : i32
    %c0_i32_10 = arith.constant 0 : i32
    return %get3A_2, %get3A_8, %c0_i32, %c0_i32_9 : i32, i32, i32, i32
  }
  func.func @transform_24(%arg0: i32, %arg1: memref<8192xi32, #tpu.memory_space<smem>>, %arg2: memref<8192xi32, #tpu.memory_space<smem>>, %arg3: memref<8192xi32, #tpu.memory_space<smem>>, %arg4: memref<8192xi32, #tpu.memory_space<smem>>, %arg5: memref<8192xi32, #tpu.memory_space<smem>>) -> (i32, i32, i32, i32) {
    %mul3A = arith.constant 32 : i32
    %mul3A_0 = arith.muli %mul3A, %arg0 : i32
    %add3A = arith.constant 11 : i32
    %add3A_1 = arith.addi %mul3A_0, %add3A : i32
    %get3A = arith.index_cast %add3A_1 : i32 to index
    %get3A_2 = memref.load %arg2[%get3A] : memref<8192xi32, #tpu.memory_space<smem>>
    %mul3A_3 = arith.constant 32 : i32
    %mul3A_4 = arith.muli %mul3A_3, %arg0 : i32
    %add3A_5 = arith.constant 11 : i32
    %add3A_6 = arith.addi %mul3A_4, %add3A_5 : i32
    %get3A_7 = arith.index_cast %add3A_6 : i32 to index
    %get3A_8 = memref.load %arg3[%get3A_7] : memref<8192xi32, #tpu.memory_space<smem>>
    %c0_i32 = arith.constant 0 : i32
    %c0_i32_9 = arith.constant 0 : i32
    %c0_i32_10 = arith.constant 0 : i32
    return %get3A_2, %get3A_8, %c0_i32, %c0_i32_9 : i32, i32, i32, i32
  }
  func.func @transform_25(%arg0: i32, %arg1: memref<8192xi32, #tpu.memory_space<smem>>, %arg2: memref<8192xi32, #tpu.memory_space<smem>>, %arg3: memref<8192xi32, #tpu.memory_space<smem>>, %arg4: memref<8192xi32, #tpu.memory_space<smem>>, %arg5: memref<8192xi32, #tpu.memory_space<smem>>) -> (i32, i32, i32, i32) {
    %mul3A = arith.constant 32 : i32
    %mul3A_0 = arith.muli %mul3A, %arg0 : i32
    %add3A = arith.constant 12 : i32
    %add3A_1 = arith.addi %mul3A_0, %add3A : i32
    %get3A = arith.index_cast %add3A_1 : i32 to index
    %get3A_2 = memref.load %arg1[%get3A] : memref<8192xi32, #tpu.memory_space<smem>>
    %mul3A_3 = arith.constant 32 : i32
    %mul3A_4 = arith.muli %mul3A_3, %arg0 : i32
    %add3A_5 = arith.constant 12 : i32
    %add3A_6 = arith.addi %mul3A_4, %add3A_5 : i32
    %get3A_7 = arith.index_cast %add3A_6 : i32 to index
    %get3A_8 = memref.load %arg3[%get3A_7] : memref<8192xi32, #tpu.memory_space<smem>>
    %c0_i32 = arith.constant 0 : i32
    %c0_i32_9 = arith.constant 0 : i32
    %c0_i32_10 = arith.constant 0 : i32
    return %get3A_2, %get3A_8, %c0_i32, %c0_i32_9 : i32, i32, i32, i32
  }
  func.func @transform_26(%arg0: i32, %arg1: memref<8192xi32, #tpu.memory_space<smem>>, %arg2: memref<8192xi32, #tpu.memory_space<smem>>, %arg3: memref<8192xi32, #tpu.memory_space<smem>>, %arg4: memref<8192xi32, #tpu.memory_space<smem>>, %arg5: memref<8192xi32, #tpu.memory_space<smem>>) -> (i32, i32, i32, i32) {
    %mul3A = arith.constant 32 : i32
    %mul3A_0 = arith.muli %mul3A, %arg0 : i32
    %add3A = arith.constant 12 : i32
    %add3A_1 = arith.addi %mul3A_0, %add3A : i32
    %get3A = arith.index_cast %add3A_1 : i32 to index
    %get3A_2 = memref.load %arg2[%get3A] : memref<8192xi32, #tpu.memory_space<smem>>
    %mul3A_3 = arith.constant 32 : i32
    %mul3A_4 = arith.muli %mul3A_3, %arg0 : i32
    %add3A_5 = arith.constant 12 : i32
    %add3A_6 = arith.addi %mul3A_4, %add3A_5 : i32
    %get3A_7 = arith.index_cast %add3A_6 : i32 to index
    %get3A_8 = memref.load %arg3[%get3A_7] : memref<8192xi32, #tpu.memory_space<smem>>
    %c0_i32 = arith.constant 0 : i32
    %c0_i32_9 = arith.constant 0 : i32
    %c0_i32_10 = arith.constant 0 : i32
    return %get3A_2, %get3A_8, %c0_i32, %c0_i32_9 : i32, i32, i32, i32
  }
  func.func @transform_27(%arg0: i32, %arg1: memref<8192xi32, #tpu.memory_space<smem>>, %arg2: memref<8192xi32, #tpu.memory_space<smem>>, %arg3: memref<8192xi32, #tpu.memory_space<smem>>, %arg4: memref<8192xi32, #tpu.memory_space<smem>>, %arg5: memref<8192xi32, #tpu.memory_space<smem>>) -> (i32, i32, i32, i32) {
    %mul3A = arith.constant 32 : i32
    %mul3A_0 = arith.muli %mul3A, %arg0 : i32
    %add3A = arith.constant 13 : i32
    %add3A_1 = arith.addi %mul3A_0, %add3A : i32
    %get3A = arith.index_cast %add3A_1 : i32 to index
    %get3A_2 = memref.load %arg1[%get3A] : memref<8192xi32, #tpu.memory_space<smem>>
    %mul3A_3 = arith.constant 32 : i32
    %mul3A_4 = arith.muli %mul3A_3, %arg0 : i32
    %add3A_5 = arith.constant 13 : i32
    %add3A_6 = arith.addi %mul3A_4, %add3A_5 : i32
    %get3A_7 = arith.index_cast %add3A_6 : i32 to index
    %get3A_8 = memref.load %arg3[%get3A_7] : memref<8192xi32, #tpu.memory_space<smem>>
    %c0_i32 = arith.constant 0 : i32
    %c0_i32_9 = arith.constant 0 : i32
    %c0_i32_10 = arith.constant 0 : i32
    return %get3A_2, %get3A_8, %c0_i32, %c0_i32_9 : i32, i32, i32, i32
  }
  func.func @transform_28(%arg0: i32, %arg1: memref<8192xi32, #tpu.memory_space<smem>>, %arg2: memref<8192xi32, #tpu.memory_space<smem>>, %arg3: memref<8192xi32, #tpu.memory_space<smem>>, %arg4: memref<8192xi32, #tpu.memory_space<smem>>, %arg5: memref<8192xi32, #tpu.memory_space<smem>>) -> (i32, i32, i32, i32) {
    %mul3A = arith.constant 32 : i32
    %mul3A_0 = arith.muli %mul3A, %arg0 : i32
    %add3A = arith.constant 13 : i32
    %add3A_1 = arith.addi %mul3A_0, %add3A : i32
    %get3A = arith.index_cast %add3A_1 : i32 to index
    %get3A_2 = memref.load %arg2[%get3A] : memref<8192xi32, #tpu.memory_space<smem>>
    %mul3A_3 = arith.constant 32 : i32
    %mul3A_4 = arith.muli %mul3A_3, %arg0 : i32
    %add3A_5 = arith.constant 13 : i32
    %add3A_6 = arith.addi %mul3A_4, %add3A_5 : i32
    %get3A_7 = arith.index_cast %add3A_6 : i32 to index
    %get3A_8 = memref.load %arg3[%get3A_7] : memref<8192xi32, #tpu.memory_space<smem>>
    %c0_i32 = arith.constant 0 : i32
    %c0_i32_9 = arith.constant 0 : i32
    %c0_i32_10 = arith.constant 0 : i32
    return %get3A_2, %get3A_8, %c0_i32, %c0_i32_9 : i32, i32, i32, i32
  }
  func.func @transform_29(%arg0: i32, %arg1: memref<8192xi32, #tpu.memory_space<smem>>, %arg2: memref<8192xi32, #tpu.memory_space<smem>>, %arg3: memref<8192xi32, #tpu.memory_space<smem>>, %arg4: memref<8192xi32, #tpu.memory_space<smem>>, %arg5: memref<8192xi32, #tpu.memory_space<smem>>) -> (i32, i32, i32, i32) {
    %mul3A = arith.constant 32 : i32
    %mul3A_0 = arith.muli %mul3A, %arg0 : i32
    %add3A = arith.constant 14 : i32
    %add3A_1 = arith.addi %mul3A_0, %add3A : i32
    %get3A = arith.index_cast %add3A_1 : i32 to index
    %get3A_2 = memref.load %arg1[%get3A] : memref<8192xi32, #tpu.memory_space<smem>>
    %mul3A_3 = arith.constant 32 : i32
    %mul3A_4 = arith.muli %mul3A_3, %arg0 : i32
    %add3A_5 = arith.constant 14 : i32
    %add3A_6 = arith.addi %mul3A_4, %add3A_5 : i32
    %get3A_7 = arith.index_cast %add3A_6 : i32 to index
    %get3A_8 = memref.load %arg3[%get3A_7] : memref<8192xi32, #tpu.memory_space<smem>>
    %c0_i32 = arith.constant 0 : i32
    %c0_i32_9 = arith.constant 0 : i32
    %c0_i32_10 = arith.constant 0 : i32
    return %get3A_2, %get3A_8, %c0_i32, %c0_i32_9 : i32, i32, i32, i32
  }
  func.func @transform_30(%arg0: i32, %arg1: memref<8192xi32, #tpu.memory_space<smem>>, %arg2: memref<8192xi32, #tpu.memory_space<smem>>, %arg3: memref<8192xi32, #tpu.memory_space<smem>>, %arg4: memref<8192xi32, #tpu.memory_space<smem>>, %arg5: memref<8192xi32, #tpu.memory_space<smem>>) -> (i32, i32, i32, i32) {
    %mul3A = arith.constant 32 : i32
    %mul3A_0 = arith.muli %mul3A, %arg0 : i32
    %add3A = arith.constant 14 : i32
    %add3A_1 = arith.addi %mul3A_0, %add3A : i32
    %get3A = arith.index_cast %add3A_1 : i32 to index
    %get3A_2 = memref.load %arg2[%get3A] : memref<8192xi32, #tpu.memory_space<smem>>
    %mul3A_3 = arith.constant 32 : i32
    %mul3A_4 = arith.muli %mul3A_3, %arg0 : i32
    %add3A_5 = arith.constant 14 : i32
    %add3A_6 = arith.addi %mul3A_4, %add3A_5 : i32
    %get3A_7 = arith.index_cast %add3A_6 : i32 to index
    %get3A_8 = memref.load %arg3[%get3A_7] : memref<8192xi32, #tpu.memory_space<smem>>
    %c0_i32 = arith.constant 0 : i32
    %c0_i32_9 = arith.constant 0 : i32
    %c0_i32_10 = arith.constant 0 : i32
    return %get3A_2, %get3A_8, %c0_i32, %c0_i32_9 : i32, i32, i32, i32
  }
  func.func @transform_31(%arg0: i32, %arg1: memref<8192xi32, #tpu.memory_space<smem>>, %arg2: memref<8192xi32, #tpu.memory_space<smem>>, %arg3: memref<8192xi32, #tpu.memory_space<smem>>, %arg4: memref<8192xi32, #tpu.memory_space<smem>>, %arg5: memref<8192xi32, #tpu.memory_space<smem>>) -> (i32, i32, i32, i32) {
    %mul3A = arith.constant 32 : i32
    %mul3A_0 = arith.muli %mul3A, %arg0 : i32
    %add3A = arith.constant 15 : i32
    %add3A_1 = arith.addi %mul3A_0, %add3A : i32
    %get3A = arith.index_cast %add3A_1 : i32 to index
    %get3A_2 = memref.load %arg1[%get3A] : memref<8192xi32, #tpu.memory_space<smem>>
    %mul3A_3 = arith.constant 32 : i32
    %mul3A_4 = arith.muli %mul3A_3, %arg0 : i32
    %add3A_5 = arith.constant 15 : i32
    %add3A_6 = arith.addi %mul3A_4, %add3A_5 : i32
    %get3A_7 = arith.index_cast %add3A_6 : i32 to index
    %get3A_8 = memref.load %arg3[%get3A_7] : memref<8192xi32, #tpu.memory_space<smem>>
    %c0_i32 = arith.constant 0 : i32
    %c0_i32_9 = arith.constant 0 : i32
    %c0_i32_10 = arith.constant 0 : i32
    return %get3A_2, %get3A_8, %c0_i32, %c0_i32_9 : i32, i32, i32, i32
  }
  func.func @transform_32(%arg0: i32, %arg1: memref<8192xi32, #tpu.memory_space<smem>>, %arg2: memref<8192xi32, #tpu.memory_space<smem>>, %arg3: memref<8192xi32, #tpu.memory_space<smem>>, %arg4: memref<8192xi32, #tpu.memory_space<smem>>, %arg5: memref<8192xi32, #tpu.memory_space<smem>>) -> (i32, i32, i32, i32) {
    %mul3A = arith.constant 32 : i32
    %mul3A_0 = arith.muli %mul3A, %arg0 : i32
    %add3A = arith.constant 15 : i32
    %add3A_1 = arith.addi %mul3A_0, %add3A : i32
    %get3A = arith.index_cast %add3A_1 : i32 to index
    %get3A_2 = memref.load %arg2[%get3A] : memref<8192xi32, #tpu.memory_space<smem>>
    %mul3A_3 = arith.constant 32 : i32
    %mul3A_4 = arith.muli %mul3A_3, %arg0 : i32
    %add3A_5 = arith.constant 15 : i32
    %add3A_6 = arith.addi %mul3A_4, %add3A_5 : i32
    %get3A_7 = arith.index_cast %add3A_6 : i32 to index
    %get3A_8 = memref.load %arg3[%get3A_7] : memref<8192xi32, #tpu.memory_space<smem>>
    %c0_i32 = arith.constant 0 : i32
    %c0_i32_9 = arith.constant 0 : i32
    %c0_i32_10 = arith.constant 0 : i32
    return %get3A_2, %get3A_8, %c0_i32, %c0_i32_9 : i32, i32, i32, i32
  }
  func.func @transform_33(%arg0: i32, %arg1: memref<8192xi32, #tpu.memory_space<smem>>, %arg2: memref<8192xi32, #tpu.memory_space<smem>>, %arg3: memref<8192xi32, #tpu.memory_space<smem>>, %arg4: memref<8192xi32, #tpu.memory_space<smem>>, %arg5: memref<8192xi32, #tpu.memory_space<smem>>) -> (i32, i32, i32, i32) {
    %mul3A = arith.constant 32 : i32
    %mul3A_0 = arith.muli %mul3A, %arg0 : i32
    %add3A = arith.constant 16 : i32
    %add3A_1 = arith.addi %mul3A_0, %add3A : i32
    %get3A = arith.index_cast %add3A_1 : i32 to index
    %get3A_2 = memref.load %arg1[%get3A] : memref<8192xi32, #tpu.memory_space<smem>>
    %mul3A_3 = arith.constant 32 : i32
    %mul3A_4 = arith.muli %mul3A_3, %arg0 : i32
    %add3A_5 = arith.constant 16 : i32
    %add3A_6 = arith.addi %mul3A_4, %add3A_5 : i32
    %get3A_7 = arith.index_cast %add3A_6 : i32 to index
    %get3A_8 = memref.load %arg3[%get3A_7] : memref<8192xi32, #tpu.memory_space<smem>>
    %c0_i32 = arith.constant 0 : i32
    %c0_i32_9 = arith.constant 0 : i32
    %c0_i32_10 = arith.constant 0 : i32
    return %get3A_2, %get3A_8, %c0_i32, %c0_i32_9 : i32, i32, i32, i32
  }
  func.func @transform_34(%arg0: i32, %arg1: memref<8192xi32, #tpu.memory_space<smem>>, %arg2: memref<8192xi32, #tpu.memory_space<smem>>, %arg3: memref<8192xi32, #tpu.memory_space<smem>>, %arg4: memref<8192xi32, #tpu.memory_space<smem>>, %arg5: memref<8192xi32, #tpu.memory_space<smem>>) -> (i32, i32, i32, i32) {
    %mul3A = arith.constant 32 : i32
    %mul3A_0 = arith.muli %mul3A, %arg0 : i32
    %add3A = arith.constant 16 : i32
    %add3A_1 = arith.addi %mul3A_0, %add3A : i32
    %get3A = arith.index_cast %add3A_1 : i32 to index
    %get3A_2 = memref.load %arg2[%get3A] : memref<8192xi32, #tpu.memory_space<smem>>
    %mul3A_3 = arith.constant 32 : i32
    %mul3A_4 = arith.muli %mul3A_3, %arg0 : i32
    %add3A_5 = arith.constant 16 : i32
    %add3A_6 = arith.addi %mul3A_4, %add3A_5 : i32
    %get3A_7 = arith.index_cast %add3A_6 : i32 to index
    %get3A_8 = memref.load %arg3[%get3A_7] : memref<8192xi32, #tpu.memory_space<smem>>
    %c0_i32 = arith.constant 0 : i32
    %c0_i32_9 = arith.constant 0 : i32
    %c0_i32_10 = arith.constant 0 : i32
    return %get3A_2, %get3A_8, %c0_i32, %c0_i32_9 : i32, i32, i32, i32
  }
  func.func @transform_35(%arg0: i32, %arg1: memref<8192xi32, #tpu.memory_space<smem>>, %arg2: memref<8192xi32, #tpu.memory_space<smem>>, %arg3: memref<8192xi32, #tpu.memory_space<smem>>, %arg4: memref<8192xi32, #tpu.memory_space<smem>>, %arg5: memref<8192xi32, #tpu.memory_space<smem>>) -> (i32, i32, i32, i32) {
    %mul3A = arith.constant 32 : i32
    %mul3A_0 = arith.muli %mul3A, %arg0 : i32
    %add3A = arith.constant 17 : i32
    %add3A_1 = arith.addi %mul3A_0, %add3A : i32
    %get3A = arith.index_cast %add3A_1 : i32 to index
    %get3A_2 = memref.load %arg1[%get3A] : memref<8192xi32, #tpu.memory_space<smem>>
    %mul3A_3 = arith.constant 32 : i32
    %mul3A_4 = arith.muli %mul3A_3, %arg0 : i32
    %add3A_5 = arith.constant 17 : i32
    %add3A_6 = arith.addi %mul3A_4, %add3A_5 : i32
    %get3A_7 = arith.index_cast %add3A_6 : i32 to index
    %get3A_8 = memref.load %arg3[%get3A_7] : memref<8192xi32, #tpu.memory_space<smem>>
    %c0_i32 = arith.constant 0 : i32
    %c0_i32_9 = arith.constant 0 : i32
    %c0_i32_10 = arith.constant 0 : i32
    return %get3A_2, %get3A_8, %c0_i32, %c0_i32_9 : i32, i32, i32, i32
  }
  func.func @transform_36(%arg0: i32, %arg1: memref<8192xi32, #tpu.memory_space<smem>>, %arg2: memref<8192xi32, #tpu.memory_space<smem>>, %arg3: memref<8192xi32, #tpu.memory_space<smem>>, %arg4: memref<8192xi32, #tpu.memory_space<smem>>, %arg5: memref<8192xi32, #tpu.memory_space<smem>>) -> (i32, i32, i32, i32) {
    %mul3A = arith.constant 32 : i32
    %mul3A_0 = arith.muli %mul3A, %arg0 : i32
    %add3A = arith.constant 17 : i32
    %add3A_1 = arith.addi %mul3A_0, %add3A : i32
    %get3A = arith.index_cast %add3A_1 : i32 to index
    %get3A_2 = memref.load %arg2[%get3A] : memref<8192xi32, #tpu.memory_space<smem>>
    %mul3A_3 = arith.constant 32 : i32
    %mul3A_4 = arith.muli %mul3A_3, %arg0 : i32
    %add3A_5 = arith.constant 17 : i32
    %add3A_6 = arith.addi %mul3A_4, %add3A_5 : i32
    %get3A_7 = arith.index_cast %add3A_6 : i32 to index
    %get3A_8 = memref.load %arg3[%get3A_7] : memref<8192xi32, #tpu.memory_space<smem>>
    %c0_i32 = arith.constant 0 : i32
    %c0_i32_9 = arith.constant 0 : i32
    %c0_i32_10 = arith.constant 0 : i32
    return %get3A_2, %get3A_8, %c0_i32, %c0_i32_9 : i32, i32, i32, i32
  }
  func.func @transform_37(%arg0: i32, %arg1: memref<8192xi32, #tpu.memory_space<smem>>, %arg2: memref<8192xi32, #tpu.memory_space<smem>>, %arg3: memref<8192xi32, #tpu.memory_space<smem>>, %arg4: memref<8192xi32, #tpu.memory_space<smem>>, %arg5: memref<8192xi32, #tpu.memory_space<smem>>) -> (i32, i32, i32, i32) {
    %mul3A = arith.constant 32 : i32
    %mul3A_0 = arith.muli %mul3A, %arg0 : i32
    %add3A = arith.constant 18 : i32
    %add3A_1 = arith.addi %mul3A_0, %add3A : i32
    %get3A = arith.index_cast %add3A_1 : i32 to index
    %get3A_2 = memref.load %arg1[%get3A] : memref<8192xi32, #tpu.memory_space<smem>>
    %mul3A_3 = arith.constant 32 : i32
    %mul3A_4 = arith.muli %mul3A_3, %arg0 : i32
    %add3A_5 = arith.constant 18 : i32
    %add3A_6 = arith.addi %mul3A_4, %add3A_5 : i32
    %get3A_7 = arith.index_cast %add3A_6 : i32 to index
    %get3A_8 = memref.load %arg3[%get3A_7] : memref<8192xi32, #tpu.memory_space<smem>>
    %c0_i32 = arith.constant 0 : i32
    %c0_i32_9 = arith.constant 0 : i32
    %c0_i32_10 = arith.constant 0 : i32
    return %get3A_2, %get3A_8, %c0_i32, %c0_i32_9 : i32, i32, i32, i32
  }
  func.func @transform_38(%arg0: i32, %arg1: memref<8192xi32, #tpu.memory_space<smem>>, %arg2: memref<8192xi32, #tpu.memory_space<smem>>, %arg3: memref<8192xi32, #tpu.memory_space<smem>>, %arg4: memref<8192xi32, #tpu.memory_space<smem>>, %arg5: memref<8192xi32, #tpu.memory_space<smem>>) -> (i32, i32, i32, i32) {
    %mul3A = arith.constant 32 : i32
    %mul3A_0 = arith.muli %mul3A, %arg0 : i32
    %add3A = arith.constant 18 : i32
    %add3A_1 = arith.addi %mul3A_0, %add3A : i32
    %get3A = arith.index_cast %add3A_1 : i32 to index
    %get3A_2 = memref.load %arg2[%get3A] : memref<8192xi32, #tpu.memory_space<smem>>
    %mul3A_3 = arith.constant 32 : i32
    %mul3A_4 = arith.muli %mul3A_3, %arg0 : i32
    %add3A_5 = arith.constant 18 : i32
    %add3A_6 = arith.addi %mul3A_4, %add3A_5 : i32
    %get3A_7 = arith.index_cast %add3A_6 : i32 to index
    %get3A_8 = memref.load %arg3[%get3A_7] : memref<8192xi32, #tpu.memory_space<smem>>
    %c0_i32 = arith.constant 0 : i32
    %c0_i32_9 = arith.constant 0 : i32
    %c0_i32_10 = arith.constant 0 : i32
    return %get3A_2, %get3A_8, %c0_i32, %c0_i32_9 : i32, i32, i32, i32
  }
  func.func @transform_39(%arg0: i32, %arg1: memref<8192xi32, #tpu.memory_space<smem>>, %arg2: memref<8192xi32, #tpu.memory_space<smem>>, %arg3: memref<8192xi32, #tpu.memory_space<smem>>, %arg4: memref<8192xi32, #tpu.memory_space<smem>>, %arg5: memref<8192xi32, #tpu.memory_space<smem>>) -> (i32, i32, i32, i32) {
    %mul3A = arith.constant 32 : i32
    %mul3A_0 = arith.muli %mul3A, %arg0 : i32
    %add3A = arith.constant 19 : i32
    %add3A_1 = arith.addi %mul3A_0, %add3A : i32
    %get3A = arith.index_cast %add3A_1 : i32 to index
    %get3A_2 = memref.load %arg1[%get3A] : memref<8192xi32, #tpu.memory_space<smem>>
    %mul3A_3 = arith.constant 32 : i32
    %mul3A_4 = arith.muli %mul3A_3, %arg0 : i32
    %add3A_5 = arith.constant 19 : i32
    %add3A_6 = arith.addi %mul3A_4, %add3A_5 : i32
    %get3A_7 = arith.index_cast %add3A_6 : i32 to index
    %get3A_8 = memref.load %arg3[%get3A_7] : memref<8192xi32, #tpu.memory_space<smem>>
    %c0_i32 = arith.constant 0 : i32
    %c0_i32_9 = arith.constant 0 : i32
    %c0_i32_10 = arith.constant 0 : i32
    return %get3A_2, %get3A_8, %c0_i32, %c0_i32_9 : i32, i32, i32, i32
  }
  func.func @transform_40(%arg0: i32, %arg1: memref<8192xi32, #tpu.memory_space<smem>>, %arg2: memref<8192xi32, #tpu.memory_space<smem>>, %arg3: memref<8192xi32, #tpu.memory_space<smem>>, %arg4: memref<8192xi32, #tpu.memory_space<smem>>, %arg5: memref<8192xi32, #tpu.memory_space<smem>>) -> (i32, i32, i32, i32) {
    %mul3A = arith.constant 32 : i32
    %mul3A_0 = arith.muli %mul3A, %arg0 : i32
    %add3A = arith.constant 19 : i32
    %add3A_1 = arith.addi %mul3A_0, %add3A : i32
    %get3A = arith.index_cast %add3A_1 : i32 to index
    %get3A_2 = memref.load %arg2[%get3A] : memref<8192xi32, #tpu.memory_space<smem>>
    %mul3A_3 = arith.constant 32 : i32
    %mul3A_4 = arith.muli %mul3A_3, %arg0 : i32
    %add3A_5 = arith.constant 19 : i32
    %add3A_6 = arith.addi %mul3A_4, %add3A_5 : i32
    %get3A_7 = arith.index_cast %add3A_6 : i32 to index
    %get3A_8 = memref.load %arg3[%get3A_7] : memref<8192xi32, #tpu.memory_space<smem>>
    %c0_i32 = arith.constant 0 : i32
    %c0_i32_9 = arith.constant 0 : i32
    %c0_i32_10 = arith.constant 0 : i32
    return %get3A_2, %get3A_8, %c0_i32, %c0_i32_9 : i32, i32, i32, i32
  }
  func.func @transform_41(%arg0: i32, %arg1: memref<8192xi32, #tpu.memory_space<smem>>, %arg2: memref<8192xi32, #tpu.memory_space<smem>>, %arg3: memref<8192xi32, #tpu.memory_space<smem>>, %arg4: memref<8192xi32, #tpu.memory_space<smem>>, %arg5: memref<8192xi32, #tpu.memory_space<smem>>) -> (i32, i32, i32, i32) {
    %mul3A = arith.constant 32 : i32
    %mul3A_0 = arith.muli %mul3A, %arg0 : i32
    %add3A = arith.constant 20 : i32
    %add3A_1 = arith.addi %mul3A_0, %add3A : i32
    %get3A = arith.index_cast %add3A_1 : i32 to index
    %get3A_2 = memref.load %arg1[%get3A] : memref<8192xi32, #tpu.memory_space<smem>>
    %mul3A_3 = arith.constant 32 : i32
    %mul3A_4 = arith.muli %mul3A_3, %arg0 : i32
    %add3A_5 = arith.constant 20 : i32
    %add3A_6 = arith.addi %mul3A_4, %add3A_5 : i32
    %get3A_7 = arith.index_cast %add3A_6 : i32 to index
    %get3A_8 = memref.load %arg3[%get3A_7] : memref<8192xi32, #tpu.memory_space<smem>>
    %c0_i32 = arith.constant 0 : i32
    %c0_i32_9 = arith.constant 0 : i32
    %c0_i32_10 = arith.constant 0 : i32
    return %get3A_2, %get3A_8, %c0_i32, %c0_i32_9 : i32, i32, i32, i32
  }
  func.func @transform_42(%arg0: i32, %arg1: memref<8192xi32, #tpu.memory_space<smem>>, %arg2: memref<8192xi32, #tpu.memory_space<smem>>, %arg3: memref<8192xi32, #tpu.memory_space<smem>>, %arg4: memref<8192xi32, #tpu.memory_space<smem>>, %arg5: memref<8192xi32, #tpu.memory_space<smem>>) -> (i32, i32, i32, i32) {
    %mul3A = arith.constant 32 : i32
    %mul3A_0 = arith.muli %mul3A, %arg0 : i32
    %add3A = arith.constant 20 : i32
    %add3A_1 = arith.addi %mul3A_0, %add3A : i32
    %get3A = arith.index_cast %add3A_1 : i32 to index
    %get3A_2 = memref.load %arg2[%get3A] : memref<8192xi32, #tpu.memory_space<smem>>
    %mul3A_3 = arith.constant 32 : i32
    %mul3A_4 = arith.muli %mul3A_3, %arg0 : i32
    %add3A_5 = arith.constant 20 : i32
    %add3A_6 = arith.addi %mul3A_4, %add3A_5 : i32
    %get3A_7 = arith.index_cast %add3A_6 : i32 to index
    %get3A_8 = memref.load %arg3[%get3A_7] : memref<8192xi32, #tpu.memory_space<smem>>
    %c0_i32 = arith.constant 0 : i32
    %c0_i32_9 = arith.constant 0 : i32
    %c0_i32_10 = arith.constant 0 : i32
    return %get3A_2, %get3A_8, %c0_i32, %c0_i32_9 : i32, i32, i32, i32
  }
  func.func @transform_43(%arg0: i32, %arg1: memref<8192xi32, #tpu.memory_space<smem>>, %arg2: memref<8192xi32, #tpu.memory_space<smem>>, %arg3: memref<8192xi32, #tpu.memory_space<smem>>, %arg4: memref<8192xi32, #tpu.memory_space<smem>>, %arg5: memref<8192xi32, #tpu.memory_space<smem>>) -> (i32, i32, i32, i32) {
    %mul3A = arith.constant 32 : i32
    %mul3A_0 = arith.muli %mul3A, %arg0 : i32
    %add3A = arith.constant 21 : i32
    %add3A_1 = arith.addi %mul3A_0, %add3A : i32
    %get3A = arith.index_cast %add3A_1 : i32 to index
    %get3A_2 = memref.load %arg1[%get3A] : memref<8192xi32, #tpu.memory_space<smem>>
    %mul3A_3 = arith.constant 32 : i32
    %mul3A_4 = arith.muli %mul3A_3, %arg0 : i32
    %add3A_5 = arith.constant 21 : i32
    %add3A_6 = arith.addi %mul3A_4, %add3A_5 : i32
    %get3A_7 = arith.index_cast %add3A_6 : i32 to index
    %get3A_8 = memref.load %arg3[%get3A_7] : memref<8192xi32, #tpu.memory_space<smem>>
    %c0_i32 = arith.constant 0 : i32
    %c0_i32_9 = arith.constant 0 : i32
    %c0_i32_10 = arith.constant 0 : i32
    return %get3A_2, %get3A_8, %c0_i32, %c0_i32_9 : i32, i32, i32, i32
  }
  func.func @transform_44(%arg0: i32, %arg1: memref<8192xi32, #tpu.memory_space<smem>>, %arg2: memref<8192xi32, #tpu.memory_space<smem>>, %arg3: memref<8192xi32, #tpu.memory_space<smem>>, %arg4: memref<8192xi32, #tpu.memory_space<smem>>, %arg5: memref<8192xi32, #tpu.memory_space<smem>>) -> (i32, i32, i32, i32) {
    %mul3A = arith.constant 32 : i32
    %mul3A_0 = arith.muli %mul3A, %arg0 : i32
    %add3A = arith.constant 21 : i32
    %add3A_1 = arith.addi %mul3A_0, %add3A : i32
    %get3A = arith.index_cast %add3A_1 : i32 to index
    %get3A_2 = memref.load %arg2[%get3A] : memref<8192xi32, #tpu.memory_space<smem>>
    %mul3A_3 = arith.constant 32 : i32
    %mul3A_4 = arith.muli %mul3A_3, %arg0 : i32
    %add3A_5 = arith.constant 21 : i32
    %add3A_6 = arith.addi %mul3A_4, %add3A_5 : i32
    %get3A_7 = arith.index_cast %add3A_6 : i32 to index
    %get3A_8 = memref.load %arg3[%get3A_7] : memref<8192xi32, #tpu.memory_space<smem>>
    %c0_i32 = arith.constant 0 : i32
    %c0_i32_9 = arith.constant 0 : i32
    %c0_i32_10 = arith.constant 0 : i32
    return %get3A_2, %get3A_8, %c0_i32, %c0_i32_9 : i32, i32, i32, i32
  }
  func.func @transform_45(%arg0: i32, %arg1: memref<8192xi32, #tpu.memory_space<smem>>, %arg2: memref<8192xi32, #tpu.memory_space<smem>>, %arg3: memref<8192xi32, #tpu.memory_space<smem>>, %arg4: memref<8192xi32, #tpu.memory_space<smem>>, %arg5: memref<8192xi32, #tpu.memory_space<smem>>) -> (i32, i32, i32, i32) {
    %mul3A = arith.constant 32 : i32
    %mul3A_0 = arith.muli %mul3A, %arg0 : i32
    %add3A = arith.constant 22 : i32
    %add3A_1 = arith.addi %mul3A_0, %add3A : i32
    %get3A = arith.index_cast %add3A_1 : i32 to index
    %get3A_2 = memref.load %arg1[%get3A] : memref<8192xi32, #tpu.memory_space<smem>>
    %mul3A_3 = arith.constant 32 : i32
    %mul3A_4 = arith.muli %mul3A_3, %arg0 : i32
    %add3A_5 = arith.constant 22 : i32
    %add3A_6 = arith.addi %mul3A_4, %add3A_5 : i32
    %get3A_7 = arith.index_cast %add3A_6 : i32 to index
    %get3A_8 = memref.load %arg3[%get3A_7] : memref<8192xi32, #tpu.memory_space<smem>>
    %c0_i32 = arith.constant 0 : i32
    %c0_i32_9 = arith.constant 0 : i32
    %c0_i32_10 = arith.constant 0 : i32
    return %get3A_2, %get3A_8, %c0_i32, %c0_i32_9 : i32, i32, i32, i32
  }
  func.func @transform_46(%arg0: i32, %arg1: memref<8192xi32, #tpu.memory_space<smem>>, %arg2: memref<8192xi32, #tpu.memory_space<smem>>, %arg3: memref<8192xi32, #tpu.memory_space<smem>>, %arg4: memref<8192xi32, #tpu.memory_space<smem>>, %arg5: memref<8192xi32, #tpu.memory_space<smem>>) -> (i32, i32, i32, i32) {
    %mul3A = arith.constant 32 : i32
    %mul3A_0 = arith.muli %mul3A, %arg0 : i32
    %add3A = arith.constant 22 : i32
    %add3A_1 = arith.addi %mul3A_0, %add3A : i32
    %get3A = arith.index_cast %add3A_1 : i32 to index
    %get3A_2 = memref.load %arg2[%get3A] : memref<8192xi32, #tpu.memory_space<smem>>
    %mul3A_3 = arith.constant 32 : i32
    %mul3A_4 = arith.muli %mul3A_3, %arg0 : i32
    %add3A_5 = arith.constant 22 : i32
    %add3A_6 = arith.addi %mul3A_4, %add3A_5 : i32
    %get3A_7 = arith.index_cast %add3A_6 : i32 to index
    %get3A_8 = memref.load %arg3[%get3A_7] : memref<8192xi32, #tpu.memory_space<smem>>
    %c0_i32 = arith.constant 0 : i32
    %c0_i32_9 = arith.constant 0 : i32
    %c0_i32_10 = arith.constant 0 : i32
    return %get3A_2, %get3A_8, %c0_i32, %c0_i32_9 : i32, i32, i32, i32
  }
  func.func @transform_47(%arg0: i32, %arg1: memref<8192xi32, #tpu.memory_space<smem>>, %arg2: memref<8192xi32, #tpu.memory_space<smem>>, %arg3: memref<8192xi32, #tpu.memory_space<smem>>, %arg4: memref<8192xi32, #tpu.memory_space<smem>>, %arg5: memref<8192xi32, #tpu.memory_space<smem>>) -> (i32, i32, i32, i32) {
    %mul3A = arith.constant 32 : i32
    %mul3A_0 = arith.muli %mul3A, %arg0 : i32
    %add3A = arith.constant 23 : i32
    %add3A_1 = arith.addi %mul3A_0, %add3A : i32
    %get3A = arith.index_cast %add3A_1 : i32 to index
    %get3A_2 = memref.load %arg1[%get3A] : memref<8192xi32, #tpu.memory_space<smem>>
    %mul3A_3 = arith.constant 32 : i32
    %mul3A_4 = arith.muli %mul3A_3, %arg0 : i32
    %add3A_5 = arith.constant 23 : i32
    %add3A_6 = arith.addi %mul3A_4, %add3A_5 : i32
    %get3A_7 = arith.index_cast %add3A_6 : i32 to index
    %get3A_8 = memref.load %arg3[%get3A_7] : memref<8192xi32, #tpu.memory_space<smem>>
    %c0_i32 = arith.constant 0 : i32
    %c0_i32_9 = arith.constant 0 : i32
    %c0_i32_10 = arith.constant 0 : i32
    return %get3A_2, %get3A_8, %c0_i32, %c0_i32_9 : i32, i32, i32, i32
  }
  func.func @transform_48(%arg0: i32, %arg1: memref<8192xi32, #tpu.memory_space<smem>>, %arg2: memref<8192xi32, #tpu.memory_space<smem>>, %arg3: memref<8192xi32, #tpu.memory_space<smem>>, %arg4: memref<8192xi32, #tpu.memory_space<smem>>, %arg5: memref<8192xi32, #tpu.memory_space<smem>>) -> (i32, i32, i32, i32) {
    %mul3A = arith.constant 32 : i32
    %mul3A_0 = arith.muli %mul3A, %arg0 : i32
    %add3A = arith.constant 23 : i32
    %add3A_1 = arith.addi %mul3A_0, %add3A : i32
    %get3A = arith.index_cast %add3A_1 : i32 to index
    %get3A_2 = memref.load %arg2[%get3A] : memref<8192xi32, #tpu.memory_space<smem>>
    %mul3A_3 = arith.constant 32 : i32
    %mul3A_4 = arith.muli %mul3A_3, %arg0 : i32
    %add3A_5 = arith.constant 23 : i32
    %add3A_6 = arith.addi %mul3A_4, %add3A_5 : i32
    %get3A_7 = arith.index_cast %add3A_6 : i32 to index
    %get3A_8 = memref.load %arg3[%get3A_7] : memref<8192xi32, #tpu.memory_space<smem>>
    %c0_i32 = arith.constant 0 : i32
    %c0_i32_9 = arith.constant 0 : i32
    %c0_i32_10 = arith.constant 0 : i32
    return %get3A_2, %get3A_8, %c0_i32, %c0_i32_9 : i32, i32, i32, i32
  }
  func.func @transform_49(%arg0: i32, %arg1: memref<8192xi32, #tpu.memory_space<smem>>, %arg2: memref<8192xi32, #tpu.memory_space<smem>>, %arg3: memref<8192xi32, #tpu.memory_space<smem>>, %arg4: memref<8192xi32, #tpu.memory_space<smem>>, %arg5: memref<8192xi32, #tpu.memory_space<smem>>) -> (i32, i32, i32, i32) {
    %mul3A = arith.constant 32 : i32
    %mul3A_0 = arith.muli %mul3A, %arg0 : i32
    %add3A = arith.constant 24 : i32
    %add3A_1 = arith.addi %mul3A_0, %add3A : i32
    %get3A = arith.index_cast %add3A_1 : i32 to index
    %get3A_2 = memref.load %arg1[%get3A] : memref<8192xi32, #tpu.memory_space<smem>>
    %mul3A_3 = arith.constant 32 : i32
    %mul3A_4 = arith.muli %mul3A_3, %arg0 : i32
    %add3A_5 = arith.constant 24 : i32
    %add3A_6 = arith.addi %mul3A_4, %add3A_5 : i32
    %get3A_7 = arith.index_cast %add3A_6 : i32 to index
    %get3A_8 = memref.load %arg3[%get3A_7] : memref<8192xi32, #tpu.memory_space<smem>>
    %c0_i32 = arith.constant 0 : i32
    %c0_i32_9 = arith.constant 0 : i32
    %c0_i32_10 = arith.constant 0 : i32
    return %get3A_2, %get3A_8, %c0_i32, %c0_i32_9 : i32, i32, i32, i32
  }
  func.func @transform_50(%arg0: i32, %arg1: memref<8192xi32, #tpu.memory_space<smem>>, %arg2: memref<8192xi32, #tpu.memory_space<smem>>, %arg3: memref<8192xi32, #tpu.memory_space<smem>>, %arg4: memref<8192xi32, #tpu.memory_space<smem>>, %arg5: memref<8192xi32, #tpu.memory_space<smem>>) -> (i32, i32, i32, i32) {
    %mul3A = arith.constant 32 : i32
    %mul3A_0 = arith.muli %mul3A, %arg0 : i32
    %add3A = arith.constant 24 : i32
    %add3A_1 = arith.addi %mul3A_0, %add3A : i32
    %get3A = arith.index_cast %add3A_1 : i32 to index
    %get3A_2 = memref.load %arg2[%get3A] : memref<8192xi32, #tpu.memory_space<smem>>
    %mul3A_3 = arith.constant 32 : i32
    %mul3A_4 = arith.muli %mul3A_3, %arg0 : i32
    %add3A_5 = arith.constant 24 : i32
    %add3A_6 = arith.addi %mul3A_4, %add3A_5 : i32
    %get3A_7 = arith.index_cast %add3A_6 : i32 to index
    %get3A_8 = memref.load %arg3[%get3A_7] : memref<8192xi32, #tpu.memory_space<smem>>
    %c0_i32 = arith.constant 0 : i32
    %c0_i32_9 = arith.constant 0 : i32
    %c0_i32_10 = arith.constant 0 : i32
    return %get3A_2, %get3A_8, %c0_i32, %c0_i32_9 : i32, i32, i32, i32
  }
  func.func @transform_51(%arg0: i32, %arg1: memref<8192xi32, #tpu.memory_space<smem>>, %arg2: memref<8192xi32, #tpu.memory_space<smem>>, %arg3: memref<8192xi32, #tpu.memory_space<smem>>, %arg4: memref<8192xi32, #tpu.memory_space<smem>>, %arg5: memref<8192xi32, #tpu.memory_space<smem>>) -> (i32, i32, i32, i32) {
    %mul3A = arith.constant 32 : i32
    %mul3A_0 = arith.muli %mul3A, %arg0 : i32
    %add3A = arith.constant 25 : i32
    %add3A_1 = arith.addi %mul3A_0, %add3A : i32
    %get3A = arith.index_cast %add3A_1 : i32 to index
    %get3A_2 = memref.load %arg1[%get3A] : memref<8192xi32, #tpu.memory_space<smem>>
    %mul3A_3 = arith.constant 32 : i32
    %mul3A_4 = arith.muli %mul3A_3, %arg0 : i32
    %add3A_5 = arith.constant 25 : i32
    %add3A_6 = arith.addi %mul3A_4, %add3A_5 : i32
    %get3A_7 = arith.index_cast %add3A_6 : i32 to index
    %get3A_8 = memref.load %arg3[%get3A_7] : memref<8192xi32, #tpu.memory_space<smem>>
    %c0_i32 = arith.constant 0 : i32
    %c0_i32_9 = arith.constant 0 : i32
    %c0_i32_10 = arith.constant 0 : i32
    return %get3A_2, %get3A_8, %c0_i32, %c0_i32_9 : i32, i32, i32, i32
  }
  func.func @transform_52(%arg0: i32, %arg1: memref<8192xi32, #tpu.memory_space<smem>>, %arg2: memref<8192xi32, #tpu.memory_space<smem>>, %arg3: memref<8192xi32, #tpu.memory_space<smem>>, %arg4: memref<8192xi32, #tpu.memory_space<smem>>, %arg5: memref<8192xi32, #tpu.memory_space<smem>>) -> (i32, i32, i32, i32) {
    %mul3A = arith.constant 32 : i32
    %mul3A_0 = arith.muli %mul3A, %arg0 : i32
    %add3A = arith.constant 25 : i32
    %add3A_1 = arith.addi %mul3A_0, %add3A : i32
    %get3A = arith.index_cast %add3A_1 : i32 to index
    %get3A_2 = memref.load %arg2[%get3A] : memref<8192xi32, #tpu.memory_space<smem>>
    %mul3A_3 = arith.constant 32 : i32
    %mul3A_4 = arith.muli %mul3A_3, %arg0 : i32
    %add3A_5 = arith.constant 25 : i32
    %add3A_6 = arith.addi %mul3A_4, %add3A_5 : i32
    %get3A_7 = arith.index_cast %add3A_6 : i32 to index
    %get3A_8 = memref.load %arg3[%get3A_7] : memref<8192xi32, #tpu.memory_space<smem>>
    %c0_i32 = arith.constant 0 : i32
    %c0_i32_9 = arith.constant 0 : i32
    %c0_i32_10 = arith.constant 0 : i32
    return %get3A_2, %get3A_8, %c0_i32, %c0_i32_9 : i32, i32, i32, i32
  }
  func.func @transform_53(%arg0: i32, %arg1: memref<8192xi32, #tpu.memory_space<smem>>, %arg2: memref<8192xi32, #tpu.memory_space<smem>>, %arg3: memref<8192xi32, #tpu.memory_space<smem>>, %arg4: memref<8192xi32, #tpu.memory_space<smem>>, %arg5: memref<8192xi32, #tpu.memory_space<smem>>) -> (i32, i32, i32, i32) {
    %mul3A = arith.constant 32 : i32
    %mul3A_0 = arith.muli %mul3A, %arg0 : i32
    %add3A = arith.constant 26 : i32
    %add3A_1 = arith.addi %mul3A_0, %add3A : i32
    %get3A = arith.index_cast %add3A_1 : i32 to index
    %get3A_2 = memref.load %arg1[%get3A] : memref<8192xi32, #tpu.memory_space<smem>>
    %mul3A_3 = arith.constant 32 : i32
    %mul3A_4 = arith.muli %mul3A_3, %arg0 : i32
    %add3A_5 = arith.constant 26 : i32
    %add3A_6 = arith.addi %mul3A_4, %add3A_5 : i32
    %get3A_7 = arith.index_cast %add3A_6 : i32 to index
    %get3A_8 = memref.load %arg3[%get3A_7] : memref<8192xi32, #tpu.memory_space<smem>>
    %c0_i32 = arith.constant 0 : i32
    %c0_i32_9 = arith.constant 0 : i32
    %c0_i32_10 = arith.constant 0 : i32
    return %get3A_2, %get3A_8, %c0_i32, %c0_i32_9 : i32, i32, i32, i32
  }
  func.func @transform_54(%arg0: i32, %arg1: memref<8192xi32, #tpu.memory_space<smem>>, %arg2: memref<8192xi32, #tpu.memory_space<smem>>, %arg3: memref<8192xi32, #tpu.memory_space<smem>>, %arg4: memref<8192xi32, #tpu.memory_space<smem>>, %arg5: memref<8192xi32, #tpu.memory_space<smem>>) -> (i32, i32, i32, i32) {
    %mul3A = arith.constant 32 : i32
    %mul3A_0 = arith.muli %mul3A, %arg0 : i32
    %add3A = arith.constant 26 : i32
    %add3A_1 = arith.addi %mul3A_0, %add3A : i32
    %get3A = arith.index_cast %add3A_1 : i32 to index
    %get3A_2 = memref.load %arg2[%get3A] : memref<8192xi32, #tpu.memory_space<smem>>
    %mul3A_3 = arith.constant 32 : i32
    %mul3A_4 = arith.muli %mul3A_3, %arg0 : i32
    %add3A_5 = arith.constant 26 : i32
    %add3A_6 = arith.addi %mul3A_4, %add3A_5 : i32
    %get3A_7 = arith.index_cast %add3A_6 : i32 to index
    %get3A_8 = memref.load %arg3[%get3A_7] : memref<8192xi32, #tpu.memory_space<smem>>
    %c0_i32 = arith.constant 0 : i32
    %c0_i32_9 = arith.constant 0 : i32
    %c0_i32_10 = arith.constant 0 : i32
    return %get3A_2, %get3A_8, %c0_i32, %c0_i32_9 : i32, i32, i32, i32
  }
  func.func @transform_55(%arg0: i32, %arg1: memref<8192xi32, #tpu.memory_space<smem>>, %arg2: memref<8192xi32, #tpu.memory_space<smem>>, %arg3: memref<8192xi32, #tpu.memory_space<smem>>, %arg4: memref<8192xi32, #tpu.memory_space<smem>>, %arg5: memref<8192xi32, #tpu.memory_space<smem>>) -> (i32, i32, i32, i32) {
    %mul3A = arith.constant 32 : i32
    %mul3A_0 = arith.muli %mul3A, %arg0 : i32
    %add3A = arith.constant 27 : i32
    %add3A_1 = arith.addi %mul3A_0, %add3A : i32
    %get3A = arith.index_cast %add3A_1 : i32 to index
    %get3A_2 = memref.load %arg1[%get3A] : memref<8192xi32, #tpu.memory_space<smem>>
    %mul3A_3 = arith.constant 32 : i32
    %mul3A_4 = arith.muli %mul3A_3, %arg0 : i32
    %add3A_5 = arith.constant 27 : i32
    %add3A_6 = arith.addi %mul3A_4, %add3A_5 : i32
    %get3A_7 = arith.index_cast %add3A_6 : i32 to index
    %get3A_8 = memref.load %arg3[%get3A_7] : memref<8192xi32, #tpu.memory_space<smem>>
    %c0_i32 = arith.constant 0 : i32
    %c0_i32_9 = arith.constant 0 : i32
    %c0_i32_10 = arith.constant 0 : i32
    return %get3A_2, %get3A_8, %c0_i32, %c0_i32_9 : i32, i32, i32, i32
  }
  func.func @transform_56(%arg0: i32, %arg1: memref<8192xi32, #tpu.memory_space<smem>>, %arg2: memref<8192xi32, #tpu.memory_space<smem>>, %arg3: memref<8192xi32, #tpu.memory_space<smem>>, %arg4: memref<8192xi32, #tpu.memory_space<smem>>, %arg5: memref<8192xi32, #tpu.memory_space<smem>>) -> (i32, i32, i32, i32) {
    %mul3A = arith.constant 32 : i32
    %mul3A_0 = arith.muli %mul3A, %arg0 : i32
    %add3A = arith.constant 27 : i32
    %add3A_1 = arith.addi %mul3A_0, %add3A : i32
    %get3A = arith.index_cast %add3A_1 : i32 to index
    %get3A_2 = memref.load %arg2[%get3A] : memref<8192xi32, #tpu.memory_space<smem>>
    %mul3A_3 = arith.constant 32 : i32
    %mul3A_4 = arith.muli %mul3A_3, %arg0 : i32
    %add3A_5 = arith.constant 27 : i32
    %add3A_6 = arith.addi %mul3A_4, %add3A_5 : i32
    %get3A_7 = arith.index_cast %add3A_6 : i32 to index
    %get3A_8 = memref.load %arg3[%get3A_7] : memref<8192xi32, #tpu.memory_space<smem>>
    %c0_i32 = arith.constant 0 : i32
    %c0_i32_9 = arith.constant 0 : i32
    %c0_i32_10 = arith.constant 0 : i32
    return %get3A_2, %get3A_8, %c0_i32, %c0_i32_9 : i32, i32, i32, i32
  }
  func.func @transform_57(%arg0: i32, %arg1: memref<8192xi32, #tpu.memory_space<smem>>, %arg2: memref<8192xi32, #tpu.memory_space<smem>>, %arg3: memref<8192xi32, #tpu.memory_space<smem>>, %arg4: memref<8192xi32, #tpu.memory_space<smem>>, %arg5: memref<8192xi32, #tpu.memory_space<smem>>) -> (i32, i32, i32, i32) {
    %mul3A = arith.constant 32 : i32
    %mul3A_0 = arith.muli %mul3A, %arg0 : i32
    %add3A = arith.constant 28 : i32
    %add3A_1 = arith.addi %mul3A_0, %add3A : i32
    %get3A = arith.index_cast %add3A_1 : i32 to index
    %get3A_2 = memref.load %arg1[%get3A] : memref<8192xi32, #tpu.memory_space<smem>>
    %mul3A_3 = arith.constant 32 : i32
    %mul3A_4 = arith.muli %mul3A_3, %arg0 : i32
    %add3A_5 = arith.constant 28 : i32
    %add3A_6 = arith.addi %mul3A_4, %add3A_5 : i32
    %get3A_7 = arith.index_cast %add3A_6 : i32 to index
    %get3A_8 = memref.load %arg3[%get3A_7] : memref<8192xi32, #tpu.memory_space<smem>>
    %c0_i32 = arith.constant 0 : i32
    %c0_i32_9 = arith.constant 0 : i32
    %c0_i32_10 = arith.constant 0 : i32
    return %get3A_2, %get3A_8, %c0_i32, %c0_i32_9 : i32, i32, i32, i32
  }
  func.func @transform_58(%arg0: i32, %arg1: memref<8192xi32, #tpu.memory_space<smem>>, %arg2: memref<8192xi32, #tpu.memory_space<smem>>, %arg3: memref<8192xi32, #tpu.memory_space<smem>>, %arg4: memref<8192xi32, #tpu.memory_space<smem>>, %arg5: memref<8192xi32, #tpu.memory_space<smem>>) -> (i32, i32, i32, i32) {
    %mul3A = arith.constant 32 : i32
    %mul3A_0 = arith.muli %mul3A, %arg0 : i32
    %add3A = arith.constant 28 : i32
    %add3A_1 = arith.addi %mul3A_0, %add3A : i32
    %get3A = arith.index_cast %add3A_1 : i32 to index
    %get3A_2 = memref.load %arg2[%get3A] : memref<8192xi32, #tpu.memory_space<smem>>
    %mul3A_3 = arith.constant 32 : i32
    %mul3A_4 = arith.muli %mul3A_3, %arg0 : i32
    %add3A_5 = arith.constant 28 : i32
    %add3A_6 = arith.addi %mul3A_4, %add3A_5 : i32
    %get3A_7 = arith.index_cast %add3A_6 : i32 to index
    %get3A_8 = memref.load %arg3[%get3A_7] : memref<8192xi32, #tpu.memory_space<smem>>
    %c0_i32 = arith.constant 0 : i32
    %c0_i32_9 = arith.constant 0 : i32
    %c0_i32_10 = arith.constant 0 : i32
    return %get3A_2, %get3A_8, %c0_i32, %c0_i32_9 : i32, i32, i32, i32
  }
  func.func @transform_59(%arg0: i32, %arg1: memref<8192xi32, #tpu.memory_space<smem>>, %arg2: memref<8192xi32, #tpu.memory_space<smem>>, %arg3: memref<8192xi32, #tpu.memory_space<smem>>, %arg4: memref<8192xi32, #tpu.memory_space<smem>>, %arg5: memref<8192xi32, #tpu.memory_space<smem>>) -> (i32, i32, i32, i32) {
    %mul3A = arith.constant 32 : i32
    %mul3A_0 = arith.muli %mul3A, %arg0 : i32
    %add3A = arith.constant 29 : i32
    %add3A_1 = arith.addi %mul3A_0, %add3A : i32
    %get3A = arith.index_cast %add3A_1 : i32 to index
    %get3A_2 = memref.load %arg1[%get3A] : memref<8192xi32, #tpu.memory_space<smem>>
    %mul3A_3 = arith.constant 32 : i32
    %mul3A_4 = arith.muli %mul3A_3, %arg0 : i32
    %add3A_5 = arith.constant 29 : i32
    %add3A_6 = arith.addi %mul3A_4, %add3A_5 : i32
    %get3A_7 = arith.index_cast %add3A_6 : i32 to index
    %get3A_8 = memref.load %arg3[%get3A_7] : memref<8192xi32, #tpu.memory_space<smem>>
    %c0_i32 = arith.constant 0 : i32
    %c0_i32_9 = arith.constant 0 : i32
    %c0_i32_10 = arith.constant 0 : i32
    return %get3A_2, %get3A_8, %c0_i32, %c0_i32_9 : i32, i32, i32, i32
  }
  func.func @transform_60(%arg0: i32, %arg1: memref<8192xi32, #tpu.memory_space<smem>>, %arg2: memref<8192xi32, #tpu.memory_space<smem>>, %arg3: memref<8192xi32, #tpu.memory_space<smem>>, %arg4: memref<8192xi32, #tpu.memory_space<smem>>, %arg5: memref<8192xi32, #tpu.memory_space<smem>>) -> (i32, i32, i32, i32) {
    %mul3A = arith.constant 32 : i32
    %mul3A_0 = arith.muli %mul3A, %arg0 : i32
    %add3A = arith.constant 29 : i32
    %add3A_1 = arith.addi %mul3A_0, %add3A : i32
    %get3A = arith.index_cast %add3A_1 : i32 to index
    %get3A_2 = memref.load %arg2[%get3A] : memref<8192xi32, #tpu.memory_space<smem>>
    %mul3A_3 = arith.constant 32 : i32
    %mul3A_4 = arith.muli %mul3A_3, %arg0 : i32
    %add3A_5 = arith.constant 29 : i32
    %add3A_6 = arith.addi %mul3A_4, %add3A_5 : i32
    %get3A_7 = arith.index_cast %add3A_6 : i32 to index
    %get3A_8 = memref.load %arg3[%get3A_7] : memref<8192xi32, #tpu.memory_space<smem>>
    %c0_i32 = arith.constant 0 : i32
    %c0_i32_9 = arith.constant 0 : i32
    %c0_i32_10 = arith.constant 0 : i32
    return %get3A_2, %get3A_8, %c0_i32, %c0_i32_9 : i32, i32, i32, i32
  }
  func.func @transform_61(%arg0: i32, %arg1: memref<8192xi32, #tpu.memory_space<smem>>, %arg2: memref<8192xi32, #tpu.memory_space<smem>>, %arg3: memref<8192xi32, #tpu.memory_space<smem>>, %arg4: memref<8192xi32, #tpu.memory_space<smem>>, %arg5: memref<8192xi32, #tpu.memory_space<smem>>) -> (i32, i32, i32, i32) {
    %mul3A = arith.constant 32 : i32
    %mul3A_0 = arith.muli %mul3A, %arg0 : i32
    %add3A = arith.constant 30 : i32
    %add3A_1 = arith.addi %mul3A_0, %add3A : i32
    %get3A = arith.index_cast %add3A_1 : i32 to index
    %get3A_2 = memref.load %arg1[%get3A] : memref<8192xi32, #tpu.memory_space<smem>>
    %mul3A_3 = arith.constant 32 : i32
    %mul3A_4 = arith.muli %mul3A_3, %arg0 : i32
    %add3A_5 = arith.constant 30 : i32
    %add3A_6 = arith.addi %mul3A_4, %add3A_5 : i32
    %get3A_7 = arith.index_cast %add3A_6 : i32 to index
    %get3A_8 = memref.load %arg3[%get3A_7] : memref<8192xi32, #tpu.memory_space<smem>>
    %c0_i32 = arith.constant 0 : i32
    %c0_i32_9 = arith.constant 0 : i32
    %c0_i32_10 = arith.constant 0 : i32
    return %get3A_2, %get3A_8, %c0_i32, %c0_i32_9 : i32, i32, i32, i32
  }
  func.func @transform_62(%arg0: i32, %arg1: memref<8192xi32, #tpu.memory_space<smem>>, %arg2: memref<8192xi32, #tpu.memory_space<smem>>, %arg3: memref<8192xi32, #tpu.memory_space<smem>>, %arg4: memref<8192xi32, #tpu.memory_space<smem>>, %arg5: memref<8192xi32, #tpu.memory_space<smem>>) -> (i32, i32, i32, i32) {
    %mul3A = arith.constant 32 : i32
    %mul3A_0 = arith.muli %mul3A, %arg0 : i32
    %add3A = arith.constant 30 : i32
    %add3A_1 = arith.addi %mul3A_0, %add3A : i32
    %get3A = arith.index_cast %add3A_1 : i32 to index
    %get3A_2 = memref.load %arg2[%get3A] : memref<8192xi32, #tpu.memory_space<smem>>
    %mul3A_3 = arith.constant 32 : i32
    %mul3A_4 = arith.muli %mul3A_3, %arg0 : i32
    %add3A_5 = arith.constant 30 : i32
    %add3A_6 = arith.addi %mul3A_4, %add3A_5 : i32
    %get3A_7 = arith.index_cast %add3A_6 : i32 to index
    %get3A_8 = memref.load %arg3[%get3A_7] : memref<8192xi32, #tpu.memory_space<smem>>
    %c0_i32 = arith.constant 0 : i32
    %c0_i32_9 = arith.constant 0 : i32
    %c0_i32_10 = arith.constant 0 : i32
    return %get3A_2, %get3A_8, %c0_i32, %c0_i32_9 : i32, i32, i32, i32
  }
  func.func @transform_63(%arg0: i32, %arg1: memref<8192xi32, #tpu.memory_space<smem>>, %arg2: memref<8192xi32, #tpu.memory_space<smem>>, %arg3: memref<8192xi32, #tpu.memory_space<smem>>, %arg4: memref<8192xi32, #tpu.memory_space<smem>>, %arg5: memref<8192xi32, #tpu.memory_space<smem>>) -> (i32, i32, i32, i32) {
    %mul3A = arith.constant 32 : i32
    %mul3A_0 = arith.muli %mul3A, %arg0 : i32
    %add3A = arith.constant 31 : i32
    %add3A_1 = arith.addi %mul3A_0, %add3A : i32
    %get3A = arith.index_cast %add3A_1 : i32 to index
    %get3A_2 = memref.load %arg1[%get3A] : memref<8192xi32, #tpu.memory_space<smem>>
    %mul3A_3 = arith.constant 32 : i32
    %mul3A_4 = arith.muli %mul3A_3, %arg0 : i32
    %add3A_5 = arith.constant 31 : i32
    %add3A_6 = arith.addi %mul3A_4, %add3A_5 : i32
    %get3A_7 = arith.index_cast %add3A_6 : i32 to index
    %get3A_8 = memref.load %arg3[%get3A_7] : memref<8192xi32, #tpu.memory_space<smem>>
    %c0_i32 = arith.constant 0 : i32
    %c0_i32_9 = arith.constant 0 : i32
    %c0_i32_10 = arith.constant 0 : i32
    return %get3A_2, %get3A_8, %c0_i32, %c0_i32_9 : i32, i32, i32, i32
  }
  func.func @transform_64(%arg0: i32, %arg1: memref<8192xi32, #tpu.memory_space<smem>>, %arg2: memref<8192xi32, #tpu.memory_space<smem>>, %arg3: memref<8192xi32, #tpu.memory_space<smem>>, %arg4: memref<8192xi32, #tpu.memory_space<smem>>, %arg5: memref<8192xi32, #tpu.memory_space<smem>>) -> (i32, i32, i32, i32) {
    %mul3A = arith.constant 32 : i32
    %mul3A_0 = arith.muli %mul3A, %arg0 : i32
    %add3A = arith.constant 31 : i32
    %add3A_1 = arith.addi %mul3A_0, %add3A : i32
    %get3A = arith.index_cast %add3A_1 : i32 to index
    %get3A_2 = memref.load %arg2[%get3A] : memref<8192xi32, #tpu.memory_space<smem>>
    %mul3A_3 = arith.constant 32 : i32
    %mul3A_4 = arith.muli %mul3A_3, %arg0 : i32
    %add3A_5 = arith.constant 31 : i32
    %add3A_6 = arith.addi %mul3A_4, %add3A_5 : i32
    %get3A_7 = arith.index_cast %add3A_6 : i32 to index
    %get3A_8 = memref.load %arg3[%get3A_7] : memref<8192xi32, #tpu.memory_space<smem>>
    %c0_i32 = arith.constant 0 : i32
    %c0_i32_9 = arith.constant 0 : i32
    %c0_i32_10 = arith.constant 0 : i32
    return %get3A_2, %get3A_8, %c0_i32, %c0_i32_9 : i32, i32, i32, i32
  }
  func.func @transform_65(%arg0: i32, %arg1: memref<8192xi32, #tpu.memory_space<smem>>, %arg2: memref<8192xi32, #tpu.memory_space<smem>>, %arg3: memref<8192xi32, #tpu.memory_space<smem>>, %arg4: memref<8192xi32, #tpu.memory_space<smem>>, %arg5: memref<8192xi32, #tpu.memory_space<smem>>) -> (i32, i32) {
    %c0_i32 = arith.constant 0 : i32
    %c0_i32_0 = arith.constant 0 : i32
    return %arg0, %c0_i32 : i32, i32
  }
}

module attributes {stable_mosaic.version = 14 : i64} {
  func.func @_mlp_body(%arg0: i32, %arg1: memref<512x275xf32, #tpu.memory_space<vmem>>, %arg2: memref<256x256xf32, #tpu.memory_space<vmem>>, %arg3: memref<19x256xf32, #tpu.memory_space<vmem>>, %arg4: memref<1x256xf32, #tpu.memory_space<vmem>>, %arg5: memref<256x256xf32, #tpu.memory_space<vmem>>, %arg6: memref<19x256xf32, #tpu.memory_space<vmem>>, %arg7: memref<1x256xf32, #tpu.memory_space<vmem>>, %arg8: memref<256x256xf32, #tpu.memory_space<vmem>>, %arg9: memref<19x256xf32, #tpu.memory_space<vmem>>, %arg10: memref<1x256xf32, #tpu.memory_space<vmem>>, %arg11: memref<256x19xf32, #tpu.memory_space<vmem>>, %arg12: memref<19x19xf32, #tpu.memory_space<vmem>>, %arg13: memref<1x19xf32, #tpu.memory_space<vmem>>, %arg14: memref<512x19xf32, #tpu.memory_space<vmem>>) attributes {dimension_semantics = [#tpu.dimension_semantics<arbitrary>], iteration_bounds = array<i64: 16>, scalar_prefetch = 0 : i64, scratch_operands = 0 : i64, tpu.core_type = #tpu.core_type<tc>, window_params = [{transform_indices = @transform_0, window_bounds = array<i64: 512, 275>}, {pipeline_mode = #tpu.pipeline_mode<synchronous>, transform_indices = @transform_1, window_bounds = array<i64: 256, 256>}, {pipeline_mode = #tpu.pipeline_mode<synchronous>, transform_indices = @transform_2, window_bounds = array<i64: 19, 256>}, {pipeline_mode = #tpu.pipeline_mode<synchronous>, transform_indices = @transform_3, window_bounds = array<i64: 1, 256>}, {pipeline_mode = #tpu.pipeline_mode<synchronous>, transform_indices = @transform_4, window_bounds = array<i64: 256, 256>}, {pipeline_mode = #tpu.pipeline_mode<synchronous>, transform_indices = @transform_5, window_bounds = array<i64: 19, 256>}, {pipeline_mode = #tpu.pipeline_mode<synchronous>, transform_indices = @transform_6, window_bounds = array<i64: 1, 256>}, {pipeline_mode = #tpu.pipeline_mode<synchronous>, transform_indices = @transform_7, window_bounds = array<i64: 256, 256>}, {pipeline_mode = #tpu.pipeline_mode<synchronous>, transform_indices = @transform_8, window_bounds = array<i64: 19, 256>}, {pipeline_mode = #tpu.pipeline_mode<synchronous>, transform_indices = @transform_9, window_bounds = array<i64: 1, 256>}, {pipeline_mode = #tpu.pipeline_mode<synchronous>, transform_indices = @transform_10, window_bounds = array<i64: 256, 19>}, {pipeline_mode = #tpu.pipeline_mode<synchronous>, transform_indices = @transform_11, window_bounds = array<i64: 19, 19>}, {pipeline_mode = #tpu.pipeline_mode<synchronous>, transform_indices = @transform_12, window_bounds = array<i64: 1, 19>}, {transform_indices = @transform_13, window_bounds = array<i64: 512, 19>}]} {
    %get3A = arith.constant 0 : index
    %get3A_0 = arith.constant 0 : index
    %get3A_1 = vector.load %arg1[%get3A, %get3A_0] : memref<512x275xf32, #tpu.memory_space<vmem>>, vector<512x275xf32>
    %slice3A = vector.extract_strided_slice %get3A_1 {offsets = [0, 0], sizes = [512, 256], strides = [1, 1]} : vector<512x275xf32> to vector<512x256xf32>
    %slice3A_2 = vector.extract_strided_slice %get3A_1 {offsets = [0, 256], sizes = [512, 19], strides = [1, 1]} : vector<512x275xf32> to vector<512x19xf32>
    %get3A_3 = arith.constant 0 : index
    %get3A_4 = arith.constant 0 : index
    %get3A_5 = vector.load %arg2[%get3A_3, %get3A_4] : memref<256x256xf32, #tpu.memory_space<vmem>>, vector<256x256xf32>
    %dot_general3A = arith.constant dense<0.000000e+00> : vector<512x256xf32>
    %dot_general3A_6 = tpu.matmul %slice3A, %get3A_5, %dot_general3A {dimension_numbers = #tpu.dot_dimension_numbers<[1], [0], [0], [1], [0, 0, 1, 1], [], []>, transpose_lhs_hint = false} : vector<512x256xf32>, vector<256x256xf32>, vector<512x256xf32> -> vector<512x256xf32>
    %get3A_7 = arith.constant 0 : index
    %get3A_8 = arith.constant 0 : index
    %get3A_9 = vector.load %arg3[%get3A_7, %get3A_8] : memref<19x256xf32, #tpu.memory_space<vmem>>, vector<19x256xf32>
    %dot_general3A_10 = arith.constant dense<0.000000e+00> : vector<512x256xf32>
    %dot_general3A_11 = tpu.matmul %slice3A_2, %get3A_9, %dot_general3A_10 {dimension_numbers = #tpu.dot_dimension_numbers<[1], [0], [0], [1], [0, 0, 1, 1], [], []>, transpose_lhs_hint = false} : vector<512x19xf32>, vector<19x256xf32>, vector<512x256xf32> -> vector<512x256xf32>
    %add3A = arith.addf %dot_general3A_6, %dot_general3A_11 : vector<512x256xf32>
    %get3A_12 = arith.constant 0 : index
    %get3A_13 = arith.constant 0 : index
    %get3A_14 = vector.load %arg4[%get3A_12, %get3A_13] : memref<1x256xf32, #tpu.memory_space<vmem>>, vector<1x256xf32>
    %add3A_15 = vector.broadcast %get3A_14 : vector<1x256xf32> to vector<512x256xf32>
    %add3A_16 = arith.addf %add3A, %add3A_15 : vector<512x256xf32>
    %max3A = arith.constant 0.000000e+00 : f32
    %max3A_17 = vector.broadcast %max3A : f32 to vector<512x256xf32>
    %max3A_18 = arith.maximumf %add3A_16, %max3A_17 : vector<512x256xf32>
    %get3A_19 = arith.constant 0 : index
    %get3A_20 = arith.constant 0 : index
    %get3A_21 = vector.load %arg5[%get3A_19, %get3A_20] : memref<256x256xf32, #tpu.memory_space<vmem>>, vector<256x256xf32>
    %dot_general3A_22 = arith.constant dense<0.000000e+00> : vector<512x256xf32>
    %dot_general3A_23 = tpu.matmul %max3A_18, %get3A_21, %dot_general3A_22 {dimension_numbers = #tpu.dot_dimension_numbers<[1], [0], [0], [1], [0, 0, 1, 1], [], []>, transpose_lhs_hint = false} : vector<512x256xf32>, vector<256x256xf32>, vector<512x256xf32> -> vector<512x256xf32>
    %get3A_24 = arith.constant 0 : index
    %get3A_25 = arith.constant 0 : index
    %get3A_26 = vector.load %arg6[%get3A_24, %get3A_25] : memref<19x256xf32, #tpu.memory_space<vmem>>, vector<19x256xf32>
    %dot_general3A_27 = arith.constant dense<0.000000e+00> : vector<512x256xf32>
    %dot_general3A_28 = tpu.matmul %slice3A_2, %get3A_26, %dot_general3A_27 {dimension_numbers = #tpu.dot_dimension_numbers<[1], [0], [0], [1], [0, 0, 1, 1], [], []>, transpose_lhs_hint = false} : vector<512x19xf32>, vector<19x256xf32>, vector<512x256xf32> -> vector<512x256xf32>
    %add3A_29 = arith.addf %dot_general3A_23, %dot_general3A_28 : vector<512x256xf32>
    %get3A_30 = arith.constant 0 : index
    %get3A_31 = arith.constant 0 : index
    %get3A_32 = vector.load %arg7[%get3A_30, %get3A_31] : memref<1x256xf32, #tpu.memory_space<vmem>>, vector<1x256xf32>
    %add3A_33 = vector.broadcast %get3A_32 : vector<1x256xf32> to vector<512x256xf32>
    %add3A_34 = arith.addf %add3A_29, %add3A_33 : vector<512x256xf32>
    %max3A_35 = arith.constant 0.000000e+00 : f32
    %max3A_36 = vector.broadcast %max3A_35 : f32 to vector<512x256xf32>
    %max3A_37 = arith.maximumf %add3A_34, %max3A_36 : vector<512x256xf32>
    %get3A_38 = arith.constant 0 : index
    %get3A_39 = arith.constant 0 : index
    %get3A_40 = vector.load %arg8[%get3A_38, %get3A_39] : memref<256x256xf32, #tpu.memory_space<vmem>>, vector<256x256xf32>
    %dot_general3A_41 = arith.constant dense<0.000000e+00> : vector<512x256xf32>
    %dot_general3A_42 = tpu.matmul %max3A_37, %get3A_40, %dot_general3A_41 {dimension_numbers = #tpu.dot_dimension_numbers<[1], [0], [0], [1], [0, 0, 1, 1], [], []>, transpose_lhs_hint = false} : vector<512x256xf32>, vector<256x256xf32>, vector<512x256xf32> -> vector<512x256xf32>
    %get3A_43 = arith.constant 0 : index
    %get3A_44 = arith.constant 0 : index
    %get3A_45 = vector.load %arg9[%get3A_43, %get3A_44] : memref<19x256xf32, #tpu.memory_space<vmem>>, vector<19x256xf32>
    %dot_general3A_46 = arith.constant dense<0.000000e+00> : vector<512x256xf32>
    %dot_general3A_47 = tpu.matmul %slice3A_2, %get3A_45, %dot_general3A_46 {dimension_numbers = #tpu.dot_dimension_numbers<[1], [0], [0], [1], [0, 0, 1, 1], [], []>, transpose_lhs_hint = false} : vector<512x19xf32>, vector<19x256xf32>, vector<512x256xf32> -> vector<512x256xf32>
    %add3A_48 = arith.addf %dot_general3A_42, %dot_general3A_47 : vector<512x256xf32>
    %get3A_49 = arith.constant 0 : index
    %get3A_50 = arith.constant 0 : index
    %get3A_51 = vector.load %arg10[%get3A_49, %get3A_50] : memref<1x256xf32, #tpu.memory_space<vmem>>, vector<1x256xf32>
    %add3A_52 = vector.broadcast %get3A_51 : vector<1x256xf32> to vector<512x256xf32>
    %add3A_53 = arith.addf %add3A_48, %add3A_52 : vector<512x256xf32>
    %max3A_54 = arith.constant 0.000000e+00 : f32
    %max3A_55 = vector.broadcast %max3A_54 : f32 to vector<512x256xf32>
    %max3A_56 = arith.maximumf %add3A_53, %max3A_55 : vector<512x256xf32>
    %get3A_57 = arith.constant 0 : index
    %get3A_58 = arith.constant 0 : index
    %get3A_59 = vector.load %arg11[%get3A_57, %get3A_58] : memref<256x19xf32, #tpu.memory_space<vmem>>, vector<256x19xf32>
    %dot_general3A_60 = arith.constant dense<0.000000e+00> : vector<512x19xf32>
    %dot_general3A_61 = tpu.matmul %max3A_56, %get3A_59, %dot_general3A_60 {dimension_numbers = #tpu.dot_dimension_numbers<[1], [0], [0], [1], [0, 0, 1, 1], [], []>, transpose_lhs_hint = false} : vector<512x256xf32>, vector<256x19xf32>, vector<512x19xf32> -> vector<512x19xf32>
    %get3A_62 = arith.constant 0 : index
    %get3A_63 = arith.constant 0 : index
    %get3A_64 = vector.load %arg12[%get3A_62, %get3A_63] : memref<19x19xf32, #tpu.memory_space<vmem>>, vector<19x19xf32>
    %dot_general3A_65 = arith.constant dense<0.000000e+00> : vector<512x19xf32>
    %dot_general3A_66 = tpu.matmul %slice3A_2, %get3A_64, %dot_general3A_65 {dimension_numbers = #tpu.dot_dimension_numbers<[1], [0], [0], [1], [0, 0, 1, 1], [], []>, transpose_lhs_hint = false} : vector<512x19xf32>, vector<19x19xf32>, vector<512x19xf32> -> vector<512x19xf32>
    %add3A_67 = arith.addf %dot_general3A_61, %dot_general3A_66 : vector<512x19xf32>
    %get3A_68 = arith.constant 0 : index
    %get3A_69 = arith.constant 0 : index
    %get3A_70 = vector.load %arg13[%get3A_68, %get3A_69] : memref<1x19xf32, #tpu.memory_space<vmem>>, vector<1x19xf32>
    %add3A_71 = vector.broadcast %get3A_70 : vector<1x19xf32> to vector<512x19xf32>
    %add3A_72 = arith.addf %add3A_67, %add3A_71 : vector<512x19xf32>
    %swap3A = arith.constant 0 : index
    %swap3A_73 = arith.constant 0 : index
    %swap3A_74 = vector.load %arg14[%swap3A, %swap3A_73] : memref<512x19xf32, #tpu.memory_space<vmem>>, vector<512x19xf32>
    tpu.vector_store %arg14[%swap3A, %swap3A_73], %add3A_72 {strides = array<i32>} : memref<512x19xf32, #tpu.memory_space<vmem>>, vector<512x19xf32>,
    return
  }
  func.func @transform_0(%arg0: i32) -> (i32, i32) {
    %c0_i32 = arith.constant 0 : i32
    %c0_i32_0 = arith.constant 0 : i32
    return %arg0, %c0_i32 : i32, i32
  }
  func.func @transform_1(%arg0: i32) -> (i32, i32) {
    %c0_i32 = arith.constant 0 : i32
    %c0_i32_0 = arith.constant 0 : i32
    %c0_i32_1 = arith.constant 0 : i32
    return %c0_i32, %c0_i32_0 : i32, i32
  }
  func.func @transform_2(%arg0: i32) -> (i32, i32) {
    %c0_i32 = arith.constant 0 : i32
    %c0_i32_0 = arith.constant 0 : i32
    %c0_i32_1 = arith.constant 0 : i32
    return %c0_i32, %c0_i32_0 : i32, i32
  }
  func.func @transform_3(%arg0: i32) -> (i32, i32) {
    %c0_i32 = arith.constant 0 : i32
    %c0_i32_0 = arith.constant 0 : i32
    %c0_i32_1 = arith.constant 0 : i32
    return %c0_i32, %c0_i32_0 : i32, i32
  }
  func.func @transform_4(%arg0: i32) -> (i32, i32) {
    %c0_i32 = arith.constant 0 : i32
    %c0_i32_0 = arith.constant 0 : i32
    %c0_i32_1 = arith.constant 0 : i32
    return %c0_i32, %c0_i32_0 : i32, i32
  }
  func.func @transform_5(%arg0: i32) -> (i32, i32) {
    %c0_i32 = arith.constant 0 : i32
    %c0_i32_0 = arith.constant 0 : i32
    %c0_i32_1 = arith.constant 0 : i32
    return %c0_i32, %c0_i32_0 : i32, i32
  }
  func.func @transform_6(%arg0: i32) -> (i32, i32) {
    %c0_i32 = arith.constant 0 : i32
    %c0_i32_0 = arith.constant 0 : i32
    %c0_i32_1 = arith.constant 0 : i32
    return %c0_i32, %c0_i32_0 : i32, i32
  }
  func.func @transform_7(%arg0: i32) -> (i32, i32) {
    %c0_i32 = arith.constant 0 : i32
    %c0_i32_0 = arith.constant 0 : i32
    %c0_i32_1 = arith.constant 0 : i32
    return %c0_i32, %c0_i32_0 : i32, i32
  }
  func.func @transform_8(%arg0: i32) -> (i32, i32) {
    %c0_i32 = arith.constant 0 : i32
    %c0_i32_0 = arith.constant 0 : i32
    %c0_i32_1 = arith.constant 0 : i32
    return %c0_i32, %c0_i32_0 : i32, i32
  }
  func.func @transform_9(%arg0: i32) -> (i32, i32) {
    %c0_i32 = arith.constant 0 : i32
    %c0_i32_0 = arith.constant 0 : i32
    %c0_i32_1 = arith.constant 0 : i32
    return %c0_i32, %c0_i32_0 : i32, i32
  }
  func.func @transform_10(%arg0: i32) -> (i32, i32) {
    %c0_i32 = arith.constant 0 : i32
    %c0_i32_0 = arith.constant 0 : i32
    %c0_i32_1 = arith.constant 0 : i32
    return %c0_i32, %c0_i32_0 : i32, i32
  }
  func.func @transform_11(%arg0: i32) -> (i32, i32) {
    %c0_i32 = arith.constant 0 : i32
    %c0_i32_0 = arith.constant 0 : i32
    %c0_i32_1 = arith.constant 0 : i32
    return %c0_i32, %c0_i32_0 : i32, i32
  }
  func.func @transform_12(%arg0: i32) -> (i32, i32) {
    %c0_i32 = arith.constant 0 : i32
    %c0_i32_0 = arith.constant 0 : i32
    %c0_i32_1 = arith.constant 0 : i32
    return %c0_i32, %c0_i32_0 : i32, i32
  }
  func.func @transform_13(%arg0: i32) -> (i32, i32) {
    %c0_i32 = arith.constant 0 : i32
    %c0_i32_0 = arith.constant 0 : i32
    return %arg0, %c0_i32 : i32, i32
  }
}

</mosaic_0001>

<sc_bundles>
// kernel: sparse-core-data-format-call.1.cloned.1.call-start
scs
called_computation.1_lowered:
.L_overlay_start_0:
0x0: {  	s2 =	sld [smem:$0x3FD9]  }
0x1: {  	s3 =	sld [smem:$0x3FFE];
	_ =	sdelay $0x1  }
0x2: {  	s1 =	srdreg.scid  }
0x3: {  	s0 =	sand.u32 $0x1, s1  }
0x4: {  	s18 =	sshll.u32 s0, $0xA;
	s2 =	sadd.s32 s3, s2  }
0x5: {  	s2 =	sadd.s32 s2, s18  }
0x6: {  	[smem:$0x3FBE] =	sst s2  }
0x7: {  	_ = 	snop  }
0x8: {  	s19 =	sld [smem:$0x3FD0];
	(tm) =	ssettm $0x1  }
0x9: {  	s20 =	sld [smem:$0x3FFB];
	_ =	sdelay $0x3  }
0xa: {  	_ =	strace s20  }
0xb: {  	s2 =	sld [smem:$0x3FFC];
	_ =	sdelay $0x3  }
0xc: {  	_ =	strace s2  }
0xd: {  	s2 =	sld [smem:$0x3FFD];
	_ =	sdelay $0x3  }
0xe: {  	_ =	strace s2  }
0xf: {  	_ =	strace $0x8FFFFFFF  }
0x10: {  	s21 =	sld [smem:$0x3FDB];
	_ =	sdelay $0x1  }
0x11: {  	s4 =	simm.s32 $_scs_section_size  }
0x12: {  	s5 =	simm.s32 $_size__tile_overlayer_lowered;
	s6 =	simm.s32 $_tile_overlayer_lowered  }
0x13: {  	s7 =	simm.s32 $0x1BFF;
	s22 =	sshll.u32 s6, $0x1;
	s4 =	sadd.s32 s4, s21  }
0x14: {  	s23 =	simm.s32 $0x0;
	s5 =	sshll.u32 s5, $0x1;
	s6 =	sadd.s32 s22, s4  }
0x15: {  	[timem:s23], [sflag:s7] =	dma.local [hbm:s6], s5  }
0x16: {  	_ =	swait.ge [sflag:s7], s5  }
0x17: {  	s5 =	ssub.s32 $0x0, s5;
	[sflag:s7] =	ssyncset.done $0x0  }
0x18: {  	[sflag:s7] =	ssyncadd.s32 s5;
	_ =	sdelay $0x1  }
0x19: {  	s24 =	simm.s32 $0x1B8B  }
0x1a: {  	_ =	swait.ge [sflag:s24], $0x1  }
0x1b: {  	[sflag:s24] =	ssyncset.done $0x0  }
0x1c: {  	[sflag:s24] =	ssyncadd.s32 $0xFFFFFFFF  }
0x1d: {  	s5 =	sld [smem:$0x0]  }
0x1e: {  	s6 =	sand.u32 $0xFFFFFFFE, s1  }
0x1f: {  	p0 =	sne.s32 s1, s6  }
0x20: {  	s6 =	sshll.u32 @p0 s6, $0xE  }
0x21: {  	s6 =	sadd.s32 @p0 $0x11B8D, s6;
	s7 =	sshll.u32 @p0 s5, $0x11  }
0x22: {  	s6 =	sor.u32 @p0 s7, s6  }
0x23: {  	[sflag:s6] =	ssyncadd.remote.s32 @p0 $0x1;
	_ =	sdelay $0x1  }
0x24: {  	s6 =	simm.s32 @p0 $0x1B8D  }
0x25: {  	_ =	swait.eq @p0 [sflag:s6], $0x1  }
0x26: {  	[sflag:s6] =	ssyncadd.s32 @p0 $0xFFFFFFFF  }
0x27: {  	s7 =	sshll.u32 @!p0 s1, $0xE  }
0x28: {  	s7 =	sor.u32 @!p0 $0x4000, s7;
	s6 =	simm.s32 @!p0 $0x1B8D  }
0x29: {  	s5 =	sshll.u32 @!p0 s5, $0x11;
	s7 =	sadd.s32 @!p0 $0x11B8D, s7;
	_ =	swait.eq @!p0 [sflag:s6], $0x1  }
0x2a: {  	s5 =	sor.u32 @!p0 s5, s7;
	[sflag:s6] =	ssyncadd.s32 @!p0 $0xFFFFFFFF  }
0x2b: {  	s26 =	simm.s32 $0x1B8E;
	s25 =	sld [smem:$0x3FFE];
	[sflag:s5] =	ssyncadd.remote.s32 @!p0 $0x1  }
0x2c: {  	s27 =	simm.s32 $execute0_lowered;
	[smem:$0x3FD2] =	sst s26  }
0x2d: {  	s6 =	sshll.u32 s27, $0x1;
	_ =	strace $0x8000004C;
	[dreg:$0x1] =	wrdreg $0xFFFFFFFF  }
0x2e: {  	s28 =	simm.s32 $_size_execute0_lowered;
	s4 =	sadd.s32 s4, s6;
	[dreg:$0x0] =	wrdreg $0x0  }
0x2f: {  	s6 =	sshll.u32 s28, $0x1;
	[dreg:$0x2] =	wrdreg s4  }
0x30: {  	[dreg:$0x3] =	wrdreg s6  }
0x31: {  	[dreg:$0x4] =	wrdreg $0xC0  }
0x32: {  	_ =	task [dreg:s23], $0x5FFFF  }
0x33: {  	[dreg:$0x1] =	wrdreg $0xFFFFFFFF  }
0x34: {  	[dreg:$0x0] =	wrdreg $0x60  }
0x35: {  	[dreg:$0x2] =	wrdreg s19  }
0x36: {  	[dreg:$0x3] =	wrdreg s25  }
0x37: {  	[dreg:$0x4] =	wrdreg $0xA  }
0x38: {  	_ =	task.clear_ibuf [dreg:s23], $0x5FFFF;
	_ =	strace $0x9000004C  }
0x39: {  	s29 =	simm.s32 $0xA;
	_ =	strace $0x8000004E  }
0x3a: {  	_ =	swait.ge [sflag:s29], $0x1  }
0x3b: {  	[sflag:s29] =	ssyncadd.s32 $0xFFFFFFFF  }
0x3c: {  	_ =	strace $0x9000004E  }
0x3d: {  	_ =	sfence  }
0x3e: {  	s30 =	sld [smem:$0x0];
	_ =	sdelay $0x2  }
0x3f: {  	s31 =	sshll.u32 s1, $0xD;
	s1 =	sshrl.u32 s1, $0x2  }
0x40: {  	s4 =	sand.u32 $0x4000, s31;
	s1 =	sadd.s32 s1, s30  }
0x41: {  	s0 =	sor.u32 s4, s0;
	s1 =	sshll.u32 s1, $0x11  }
0x42: {  	s0 =	sor.u32 s1, s0  }
0x43: {  	s0 =	sadd.s32 $0x8F2B, s0  }
0x44: {  	[sflag:s0] =	ssyncadd.remote.s32 $0x1  }
0x45: {  	_ =	sfence.sel $0xFFFF  }
0x46: {  	[dreg:$0x0] =	wrdreg $0xFFFFFFFF;
	(pc) =	sbr.abs _section_cstart, $3  }
0x47: {  	[dreg:$0x1] =	wrdreg $0xFFFFFFFF  }
0x48: {  	_ =	task.clear_ibuf [dreg:s23], $0x2FFFF;
	_ =	strace $0x9FFFFFFF  }
0x49: {  	(tm) =	ssettm $0x7FFFFFFF  }
tec
execute0_lowered:
.L_overlay_start_1:
0x0: {  	(tag) =	ssettag $0x1  }
0x1: {  	s2 =	stileid.u32  }
0x2: {  	s0 =	srdreg.scid;
	s25 =	rddreg [dreg:$0x1];
	_ =	strace $0x8000004D  }
0x3: {  	s7 =	simm.s32 $0x1;
	s27 =	simm.s32 $0x2;
	s17 =	simm.s32 $0x80  }
0x4: {  	s24 =	simm.s32 $0x0;
	s23 =	simm.s32 $0x0;
	s18 =	simm.s32 $0x0  }
0x5: {  	s20 =	simm.s32 $0x0;
	s1 =	sshll.u32 s2, $0x2;
	s0 =	sshll.u32 s0, $0x6  }
0x6: {  	s26 =	sadd.s32 $0xCCBA00, s25;
	s28 =	sadd.s32 $0xCCDA00, s25;
	s0 =	sor.u32 s1, s0  }
0x7: {  	s22 =	simm.s32 $0x0;
	s29 =	sadd.s32 $0xCCFA00, s25;
	s3 =	sand.u32 $0x78, s0  }
0x8: {  	s4 =	sand.u32 $0x1, s2;
	s30 =	sadd.s32 $0xCD1A00, s25;
	s0 =	ssub.s32 $0x200, s3  }
0x9: {  	s31 =	sadd.s32 $0xCD3A00, s25;
	s2 =	ssub.s32 $0x2, s4;
	s5 =	sand.u32 $0x78, s0  }
0xa: {  	[dreg:$0x3] =	wrdreg s26;
	s6 =	sshrl.u32 s2, $0x1;
	p0 =	sne.s32 s5, $0x0  }
0xb: {  	s2 =	sand.u32 $0x1, s2;
	s0 =	sshrl.u32 s0, $0x7;
	s7 =	simm.s32 @!p0 $0x0  }
0xc: {  	[dreg:$0x4] =	wrdreg s28;
	s2 =	sadd.s32 s2, s6;
	s0 =	sadd.s32 s7, s0  }
0xd: {  	s12 =	sadd.s32 $0xCD5A00, s25;
	[dreg:$0x5] =	wrdreg s29;
	s0 =	smul.u32 s0, s2  }
.Ltmp0:
0xe: {  	s13 =	sadd.s32 $0xCD7A00, s25;
	[dreg:$0x6] =	wrdreg s30;
	(pc) =	sbr.rel .LBB1_1-.Ltmp0, $4  }
0xf: {  	s14 =	sadd.s32 $0xCD9A00, s25;
	s25 =	simm.s32 $0x0;
	[dreg:$0x7] =	wrdreg s31  }
0x10: {  	s26 =	simm.s32 $0x0;
	s5 =	simm.s32 $0x1;
	s9 =	smul.u32 $0x6, s0  }
0x11: {  	s21 =	smov.u32 s4;
	s19 =	smov.u32 s3;
	[sflag:s5] =	ssyncpa.u1 $0x0  }
0x12: {  	p0 =	por $0x0, $0x0;
	[sflag:s27] =	ssyncpa.u1 $0x0;
	s15 =	sor.u32 $0x1, s9  }
.LBB1_9:
0x13: {  	s0 =	sadd.s32 $0x100, s18  }
0x14: {  	s1 =	sadd.s32 $0x80, s19;
	s2 =	smov.u32 s19;
	p2 =	sgt.s32 s0, $0x1FF  }
0x15: {  	s2 =	smov.u32 @p2 s1  }
0x16: {  	s6 =	smov.u32 s20;
	s1 =	sadd.s32 $0x8, s20;
	p3 =	sgt.s32 s2, $0x1FF  }
0x17: {  	s6 =	smov.u32 @p3 s1  }
0x18: {  	s7 =	smov.u32 s21;
	s1 =	sadd.s32 $0x2, s21;
	p4 =	sgt.s32 s6, $0x12  }
0x19: {  	p1 =	slt.u32 s22, $0x2;
	s7 =	smov.u32 @p4 s1  }
0x1a: {  	s25 =	smov.u32 s18;
	s0 =	simm.s32 @p2 $0x0;
	p2 =	sgt.s32 s7, $0x1  }
0x1b: {  	s24 =	smov.u32 s19;
	s7 =	smov.u32 @p2 s4;
	p2 =	sne.s32 s22, s15  }
.Ltmp1:
0x1c: {  	s23 =	smov.u32 s20;
	s26 =	smov.u32 s21;
	(pc) =	sbr.rel @!p2 .LBB1_10-.Ltmp1, $4  }
0x1d: {  	p0 =	por !p0, !p0;
	s18 =	smov.u32 s0;
	s1 =	simm.s32 @!p1 $0x2  }
0x1e: {  	s2 =	smov.u32 @p3 s3;
	s6 =	simm.s32 @p4 $0x0;
	_ =	swait.ge @!p1 [sflag:s1], $0x4000  }
0x1f: {  	s19 =	smov.u32 s2;
	s20 =	smov.u32 s6;
	[sflag:s1] =	ssyncset.done @!p1 $0x0  }
0x20: {  	s22 =	sadd.s32 $0x1, s22;
	[sflag:s1] =	ssyncadd.s32 @!p1 $0xFFFFC000;
	s21 =	smov.u32 s7  }
.LBB1_1:
0x21: {  	p1 =	sge.u32 s22, s9  }
.Ltmp2:
0x22: {  	_ = 	snop;
	(pc) =	sbr.rel @p1 .LBB1_3-.Ltmp2, $1  }
0x23: {  	_ =	sdelay $0x3  }
0x24: {  	s0 =	sshll.u32 s19, $0x9;
	s1 =	sshll.u32 s18, $0x3;
	s31 =	sshll.u32 s19, $0x7  }
0x25: {  	p1 =	sgt.s32 s21, $0x1;
	s6 =	smov.u32 s21;
	s7 =	sshra.s32 s21, $0x1F  }
0x26: {  	s8 =	sshra.s32 s20, $0x1F;
	s27 =	sshra.s32 s19, $0x1F;
	s28 =	sand.u32 $0x78, s18  }
0x27: {  	s30 =	sshra.s32 s18, $0x1F;
	s0 =	sand.u32 $0x3F000, s0;
	s1 =	sand.u32 $0x3FC00, s1  }
0x28: {  	s2 =	sand.u32 $0x200, s31;
	s6 =	simm.s32 @!p1 $0x1;
	s11 =	sand.u32 s7, s21  }
0x29: {  	p1 =	sgt.s32 s20, $0xB;
	s7 =	smov.u32 s20;
	s16 =	sand.u32 s8, s20  }
0x2a: {  	s8 =	sand.u32 s27, s19;
	s27 =	rddreg [dreg:$0x0];
	s0 =	sadd.s32 s0, s1  }
0x2b: {  	s7 =	simm.s32 @!p1 $0xB;
	p1 =	sgt.s32 s19, $0x1F8;
	s1 =	sand.u32 $0x180, s31  }
0x2c: {  	s31 =	sxor.u32 $0xFFFFFFFF, s22;
	s0 =	sor.u32 s2, s0;
	s2 =	sxor.u32 $0xFFFFFFFF, s11  }
0x2d: {  	s1 =	sor.u32 s28, s1;
	s11 =	smul.u32 $0x98000, s21;
	s28 =	sand.u32 $0x7, s18  }
0x2e: {  	s2 =	sadd.s32 s2, s6;
	s6 =	ssub.s32 s7, s16;
	s7 =	smov.u32 s19  }
0x2f: {  	s0 =	sshrl.u32 s0, $0x3;
	s16 =	sshll.u32 s20, $0xF;
	s1 =	sshrl.u32 s1, $0x3  }
0x30: {  	s10 =	sadd.s32 $0xFFFFFFF5, s6;
	s7 =	simm.s32 @!p1 $0x1F8;
	p2 =	sgt.s32 s2, $0x0  }
0x31: {  	s2 =	ssub.s32 $0x1, s2;
	s6 =	ssub.s32 $0x13, s6;
	p1 =	sgt.s32 s10, $0x7  }
0x32: {  	s7 =	ssub.s32 s7, s8;
	s2 =	simm.s32 @p2 $0x0;
	s6 =	simm.s32 @p1 $0x0  }
0x33: {  	p2 =	sgt.s32 s18, $0x100;
	s2 =	smul.u32 s2, s6;
	s6 =	smov.u32 s18  }
0x34: {  	s8 =	sand.u32 s30, s18;
	s29 =	sadd.s32 $0xFFFFFE08, s7;
	s6 =	simm.s32 @!p2 $0x100  }
0x35: {  	s7 =	ssub.s32 $0x200, s7;
	p1 =	sgt.s32 s29, $0x7;
	s6 =	ssub.s32 s6, s8  }
0x36: {  	s0 =	sand.u32 $0x7FC0, s0;
	s7 =	simm.s32 @p1 $0x0;
	s10 =	sadd.s32 $0xFFFFFF00, s6  }
0x37: {  	s2 =	smul.u32 s7, s2;
	s6 =	ssub.s32 $0x200, s6;
	p1 =	sgt.s32 s10, $0xFF  }
0x38: {  	s29 =	sshll.u32 s28, $0x12;
	s7 =	sadd.s32 s27, s11;
	s6 =	simm.s32 @p1 $0x0  }
0x39: {  	s30 =	sor.u32 $0x800, s29;
	s2 =	smul.u32 s6, s2;
	s6 =	sadd.s32 s16, s7  }
0x3a: {  	s8 =	sshll.u32 s31, $0xE;
	s31 =	simm.s32 $0x40000;
	s1 =	sadd.s32 s1, s6  }
0x3b: {  	s8 =	sand.u32 $0x4000, s8;
	s2 =	sand.u32 $0x3FFFFFFF, s2;
	s0 =	sadd.s32 s0, s1  }
0x3c: {  	[tilespmem:s8], [sflag:$0x1] =	stream.strided.gather [hbm4b:s0+s30], s2, s31, s30, $0x38;
	[tilespmem:$0x11000] =	vst v63  }
.LBB1_3:
0x3d: {  	s0 =	sadd.s32 $0xFFFFFFFF, s22  }
0x3e: {  	p1 =	sge.u32 s0, s9  }
.Ltmp3:
0x3f: {  	_ = 	snop;
	(pc) =	sbr.rel @p1 .LBB1_9-.Ltmp3, $1  }
0x40: {  	_ =	sdelay $0x3  }
0x41: {  	p1 =	sgt.s32 s26, $0x1;
	s0 =	smov.u32 s26;
	s1 =	sshra.s32 s26, $0x1F  }
0x42: {  	s2 =	smov.u32 s23;
	s6 =	sshra.s32 s23, $0x1F;
	s11 =	sshra.s32 s24, $0x1F  }
0x43: {  	s0 =	simm.s32 @!p1 $0x1;
	s1 =	sand.u32 s1, s26;
	p1 =	sgt.s32 s23, $0xB  }
0x44: {  	s6 =	sand.u32 s6, s23;
	s1 =	sxor.u32 $0xFFFFFFFF, s1;
	s2 =	simm.s32 @!p1 $0xB  }
0x45: {  	s30 =	sshra.s32 s25, $0x1F;
	s0 =	sadd.s32 s1, s0;
	s10 =	ssub.s32 s2, s6  }
0x46: {  	p1 =	sgt.s32 s0, $0x0;
	s0 =	ssub.s32 $0x1, s0;
	s2 =	sadd.s32 $0xFFFFFFF5, s10  }
0x47: {  	s1 =	ssub.s32 $0x13, s10;
	s0 =	simm.s32 @p1 $0x0;
	p1 =	sgt.s32 s2, $0x7  }
0x48: {  	s2 =	smov.u32 s24;
	s1 =	simm.s32 @p1 $0x0;
	p1 =	sgt.s32 s24, $0x1F8  }
0x49: {  	s16 =	sand.u32 s11, s24;
	s0 =	smul.u32 s0, s1;
	s2 =	simm.s32 @!p1 $0x1F8  }
0x4a: {  	p1 =	sgt.s32 s25, $0x100;
	s1 =	ssub.s32 s2, s16;
	s2 =	smov.u32 s25  }
0x4b: {  	s6 =	sand.u32 s30, s25;
	s8 =	sadd.s32 $0xFFFFFE08, s1;
	s2 =	simm.s32 @!p1 $0x100  }
0x4c: {  	s1 =	ssub.s32 $0x200, s1;
	p1 =	sgt.s32 s8, $0x7;
	s2 =	ssub.s32 s2, s6  }
0x4d: {  	s11 =	sand.u32 $0x1, s22;
	s1 =	simm.s32 @p1 $0x0;
	s6 =	sadd.s32 $0xFFFFFF00, s2  }
0x4e: {  	s0 =	smul.u32 s1, s0;
	p1 =	sgt.s32 s6, $0xFF;
	s1 =	ssub.s32 $0x200, s2  }
0x4f: {  	s7 =	simm.s32 $0x1;
	s30 =	smul.u32 $0x12000, s11;
	s1 =	simm.s32 @p1 $0x0  }
0x50: {  	s7 =	simm.s32 @!p0 $0x0;
	s0 =	smul.u32 s1, s0  }
0x51: {  	s31 =	sshll.u32 s11, $0xE;
	s27 =	sshrl.u32 s30, $0x2;
	s8 =	smul.u32 $0x12000, s7  }
0x52: {  	s28 =	sor.u32 $0x8000, s27;
	s16 =	sshll.u32 s7, $0xE;
	s0 =	sand.u32 $0x3FFFFFFF, s0  }
0x53: {  	s10 =	sshrl.u32 s8, $0x2;
	s6 =	sor.u32 $0x410, s16;
	_ =	swait.ge [sflag:s5], s0  }
0x54: {  	s29 =	sor.u32 $0x8000, s10;
	s0 =	ssub.s32 $0x0, s0;
	[sflag:s5] =	ssyncset.done $0x0  }
0x55: {  	s1 =	simm.s32 $0x0;
	[sflag:s5] =	ssyncadd.s32 s0;
	s0 =	simm.s32 $0x0  }
.LBB1_5:
0x56: {  	s2 =	sshll.u32 s0, $0xB  }
0x57: {  	v2 =	vld [tilespmem:s6+$0xFFFFFBF0];
	v0 =	vmov s2  }
0x58: {  	v3 =	vld [tilespmem:s6+$0xFFFFFC00]  }
0x59: {  	s16 =	sand.u32 $0x300, s1;
	v4 =	vld [tilespmem:s6+$0xFFFFFC10]  }
0x5a: {  	s7 =	sand.u32 $0x80, s1;
	v6 =	vld [tilespmem:s6+$0xFFFFFC20];
	s2 =	sadd.s32 s16, s31  }
0x5b: {  	v7 =	vld [tilespmem:s6+$0xFFFFFC30];
	s2 =	sadd.s32 s7, s2  }
0x5c: {  	v1 =	vld.idx.msk [tilespmem:v0+s2+$0x400 ss:$0x1], $0xffff;
	s2 =	sadd.s32 $0x0, s29  }
0x5d: {  	v8 =	vld [tilespmem:s6+$0xFFFFFC40];
	[tilespmem:s2+$0x0 ss:$0x9] =	vst.msk $0xffff, v2  }
0x5e: {  	v9 =	vld [tilespmem:s6+$0xFFFFFC50];
	[tilespmem:s2+$0x90 ss:$0x9] =	vst.msk $0xffff, v3  }
0x5f: {  	v5 =	vld [tilespmem:s6+$0xFFFFFC60];
	[tilespmem:s2+$0x120 ss:$0x9] =	vst.msk $0xffff, v4  }
0x60: {  	v4 =	vld [tilespmem:s6+$0x0];
	[tilespmem:s2+$0x1B0 ss:$0x9] =	vst.msk $0xffff, v6  }
0x61: {  	v3 =	vld [tilespmem:s6+$0x10];
	[tilespmem:s2+$0x240 ss:$0x9] =	vst.msk $0xffff, v7  }
0x62: {  	[tilespmem:s2+$0x2D0 ss:$0x9] =	vst.msk $0xffff, v8;
	v2 =	vld [tilespmem:s6+$0x30]  }
0x63: {  	s8 =	simm.s32 $0x4800;
	s7 =	simm.s32 $0x80;
	[tilespmem:s2+$0x480 ss:$0x9] =	vst.msk $0xffff, v1;
	v1 =	vld [tilespmem:s6+$0x20]  }
0x64: {  	s30 =	smov.u32 s6;
	s16 =	simm.s32 $0x2400;
	s10 =	sand.u32 $0x300, s7;
	[tilespmem:s2+$0x360 ss:$0x9] =	vst.msk $0xffff, v9;
	v6 =	vld [tilespmem:s6+$0x40]  }
.LBB1_6:
0x65: {  	p1 =	sne.s32 s8, $0xFC00;
	s11 =	sand.u32 $0x80, s7;
	s10 =	sadd.s32 s10, s31;
	[tilespmem:s2+$0x3F0 ss:$0x9] =	vst.msk $0xffff, v5;
	v5 =	vld [tilespmem:s30+$0x50]  }
0x66: {  	s10 =	sadd.s32 s11, s10;
	[tilespmem:s2+$0x510 ss:$0x9] =	vst.msk $0xffff, v4;
	v4 =	vld [tilespmem:s30+$0x60]  }
0x67: {  	s30 =	sadd.s32 $0x80, s30;
	v7 =	vld.idx.msk [tilespmem:v0+s10+$0x400 ss:$0x1], $0xffff;
	[tilespmem:s2+$0x5A0 ss:$0x9] =	vst.msk $0xffff, v3  }
0x68: {  	v3 =	vld [tilespmem:s30+$0xFFFFFBF0];
	[tilespmem:s2+$0x630 ss:$0x9] =	vst.msk $0xffff, v1  }
0x69: {  	v1 =	vld [tilespmem:s30+$0xFFFFFC00];
	[tilespmem:s2+$0x6C0 ss:$0x9] =	vst.msk $0xffff, v2  }
0x6a: {  	v2 =	vld [tilespmem:s30+$0xFFFFFC10];
	[tilespmem:s2+$0x750 ss:$0x9] =	vst.msk $0xffff, v6  }
0x6b: {  	s10 =	sshra.s32 s16, $0x2;
	s16 =	smov.u32 s8;
	v6 =	vld [tilespmem:s30+$0xFFFFFC20];
	[tilespmem:s2+$0x7E0 ss:$0x9] =	vst.msk $0xffff, v5  }
0x6c: {  	v8 =	vld [tilespmem:s30+$0xFFFFFC30];
	[tilespmem:s2+$0x870 ss:$0x9] =	vst.msk $0xffff, v4;
	s2 =	sadd.s32 s10, s29  }
0x6d: {  	v9 =	vld [tilespmem:s30+$0xFFFFFC40];
	[tilespmem:s2+$0x480 ss:$0x9] =	vst.msk $0xffff, v7  }
0x6e: {  	[tilespmem:s2+$0x0 ss:$0x9] =	vst.msk $0xffff, v3;
	v7 =	vld [tilespmem:s30+$0xFFFFFC50]  }
0x6f: {  	[tilespmem:s2+$0x90 ss:$0x9] =	vst.msk $0xffff, v1;
	v5 =	vld [tilespmem:s30+$0xFFFFFC60]  }
.Ltmp4:
0x70: {  	[tilespmem:s2+$0x120 ss:$0x9] =	vst.msk $0xffff, v2;
	v4 =	vld [tilespmem:s30+$0x0];
	(pc) =	sbr.rel @p1 .LBB1_6-.Ltmp4, $4  }
0x71: {  	[tilespmem:s2+$0x1B0 ss:$0x9] =	vst.msk $0xffff, v6;
	v3 =	vld [tilespmem:s30+$0x10]  }
0x72: {  	[tilespmem:s2+$0x240 ss:$0x9] =	vst.msk $0xffff, v8;
	v1 =	vld [tilespmem:s30+$0x20]  }
0x73: {  	s7 =	sadd.s32 $0x80, s7;
	[tilespmem:s2+$0x2D0 ss:$0x9] =	vst.msk $0xffff, v9;
	v2 =	vld [tilespmem:s30+$0x30]  }
0x74: {  	s8 =	sadd.s32 $0x2400, s8;
	s10 =	sand.u32 $0x300, s7;
	[tilespmem:s2+$0x360 ss:$0x9] =	vst.msk $0xffff, v7;
	v6 =	vld [tilespmem:s30+$0x40]  }
0x75: {  	[tilespmem:s2+$0x3F0 ss:$0x9] =	vst.msk $0xffff, v5  }
0x76: {  	v47 =	vld [tilespmem:s30+$0x50];
	[tilespmem:s2+$0x510 ss:$0x9] =	vst.msk $0xffff, v4  }
0x77: {  	v48 =	vld [tilespmem:s30+$0x60];
	s11 =	sadd.s32 $0x80, s30;
	[tilespmem:s2+$0x5A0 ss:$0x9] =	vst.msk $0xffff, v3  }
0x78: {  	v49 =	vld [tilespmem:s11+$0xFFFFFBF0];
	[tilespmem:s2+$0x630 ss:$0x9] =	vst.msk $0xffff, v1  }
0x79: {  	v50 =	vld [tilespmem:s11+$0xFFFFFC00];
	[tilespmem:s2+$0x6C0 ss:$0x9] =	vst.msk $0xffff, v2  }
0x7a: {  	v51 =	vld [tilespmem:s11+$0xFFFFFC10];
	[tilespmem:s2+$0x750 ss:$0x9] =	vst.msk $0xffff, v6  }
0x7b: {  	s7 =	sand.u32 $0x80, s7;
	s8 =	sadd.s32 s10, s31;
	s30 =	sshra.s32 s16, $0x2;
	v52 =	vld [tilespmem:s11+$0xFFFFFC20];
	[tilespmem:s2+$0x7E0 ss:$0x9] =	vst.msk $0xffff, v47  }
0x7c: {  	s7 =	sadd.s32 s7, s8;
	s8 =	sadd.s32 s30, s29;
	v53 =	vld [tilespmem:s11+$0xFFFFFC30];
	[tilespmem:s2+$0x870 ss:$0x9] =	vst.msk $0xffff, v48  }
0x7d: {  	v54 =	vld [tilespmem:s11+$0xFFFFFC40];
	[tilespmem:s8+$0x0 ss:$0x9] =	vst.msk $0xffff, v49  }
0x7e: {  	v55 =	vld [tilespmem:s11+$0xFFFFFC50];
	[tilespmem:s8+$0x90 ss:$0x9] =	vst.msk $0xffff, v50  }
0x7f: {  	v56 =	vld [tilespmem:s11+$0xFFFFFC60];
	[tilespmem:s8+$0x120 ss:$0x9] =	vst.msk $0xffff, v51  }
0x80: {  	v57 =	vld [tilespmem:s11+$0x0];
	[tilespmem:s8+$0x1B0 ss:$0x9] =	vst.msk $0xffff, v52  }
0x81: {  	v58 =	vld [tilespmem:s11+$0x10];
	[tilespmem:s8+$0x240 ss:$0x9] =	vst.msk $0xffff, v53  }
0x82: {  	v59 =	vld [tilespmem:s11+$0x20];
	[tilespmem:s8+$0x2D0 ss:$0x9] =	vst.msk $0xffff, v54  }
0x83: {  	v60 =	vld [tilespmem:s11+$0x30];
	[tilespmem:s8+$0x360 ss:$0x9] =	vst.msk $0xffff, v55  }
0x84: {  	v61 =	vld [tilespmem:s11+$0x40];
	[tilespmem:s8+$0x3F0 ss:$0x9] =	vst.msk $0xffff, v56  }
0x85: {  	v62 =	vld [tilespmem:s11+$0x50];
	[tilespmem:s8+$0x510 ss:$0x9] =	vst.msk $0xffff, v57  }
0x86: {  	s0 =	sadd.s32 $0x1, s0;
	v63 =	vld [tilespmem:s11+$0x60];
	[tilespmem:s8+$0x5A0 ss:$0x9] =	vst.msk $0xffff, v58  }
0x87: {  	p1 =	sne.s32 s0, $0x8;
	v0 =	vld.idx.msk [tilespmem:v0+s7+$0x400 ss:$0x1], $0xffff;
	[tilespmem:s8+$0x630 ss:$0x9] =	vst.msk $0xffff, v59  }
.Ltmp5:
0x88: {  	[tilespmem:s8+$0x6C0 ss:$0x9] =	vst.msk $0xffff, v60;
	(pc) =	sbr.rel @p1 .LBB1_5-.Ltmp5, $4  }
0x89: {  	[tilespmem:s8+$0x750 ss:$0x9] =	vst.msk $0xffff, v61  }
0x8a: {  	[tilespmem:s8+$0x7E0 ss:$0x9] =	vst.msk $0xffff, v62  }
0x8b: {  	[tilespmem:s8+$0x870 ss:$0x9] =	vst.msk $0xffff, v63  }
0x8c: {  	s6 =	sadd.s32 $0x800, s6;
	s29 =	sadd.s32 $0x1, s29;
	[tilespmem:s8+$0x480 ss:$0x9] =	vst.msk $0xffff, v0  }
0x8d: {  	s0 =	sshll.u32 s25, $0x7;
	s1 =	sshll.u32 s23, $0x3  }
0x8e: {  	s2 =	sand.u32 $0xFC00, s0;
	s1 =	sand.u32 $0xFC00, s1  }
0x8f: {  	s6 =	sshrl.u32 s23, $0x3;
	s0 =	sand.u32 $0x380, s0;
	s1 =	sadd.s32 s1, s2  }
0x90: {  	s2 =	sshll.u32 s24, $0xD;
	s0 =	sor.u32 s0, s1;
	s1 =	sshll.u32 s26, $0x16  }
0x91: {  	s8 =	rddreg [dreg:$0x3];
	s30 =	sand.u32 $0x7, s23;
	s7 =	sadd.s32 s1, s2  }
0x92: {  	s6 =	sand.u32 $0xF, s6;
	s0 =	sshrl.u32 s0, $0x3;
	s7 =	sadd.s32 s8, s7  }
0x93: {  	s0 =	sand.u32 $0x1FF0, s0;
	s8 =	sshll.u32 s30, $0x12;
	s7 =	sadd.s32 s6, s7  }
0x94: {  	s31 =	rddreg [dreg:$0x4];
	s8 =	sor.u32 $0x8, s8;
	s7 =	sadd.s32 s0, s7  }
0x95: {  	[hbm4b:s7+s8] =	stream.strided.scatter [tilespmem:s28], [sflag:$0x2], $0x800, s17, s8, $0x0;
	[tilespmem:$0x11000] =	vst v63  }
0x96: {  	s7 =	sadd.s32 s1, s31  }
0x97: {  	s7 =	sadd.s32 s2, s7  }
0x98: {  	s7 =	sadd.s32 s6, s7  }
0x99: {  	s10 =	sadd.s32 $0x8900, s27;
	s7 =	sadd.s32 s0, s7  }
0x9a: {  	[hbm4b:s7+s8] =	stream.strided.scatter [tilespmem:s10], [sflag:$0x2], $0x800, s17, s8, $0x0;
	[tilespmem:$0x11000] =	vst v63  }
0x9b: {  	s10 =	rddreg [dreg:$0x5]  }
0x9c: {  	s7 =	sadd.s32 s1, s10  }
0x9d: {  	s7 =	sadd.s32 s2, s7  }
0x9e: {  	s7 =	sadd.s32 s6, s7  }
0x9f: {  	s11 =	sadd.s32 $0x9200, s27;
	s16 =	rddreg [dreg:$0x6];
	s7 =	sadd.s32 s0, s7  }
0xa0: {  	[hbm4b:s7+s8] =	stream.strided.scatter [tilespmem:s11], [sflag:$0x2], $0x800, s17, s8, $0x0;
	[tilespmem:$0x11000] =	vst v63  }
0xa1: {  	s7 =	sadd.s32 s1, s16  }
0xa2: {  	s7 =	sadd.s32 s2, s7  }
0xa3: {  	s7 =	sadd.s32 s6, s7  }
0xa4: {  	s23 =	sadd.s32 $0x9B00, s27;
	s24 =	rddreg [dreg:$0x7];
	s7 =	sadd.s32 s0, s7  }
0xa5: {  	[hbm4b:s7+s8] =	stream.strided.scatter [tilespmem:s23], [sflag:$0x2], $0x800, s17, s8, $0x0;
	[tilespmem:$0x11000] =	vst v63  }
0xa6: {  	s7 =	sadd.s32 s1, s24  }
0xa7: {  	s7 =	sadd.s32 s2, s7  }
0xa8: {  	s7 =	sadd.s32 s6, s7  }
0xa9: {  	s25 =	sadd.s32 $0xA400, s27;
	s26 =	sadd.s32 s1, s12;
	s7 =	sadd.s32 s0, s7  }
0xaa: {  	[hbm4b:s7+s8] =	stream.strided.scatter [tilespmem:s25], [sflag:$0x2], $0x800, s17, s8, $0x0;
	[tilespmem:$0x11000] =	vst v63  }
0xab: {  	s7 =	sadd.s32 s2, s26  }
0xac: {  	s7 =	sadd.s32 s6, s7  }
0xad: {  	s29 =	sadd.s32 s1, s13;
	s28 =	sadd.s32 $0xAD00, s27;
	s7 =	sadd.s32 s0, s7  }
0xae: {  	[hbm4b:s7+s8] =	stream.strided.scatter [tilespmem:s28], [sflag:$0x2], $0x800, s17, s8, $0x0;
	[tilespmem:$0x11000] =	vst v63  }
0xaf: {  	s1 =	sadd.s32 s1, s14;
	s7 =	sadd.s32 s2, s29  }
.Ltmp6:
0xb0: {  	s1 =	sadd.s32 s2, s1;
	s7 =	sadd.s32 s6, s7;
	(pc) =	sbr.rel .LBB1_9-.Ltmp6, $4  }
0xb1: {  	s30 =	sadd.s32 $0xB600, s27;
	s1 =	sadd.s32 s6, s1;
	s7 =	sadd.s32 s0, s7  }
0xb2: {  	[hbm4b:s7+s8] =	stream.strided.scatter [tilespmem:s30], [sflag:$0x2], $0x800, s17, s8, $0x0;
	[tilespmem:$0x11000] =	vst v63  }
0xb3: {  	s31 =	sadd.s32 $0xBF00, s27;
	s0 =	sadd.s32 s0, s1  }
0xb4: {  	[hbm4b:s0+s8] =	stream.strided.scatter [tilespmem:s31], [sflag:$0x2], $0x800, s17, s8, $0x0;
	[tilespmem:$0x11000] =	vst v63  }
.LBB1_10:
0xb5: {  	_ =	sfence.sel $0x180000  }
0xb6: {  	s0 =	simm.s32 $0x1;
	[bflag:$0x0] =	sbarrier.arrive $0xFFFF  }
0xb7: {  	s30 =	simm.s32 $0x2;
	[sflag:s0] =	ssyncpa.u1 $0x1  }
0xb8: {  	[sflag:s30] =	ssyncpa.u1 $0x1  }
0xb9: {  	_ =	strace $0x9000004D  }
0xba: {  	s31 =	stileid.u32;
	[bflag:$0x2] =	sbarrier.arrive $0xFFFF  }
0xbb: {  	p0 =	sne.s32 s31, $0x0;
	s0 =	rddreg [dreg:$0x2]  }
0xbc: {  	s0 =	sadd.s32 @!p0 $0x100000, s0  }
0xbd: {  	[sflag:s0] =	ssyncadd.tile.s32 @!p0 $0x1;
	_ =	shalt  }
.Lfunc_end1:
_tile_overlayer_lowered:
.L_overlay_start_2:
0xbe: {  	(tag) =	ssettag $0x2  }
0xbf: {  	s0 =	rddreg [dreg:$0x0];
	s2 =	stileid.u32  }
0xc0: {  	s1 =	rddreg [dreg:$0x1];
	p0 =	sne.s32 s2, $0x0  }
0xc1: {  	s3 =	rddreg [dreg:$0x2];
	[bflag:$0x3] =	sbarrier.arrive $0xFFFF;
	s2 =	simm.s32 @!p0 $0x1C01  }
0xc2: {  	[timem:s3], [sflag:s2] =	dma.local @!p0 [hbm:s0], s1  }
0xc3: {  	s0 =	simm.s32 @!p0 $0x1  }
0xc4: {  	_ =	swait.ge @!p0 [sflag:s0], s1  }
0xc5: {  	s1 =	ssub.s32 @!p0 $0x0, s1;
	[sflag:s0] =	ssyncset.done @!p0 $0x0  }
0xc6: {  	[sflag:s0] =	ssyncadd.s32 @!p0 s1  }
0xc7: {  	[bflag:$0x3] =	sbarrier.arrive $0xFFFF  }
0xc8: {  	_ =	shalt  }

// kernel: sparse-core-data-format-call.2.cloned.1.call-start
scs
called_computation.2_lowered:
.L_overlay_start_0:
0x0: {  	s2 =	sld [smem:$0x3FD9]  }
0x1: {  	s3 =	sld [smem:$0x3FFE];
	_ =	sdelay $0x1  }
0x2: {  	s1 =	srdreg.scid  }
0x3: {  	s0 =	sand.u32 $0x1, s1  }
0x4: {  	s18 =	sshll.u32 s0, $0xA;
	s2 =	sadd.s32 s3, s2  }
0x5: {  	s2 =	sadd.s32 s2, s18  }
0x6: {  	[smem:$0x3FBE] =	sst s2  }
0x7: {  	_ = 	snop  }
0x8: {  	s2 =	sld [smem:$0x3FC9];
	(tm) =	ssettm $0x1  }
0x9: {  	s19 =	sld [smem:$0x3FFB];
	_ =	sdelay $0x3  }
0xa: {  	_ =	strace s19  }
0xb: {  	s3 =	sld [smem:$0x3FFC];
	_ =	sdelay $0x3  }
0xc: {  	_ =	strace s3  }
0xd: {  	s3 =	sld [smem:$0x3FFD];
	_ =	sdelay $0x3  }
0xe: {  	_ =	strace s3  }
0xf: {  	_ =	strace $0x8FFFFFFF  }
0x10: {  	s20 =	sld [smem:$0x3FDB];
	_ =	sdelay $0x1  }
0x11: {  	s4 =	simm.s32 $_scs_section_size  }
0x12: {  	s5 =	simm.s32 $_size__tile_overlayer_lowered;
	s6 =	simm.s32 $_tile_overlayer_lowered  }
0x13: {  	s23 =	simm.s32 $0x1BFF;
	s22 =	sshll.u32 s6, $0x1;
	s3 =	sadd.s32 s4, s20  }
0x14: {  	s7 =	simm.s32 $0x0;
	s21 =	sshll.u32 s5, $0x1;
	s5 =	sadd.s32 s22, s3  }
0x15: {  	[timem:s7], [sflag:s23] =	dma.local [hbm:s5], s21  }
0x16: {  	_ =	swait.ge [sflag:s23], s21  }
0x17: {  	s4 =	ssub.s32 $0x0, s21;
	[sflag:s23] =	ssyncset.done $0x0  }
0x18: {  	[sflag:s23] =	ssyncadd.s32 s4;
	_ =	sdelay $0x1  }
0x19: {  	s24 =	simm.s32 $0x1B8B  }
0x1a: {  	_ =	swait.ge [sflag:s24], $0x1  }
0x1b: {  	[sflag:s24] =	ssyncset.done $0x0  }
0x1c: {  	s26 =	simm.s32 $0x1B8E;
	s25 =	sld [smem:$0x3FFE];
	[sflag:s24] =	ssyncadd.s32 $0xFFFFFFFF  }
0x1d: {  	s27 =	simm.s32 $execute0_lowered;
	[smem:$0x3FD2] =	sst s26  }
0x1e: {  	s5 =	sshll.u32 s27, $0x1;
	_ =	strace $0x80000046;
	[dreg:$0x1] =	wrdreg $0xFFFFFFFF  }
0x1f: {  	s28 =	simm.s32 $_size_execute0_lowered;
	s3 =	sadd.s32 s3, s5;
	[dreg:$0x0] =	wrdreg $0x0  }
0x20: {  	s5 =	sshll.u32 s28, $0x1;
	[dreg:$0x2] =	wrdreg s3  }
0x21: {  	[dreg:$0x3] =	wrdreg s5  }
0x22: {  	[dreg:$0x4] =	wrdreg $0xC0  }
0x23: {  	_ =	task [dreg:s7], $0x5FFFF  }
0x24: {  	[dreg:$0x1] =	wrdreg $0xFFFFFFFF  }
0x25: {  	[dreg:$0x0] =	wrdreg $0x60  }
0x26: {  	[dreg:$0x2] =	wrdreg s2  }
0x27: {  	[dreg:$0x3] =	wrdreg s25  }
0x28: {  	[dreg:$0x4] =	wrdreg $0x9  }
0x29: {  	_ =	task.clear_ibuf [dreg:s7], $0x5FFFF;
	_ =	strace $0x90000046  }
0x2a: {  	s29 =	simm.s32 $0x9;
	_ =	strace $0x80000048  }
0x2b: {  	_ =	swait.ge [sflag:s29], $0x1  }
0x2c: {  	[sflag:s29] =	ssyncadd.s32 $0xFFFFFFFF  }
0x2d: {  	_ =	strace $0x90000048  }
0x2e: {  	_ =	sfence  }
0x2f: {  	s30 =	sld [smem:$0x0];
	_ =	sdelay $0x2  }
0x30: {  	s31 =	sshll.u32 s1, $0xD;
	s1 =	sshrl.u32 s1, $0x2  }
0x31: {  	s3 =	sand.u32 $0x4000, s31;
	s1 =	sadd.s32 s1, s30  }
0x32: {  	s0 =	sor.u32 s3, s0;
	s1 =	sshll.u32 s1, $0x11  }
0x33: {  	s0 =	sor.u32 s1, s0  }
0x34: {  	s0 =	sadd.s32 $0x8F2B, s0  }
0x35: {  	[sflag:s0] =	ssyncadd.remote.s32 $0x1  }
0x36: {  	_ =	sfence.sel $0xFFFF  }
0x37: {  	[dreg:$0x0] =	wrdreg $0xFFFFFFFF;
	(pc) =	sbr.abs _section_cstart, $3  }
0x38: {  	[dreg:$0x1] =	wrdreg $0xFFFFFFFF  }
0x39: {  	_ =	task.clear_ibuf [dreg:s7], $0x2FFFF;
	_ =	strace $0x9FFFFFFF  }
0x3a: {  	(tm) =	ssettm $0x7FFFFFFF  }
0x3b: {  	_ =	shalt  }
tec
execute0_lowered:
.L_overlay_start_1:
0x0: {  	(tag) =	ssettag $0x1  }
0x1: {  	s0 =	stileid.u32;
	s2 =	rddreg [dreg:$0x0]  }
0x2: {  	s5 =	rddreg [dreg:$0x1];
	s8 =	srdreg.scid  }
0x3: {  	s31 =	simm.s32 $0x2;
	s16 =	simm.s32 $0x0;
	p0 =	por $0x0, $0x0  }
0x4: {  	s15 =	simm.s32 $0x0;
	s17 =	simm.s32 $0x0;
	s14 =	simm.s32 $0x0  }
0x5: {  	s1 =	sshll.u32 s0, $0x6;
	s3 =	sand.u32 $0x1, s0;
	s8 =	sshll.u32 s8, $0x4  }
0x6: {  	s5 =	sadd.s32 $0x400, s5;
	s4 =	sand.u32 $0x80, s1;
	s1 =	rddreg [dreg:$0x2]  }
0x7: {  	s6 =	ssub.s32 $0x2, s3;
	_ =	strace $0x80000047;
	s7 =	ssub.s32 $0x100, s4  }
0x8: {  	s8 =	sand.u32 $0x10, s8;
	s9 =	sshrl.u32 s6, $0x1;
	s10 =	sshrl.u32 s7, $0x7  }
0x9: {  	s6 =	sand.u32 $0x1, s6;
	s7 =	sshrl.u32 s7, $0x8;
	s10 =	sand.u32 $0x1, s10  }
.Ltmp0:
0xa: {  	s6 =	sadd.s32 s6, s9;
	s7 =	sadd.s32 s7, s10;
	(pc) =	sbr.rel .LBB1_1-.Ltmp0, $4  }
0xb: {  	s13 =	smov.u32 s3;
	s8 =	sor.u32 s0, s8;
	s7 =	smul.u32 s7, s6  }
0xc: {  	s12 =	smov.u32 s4;
	s8 =	sshrl.u32 s8, $0x2;
	s6 =	simm.s32 $0x1  }
0xd: {  	s11 =	smov.u32 s8;
	[sflag:s6] =	ssyncpa.u1 $0x0;
	s7 =	sshll.u32 s7, $0x4  }
0xe: {  	s10 =	simm.s32 $0x800;
	[sflag:s31] =	ssyncpa.u1 $0x0;
	s9 =	sor.u32 $0x1, s7  }
.LBB1_4:
0xf: {  	v5 =	vld [tilespmem:s21+$0xFFFFFFD0];
	[tilespmem:s20+$0x2040 ss:$0x81] =	vst.msk $0xffff, v1  }
0x10: {  	v58 =	vld [tilespmem:s21+$0xFFFFFFE0];
	[tilespmem:s20+$0x2850 ss:$0x81] =	vst.msk $0xffff, v2  }
0x11: {  	s22 =	sshra.s32 s22, $0x2;
	v59 =	vld [tilespmem:s21+$0xFFFFFFF0];
	[tilespmem:s20+$0x3060 ss:$0x81] =	vst.msk $0xffff, v3  }
0x12: {  	v60 =	vld [tilespmem:s21+$0x0];
	[tilespmem:s20+$0x0 ss:$0x81] =	vst.msk $0xffff, v0;
	s19 =	sadd.s32 s22, s19  }
0x13: {  	v61 =	vld [tilespmem:s21+$0x10];
	[tilespmem:s19+$0x3870 ss:$0x81] =	vst.msk $0xffff, v4  }
0x14: {  	v62 =	vld [tilespmem:s21+$0x20];
	[tilespmem:s19+$0x810 ss:$0x81] =	vst.msk $0xffff, v5  }
0x15: {  	v63 =	vld [tilespmem:s21+$0xFFFFFFC0];
	[tilespmem:s19+$0x1020 ss:$0x81] =	vst.msk $0xffff, v58  }
0x16: {  	s17 =	sshll.u32 s17, $0x13;
	[tilespmem:s19+$0x1830 ss:$0x81] =	vst.msk $0xffff, v59  }
0x17: {  	s28 =	sand.u32 $0xF80, s15;
	s16 =	sshll.u32 s16, $0xC;
	s17 =	sadd.s32 s5, s17;
	[tilespmem:s19+$0x2040 ss:$0x81] =	vst.msk $0xffff, v60  }
0x18: {  	s29 =	sshrl.u32 s15, $0x3;
	s30 =	sand.u32 $0x7, s15;
	s17 =	sadd.s32 s28, s17;
	[tilespmem:s19+$0x2850 ss:$0x81] =	vst.msk $0xffff, v61  }
0x19: {  	s31 =	sand.u32 $0xF, s29;
	s15 =	sshll.u32 s30, $0x12;
	s16 =	sadd.s32 s16, s17;
	[tilespmem:s19+$0x3060 ss:$0x81] =	vst.msk $0xffff, v62  }
0x1a: {  	s15 =	sor.u32 $0x400, s15;
	s16 =	sadd.s32 s31, s16;
	[tilespmem:s19+$0x0 ss:$0x81] =	vst.msk $0xffff, v63  }
0x1b: {  	[hbm4b:s16+s15] =	stream.strided.scatter [tilespmem:s18], [sflag:$0x2], $0x4000, s10, s15, $0x20;
	[tilespmem:$0x10100] =	vst v63  }
.LBB1_5:
0x1c: {  	s18 =	sadd.s32 $0x8, s11  }
0x1d: {  	s15 =	sadd.s32 $0x100, s12;
	s19 =	smov.u32 s12;
	p2 =	sgt.s32 s18, $0x7F  }
0x1e: {  	s19 =	smov.u32 @p2 s15  }
0x1f: {  	s21 =	smov.u32 s13;
	s15 =	sadd.s32 $0x2, s13;
	p3 =	sgt.s32 s19, $0xFF  }
0x20: {  	s21 =	smov.u32 @p3 s15  }
0x21: {  	s18 =	smov.u32 @p2 s8;
	p2 =	sgt.s32 s21, $0x1  }
0x22: {  	p1 =	slt.u32 s14, $0x2;
	s21 =	smov.u32 @p2 s3;
	p2 =	sne.s32 s14, s9  }
.Ltmp1:
0x23: {  	s20 =	simm.s32 @!p1 $0x2;
	(pc) =	sbr.rel @!p2 .LBB1_6-.Ltmp1, $4  }
0x24: {  	s16 =	smov.u32 s11;
	s17 =	smov.u32 s13;
	_ =	swait.ge @!p1 [sflag:s20], $0x4000  }
0x25: {  	p0 =	por !p0, !p0;
	[sflag:s20] =	ssyncset.done @!p1 $0x0;
	s11 =	smov.u32 s18  }
0x26: {  	s19 =	smov.u32 @p3 s4;
	s15 =	smov.u32 s12;
	[sflag:s20] =	ssyncadd.s32 @!p1 $0xFFFFC000  }
0x27: {  	s12 =	smov.u32 s19;
	s14 =	sadd.s32 $0x1, s14;
	s13 =	smov.u32 s21  }
.LBB1_1:
0x28: {  	p1 =	sge.u32 s14, s7;
	s31 =	sadd.s32 $0xFFFFFFFF, s14  }
0x29: {  	s18 =	sxor.u32 @!p1 $0xFFFFFFFF, s14;
	s19 =	sshll.u32 @!p1 s13, $0x13;
	s20 =	sshll.u32 @!p1 s12, $0xB  }
0x2a: {  	s21 =	sshll.u32 @!p1 s11, $0x4;
	s18 =	sshll.u32 @!p1 s18, $0xE;
	s19 =	sadd.s32 @!p1 s2, s19  }
0x2b: {  	s21 =	sand.u32 @!p1 $0x7F0, s21;
	s18 =	sand.u32 @!p1 $0x4000, s18;
	s19 =	sadd.s32 @!p1 s20, s19  }
0x2c: {  	s20 =	simm.s32 @!p1 $0x80;
	s19 =	sadd.s32 @!p1 s21, s19;
	s21 =	simm.s32 @!p1 $0x4000  }
0x2d: {  	[tilespmem:s18], [sflag:$0x1] =	stream.strided.gather @!p1 [hbm4b:s19+s20], $0x4000, s21, s20, $0x38;
	[tilespmem:$0x10100] =	vst v63  }
0x2e: {  	p1 =	sge.u32 s31, s7  }
.Ltmp2:
0x2f: {  	_ = 	snop;
	(pc) =	sbr.rel @p1 .LBB1_5-.Ltmp2, $1  }
0x30: {  	_ =	sdelay $0x3  }
0x31: {  	s18 =	simm.s32 $0x1  }
0x32: {  	_ =	swait.ge [sflag:s6], $0x4000;
	s18 =	simm.s32 @!p0 $0x0  }
0x33: {  	[sflag:s6] =	ssyncset.done $0x0;
	s19 =	sshll.u32 s18, $0xE  }
0x34: {  	[sflag:s6] =	ssyncadd.s32 $0xFFFFC000;
	s21 =	sor.u32 $0x40, s19  }
0x35: {  	s18 =	smul.u32 $0x10200, s18;
	v0 =	vld [tilespmem:s21+$0x30]  }
0x36: {  	v3 =	vld [tilespmem:s21+$0xFFFFFFD0]  }
0x37: {  	s18 =	sshrl.u32 s18, $0x2;
	v4 =	vld [tilespmem:s21+$0xFFFFFFE0]  }
0x38: {  	v5 =	vld [tilespmem:s21+$0xFFFFFFF0];
	s19 =	sor.u32 $0x8000, s18  }
0x39: {  	s31 =	sand.u32 $0x1, s14;
	v1 =	vld [tilespmem:s21+$0x0];
	s20 =	sadd.s32 $0x0, s19  }
0x3a: {  	v2 =	vld [tilespmem:s21+$0x10];
	s18 =	smul.u32 $0x10200, s31;
	[tilespmem:s20+$0x3870 ss:$0x81] =	vst.msk $0xffff, v0  }
0x3b: {  	[tilespmem:s20+$0x810 ss:$0x81] =	vst.msk $0xffff, v3;
	v3 =	vld [tilespmem:s21+$0x20]  }
0x3c: {  	s18 =	sshrl.u32 s18, $0x2;
	v0 =	vld [tilespmem:s21+$0xFFFFFFC0];
	[tilespmem:s20+$0x1020 ss:$0x81] =	vst.msk $0xffff, v4;
	s21 =	sadd.s32 $0x80, s21  }
0x3d: {  	s22 =	simm.s32 $0x4;
	s23 =	simm.s32 $0x8;
	s18 =	sor.u32 $0x8000, s18;
	[tilespmem:s20+$0x1830 ss:$0x81] =	vst.msk $0xffff, v5;
	v4 =	vld [tilespmem:s21+$0x30]  }
.LBB1_3:
0x3e: {  	p1 =	sne.s32 s23, $0x1FC;
	v5 =	vld [tilespmem:s21+$0xFFFFFFD0];
	[tilespmem:s20+$0x2040 ss:$0x81] =	vst.msk $0xffff, v1  }
0x3f: {  	v6 =	vld [tilespmem:s21+$0xFFFFFFE0];
	[tilespmem:s20+$0x2850 ss:$0x81] =	vst.msk $0xffff, v2  }
0x40: {  	s24 =	sshra.s32 s22, $0x2;
	s22 =	smov.u32 s23;
	v7 =	vld [tilespmem:s21+$0xFFFFFFF0];
	[tilespmem:s20+$0x3060 ss:$0x81] =	vst.msk $0xffff, v3  }
.Ltmp3:
0x41: {  	v1 =	vld [tilespmem:s21+$0x0];
	[tilespmem:s20+$0x0 ss:$0x81] =	vst.msk $0xffff, v0;
	s20 =	sadd.s32 s24, s19;
	(pc) =	sbr.rel @p1 .LBB1_3-.Ltmp3, $4  }
0x42: {  	v2 =	vld [tilespmem:s21+$0x10];
	[tilespmem:s20+$0x3870 ss:$0x81] =	vst.msk $0xffff, v4  }
0x43: {  	[tilespmem:s20+$0x810 ss:$0x81] =	vst.msk $0xffff, v5;
	v3 =	vld [tilespmem:s21+$0x20]  }
0x44: {  	v0 =	vld [tilespmem:s21+$0xFFFFFFC0];
	[tilespmem:s20+$0x1020 ss:$0x81] =	vst.msk $0xffff, v6;
	s21 =	sadd.s32 $0x80, s21  }
0x45: {  	s23 =	sadd.s32 $0x4, s23;
	v4 =	vld [tilespmem:s21+$0x30];
	[tilespmem:s20+$0x1830 ss:$0x81] =	vst.msk $0xffff, v7  }
.Ltmp4:
0x46: {  	_ = 	snop;
	(pc) =	sbr.rel .LBB1_4-.Ltmp4, $1  }
0x47: {  	_ =	sdelay $0x3  }
.LBB1_6:
0x48: {  	_ =	sfence.sel $0x180000  }
0x49: {  	s2 =	simm.s32 $0x1;
	[bflag:$0x0] =	sbarrier.arrive $0xFFFF  }
0x4a: {  	s31 =	simm.s32 $0x2;
	[sflag:s2] =	ssyncpa.u1 $0x1  }
0x4b: {  	[sflag:s31] =	ssyncpa.u1 $0x1  }
0x4c: {  	p0 =	sne.s32 s0, $0x0;
	_ =	strace $0x90000047  }
0x4d: {  	s0 =	sadd.s32 @!p0 $0x100000, s1;
	[bflag:$0x2] =	sbarrier.arrive $0xFFFF  }
0x4e: {  	[sflag:s0] =	ssyncadd.tile.s32 @!p0 $0x1;
	_ =	shalt  }
.Lfunc_end1:
_tile_overlayer_lowered:
.L_overlay_start_2:
0x4f: {  	(tag) =	ssettag $0x2  }
0x50: {  	s0 =	rddreg [dreg:$0x0];
	s2 =	stileid.u32  }
0x51: {  	s1 =	rddreg [dreg:$0x1];
	p0 =	sne.s32 s2, $0x0  }
0x52: {  	s3 =	rddreg [dreg:$0x2];
	[bflag:$0x3] =	sbarrier.arrive $0xFFFF;
	s2 =	simm.s32 @!p0 $0x1C01  }
0x53: {  	[timem:s3], [sflag:s2] =	dma.local @!p0 [hbm:s0], s1  }
0x54: {  	s0 =	simm.s32 @!p0 $0x1  }
0x55: {  	_ =	swait.ge @!p0 [sflag:s0], s1  }
0x56: {  	s1 =	ssub.s32 @!p0 $0x0, s1;
	[sflag:s0] =	ssyncset.done @!p0 $0x0  }
0x57: {  	[sflag:s0] =	ssyncadd.s32 @!p0 s1  }
0x58: {  	[bflag:$0x3] =	sbarrier.arrive $0xFFFF  }
0x59: {  	_ =	shalt  }

// kernel: sparse-core-data-format-call.cloned.1.call-start
scs
called_computation_lowered:
.L_overlay_start_0:
0x0: {  	s2 =	sld [smem:$0x3FD9]  }
0x1: {  	s3 =	sld [smem:$0x3FFE];
	_ =	sdelay $0x1  }
0x2: {  	s1 =	srdreg.scid  }
0x3: {  	s0 =	sand.u32 $0x1, s1  }
0x4: {  	s18 =	sshll.u32 s0, $0xA;
	s2 =	sadd.s32 s3, s2  }
0x5: {  	s2 =	sadd.s32 s2, s18  }
0x6: {  	[smem:$0x3FBE] =	sst s2  }
0x7: {  	_ = 	snop  }
0x8: {  	s2 =	sld [smem:$0x3FD0];
	(tm) =	ssettm $0x1  }
0x9: {  	s19 =	sld [smem:$0x3FFB];
	_ =	sdelay $0x3  }
0xa: {  	_ =	strace s19  }
0xb: {  	s3 =	sld [smem:$0x3FFC];
	_ =	sdelay $0x3  }
0xc: {  	_ =	strace s3  }
0xd: {  	s3 =	sld [smem:$0x3FFD];
	_ =	sdelay $0x3  }
0xe: {  	_ =	strace s3  }
0xf: {  	_ =	strace $0x8FFFFFFF  }
0x10: {  	s20 =	sld [smem:$0x3FDB];
	_ =	sdelay $0x1  }
0x11: {  	s4 =	simm.s32 $_scs_section_size  }
0x12: {  	s5 =	simm.s32 $_size__tile_overlayer_lowered;
	s6 =	simm.s32 $_tile_overlayer_lowered  }
0x13: {  	s23 =	simm.s32 $0x1BFF;
	s22 =	sshll.u32 s6, $0x1;
	s3 =	sadd.s32 s4, s20  }
0x14: {  	s7 =	simm.s32 $0x0;
	s21 =	sshll.u32 s5, $0x1;
	s5 =	sadd.s32 s22, s3  }
0x15: {  	[timem:s7], [sflag:s23] =	dma.local [hbm:s5], s21  }
0x16: {  	_ =	swait.ge [sflag:s23], s21  }
0x17: {  	s4 =	ssub.s32 $0x0, s21;
	[sflag:s23] =	ssyncset.done $0x0  }
0x18: {  	[sflag:s23] =	ssyncadd.s32 s4;
	_ =	sdelay $0x1  }
0x19: {  	s24 =	simm.s32 $0x1B8B  }
0x1a: {  	_ =	swait.ge [sflag:s24], $0x1  }
0x1b: {  	[sflag:s24] =	ssyncset.done $0x0  }
0x1c: {  	s26 =	simm.s32 $0x1B8E;
	s25 =	sld [smem:$0x3FFE];
	[sflag:s24] =	ssyncadd.s32 $0xFFFFFFFF  }
0x1d: {  	s27 =	simm.s32 $execute0_lowered;
	[smem:$0x3FD2] =	sst s26  }
0x1e: {  	s5 =	sshll.u32 s27, $0x1;
	_ =	strace $0x80000049;
	[dreg:$0x1] =	wrdreg $0xFFFFFFFF  }
0x1f: {  	s28 =	simm.s32 $_size_execute0_lowered;
	s3 =	sadd.s32 s3, s5;
	[dreg:$0x0] =	wrdreg $0x0  }
0x20: {  	s5 =	sshll.u32 s28, $0x1;
	[dreg:$0x2] =	wrdreg s3  }
0x21: {  	[dreg:$0x3] =	wrdreg s5  }
0x22: {  	[dreg:$0x4] =	wrdreg $0xC0  }
0x23: {  	_ =	task [dreg:s7], $0x5FFFF  }
0x24: {  	[dreg:$0x1] =	wrdreg $0xFFFFFFFF  }
0x25: {  	[dreg:$0x0] =	wrdreg $0x60  }
0x26: {  	[dreg:$0x2] =	wrdreg s2  }
0x27: {  	[dreg:$0x3] =	wrdreg s25  }
0x28: {  	[dreg:$0x4] =	wrdreg $0x9  }
0x29: {  	_ =	task.clear_ibuf [dreg:s7], $0x5FFFF;
	_ =	strace $0x90000049  }
0x2a: {  	s29 =	simm.s32 $0x9;
	_ =	strace $0x8000004B  }
0x2b: {  	_ =	swait.ge [sflag:s29], $0x1  }
0x2c: {  	[sflag:s29] =	ssyncadd.s32 $0xFFFFFFFF  }
0x2d: {  	_ =	strace $0x9000004B  }
0x2e: {  	_ =	sfence  }
0x2f: {  	s30 =	sld [smem:$0x0];
	_ =	sdelay $0x2  }
0x30: {  	s31 =	sshll.u32 s1, $0xD;
	s1 =	sshrl.u32 s1, $0x2  }
0x31: {  	s3 =	sand.u32 $0x4000, s31;
	s1 =	sadd.s32 s1, s30  }
0x32: {  	s0 =	sor.u32 s3, s0;
	s1 =	sshll.u32 s1, $0x11  }
0x33: {  	s0 =	sor.u32 s1, s0  }
0x34: {  	s0 =	sadd.s32 $0x8F2B, s0  }
0x35: {  	[sflag:s0] =	ssyncadd.remote.s32 $0x1  }
0x36: {  	_ =	sfence.sel $0xFFFF  }
0x37: {  	[dreg:$0x0] =	wrdreg $0xFFFFFFFF;
	(pc) =	sbr.abs _section_cstart, $3  }
0x38: {  	[dreg:$0x1] =	wrdreg $0xFFFFFFFF  }
0x39: {  	_ =	task.clear_ibuf [dreg:s7], $0x2FFFF;
	_ =	strace $0x9FFFFFFF  }
0x3a: {  	(tm) =	ssettm $0x7FFFFFFF  }
0x3b: {  	_ =	shalt  }
tec
execute0_lowered:
.L_overlay_start_1:
0x0: {  	(tag) =	ssettag $0x1  }
0x1: {  	s0 =	stileid.u32  }
0x2: {  	s8 =	rddreg [dreg:$0x0];
	s2 =	srdreg.scid  }
0x3: {  	s30 =	rddreg [dreg:$0x1];
	s10 =	simm.s32 $0x2;
	s19 =	simm.s32 $0x0  }
0x4: {  	s11 =	simm.s32 $0x3000;
	s12 =	simm.s32 $0x0;
	s1 =	sand.u32 $0x1, s0  }
0x5: {  	s3 =	sshll.u32 s0, $0x6;
	s4 =	sshll.u32 s0, $0x4;
	s5 =	sshll.u32 s2, $0x8  }
0x6: {  	s2 =	sand.u32 $0x180, s3;
	s26 =	sor.u32 s4, s5;
	s27 =	ssub.s32 $0x2, s1  }
0x7: {  	s5 =	simm.s32 $0x1;
	s28 =	sshrl.u32 s27, $0x1;
	s6 =	ssub.s32 $0x200, s2  }
0x8: {  	s4 =	sand.u32 $0x1, s27;
	s3 =	sand.u32 $0x180, s26;
	s29 =	sand.u32 $0x180, s6  }
0x9: {  	s4 =	sadd.s32 s4, s28;
	s7 =	ssub.s32 $0x200, s3;
	p0 =	sne.s32 s29, $0x0  }
0xa: {  	s6 =	sshrl.u32 s6, $0x9;
	s9 =	sand.u32 $0x180, s7;
	s5 =	simm.s32 @!p0 $0x0  }
0xb: {  	p0 =	sne.s32 s9, $0x0;
	s5 =	sadd.s32 s5, s6;
	s6 =	simm.s32 $0x1  }
0xc: {  	s7 =	sshrl.u32 s7, $0x9;
	s6 =	simm.s32 @!p0 $0x0;
	s5 =	smul.u32 s5, s4  }
0xd: {  	s17 =	simm.s32 $0x0;
	s16 =	simm.s32 $0x0;
	s6 =	sadd.s32 s6, s7  }
0xe: {  	s18 =	simm.s32 $0x0;
	s13 =	simm.s32 $0x0;
	s7 =	smul.u32 s6, s5  }
.Ltmp0:
0xf: {  	s15 =	simm.s32 $0x0;
	s31 =	sshll.u32 s2, $0x6;
	(pc) =	sbr.rel .LBB1_1-.Ltmp0, $4  }
0x10: {  	s14 =	smov.u32 s1;
	s8 =	sadd.s32 s8, s31;
	s4 =	rddreg [dreg:$0x2]  }
0x11: {  	_ =	strace $0x8000004A;
	s6 =	simm.s32 $0x1;
	s7 =	smul.u32 $0x13, s7  }
0x12: {  	s8 =	sadd.s32 s3, s8;
	s5 =	sadd.s32 $0x289200, s30;
	[sflag:s6] =	ssyncpa.u1 $0x0  }
0x13: {  	[sflag:s10] =	ssyncpa.u1 $0x0;
	s10 =	simm.s32 $0x80;
	s9 =	sadd.s32 $0x1, s7  }
.LBB1_4:
0x14: {  	_ =	sdelay $0x3  }
0x15: {  	[tilespmem:v0+s22+$0xFFFFFFA0 ss:$0x1] =	vst.idx.msk $0xffff, v7  }
0x16: {  	v56 =	vld.idx.msk [tilespmem:v1+s21+$0x30 ss:$0x1], $0xffff;
	[tilespmem:v0+s22+$0xFFFFFFB0 ss:$0x1] =	vst.idx.msk $0xffff, v5  }
0x17: {  	s23 =	sshll.u32 s16, $0x9;
	v57 =	vld.idx.msk [tilespmem:v1+s21+$0xFFFFFFC0 ss:$0x1], $0xffff;
	[tilespmem:v0+s22+$0xFFFFFFC0 ss:$0x1] =	vst.idx.msk $0xffff, v4  }
0x18: {  	s19 =	sshll.u32 s19, $0x3;
	s24 =	sshll.u32 s16, $0x7;
	v58 =	vld.idx.msk [tilespmem:v1+s21+$0xFFFFFFD0 ss:$0x1], $0xffff;
	[tilespmem:v0+s22+$0xFFFFFFD0 ss:$0x1] =	vst.idx.msk $0xffff, v2;
	s23 =	sand.u32 $0xFFFFF000, s23  }
0x19: {  	v59 =	vld.idx.msk [tilespmem:v1+s21+$0xFFFFFFE0 ss:$0x1], $0xffff;
	[tilespmem:v0+s22+$0xFFFFFFE0 ss:$0x1] =	vst.idx.msk $0xffff, v3;
	s28 =	sand.u32 $0x200, s24;
	s19 =	sor.u32 s23, s19  }
0x1a: {  	v60 =	vld.idx.msk [tilespmem:v1+s21+$0xFFFFFFF0 ss:$0x1], $0xffff;
	[tilespmem:v0+s22+$0xFFFFFFF0 ss:$0x1] =	vst.idx.msk $0xffff, v6;
	s19 =	sor.u32 s28, s19  }
0x1b: {  	v61 =	vld.idx.msk [tilespmem:v1+s21+$0x0 ss:$0x1], $0xffff;
	s18 =	smul.u32 $0xC0000, s18;
	s19 =	sshrl.u32 s19, $0x9;
	[tilespmem:v0+s21+$0x0 ss:$0x1] =	vst.idx.msk $0xffff, v56  }
0x1c: {  	v62 =	vld.idx.msk [tilespmem:v1+s21+$0x10 ss:$0x1], $0xffff;
	s29 =	smulhi.u32 $0xAAAAAAB, s19;
	[tilespmem:v0+s21+$0xFFFFFF90 ss:$0x1] =	vst.idx.msk $0xffff, v57  }
0x1d: {  	v63 =	vld.idx.msk [tilespmem:v1+s21+$0x20 ss:$0x1], $0xffff;
	s17 =	smul.u32 $0x600, s17;
	[tilespmem:v0+s21+$0xFFFFFFA0 ss:$0x1] =	vst.idx.msk $0xffff, v58  }
0x1e: {  	[tilespmem:v0+s21+$0xFFFFFFB0 ss:$0x1] =	vst.idx.msk $0xffff, v59;
	s22 =	smul.u32 $0x18, s29  }
0x1f: {  	s30 =	sshll.u32 s16, $0x4;
	s18 =	sadd.s32 s5, s18;
	[tilespmem:v0+s21+$0xFFFFFFC0 ss:$0x1] =	vst.idx.msk $0xffff, v60  }
0x20: {  	s16 =	sand.u32 $0x30, s30;
	s17 =	sadd.s32 s17, s18;
	[tilespmem:v0+s21+$0xFFFFFFD0 ss:$0x1] =	vst.idx.msk $0xffff, v61;
	s19 =	ssub.s32 s19, s22  }
0x21: {  	s16 =	sadd.s32 s16, s17;
	[tilespmem:v0+s21+$0xFFFFFFE0 ss:$0x1] =	vst.idx.msk $0xffff, v62;
	s31 =	sshll.u32 s19, $0x6  }
0x22: {  	[tilespmem:v0+s21+$0xFFFFFFF0 ss:$0x1] =	vst.idx.msk $0xffff, v63;
	s16 =	sadd.s32 s31, s16  }
0x23: {  	[hbm4b:s16+s10] =	stream.strided.scatter [tilespmem:s20], [sflag:$0x2], $0x4000, s11, s10, $0x38;
	[tilespmem:$0x10000] =	vst v63  }
.LBB1_5:
0x24: {  	s20 =	sadd.s32 $0x1, s13  }
0x25: {  	s16 =	sadd.s32 $0x2, s14;
	s21 =	smov.u32 s14;
	p1 =	sgt.s32 s20, $0x12  }
0x26: {  	s21 =	smov.u32 @p1 s16  }
0x27: {  	s20 =	simm.s32 @p1 $0x0;
	p1 =	sgt.s32 s21, $0x1  }
0x28: {  	p0 =	slt.u32 s15, $0x2;
	s21 =	smov.u32 @p1 s1;
	p1 =	sne.s32 s15, s9  }
.Ltmp1:
0x29: {  	s17 =	simm.s32 @!p0 $0x2;
	(pc) =	sbr.rel @!p1 .LBB1_6-.Ltmp1, $4  }
0x2a: {  	s22 =	sadd.s32 $0x1, s15;
	s18 =	smov.u32 s14;
	_ =	swait.ge @!p0 [sflag:s17], $0x4000  }
0x2b: {  	s12 =	sadd.s32 $0x4000, s12;
	s19 =	smov.u32 s3;
	[sflag:s17] =	ssyncset.done @!p0 $0x0  }
0x2c: {  	s16 =	smov.u32 s13;
	s13 =	smov.u32 s20;
	[sflag:s17] =	ssyncadd.s32 @!p0 $0xFFFFC000  }
0x2d: {  	s17 =	smov.u32 s2;
	s15 =	smov.u32 s22;
	s14 =	smov.u32 s21  }
.LBB1_1:
0x2e: {  	p0 =	sge.u32 s15, s7  }
0x2f: {  	s21 =	smul.u32 @!p0 $0x98000, s14  }
0x30: {  	s31 =	sadd.s32 $0xFFFFFFFF, s15;
	s20 =	sxor.u32 @!p0 $0xFFFFFFFF, s15;
	s22 =	sshll.u32 @!p0 s13, $0xF  }
0x31: {  	s23 =	simm.s32 @!p0 $0x1000;
	s20 =	sshll.u32 @!p0 s20, $0xE;
	s21 =	sadd.s32 @!p0 s21, s8  }
0x32: {  	s20 =	sand.u32 @!p0 $0x4000, s20;
	s21 =	sadd.s32 @!p0 s22, s21;
	s22 =	simm.s32 @!p0 $0x400  }
0x33: {  	[tilespmem:s20], [sflag:$0x1] =	stream.strided.gather @!p0 [hbm4b:s21+s22], $0x4000, s23, s22, $0x38;
	[tilespmem:$0x10000] =	vst v63  }
0x34: {  	p0 =	sge.u32 s31, s7  }
.Ltmp2:
0x35: {  	_ = 	snop;
	(pc) =	sbr.rel @p0 .LBB1_5-.Ltmp2, $1  }
0x36: {  	_ =	sdelay $0x3  }
0x37: {  	s20 =	sand.u32 $0x4000, s12  }
0x38: {  	s21 =	sor.u32 $0x40, s20  }
0x39: {  	v1 =	vmov s21;
	_ =	sdelay $0x1  }
0x3a: {  	_ =	swait.ge [sflag:s6], $0x4000  }
0x3b: {  	[sflag:s6] =	ssyncset.done $0x0  }
0x3c: {  	s22 =	simm.s32 $0x0;
	[sflag:s6] =	ssyncadd.s32 $0xFFFFC000  }
0x3d: {  	s20 =	sor.u32 $0x8070, s20;
	v6 =	vld.idx.msk [tilespmem:v1+s22+$0x30 ss:$0x1], $0xffff  }
0x3e: {  	v0 =	vmov s20;
	v8 =	vld.idx.msk [tilespmem:v1+s22+$0xFFFFFFC0 ss:$0x1], $0xffff  }
0x3f: {  	v7 =	vld.idx.msk [tilespmem:v1+s22+$0xFFFFFFD0 ss:$0x1], $0xffff  }
0x40: {  	v5 =	vld.idx.msk [tilespmem:v1+s22+$0xFFFFFFE0 ss:$0x1], $0xffff  }
0x41: {  	v4 =	vld.idx.msk [tilespmem:v1+s22+$0xFFFFFFF0 ss:$0x1], $0xffff  }
0x42: {  	s31 =	sshll.u32 s15, $0xE;
	v2 =	vld.idx.msk [tilespmem:v1+s22+$0x0 ss:$0x1], $0xffff  }
0x43: {  	s20 =	sand.u32 $0x4000, s31;
	v3 =	vld.idx.msk [tilespmem:v1+s22+$0x10 ss:$0x1], $0xffff;
	[tilespmem:v0+s22+$0x0 ss:$0x1] =	vst.idx.msk $0xffff, v6  }
0x44: {  	s23 =	simm.s32 $0x400;
	s21 =	simm.s32 $0x80;
	s20 =	sor.u32 $0x8000, s20;
	[tilespmem:v0+s22+$0xFFFFFF90 ss:$0x1] =	vst.idx.msk $0xffff, v8;
	v6 =	vld.idx.msk [tilespmem:v1+s22+$0x20 ss:$0x1], $0xffff  }
.LBB1_3:
0x45: {  	p0 =	sne.s32 s23, $0xFE00;
	v8 =	vld.idx.msk [tilespmem:v1+s21+$0x30 ss:$0x1], $0xffff;
	[tilespmem:v0+s22+$0xFFFFFFA0 ss:$0x1] =	vst.idx.msk $0xffff, v7  }
0x46: {  	v9 =	vld.idx.msk [tilespmem:v1+s21+$0xFFFFFFC0 ss:$0x1], $0xffff;
	[tilespmem:v0+s22+$0xFFFFFFB0 ss:$0x1] =	vst.idx.msk $0xffff, v5  }
0x47: {  	v7 =	vld.idx.msk [tilespmem:v1+s21+$0xFFFFFFD0 ss:$0x1], $0xffff;
	[tilespmem:v0+s22+$0xFFFFFFC0 ss:$0x1] =	vst.idx.msk $0xffff, v4  }
.Ltmp3:
0x48: {  	v5 =	vld.idx.msk [tilespmem:v1+s21+$0xFFFFFFE0 ss:$0x1], $0xffff;
	[tilespmem:v0+s22+$0xFFFFFFD0 ss:$0x1] =	vst.idx.msk $0xffff, v2;
	(pc) =	sbr.rel @p0 .LBB1_3-.Ltmp3, $4  }
0x49: {  	v4 =	vld.idx.msk [tilespmem:v1+s21+$0xFFFFFFF0 ss:$0x1], $0xffff;
	[tilespmem:v0+s22+$0xFFFFFFE0 ss:$0x1] =	vst.idx.msk $0xffff, v3  }
0x4a: {  	v2 =	vld.idx.msk [tilespmem:v1+s21+$0x0 ss:$0x1], $0xffff;
	[tilespmem:v0+s22+$0xFFFFFFF0 ss:$0x1] =	vst.idx.msk $0xffff, v6;
	s22 =	smov.u32 s21  }
0x4b: {  	v3 =	vld.idx.msk [tilespmem:v1+s22+$0x10 ss:$0x1], $0xffff;
	[tilespmem:v0+s22+$0x0 ss:$0x1] =	vst.idx.msk $0xffff, v8  }
0x4c: {  	s21 =	sshra.s32 s23, $0x2;
	s23 =	sadd.s32 $0x200, s23;
	[tilespmem:v0+s22+$0xFFFFFF90 ss:$0x1] =	vst.idx.msk $0xffff, v9;
	v6 =	vld.idx.msk [tilespmem:v1+s22+$0x20 ss:$0x1], $0xffff  }
.Ltmp4:
0x4d: {  	_ = 	snop;
	(pc) =	sbr.rel .LBB1_4-.Ltmp4, $1  }
0x4e: {  	_ =	sdelay $0x3  }
.LBB1_6:
0x4f: {  	_ =	sfence.sel $0x180000  }
0x50: {  	s1 =	simm.s32 $0x1;
	[bflag:$0x0] =	sbarrier.arrive $0xFFFF  }
0x51: {  	s31 =	simm.s32 $0x2;
	[sflag:s1] =	ssyncpa.u1 $0x1  }
0x52: {  	[sflag:s31] =	ssyncpa.u1 $0x1  }
0x53: {  	p0 =	sne.s32 s0, $0x0;
	_ =	strace $0x9000004A  }
0x54: {  	s0 =	sadd.s32 @!p0 $0x100000, s4;
	[bflag:$0x2] =	sbarrier.arrive $0xFFFF  }
0x55: {  	[sflag:s0] =	ssyncadd.tile.s32 @!p0 $0x1;
	_ =	shalt  }
.Lfunc_end1:
_tile_overlayer_lowered:
.L_overlay_start_2:
0x56: {  	(tag) =	ssettag $0x2  }
0x57: {  	s0 =	rddreg [dreg:$0x0];
	s2 =	stileid.u32  }
0x58: {  	s1 =	rddreg [dreg:$0x1];
	p0 =	sne.s32 s2, $0x0  }
0x59: {  	s3 =	rddreg [dreg:$0x2];
	[bflag:$0x3] =	sbarrier.arrive $0xFFFF;
	s2 =	simm.s32 @!p0 $0x1C01  }
0x5a: {  	[timem:s3], [sflag:s2] =	dma.local @!p0 [hbm:s0], s1  }
0x5b: {  	s0 =	simm.s32 @!p0 $0x1  }
0x5c: {  	_ =	swait.ge @!p0 [sflag:s0], s1  }
0x5d: {  	s1 =	ssub.s32 @!p0 $0x0, s1;
	[sflag:s0] =	ssyncset.done @!p0 $0x0  }
0x5e: {  	[sflag:s0] =	ssyncadd.s32 @!p0 s1  }
0x5f: {  	[bflag:$0x3] =	sbarrier.arrive $0xFFFF  }
0x60: {  	_ =	shalt  }

</sc_bundles>
